<compile_context>
chip_gen: v7x
topology: tpu7x:2x2x1
jax: 0.10.2.dev20260603
libtpu: 0.0.44.dev20260713+nightly
codegen_flags: <defaults>
</compile_context>

<pallas_src>
import functools

import jax
import jax.numpy as jnp
from jax import lax
from jax.experimental import pallas as pl
from jax.experimental.pallas import tpu as pltpu
from jax.experimental.pallas import tpu_sc as plsc

GRID = 32
HEIGHT = 512
WIDTH = 512
L = 16
NC = 2
NS = 16
ROWS_PER_WORKER = HEIGHT // (NC * NS)
CHUNKS = WIDTH // L
CHUNKS_PER_TILE = CHUNKS // NS


def _ranks16(line_vecs, pos):
    one = jnp.full((L,), 1, jnp.int32)
    zero = jnp.full((L,), 0, jnp.int32)
    best_d = jnp.full((L,), jnp.inf, dtype=jnp.float32)
    best_l = jnp.full((L,), -jnp.inf, dtype=jnp.float32)
    for j in range(GRID):
        lj = line_vecs[j // L][j % L]
        d = jnp.abs(pos - lj)
        strict = jnp.where(d < best_d, one, zero)
        tie_better = jnp.where(d == best_d, one, zero) * jnp.where(
            best_l > lj, one, zero)
        take = (strict + tie_better) > zero
        best_d = jnp.where(take, d, best_d)
        best_l = jnp.where(take, jnp.full((L,), lj), best_l)
    rank = jnp.zeros((L,), dtype=jnp.int32)
    for j in range(GRID):
        rank = rank + jnp.where(best_l > line_vecs[j // L][j % L], one, zero)
    return rank


def _sc_body(lines_hbm, out_hbm, lines_ref, nv_ref, tmp_ref,
             outbuf_ref, shared_nv):
    c = lax.axis_index("c")
    s = lax.axis_index("s")
    wid = c * NS + s
    row_base = wid * ROWS_PER_WORKER

    pltpu.sync_copy(lines_hbm, lines_ref)
    lh_vecs = [lines_ref[pl.ds(0, L)], lines_ref[pl.ds(L, L)]]
    lv_vecs = [lines_ref[pl.ds(2 * L, L)], lines_ref[pl.ds(3 * L, L)]]

    lane = lax.iota(jnp.int32, L)
    for t in range(CHUNKS_PER_TILE):
        col0 = (s * CHUNKS_PER_TILE + t) * L
        pos = (lane + col0).astype(jnp.float32)
        tmp_ref[pl.ds(t * L, L)] = _ranks16(lv_vecs, pos)
    pltpu.sync_copy(tmp_ref, shared_nv.at[pl.ds(s * CHUNKS_PER_TILE * L,
                                                CHUNKS_PER_TILE * L)])
    plsc.subcore_barrier()
    pltpu.sync_copy(shared_nv, nv_ref)

    pos_h = (lane + row_base).astype(jnp.float32)
    off = _ranks16(lh_vecs, pos_h) * GRID

    def fill_chunk(ci, _):
        nv_chunk = nv_ref[pl.ds(ci * L, L)]
        for r in range(ROWS_PER_WORKER):
            outbuf_ref[r, pl.ds(ci * L, L)] = nv_chunk + off[r]
        return 0

    lax.fori_loop(0, CHUNKS, fill_chunk, 0)

    pltpu.sync_copy(outbuf_ref, out_hbm.at[pl.ds(row_base, ROWS_PER_WORKER), :])


@functools.partial(jax.jit, static_argnums=(2, 3))
def _sc_launch(horizontal_lines, vertical_lines, height, width):
    mesh = plsc.VectorSubcoreMesh(core_axis_name="c", subcore_axis_name="s")
    return pl.kernel(
        _sc_body,
        out_type=jax.ShapeDtypeStruct((height, width), jnp.int32),
        mesh=mesh,
        scratch_types=[
            pltpu.VMEM((2 * GRID,), jnp.float32),
            pltpu.VMEM((WIDTH,), jnp.int32),
            pltpu.VMEM((CHUNKS_PER_TILE * L,), jnp.int32),
            pltpu.VMEM((ROWS_PER_WORKER, WIDTH), jnp.int32),
            pltpu.VMEM_SHARED((WIDTH,), jnp.int32),
        ],
    )(jnp.concatenate([horizontal_lines, vertical_lines]))


def kernel(x, horizontal_lines, vertical_lines):
    _, _, height, width = x.shape
    return _sc_launch(horizontal_lines, vertical_lines, height, width)

# --- scband reference (transcript-rebuilt; emitter-appended) ---
"""Pipeline reference for scband-learnable-grid-superpixel-47605417509103 (READ-ONLY COPY).

The authoritative reference and input builder live on the scoring server;
editing this copy changes nothing except your own understanding.
"""

import jax, jax.numpy as jnp
import numpy as np

HEIGHT = 512
WIDTH = 512
GRID_H = 32
GRID_W = 32


def setup_inputs(seed: int = 0) -> dict:
    key = jax.random.key(seed)
    x = jax.random.normal(jax.random.fold_in(key, 0), (8, 3, HEIGHT, WIDTH), dtype=jnp.float32)
    h_interval = HEIGHT / GRID_H
    w_interval = WIDTH / GRID_W
    horizontal_lines = jnp.linspace(h_interval / 2, HEIGHT - h_interval / 2, GRID_H, dtype=jnp.float32)
    vertical_lines = jnp.linspace(w_interval / 2, WIDTH - w_interval / 2, GRID_W, dtype=jnp.float32)
    return {"x": x, "horizontal_lines": horizontal_lines, "vertical_lines": vertical_lines}


def reference(x, horizontal_lines, vertical_lines):
    batch_size, channels, height, width = x.shape
    # forward sorts the learned line positions in place before building the mask
    h_sorted = jnp.sort(horizontal_lines)
    v_sorted = jnp.sort(vertical_lines)
    # create_hard_superpixel_mask
    y = jnp.linspace(0.0, height - 1, height, dtype=jnp.float32)
    xg = jnp.linspace(0.0, width - 1, width, dtype=jnp.float32)
    yy, xx = jnp.meshgrid(y, xg, indexing="ij")
    h_distances = jnp.abs(yy[..., None] - h_sorted)  # (H, W, GRID_H)
    v_distances = jnp.abs(xx[..., None] - v_sorted)  # (H, W, GRID_W)
    nearest_h_line = jnp.argmin(h_distances, axis=-1)
    nearest_v_line = jnp.argmin(v_distances, axis=-1)
    segmentation_labels = nearest_h_line * GRID_W + nearest_v_line
    return segmentation_labels

if __name__ == "__main__":
    import jax
    _d = setup_inputs()
    print(jax.jit(kernel)(*tuple(_d.values())))

</pallas_src>

<mosaic_0001>
#map = affine_map<(d0, d1) -> (0)>
#map1 = affine_map<(d0, d1) -> (0, 0)>
module attributes {stable_mosaic.version = 14 : i64} {
  func.func @_sc_body(%arg0: i32, %arg1: i32, %arg2: memref<64xf32, #tpu.memory_space<hbm>>, %arg3: memref<512x512xi32, #tpu.memory_space<hbm>>, %arg4: memref<64xf32, #tpu.memory_space<vmem>>, %arg5: memref<512xi32, #tpu.memory_space<vmem>>, %arg6: memref<32xi32, #tpu.memory_space<vmem>>, %arg7: memref<16x512xi32, #tpu.memory_space<vmem>>, %arg8: memref<512xi32, #tpu.memory_space<vmem_shared>>) attributes {dimension_semantics = [#tpu.dimension_semantics<core_parallel>, #tpu.dimension_semantics<subcore_parallel>], iteration_bounds = array<i64: 2, 16>, scalar_prefetch = 0 : i64, scratch_operands = 5 : i64, tpu.core_type = #tpu.core_type<sc_vector_subcore>, window_params = [{transform_indices = #map}, {transform_indices = #map1}]} {
    %mul3A = arith.constant 16 : i32
    %mul3A_0 = arith.muli %arg0, %mul3A : i32
    %add3A = arith.addi %mul3A_0, %arg1 : i32
    %mul3A_1 = arith.constant 16 : i32
    %mul3A_2 = arith.muli %add3A, %mul3A_1 : i32
    "tpu.region"() ({
      %run_scoped3A = tpu.sem_alloc : memref<!tpu.dma_semaphore, #tpu.memory_space<semaphore_mem>>
      tpu.enqueue_dma source(%arg2 : memref<64xf32, #tpu.memory_space<hbm>>) target(%arg4 : memref<64xf32, #tpu.memory_space<vmem>>) target_semaphore(%run_scoped3A : memref<!tpu.dma_semaphore, #tpu.memory_space<semaphore_mem>>)
      tpu.wait_dma2 semaphore(%run_scoped3A : memref<!tpu.dma_semaphore, #tpu.memory_space<semaphore_mem>>) src(%arg2 : memref<64xf32, #tpu.memory_space<hbm>>) dst(%arg4 : memref<64xf32, #tpu.memory_space<vmem>>)
      tpu.yield
    }) : () -> ()
    %get3A = arith.constant 0 : index
    %get3A_3 = tpu.vector_load %arg4[%get3A] {strides = array<i32>} : memref<64xf32, #tpu.memory_space<vmem>>, vector<16xf32>,
    %get3A_4 = vector.shape_cast %get3A_3 : vector<16xf32> to vector<16xf32>
    %get3A_5 = arith.constant 16 : index
    %get3A_6 = tpu.vector_load %arg4[%get3A_5] {strides = array<i32>} : memref<64xf32, #tpu.memory_space<vmem>>, vector<16xf32>,
    %get3A_7 = vector.shape_cast %get3A_6 : vector<16xf32> to vector<16xf32>
    %get3A_8 = arith.constant 32 : index
    %get3A_9 = tpu.vector_load %arg4[%get3A_8] {strides = array<i32>} : memref<64xf32, #tpu.memory_space<vmem>>, vector<16xf32>,
    %get3A_10 = vector.shape_cast %get3A_9 : vector<16xf32> to vector<16xf32>
    %get3A_11 = arith.constant 48 : index
    %get3A_12 = tpu.vector_load %arg4[%get3A_11] {strides = array<i32>} : memref<64xf32, #tpu.memory_space<vmem>>, vector<16xf32>,
    %get3A_13 = vector.shape_cast %get3A_12 : vector<16xf32> to vector<16xf32>
    %iota3A = tpu.iota {dimensions = array<i32: 0>} : vector<16xi32>
    %mul3A_14 = arith.constant 2 : i32
    %mul3A_15 = arith.muli %arg1, %mul3A_14 : i32
    %add3A_16 = arith.constant 0 : i32
    %add3A_17 = arith.addi %mul3A_15, %add3A_16 : i32
    %mul3A_18 = arith.constant 16 : i32
    %mul3A_19 = arith.muli %add3A_17, %mul3A_18 : i32
    %add3A_20 = vector.broadcast %mul3A_19 : i32 to vector<16xi32>
    %add3A_21 = arith.addi %iota3A, %add3A_20 : vector<16xi32>
    %convert_element_type3A = arith.sitofp %add3A_21 : vector<16xi32> to vector<16xf32>
    %broadcast_in_dim3A = arith.constant 1 : i32
    %broadcast_in_dim3A_22 = vector.broadcast %broadcast_in_dim3A : i32 to vector<16xi32>
    %broadcast_in_dim3A_23 = arith.constant 0 : i32
    %broadcast_in_dim3A_24 = vector.broadcast %broadcast_in_dim3A_23 : i32 to vector<16xi32>
    %broadcast_in_dim3A_25 = arith.constant 0x7F800000 : f32
    %broadcast_in_dim3A_26 = vector.broadcast %broadcast_in_dim3A_25 : f32 to vector<16xf32>
    %broadcast_in_dim3A_27 = arith.constant 0xFF800000 : f32
    %broadcast_in_dim3A_28 = vector.broadcast %broadcast_in_dim3A_27 : f32 to vector<16xf32>
    %slice3A = vector.extract_strided_slice %get3A_10 {offsets = [0], sizes = [1], strides = [1]} : vector<16xf32> to vector<1xf32>
    %squeeze3A = vector.extract %slice3A[0] : f32 from vector<1xf32>
    %sub3A = vector.broadcast %squeeze3A : f32 to vector<16xf32>
    %sub3A_29 = arith.subf %convert_element_type3A, %sub3A : vector<16xf32>
    %abs3A = math.absf %sub3A_29 : vector<16xf32>
    %lt3A = arith.cmpf olt, %abs3A, %broadcast_in_dim3A_26 : vector<16xf32>
    %select_n3A = arith.select %lt3A, %broadcast_in_dim3A_22, %broadcast_in_dim3A_24 : vector<16xi1>, vector<16xi32>
    %eq3A = arith.cmpf oeq, %abs3A, %broadcast_in_dim3A_26 : vector<16xf32>
    %select_n3A_30 = arith.select %eq3A, %broadcast_in_dim3A_22, %broadcast_in_dim3A_24 : vector<16xi1>, vector<16xi32>
    %gt3A = vector.broadcast %squeeze3A : f32 to vector<16xf32>
    %gt3A_31 = arith.cmpf ogt, %broadcast_in_dim3A_28, %gt3A : vector<16xf32>
    %select_n3A_32 = arith.select %gt3A_31, %broadcast_in_dim3A_22, %broadcast_in_dim3A_24 : vector<16xi1>, vector<16xi32>
    %mul3A_33 = arith.muli %select_n3A_30, %select_n3A_32 : vector<16xi32>
    %add3A_34 = arith.addi %select_n3A, %mul3A_33 : vector<16xi32>
    %gt3A_35 = arith.cmpi sgt, %add3A_34, %broadcast_in_dim3A_24 : vector<16xi32>
    %select_n3A_36 = arith.select %gt3A_35, %abs3A, %broadcast_in_dim3A_26 : vector<16xi1>, vector<16xf32>
    %broadcast_in_dim3A_37 = vector.broadcast %squeeze3A : f32 to vector<16xf32>
    %select_n3A_38 = arith.select %gt3A_35, %broadcast_in_dim3A_37, %broadcast_in_dim3A_28 : vector<16xi1>, vector<16xf32>
    %slice3A_39 = vector.extract_strided_slice %get3A_10 {offsets = [1], sizes = [1], strides = [1]} : vector<16xf32> to vector<1xf32>
    %squeeze3A_40 = vector.extract %slice3A_39[0] : f32 from vector<1xf32>
    %sub3A_41 = vector.broadcast %squeeze3A_40 : f32 to vector<16xf32>
    %sub3A_42 = arith.subf %convert_element_type3A, %sub3A_41 : vector<16xf32>
    %abs3A_43 = math.absf %sub3A_42 : vector<16xf32>
    %lt3A_44 = arith.cmpf olt, %abs3A_43, %select_n3A_36 : vector<16xf32>
    %select_n3A_45 = arith.select %lt3A_44, %broadcast_in_dim3A_22, %broadcast_in_dim3A_24 : vector<16xi1>, vector<16xi32>
    %eq3A_46 = arith.cmpf oeq, %abs3A_43, %select_n3A_36 : vector<16xf32>
    %select_n3A_47 = arith.select %eq3A_46, %broadcast_in_dim3A_22, %broadcast_in_dim3A_24 : vector<16xi1>, vector<16xi32>
    %gt3A_48 = vector.broadcast %squeeze3A_40 : f32 to vector<16xf32>
    %gt3A_49 = arith.cmpf ogt, %select_n3A_38, %gt3A_48 : vector<16xf32>
    %select_n3A_50 = arith.select %gt3A_49, %broadcast_in_dim3A_22, %broadcast_in_dim3A_24 : vector<16xi1>, vector<16xi32>
    %mul3A_51 = arith.muli %select_n3A_47, %select_n3A_50 : vector<16xi32>
    %add3A_52 = arith.addi %select_n3A_45, %mul3A_51 : vector<16xi32>
    %gt3A_53 = arith.cmpi sgt, %add3A_52, %broadcast_in_dim3A_24 : vector<16xi32>
    %select_n3A_54 = arith.select %gt3A_53, %abs3A_43, %select_n3A_36 : vector<16xi1>, vector<16xf32>
    %broadcast_in_dim3A_55 = vector.broadcast %squeeze3A_40 : f32 to vector<16xf32>
    %select_n3A_56 = arith.select %gt3A_53, %broadcast_in_dim3A_55, %select_n3A_38 : vector<16xi1>, vector<16xf32>
    %slice3A_57 = vector.extract_strided_slice %get3A_10 {offsets = [2], sizes = [1], strides = [1]} : vector<16xf32> to vector<1xf32>
    %squeeze3A_58 = vector.extract %slice3A_57[0] : f32 from vector<1xf32>
    %sub3A_59 = vector.broadcast %squeeze3A_58 : f32 to vector<16xf32>
    %sub3A_60 = arith.subf %convert_element_type3A, %sub3A_59 : vector<16xf32>
    %abs3A_61 = math.absf %sub3A_60 : vector<16xf32>
    %lt3A_62 = arith.cmpf olt, %abs3A_61, %select_n3A_54 : vector<16xf32>
    %select_n3A_63 = arith.select %lt3A_62, %broadcast_in_dim3A_22, %broadcast_in_dim3A_24 : vector<16xi1>, vector<16xi32>
    %eq3A_64 = arith.cmpf oeq, %abs3A_61, %select_n3A_54 : vector<16xf32>
    %select_n3A_65 = arith.select %eq3A_64, %broadcast_in_dim3A_22, %broadcast_in_dim3A_24 : vector<16xi1>, vector<16xi32>
    %gt3A_66 = vector.broadcast %squeeze3A_58 : f32 to vector<16xf32>
    %gt3A_67 = arith.cmpf ogt, %select_n3A_56, %gt3A_66 : vector<16xf32>
    %select_n3A_68 = arith.select %gt3A_67, %broadcast_in_dim3A_22, %broadcast_in_dim3A_24 : vector<16xi1>, vector<16xi32>
    %mul3A_69 = arith.muli %select_n3A_65, %select_n3A_68 : vector<16xi32>
    %add3A_70 = arith.addi %select_n3A_63, %mul3A_69 : vector<16xi32>
    %gt3A_71 = arith.cmpi sgt, %add3A_70, %broadcast_in_dim3A_24 : vector<16xi32>
    %select_n3A_72 = arith.select %gt3A_71, %abs3A_61, %select_n3A_54 : vector<16xi1>, vector<16xf32>
    %broadcast_in_dim3A_73 = vector.broadcast %squeeze3A_58 : f32 to vector<16xf32>
    %select_n3A_74 = arith.select %gt3A_71, %broadcast_in_dim3A_73, %select_n3A_56 : vector<16xi1>, vector<16xf32>
    %slice3A_75 = vector.extract_strided_slice %get3A_10 {offsets = [3], sizes = [1], strides = [1]} : vector<16xf32> to vector<1xf32>
    %squeeze3A_76 = vector.extract %slice3A_75[0] : f32 from vector<1xf32>
    %sub3A_77 = vector.broadcast %squeeze3A_76 : f32 to vector<16xf32>
    %sub3A_78 = arith.subf %convert_element_type3A, %sub3A_77 : vector<16xf32>
    %abs3A_79 = math.absf %sub3A_78 : vector<16xf32>
    %lt3A_80 = arith.cmpf olt, %abs3A_79, %select_n3A_72 : vector<16xf32>
    %select_n3A_81 = arith.select %lt3A_80, %broadcast_in_dim3A_22, %broadcast_in_dim3A_24 : vector<16xi1>, vector<16xi32>
    %eq3A_82 = arith.cmpf oeq, %abs3A_79, %select_n3A_72 : vector<16xf32>
    %select_n3A_83 = arith.select %eq3A_82, %broadcast_in_dim3A_22, %broadcast_in_dim3A_24 : vector<16xi1>, vector<16xi32>
    %gt3A_84 = vector.broadcast %squeeze3A_76 : f32 to vector<16xf32>
    %gt3A_85 = arith.cmpf ogt, %select_n3A_74, %gt3A_84 : vector<16xf32>
    %select_n3A_86 = arith.select %gt3A_85, %broadcast_in_dim3A_22, %broadcast_in_dim3A_24 : vector<16xi1>, vector<16xi32>
    %mul3A_87 = arith.muli %select_n3A_83, %select_n3A_86 : vector<16xi32>
    %add3A_88 = arith.addi %select_n3A_81, %mul3A_87 : vector<16xi32>
    %gt3A_89 = arith.cmpi sgt, %add3A_88, %broadcast_in_dim3A_24 : vector<16xi32>
    %select_n3A_90 = arith.select %gt3A_89, %abs3A_79, %select_n3A_72 : vector<16xi1>, vector<16xf32>
    %broadcast_in_dim3A_91 = vector.broadcast %squeeze3A_76 : f32 to vector<16xf32>
    %select_n3A_92 = arith.select %gt3A_89, %broadcast_in_dim3A_91, %select_n3A_74 : vector<16xi1>, vector<16xf32>
    %slice3A_93 = vector.extract_strided_slice %get3A_10 {offsets = [4], sizes = [1], strides = [1]} : vector<16xf32> to vector<1xf32>
    %squeeze3A_94 = vector.extract %slice3A_93[0] : f32 from vector<1xf32>
    %sub3A_95 = vector.broadcast %squeeze3A_94 : f32 to vector<16xf32>
    %sub3A_96 = arith.subf %convert_element_type3A, %sub3A_95 : vector<16xf32>
    %abs3A_97 = math.absf %sub3A_96 : vector<16xf32>
    %lt3A_98 = arith.cmpf olt, %abs3A_97, %select_n3A_90 : vector<16xf32>
    %select_n3A_99 = arith.select %lt3A_98, %broadcast_in_dim3A_22, %broadcast_in_dim3A_24 : vector<16xi1>, vector<16xi32>
    %eq3A_100 = arith.cmpf oeq, %abs3A_97, %select_n3A_90 : vector<16xf32>
    %select_n3A_101 = arith.select %eq3A_100, %broadcast_in_dim3A_22, %broadcast_in_dim3A_24 : vector<16xi1>, vector<16xi32>
    %gt3A_102 = vector.broadcast %squeeze3A_94 : f32 to vector<16xf32>
    %gt3A_103 = arith.cmpf ogt, %select_n3A_92, %gt3A_102 : vector<16xf32>
    %select_n3A_104 = arith.select %gt3A_103, %broadcast_in_dim3A_22, %broadcast_in_dim3A_24 : vector<16xi1>, vector<16xi32>
    %mul3A_105 = arith.muli %select_n3A_101, %select_n3A_104 : vector<16xi32>
    %add3A_106 = arith.addi %select_n3A_99, %mul3A_105 : vector<16xi32>
    %gt3A_107 = arith.cmpi sgt, %add3A_106, %broadcast_in_dim3A_24 : vector<16xi32>
    %select_n3A_108 = arith.select %gt3A_107, %abs3A_97, %select_n3A_90 : vector<16xi1>, vector<16xf32>
    %broadcast_in_dim3A_109 = vector.broadcast %squeeze3A_94 : f32 to vector<16xf32>
    %select_n3A_110 = arith.select %gt3A_107, %broadcast_in_dim3A_109, %select_n3A_92 : vector<16xi1>, vector<16xf32>
    %slice3A_111 = vector.extract_strided_slice %get3A_10 {offsets = [5], sizes = [1], strides = [1]} : vector<16xf32> to vector<1xf32>
    %squeeze3A_112 = vector.extract %slice3A_111[0] : f32 from vector<1xf32>
    %sub3A_113 = vector.broadcast %squeeze3A_112 : f32 to vector<16xf32>
    %sub3A_114 = arith.subf %convert_element_type3A, %sub3A_113 : vector<16xf32>
    %abs3A_115 = math.absf %sub3A_114 : vector<16xf32>
    %lt3A_116 = arith.cmpf olt, %abs3A_115, %select_n3A_108 : vector<16xf32>
    %select_n3A_117 = arith.select %lt3A_116, %broadcast_in_dim3A_22, %broadcast_in_dim3A_24 : vector<16xi1>, vector<16xi32>
    %eq3A_118 = arith.cmpf oeq, %abs3A_115, %select_n3A_108 : vector<16xf32>
    %select_n3A_119 = arith.select %eq3A_118, %broadcast_in_dim3A_22, %broadcast_in_dim3A_24 : vector<16xi1>, vector<16xi32>
    %gt3A_120 = vector.broadcast %squeeze3A_112 : f32 to vector<16xf32>
    %gt3A_121 = arith.cmpf ogt, %select_n3A_110, %gt3A_120 : vector<16xf32>
    %select_n3A_122 = arith.select %gt3A_121, %broadcast_in_dim3A_22, %broadcast_in_dim3A_24 : vector<16xi1>, vector<16xi32>
    %mul3A_123 = arith.muli %select_n3A_119, %select_n3A_122 : vector<16xi32>
    %add3A_124 = arith.addi %select_n3A_117, %mul3A_123 : vector<16xi32>
    %gt3A_125 = arith.cmpi sgt, %add3A_124, %broadcast_in_dim3A_24 : vector<16xi32>
    %select_n3A_126 = arith.select %gt3A_125, %abs3A_115, %select_n3A_108 : vector<16xi1>, vector<16xf32>
    %broadcast_in_dim3A_127 = vector.broadcast %squeeze3A_112 : f32 to vector<16xf32>
    %select_n3A_128 = arith.select %gt3A_125, %broadcast_in_dim3A_127, %select_n3A_110 : vector<16xi1>, vector<16xf32>
    %slice3A_129 = vector.extract_strided_slice %get3A_10 {offsets = [6], sizes = [1], strides = [1]} : vector<16xf32> to vector<1xf32>
    %squeeze3A_130 = vector.extract %slice3A_129[0] : f32 from vector<1xf32>
    %sub3A_131 = vector.broadcast %squeeze3A_130 : f32 to vector<16xf32>
    %sub3A_132 = arith.subf %convert_element_type3A, %sub3A_131 : vector<16xf32>
    %abs3A_133 = math.absf %sub3A_132 : vector<16xf32>
    %lt3A_134 = arith.cmpf olt, %abs3A_133, %select_n3A_126 : vector<16xf32>
    %select_n3A_135 = arith.select %lt3A_134, %broadcast_in_dim3A_22, %broadcast_in_dim3A_24 : vector<16xi1>, vector<16xi32>
    %eq3A_136 = arith.cmpf oeq, %abs3A_133, %select_n3A_126 : vector<16xf32>
    %select_n3A_137 = arith.select %eq3A_136, %broadcast_in_dim3A_22, %broadcast_in_dim3A_24 : vector<16xi1>, vector<16xi32>
    %gt3A_138 = vector.broadcast %squeeze3A_130 : f32 to vector<16xf32>
    %gt3A_139 = arith.cmpf ogt, %select_n3A_128, %gt3A_138 : vector<16xf32>
    %select_n3A_140 = arith.select %gt3A_139, %broadcast_in_dim3A_22, %broadcast_in_dim3A_24 : vector<16xi1>, vector<16xi32>
    %mul3A_141 = arith.muli %select_n3A_137, %select_n3A_140 : vector<16xi32>
    %add3A_142 = arith.addi %select_n3A_135, %mul3A_141 : vector<16xi32>
    %gt3A_143 = arith.cmpi sgt, %add3A_142, %broadcast_in_dim3A_24 : vector<16xi32>
    %select_n3A_144 = arith.select %gt3A_143, %abs3A_133, %select_n3A_126 : vector<16xi1>, vector<16xf32>
    %broadcast_in_dim3A_145 = vector.broadcast %squeeze3A_130 : f32 to vector<16xf32>
    %select_n3A_146 = arith.select %gt3A_143, %broadcast_in_dim3A_145, %select_n3A_128 : vector<16xi1>, vector<16xf32>
    %slice3A_147 = vector.extract_strided_slice %get3A_10 {offsets = [7], sizes = [1], strides = [1]} : vector<16xf32> to vector<1xf32>
    %squeeze3A_148 = vector.extract %slice3A_147[0] : f32 from vector<1xf32>
    %sub3A_149 = vector.broadcast %squeeze3A_148 : f32 to vector<16xf32>
    %sub3A_150 = arith.subf %convert_element_type3A, %sub3A_149 : vector<16xf32>
    %abs3A_151 = math.absf %sub3A_150 : vector<16xf32>
    %lt3A_152 = arith.cmpf olt, %abs3A_151, %select_n3A_144 : vector<16xf32>
    %select_n3A_153 = arith.select %lt3A_152, %broadcast_in_dim3A_22, %broadcast_in_dim3A_24 : vector<16xi1>, vector<16xi32>
    %eq3A_154 = arith.cmpf oeq, %abs3A_151, %select_n3A_144 : vector<16xf32>
    %select_n3A_155 = arith.select %eq3A_154, %broadcast_in_dim3A_22, %broadcast_in_dim3A_24 : vector<16xi1>, vector<16xi32>
    %gt3A_156 = vector.broadcast %squeeze3A_148 : f32 to vector<16xf32>
    %gt3A_157 = arith.cmpf ogt, %select_n3A_146, %gt3A_156 : vector<16xf32>
    %select_n3A_158 = arith.select %gt3A_157, %broadcast_in_dim3A_22, %broadcast_in_dim3A_24 : vector<16xi1>, vector<16xi32>
    %mul3A_159 = arith.muli %select_n3A_155, %select_n3A_158 : vector<16xi32>
    %add3A_160 = arith.addi %select_n3A_153, %mul3A_159 : vector<16xi32>
    %gt3A_161 = arith.cmpi sgt, %add3A_160, %broadcast_in_dim3A_24 : vector<16xi32>
    %select_n3A_162 = arith.select %gt3A_161, %abs3A_151, %select_n3A_144 : vector<16xi1>, vector<16xf32>
    %broadcast_in_dim3A_163 = vector.broadcast %squeeze3A_148 : f32 to vector<16xf32>
    %select_n3A_164 = arith.select %gt3A_161, %broadcast_in_dim3A_163, %select_n3A_146 : vector<16xi1>, vector<16xf32>
    %slice3A_165 = vector.extract_strided_slice %get3A_10 {offsets = [8], sizes = [1], strides = [1]} : vector<16xf32> to vector<1xf32>
    %squeeze3A_166 = vector.extract %slice3A_165[0] : f32 from vector<1xf32>
    %sub3A_167 = vector.broadcast %squeeze3A_166 : f32 to vector<16xf32>
    %sub3A_168 = arith.subf %convert_element_type3A, %sub3A_167 : vector<16xf32>
    %abs3A_169 = math.absf %sub3A_168 : vector<16xf32>
    %lt3A_170 = arith.cmpf olt, %abs3A_169, %select_n3A_162 : vector<16xf32>
    %select_n3A_171 = arith.select %lt3A_170, %broadcast_in_dim3A_22, %broadcast_in_dim3A_24 : vector<16xi1>, vector<16xi32>
    %eq3A_172 = arith.cmpf oeq, %abs3A_169, %select_n3A_162 : vector<16xf32>
    %select_n3A_173 = arith.select %eq3A_172, %broadcast_in_dim3A_22, %broadcast_in_dim3A_24 : vector<16xi1>, vector<16xi32>
    %gt3A_174 = vector.broadcast %squeeze3A_166 : f32 to vector<16xf32>
    %gt3A_175 = arith.cmpf ogt, %select_n3A_164, %gt3A_174 : vector<16xf32>
    %select_n3A_176 = arith.select %gt3A_175, %broadcast_in_dim3A_22, %broadcast_in_dim3A_24 : vector<16xi1>, vector<16xi32>
    %mul3A_177 = arith.muli %select_n3A_173, %select_n3A_176 : vector<16xi32>
    %add3A_178 = arith.addi %select_n3A_171, %mul3A_177 : vector<16xi32>
    %gt3A_179 = arith.cmpi sgt, %add3A_178, %broadcast_in_dim3A_24 : vector<16xi32>
    %select_n3A_180 = arith.select %gt3A_179, %abs3A_169, %select_n3A_162 : vector<16xi1>, vector<16xf32>
    %broadcast_in_dim3A_181 = vector.broadcast %squeeze3A_166 : f32 to vector<16xf32>
    %select_n3A_182 = arith.select %gt3A_179, %broadcast_in_dim3A_181, %select_n3A_164 : vector<16xi1>, vector<16xf32>
    %slice3A_183 = vector.extract_strided_slice %get3A_10 {offsets = [9], sizes = [1], strides = [1]} : vector<16xf32> to vector<1xf32>
    %squeeze3A_184 = vector.extract %slice3A_183[0] : f32 from vector<1xf32>
    %sub3A_185 = vector.broadcast %squeeze3A_184 : f32 to vector<16xf32>
    %sub3A_186 = arith.subf %convert_element_type3A, %sub3A_185 : vector<16xf32>
    %abs3A_187 = math.absf %sub3A_186 : vector<16xf32>
    %lt3A_188 = arith.cmpf olt, %abs3A_187, %select_n3A_180 : vector<16xf32>
    %select_n3A_189 = arith.select %lt3A_188, %broadcast_in_dim3A_22, %broadcast_in_dim3A_24 : vector<16xi1>, vector<16xi32>
    %eq3A_190 = arith.cmpf oeq, %abs3A_187, %select_n3A_180 : vector<16xf32>
    %select_n3A_191 = arith.select %eq3A_190, %broadcast_in_dim3A_22, %broadcast_in_dim3A_24 : vector<16xi1>, vector<16xi32>
    %gt3A_192 = vector.broadcast %squeeze3A_184 : f32 to vector<16xf32>
    %gt3A_193 = arith.cmpf ogt, %select_n3A_182, %gt3A_192 : vector<16xf32>
    %select_n3A_194 = arith.select %gt3A_193, %broadcast_in_dim3A_22, %broadcast_in_dim3A_24 : vector<16xi1>, vector<16xi32>
    %mul3A_195 = arith.muli %select_n3A_191, %select_n3A_194 : vector<16xi32>
    %add3A_196 = arith.addi %select_n3A_189, %mul3A_195 : vector<16xi32>
    %gt3A_197 = arith.cmpi sgt, %add3A_196, %broadcast_in_dim3A_24 : vector<16xi32>
    %select_n3A_198 = arith.select %gt3A_197, %abs3A_187, %select_n3A_180 : vector<16xi1>, vector<16xf32>
    %broadcast_in_dim3A_199 = vector.broadcast %squeeze3A_184 : f32 to vector<16xf32>
    %select_n3A_200 = arith.select %gt3A_197, %broadcast_in_dim3A_199, %select_n3A_182 : vector<16xi1>, vector<16xf32>
    %slice3A_201 = vector.extract_strided_slice %get3A_10 {offsets = [10], sizes = [1], strides = [1]} : vector<16xf32> to vector<1xf32>
    %squeeze3A_202 = vector.extract %slice3A_201[0] : f32 from vector<1xf32>
    %sub3A_203 = vector.broadcast %squeeze3A_202 : f32 to vector<16xf32>
    %sub3A_204 = arith.subf %convert_element_type3A, %sub3A_203 : vector<16xf32>
    %abs3A_205 = math.absf %sub3A_204 : vector<16xf32>
    %lt3A_206 = arith.cmpf olt, %abs3A_205, %select_n3A_198 : vector<16xf32>
    %select_n3A_207 = arith.select %lt3A_206, %broadcast_in_dim3A_22, %broadcast_in_dim3A_24 : vector<16xi1>, vector<16xi32>
    %eq3A_208 = arith.cmpf oeq, %abs3A_205, %select_n3A_198 : vector<16xf32>
    %select_n3A_209 = arith.select %eq3A_208, %broadcast_in_dim3A_22, %broadcast_in_dim3A_24 : vector<16xi1>, vector<16xi32>
    %gt3A_210 = vector.broadcast %squeeze3A_202 : f32 to vector<16xf32>
    %gt3A_211 = arith.cmpf ogt, %select_n3A_200, %gt3A_210 : vector<16xf32>
    %select_n3A_212 = arith.select %gt3A_211, %broadcast_in_dim3A_22, %broadcast_in_dim3A_24 : vector<16xi1>, vector<16xi32>
    %mul3A_213 = arith.muli %select_n3A_209, %select_n3A_212 : vector<16xi32>
    %add3A_214 = arith.addi %select_n3A_207, %mul3A_213 : vector<16xi32>
    %gt3A_215 = arith.cmpi sgt, %add3A_214, %broadcast_in_dim3A_24 : vector<16xi32>
    %select_n3A_216 = arith.select %gt3A_215, %abs3A_205, %select_n3A_198 : vector<16xi1>, vector<16xf32>
    %broadcast_in_dim3A_217 = vector.broadcast %squeeze3A_202 : f32 to vector<16xf32>
    %select_n3A_218 = arith.select %gt3A_215, %broadcast_in_dim3A_217, %select_n3A_200 : vector<16xi1>, vector<16xf32>
    %slice3A_219 = vector.extract_strided_slice %get3A_10 {offsets = [11], sizes = [1], strides = [1]} : vector<16xf32> to vector<1xf32>
    %squeeze3A_220 = vector.extract %slice3A_219[0] : f32 from vector<1xf32>
    %sub3A_221 = vector.broadcast %squeeze3A_220 : f32 to vector<16xf32>
    %sub3A_222 = arith.subf %convert_element_type3A, %sub3A_221 : vector<16xf32>
    %abs3A_223 = math.absf %sub3A_222 : vector<16xf32>
    %lt3A_224 = arith.cmpf olt, %abs3A_223, %select_n3A_216 : vector<16xf32>
    %select_n3A_225 = arith.select %lt3A_224, %broadcast_in_dim3A_22, %broadcast_in_dim3A_24 : vector<16xi1>, vector<16xi32>
    %eq3A_226 = arith.cmpf oeq, %abs3A_223, %select_n3A_216 : vector<16xf32>
    %select_n3A_227 = arith.select %eq3A_226, %broadcast_in_dim3A_22, %broadcast_in_dim3A_24 : vector<16xi1>, vector<16xi32>
    %gt3A_228 = vector.broadcast %squeeze3A_220 : f32 to vector<16xf32>
    %gt3A_229 = arith.cmpf ogt, %select_n3A_218, %gt3A_228 : vector<16xf32>
    %select_n3A_230 = arith.select %gt3A_229, %broadcast_in_dim3A_22, %broadcast_in_dim3A_24 : vector<16xi1>, vector<16xi32>
    %mul3A_231 = arith.muli %select_n3A_227, %select_n3A_230 : vector<16xi32>
    %add3A_232 = arith.addi %select_n3A_225, %mul3A_231 : vector<16xi32>
    %gt3A_233 = arith.cmpi sgt, %add3A_232, %broadcast_in_dim3A_24 : vector<16xi32>
    %select_n3A_234 = arith.select %gt3A_233, %abs3A_223, %select_n3A_216 : vector<16xi1>, vector<16xf32>
    %broadcast_in_dim3A_235 = vector.broadcast %squeeze3A_220 : f32 to vector<16xf32>
    %select_n3A_236 = arith.select %gt3A_233, %broadcast_in_dim3A_235, %select_n3A_218 : vector<16xi1>, vector<16xf32>
    %slice3A_237 = vector.extract_strided_slice %get3A_10 {offsets = [12], sizes = [1], strides = [1]} : vector<16xf32> to vector<1xf32>
    %squeeze3A_238 = vector.extract %slice3A_237[0] : f32 from vector<1xf32>
    %sub3A_239 = vector.broadcast %squeeze3A_238 : f32 to vector<16xf32>
    %sub3A_240 = arith.subf %convert_element_type3A, %sub3A_239 : vector<16xf32>
    %abs3A_241 = math.absf %sub3A_240 : vector<16xf32>
    %lt3A_242 = arith.cmpf olt, %abs3A_241, %select_n3A_234 : vector<16xf32>
    %select_n3A_243 = arith.select %lt3A_242, %broadcast_in_dim3A_22, %broadcast_in_dim3A_24 : vector<16xi1>, vector<16xi32>
    %eq3A_244 = arith.cmpf oeq, %abs3A_241, %select_n3A_234 : vector<16xf32>
    %select_n3A_245 = arith.select %eq3A_244, %broadcast_in_dim3A_22, %broadcast_in_dim3A_24 : vector<16xi1>, vector<16xi32>
    %gt3A_246 = vector.broadcast %squeeze3A_238 : f32 to vector<16xf32>
    %gt3A_247 = arith.cmpf ogt, %select_n3A_236, %gt3A_246 : vector<16xf32>
    %select_n3A_248 = arith.select %gt3A_247, %broadcast_in_dim3A_22, %broadcast_in_dim3A_24 : vector<16xi1>, vector<16xi32>
    %mul3A_249 = arith.muli %select_n3A_245, %select_n3A_248 : vector<16xi32>
    %add3A_250 = arith.addi %select_n3A_243, %mul3A_249 : vector<16xi32>
    %gt3A_251 = arith.cmpi sgt, %add3A_250, %broadcast_in_dim3A_24 : vector<16xi32>
    %select_n3A_252 = arith.select %gt3A_251, %abs3A_241, %select_n3A_234 : vector<16xi1>, vector<16xf32>
    %broadcast_in_dim3A_253 = vector.broadcast %squeeze3A_238 : f32 to vector<16xf32>
    %select_n3A_254 = arith.select %gt3A_251, %broadcast_in_dim3A_253, %select_n3A_236 : vector<16xi1>, vector<16xf32>
    %slice3A_255 = vector.extract_strided_slice %get3A_10 {offsets = [13], sizes = [1], strides = [1]} : vector<16xf32> to vector<1xf32>
    %squeeze3A_256 = vector.extract %slice3A_255[0] : f32 from vector<1xf32>
    %sub3A_257 = vector.broadcast %squeeze3A_256 : f32 to vector<16xf32>
    %sub3A_258 = arith.subf %convert_element_type3A, %sub3A_257 : vector<16xf32>
    %abs3A_259 = math.absf %sub3A_258 : vector<16xf32>
    %lt3A_260 = arith.cmpf olt, %abs3A_259, %select_n3A_252 : vector<16xf32>
    %select_n3A_261 = arith.select %lt3A_260, %broadcast_in_dim3A_22, %broadcast_in_dim3A_24 : vector<16xi1>, vector<16xi32>
    %eq3A_262 = arith.cmpf oeq, %abs3A_259, %select_n3A_252 : vector<16xf32>
    %select_n3A_263 = arith.select %eq3A_262, %broadcast_in_dim3A_22, %broadcast_in_dim3A_24 : vector<16xi1>, vector<16xi32>
    %gt3A_264 = vector.broadcast %squeeze3A_256 : f32 to vector<16xf32>
    %gt3A_265 = arith.cmpf ogt, %select_n3A_254, %gt3A_264 : vector<16xf32>
    %select_n3A_266 = arith.select %gt3A_265, %broadcast_in_dim3A_22, %broadcast_in_dim3A_24 : vector<16xi1>, vector<16xi32>
    %mul3A_267 = arith.muli %select_n3A_263, %select_n3A_266 : vector<16xi32>
    %add3A_268 = arith.addi %select_n3A_261, %mul3A_267 : vector<16xi32>
    %gt3A_269 = arith.cmpi sgt, %add3A_268, %broadcast_in_dim3A_24 : vector<16xi32>
    %select_n3A_270 = arith.select %gt3A_269, %abs3A_259, %select_n3A_252 : vector<16xi1>, vector<16xf32>
    %broadcast_in_dim3A_271 = vector.broadcast %squeeze3A_256 : f32 to vector<16xf32>
    %select_n3A_272 = arith.select %gt3A_269, %broadcast_in_dim3A_271, %select_n3A_254 : vector<16xi1>, vector<16xf32>
    %slice3A_273 = vector.extract_strided_slice %get3A_10 {offsets = [14], sizes = [1], strides = [1]} : vector<16xf32> to vector<1xf32>
    %squeeze3A_274 = vector.extract %slice3A_273[0] : f32 from vector<1xf32>
    %sub3A_275 = vector.broadcast %squeeze3A_274 : f32 to vector<16xf32>
    %sub3A_276 = arith.subf %convert_element_type3A, %sub3A_275 : vector<16xf32>
    %abs3A_277 = math.absf %sub3A_276 : vector<16xf32>
    %lt3A_278 = arith.cmpf olt, %abs3A_277, %select_n3A_270 : vector<16xf32>
    %select_n3A_279 = arith.select %lt3A_278, %broadcast_in_dim3A_22, %broadcast_in_dim3A_24 : vector<16xi1>, vector<16xi32>
    %eq3A_280 = arith.cmpf oeq, %abs3A_277, %select_n3A_270 : vector<16xf32>
    %select_n3A_281 = arith.select %eq3A_280, %broadcast_in_dim3A_22, %broadcast_in_dim3A_24 : vector<16xi1>, vector<16xi32>
    %gt3A_282 = vector.broadcast %squeeze3A_274 : f32 to vector<16xf32>
    %gt3A_283 = arith.cmpf ogt, %select_n3A_272, %gt3A_282 : vector<16xf32>
    %select_n3A_284 = arith.select %gt3A_283, %broadcast_in_dim3A_22, %broadcast_in_dim3A_24 : vector<16xi1>, vector<16xi32>
    %mul3A_285 = arith.muli %select_n3A_281, %select_n3A_284 : vector<16xi32>
    %add3A_286 = arith.addi %select_n3A_279, %mul3A_285 : vector<16xi32>
    %gt3A_287 = arith.cmpi sgt, %add3A_286, %broadcast_in_dim3A_24 : vector<16xi32>
    %select_n3A_288 = arith.select %gt3A_287, %abs3A_277, %select_n3A_270 : vector<16xi1>, vector<16xf32>
    %broadcast_in_dim3A_289 = vector.broadcast %squeeze3A_274 : f32 to vector<16xf32>
    %select_n3A_290 = arith.select %gt3A_287, %broadcast_in_dim3A_289, %select_n3A_272 : vector<16xi1>, vector<16xf32>
    %slice3A_291 = vector.extract_strided_slice %get3A_10 {offsets = [15], sizes = [1], strides = [1]} : vector<16xf32> to vector<1xf32>
    %squeeze3A_292 = vector.extract %slice3A_291[0] : f32 from vector<1xf32>
    %sub3A_293 = vector.broadcast %squeeze3A_292 : f32 to vector<16xf32>
    %sub3A_294 = arith.subf %convert_element_type3A, %sub3A_293 : vector<16xf32>
    %abs3A_295 = math.absf %sub3A_294 : vector<16xf32>
    %lt3A_296 = arith.cmpf olt, %abs3A_295, %select_n3A_288 : vector<16xf32>
    %select_n3A_297 = arith.select %lt3A_296, %broadcast_in_dim3A_22, %broadcast_in_dim3A_24 : vector<16xi1>, vector<16xi32>
    %eq3A_298 = arith.cmpf oeq, %abs3A_295, %select_n3A_288 : vector<16xf32>
    %select_n3A_299 = arith.select %eq3A_298, %broadcast_in_dim3A_22, %broadcast_in_dim3A_24 : vector<16xi1>, vector<16xi32>
    %gt3A_300 = vector.broadcast %squeeze3A_292 : f32 to vector<16xf32>
    %gt3A_301 = arith.cmpf ogt, %select_n3A_290, %gt3A_300 : vector<16xf32>
    %select_n3A_302 = arith.select %gt3A_301, %broadcast_in_dim3A_22, %broadcast_in_dim3A_24 : vector<16xi1>, vector<16xi32>
    %mul3A_303 = arith.muli %select_n3A_299, %select_n3A_302 : vector<16xi32>
    %add3A_304 = arith.addi %select_n3A_297, %mul3A_303 : vector<16xi32>
    %gt3A_305 = arith.cmpi sgt, %add3A_304, %broadcast_in_dim3A_24 : vector<16xi32>
    %select_n3A_306 = arith.select %gt3A_305, %abs3A_295, %select_n3A_288 : vector<16xi1>, vector<16xf32>
    %broadcast_in_dim3A_307 = vector.broadcast %squeeze3A_292 : f32 to vector<16xf32>
    %select_n3A_308 = arith.select %gt3A_305, %broadcast_in_dim3A_307, %select_n3A_290 : vector<16xi1>, vector<16xf32>
    %slice3A_309 = vector.extract_strided_slice %get3A_13 {offsets = [0], sizes = [1], strides = [1]} : vector<16xf32> to vector<1xf32>
    %squeeze3A_310 = vector.extract %slice3A_309[0] : f32 from vector<1xf32>
    %sub3A_311 = vector.broadcast %squeeze3A_310 : f32 to vector<16xf32>
    %sub3A_312 = arith.subf %convert_element_type3A, %sub3A_311 : vector<16xf32>
    %abs3A_313 = math.absf %sub3A_312 : vector<16xf32>
    %lt3A_314 = arith.cmpf olt, %abs3A_313, %select_n3A_306 : vector<16xf32>
    %select_n3A_315 = arith.select %lt3A_314, %broadcast_in_dim3A_22, %broadcast_in_dim3A_24 : vector<16xi1>, vector<16xi32>
    %eq3A_316 = arith.cmpf oeq, %abs3A_313, %select_n3A_306 : vector<16xf32>
    %select_n3A_317 = arith.select %eq3A_316, %broadcast_in_dim3A_22, %broadcast_in_dim3A_24 : vector<16xi1>, vector<16xi32>
    %gt3A_318 = vector.broadcast %squeeze3A_310 : f32 to vector<16xf32>
    %gt3A_319 = arith.cmpf ogt, %select_n3A_308, %gt3A_318 : vector<16xf32>
    %select_n3A_320 = arith.select %gt3A_319, %broadcast_in_dim3A_22, %broadcast_in_dim3A_24 : vector<16xi1>, vector<16xi32>
    %mul3A_321 = arith.muli %select_n3A_317, %select_n3A_320 : vector<16xi32>
    %add3A_322 = arith.addi %select_n3A_315, %mul3A_321 : vector<16xi32>
    %gt3A_323 = arith.cmpi sgt, %add3A_322, %broadcast_in_dim3A_24 : vector<16xi32>
    %select_n3A_324 = arith.select %gt3A_323, %abs3A_313, %select_n3A_306 : vector<16xi1>, vector<16xf32>
    %broadcast_in_dim3A_325 = vector.broadcast %squeeze3A_310 : f32 to vector<16xf32>
    %select_n3A_326 = arith.select %gt3A_323, %broadcast_in_dim3A_325, %select_n3A_308 : vector<16xi1>, vector<16xf32>
    %slice3A_327 = vector.extract_strided_slice %get3A_13 {offsets = [1], sizes = [1], strides = [1]} : vector<16xf32> to vector<1xf32>
    %squeeze3A_328 = vector.extract %slice3A_327[0] : f32 from vector<1xf32>
    %sub3A_329 = vector.broadcast %squeeze3A_328 : f32 to vector<16xf32>
    %sub3A_330 = arith.subf %convert_element_type3A, %sub3A_329 : vector<16xf32>
    %abs3A_331 = math.absf %sub3A_330 : vector<16xf32>
    %lt3A_332 = arith.cmpf olt, %abs3A_331, %select_n3A_324 : vector<16xf32>
    %select_n3A_333 = arith.select %lt3A_332, %broadcast_in_dim3A_22, %broadcast_in_dim3A_24 : vector<16xi1>, vector<16xi32>
    %eq3A_334 = arith.cmpf oeq, %abs3A_331, %select_n3A_324 : vector<16xf32>
    %select_n3A_335 = arith.select %eq3A_334, %broadcast_in_dim3A_22, %broadcast_in_dim3A_24 : vector<16xi1>, vector<16xi32>
    %gt3A_336 = vector.broadcast %squeeze3A_328 : f32 to vector<16xf32>
    %gt3A_337 = arith.cmpf ogt, %select_n3A_326, %gt3A_336 : vector<16xf32>
    %select_n3A_338 = arith.select %gt3A_337, %broadcast_in_dim3A_22, %broadcast_in_dim3A_24 : vector<16xi1>, vector<16xi32>
    %mul3A_339 = arith.muli %select_n3A_335, %select_n3A_338 : vector<16xi32>
    %add3A_340 = arith.addi %select_n3A_333, %mul3A_339 : vector<16xi32>
    %gt3A_341 = arith.cmpi sgt, %add3A_340, %broadcast_in_dim3A_24 : vector<16xi32>
    %select_n3A_342 = arith.select %gt3A_341, %abs3A_331, %select_n3A_324 : vector<16xi1>, vector<16xf32>
    %broadcast_in_dim3A_343 = vector.broadcast %squeeze3A_328 : f32 to vector<16xf32>
    %select_n3A_344 = arith.select %gt3A_341, %broadcast_in_dim3A_343, %select_n3A_326 : vector<16xi1>, vector<16xf32>
    %slice3A_345 = vector.extract_strided_slice %get3A_13 {offsets = [2], sizes = [1], strides = [1]} : vector<16xf32> to vector<1xf32>
    %squeeze3A_346 = vector.extract %slice3A_345[0] : f32 from vector<1xf32>
    %sub3A_347 = vector.broadcast %squeeze3A_346 : f32 to vector<16xf32>
    %sub3A_348 = arith.subf %convert_element_type3A, %sub3A_347 : vector<16xf32>
    %abs3A_349 = math.absf %sub3A_348 : vector<16xf32>
    %lt3A_350 = arith.cmpf olt, %abs3A_349, %select_n3A_342 : vector<16xf32>
    %select_n3A_351 = arith.select %lt3A_350, %broadcast_in_dim3A_22, %broadcast_in_dim3A_24 : vector<16xi1>, vector<16xi32>
    %eq3A_352 = arith.cmpf oeq, %abs3A_349, %select_n3A_342 : vector<16xf32>
    %select_n3A_353 = arith.select %eq3A_352, %broadcast_in_dim3A_22, %broadcast_in_dim3A_24 : vector<16xi1>, vector<16xi32>
    %gt3A_354 = vector.broadcast %squeeze3A_346 : f32 to vector<16xf32>
    %gt3A_355 = arith.cmpf ogt, %select_n3A_344, %gt3A_354 : vector<16xf32>
    %select_n3A_356 = arith.select %gt3A_355, %broadcast_in_dim3A_22, %broadcast_in_dim3A_24 : vector<16xi1>, vector<16xi32>
    %mul3A_357 = arith.muli %select_n3A_353, %select_n3A_356 : vector<16xi32>
    %add3A_358 = arith.addi %select_n3A_351, %mul3A_357 : vector<16xi32>
    %gt3A_359 = arith.cmpi sgt, %add3A_358, %broadcast_in_dim3A_24 : vector<16xi32>
    %select_n3A_360 = arith.select %gt3A_359, %abs3A_349, %select_n3A_342 : vector<16xi1>, vector<16xf32>
    %broadcast_in_dim3A_361 = vector.broadcast %squeeze3A_346 : f32 to vector<16xf32>
    %select_n3A_362 = arith.select %gt3A_359, %broadcast_in_dim3A_361, %select_n3A_344 : vector<16xi1>, vector<16xf32>
    %slice3A_363 = vector.extract_strided_slice %get3A_13 {offsets = [3], sizes = [1], strides = [1]} : vector<16xf32> to vector<1xf32>
    %squeeze3A_364 = vector.extract %slice3A_363[0] : f32 from vector<1xf32>
    %sub3A_365 = vector.broadcast %squeeze3A_364 : f32 to vector<16xf32>
    %sub3A_366 = arith.subf %convert_element_type3A, %sub3A_365 : vector<16xf32>
    %abs3A_367 = math.absf %sub3A_366 : vector<16xf32>
    %lt3A_368 = arith.cmpf olt, %abs3A_367, %select_n3A_360 : vector<16xf32>
    %select_n3A_369 = arith.select %lt3A_368, %broadcast_in_dim3A_22, %broadcast_in_dim3A_24 : vector<16xi1>, vector<16xi32>
    %eq3A_370 = arith.cmpf oeq, %abs3A_367, %select_n3A_360 : vector<16xf32>
    %select_n3A_371 = arith.select %eq3A_370, %broadcast_in_dim3A_22, %broadcast_in_dim3A_24 : vector<16xi1>, vector<16xi32>
    %gt3A_372 = vector.broadcast %squeeze3A_364 : f32 to vector<16xf32>
    %gt3A_373 = arith.cmpf ogt, %select_n3A_362, %gt3A_372 : vector<16xf32>
    %select_n3A_374 = arith.select %gt3A_373, %broadcast_in_dim3A_22, %broadcast_in_dim3A_24 : vector<16xi1>, vector<16xi32>
    %mul3A_375 = arith.muli %select_n3A_371, %select_n3A_374 : vector<16xi32>
    %add3A_376 = arith.addi %select_n3A_369, %mul3A_375 : vector<16xi32>
    %gt3A_377 = arith.cmpi sgt, %add3A_376, %broadcast_in_dim3A_24 : vector<16xi32>
    %select_n3A_378 = arith.select %gt3A_377, %abs3A_367, %select_n3A_360 : vector<16xi1>, vector<16xf32>
    %broadcast_in_dim3A_379 = vector.broadcast %squeeze3A_364 : f32 to vector<16xf32>
    %select_n3A_380 = arith.select %gt3A_377, %broadcast_in_dim3A_379, %select_n3A_362 : vector<16xi1>, vector<16xf32>
    %slice3A_381 = vector.extract_strided_slice %get3A_13 {offsets = [4], sizes = [1], strides = [1]} : vector<16xf32> to vector<1xf32>
    %squeeze3A_382 = vector.extract %slice3A_381[0] : f32 from vector<1xf32>
    %sub3A_383 = vector.broadcast %squeeze3A_382 : f32 to vector<16xf32>
    %sub3A_384 = arith.subf %convert_element_type3A, %sub3A_383 : vector<16xf32>
    %abs3A_385 = math.absf %sub3A_384 : vector<16xf32>
    %lt3A_386 = arith.cmpf olt, %abs3A_385, %select_n3A_378 : vector<16xf32>
    %select_n3A_387 = arith.select %lt3A_386, %broadcast_in_dim3A_22, %broadcast_in_dim3A_24 : vector<16xi1>, vector<16xi32>
    %eq3A_388 = arith.cmpf oeq, %abs3A_385, %select_n3A_378 : vector<16xf32>
    %select_n3A_389 = arith.select %eq3A_388, %broadcast_in_dim3A_22, %broadcast_in_dim3A_24 : vector<16xi1>, vector<16xi32>
    %gt3A_390 = vector.broadcast %squeeze3A_382 : f32 to vector<16xf32>
    %gt3A_391 = arith.cmpf ogt, %select_n3A_380, %gt3A_390 : vector<16xf32>
    %select_n3A_392 = arith.select %gt3A_391, %broadcast_in_dim3A_22, %broadcast_in_dim3A_24 : vector<16xi1>, vector<16xi32>
    %mul3A_393 = arith.muli %select_n3A_389, %select_n3A_392 : vector<16xi32>
    %add3A_394 = arith.addi %select_n3A_387, %mul3A_393 : vector<16xi32>
    %gt3A_395 = arith.cmpi sgt, %add3A_394, %broadcast_in_dim3A_24 : vector<16xi32>
    %select_n3A_396 = arith.select %gt3A_395, %abs3A_385, %select_n3A_378 : vector<16xi1>, vector<16xf32>
    %broadcast_in_dim3A_397 = vector.broadcast %squeeze3A_382 : f32 to vector<16xf32>
    %select_n3A_398 = arith.select %gt3A_395, %broadcast_in_dim3A_397, %select_n3A_380 : vector<16xi1>, vector<16xf32>
    %slice3A_399 = vector.extract_strided_slice %get3A_13 {offsets = [5], sizes = [1], strides = [1]} : vector<16xf32> to vector<1xf32>
    %squeeze3A_400 = vector.extract %slice3A_399[0] : f32 from vector<1xf32>
    %sub3A_401 = vector.broadcast %squeeze3A_400 : f32 to vector<16xf32>
    %sub3A_402 = arith.subf %convert_element_type3A, %sub3A_401 : vector<16xf32>
    %abs3A_403 = math.absf %sub3A_402 : vector<16xf32>
    %lt3A_404 = arith.cmpf olt, %abs3A_403, %select_n3A_396 : vector<16xf32>
    %select_n3A_405 = arith.select %lt3A_404, %broadcast_in_dim3A_22, %broadcast_in_dim3A_24 : vector<16xi1>, vector<16xi32>
    %eq3A_406 = arith.cmpf oeq, %abs3A_403, %select_n3A_396 : vector<16xf32>
    %select_n3A_407 = arith.select %eq3A_406, %broadcast_in_dim3A_22, %broadcast_in_dim3A_24 : vector<16xi1>, vector<16xi32>
    %gt3A_408 = vector.broadcast %squeeze3A_400 : f32 to vector<16xf32>
    %gt3A_409 = arith.cmpf ogt, %select_n3A_398, %gt3A_408 : vector<16xf32>
    %select_n3A_410 = arith.select %gt3A_409, %broadcast_in_dim3A_22, %broadcast_in_dim3A_24 : vector<16xi1>, vector<16xi32>
    %mul3A_411 = arith.muli %select_n3A_407, %select_n3A_410 : vector<16xi32>
    %add3A_412 = arith.addi %select_n3A_405, %mul3A_411 : vector<16xi32>
    %gt3A_413 = arith.cmpi sgt, %add3A_412, %broadcast_in_dim3A_24 : vector<16xi32>
    %select_n3A_414 = arith.select %gt3A_413, %abs3A_403, %select_n3A_396 : vector<16xi1>, vector<16xf32>
    %broadcast_in_dim3A_415 = vector.broadcast %squeeze3A_400 : f32 to vector<16xf32>
    %select_n3A_416 = arith.select %gt3A_413, %broadcast_in_dim3A_415, %select_n3A_398 : vector<16xi1>, vector<16xf32>
    %slice3A_417 = vector.extract_strided_slice %get3A_13 {offsets = [6], sizes = [1], strides = [1]} : vector<16xf32> to vector<1xf32>
    %squeeze3A_418 = vector.extract %slice3A_417[0] : f32 from vector<1xf32>
    %sub3A_419 = vector.broadcast %squeeze3A_418 : f32 to vector<16xf32>
    %sub3A_420 = arith.subf %convert_element_type3A, %sub3A_419 : vector<16xf32>
    %abs3A_421 = math.absf %sub3A_420 : vector<16xf32>
    %lt3A_422 = arith.cmpf olt, %abs3A_421, %select_n3A_414 : vector<16xf32>
    %select_n3A_423 = arith.select %lt3A_422, %broadcast_in_dim3A_22, %broadcast_in_dim3A_24 : vector<16xi1>, vector<16xi32>
    %eq3A_424 = arith.cmpf oeq, %abs3A_421, %select_n3A_414 : vector<16xf32>
    %select_n3A_425 = arith.select %eq3A_424, %broadcast_in_dim3A_22, %broadcast_in_dim3A_24 : vector<16xi1>, vector<16xi32>
    %gt3A_426 = vector.broadcast %squeeze3A_418 : f32 to vector<16xf32>
    %gt3A_427 = arith.cmpf ogt, %select_n3A_416, %gt3A_426 : vector<16xf32>
    %select_n3A_428 = arith.select %gt3A_427, %broadcast_in_dim3A_22, %broadcast_in_dim3A_24 : vector<16xi1>, vector<16xi32>
    %mul3A_429 = arith.muli %select_n3A_425, %select_n3A_428 : vector<16xi32>
    %add3A_430 = arith.addi %select_n3A_423, %mul3A_429 : vector<16xi32>
    %gt3A_431 = arith.cmpi sgt, %add3A_430, %broadcast_in_dim3A_24 : vector<16xi32>
    %select_n3A_432 = arith.select %gt3A_431, %abs3A_421, %select_n3A_414 : vector<16xi1>, vector<16xf32>
    %broadcast_in_dim3A_433 = vector.broadcast %squeeze3A_418 : f32 to vector<16xf32>
    %select_n3A_434 = arith.select %gt3A_431, %broadcast_in_dim3A_433, %select_n3A_416 : vector<16xi1>, vector<16xf32>
    %slice3A_435 = vector.extract_strided_slice %get3A_13 {offsets = [7], sizes = [1], strides = [1]} : vector<16xf32> to vector<1xf32>
    %squeeze3A_436 = vector.extract %slice3A_435[0] : f32 from vector<1xf32>
    %sub3A_437 = vector.broadcast %squeeze3A_436 : f32 to vector<16xf32>
    %sub3A_438 = arith.subf %convert_element_type3A, %sub3A_437 : vector<16xf32>
    %abs3A_439 = math.absf %sub3A_438 : vector<16xf32>
    %lt3A_440 = arith.cmpf olt, %abs3A_439, %select_n3A_432 : vector<16xf32>
    %select_n3A_441 = arith.select %lt3A_440, %broadcast_in_dim3A_22, %broadcast_in_dim3A_24 : vector<16xi1>, vector<16xi32>
    %eq3A_442 = arith.cmpf oeq, %abs3A_439, %select_n3A_432 : vector<16xf32>
    %select_n3A_443 = arith.select %eq3A_442, %broadcast_in_dim3A_22, %broadcast_in_dim3A_24 : vector<16xi1>, vector<16xi32>
    %gt3A_444 = vector.broadcast %squeeze3A_436 : f32 to vector<16xf32>
    %gt3A_445 = arith.cmpf ogt, %select_n3A_434, %gt3A_444 : vector<16xf32>
    %select_n3A_446 = arith.select %gt3A_445, %broadcast_in_dim3A_22, %broadcast_in_dim3A_24 : vector<16xi1>, vector<16xi32>
    %mul3A_447 = arith.muli %select_n3A_443, %select_n3A_446 : vector<16xi32>
    %add3A_448 = arith.addi %select_n3A_441, %mul3A_447 : vector<16xi32>
    %gt3A_449 = arith.cmpi sgt, %add3A_448, %broadcast_in_dim3A_24 : vector<16xi32>
    %select_n3A_450 = arith.select %gt3A_449, %abs3A_439, %select_n3A_432 : vector<16xi1>, vector<16xf32>
    %broadcast_in_dim3A_451 = vector.broadcast %squeeze3A_436 : f32 to vector<16xf32>
    %select_n3A_452 = arith.select %gt3A_449, %broadcast_in_dim3A_451, %select_n3A_434 : vector<16xi1>, vector<16xf32>
    %slice3A_453 = vector.extract_strided_slice %get3A_13 {offsets = [8], sizes = [1], strides = [1]} : vector<16xf32> to vector<1xf32>
    %squeeze3A_454 = vector.extract %slice3A_453[0] : f32 from vector<1xf32>
    %sub3A_455 = vector.broadcast %squeeze3A_454 : f32 to vector<16xf32>
    %sub3A_456 = arith.subf %convert_element_type3A, %sub3A_455 : vector<16xf32>
    %abs3A_457 = math.absf %sub3A_456 : vector<16xf32>
    %lt3A_458 = arith.cmpf olt, %abs3A_457, %select_n3A_450 : vector<16xf32>
    %select_n3A_459 = arith.select %lt3A_458, %broadcast_in_dim3A_22, %broadcast_in_dim3A_24 : vector<16xi1>, vector<16xi32>
    %eq3A_460 = arith.cmpf oeq, %abs3A_457, %select_n3A_450 : vector<16xf32>
    %select_n3A_461 = arith.select %eq3A_460, %broadcast_in_dim3A_22, %broadcast_in_dim3A_24 : vector<16xi1>, vector<16xi32>
    %gt3A_462 = vector.broadcast %squeeze3A_454 : f32 to vector<16xf32>
    %gt3A_463 = arith.cmpf ogt, %select_n3A_452, %gt3A_462 : vector<16xf32>
    %select_n3A_464 = arith.select %gt3A_463, %broadcast_in_dim3A_22, %broadcast_in_dim3A_24 : vector<16xi1>, vector<16xi32>
    %mul3A_465 = arith.muli %select_n3A_461, %select_n3A_464 : vector<16xi32>
    %add3A_466 = arith.addi %select_n3A_459, %mul3A_465 : vector<16xi32>
    %gt3A_467 = arith.cmpi sgt, %add3A_466, %broadcast_in_dim3A_24 : vector<16xi32>
    %select_n3A_468 = arith.select %gt3A_467, %abs3A_457, %select_n3A_450 : vector<16xi1>, vector<16xf32>
    %broadcast_in_dim3A_469 = vector.broadcast %squeeze3A_454 : f32 to vector<16xf32>
    %select_n3A_470 = arith.select %gt3A_467, %broadcast_in_dim3A_469, %select_n3A_452 : vector<16xi1>, vector<16xf32>
    %slice3A_471 = vector.extract_strided_slice %get3A_13 {offsets = [9], sizes = [1], strides = [1]} : vector<16xf32> to vector<1xf32>
    %squeeze3A_472 = vector.extract %slice3A_471[0] : f32 from vector<1xf32>
    %sub3A_473 = vector.broadcast %squeeze3A_472 : f32 to vector<16xf32>
    %sub3A_474 = arith.subf %convert_element_type3A, %sub3A_473 : vector<16xf32>
    %abs3A_475 = math.absf %sub3A_474 : vector<16xf32>
    %lt3A_476 = arith.cmpf olt, %abs3A_475, %select_n3A_468 : vector<16xf32>
    %select_n3A_477 = arith.select %lt3A_476, %broadcast_in_dim3A_22, %broadcast_in_dim3A_24 : vector<16xi1>, vector<16xi32>
    %eq3A_478 = arith.cmpf oeq, %abs3A_475, %select_n3A_468 : vector<16xf32>
    %select_n3A_479 = arith.select %eq3A_478, %broadcast_in_dim3A_22, %broadcast_in_dim3A_24 : vector<16xi1>, vector<16xi32>
    %gt3A_480 = vector.broadcast %squeeze3A_472 : f32 to vector<16xf32>
    %gt3A_481 = arith.cmpf ogt, %select_n3A_470, %gt3A_480 : vector<16xf32>
    %select_n3A_482 = arith.select %gt3A_481, %broadcast_in_dim3A_22, %broadcast_in_dim3A_24 : vector<16xi1>, vector<16xi32>
    %mul3A_483 = arith.muli %select_n3A_479, %select_n3A_482 : vector<16xi32>
    %add3A_484 = arith.addi %select_n3A_477, %mul3A_483 : vector<16xi32>
    %gt3A_485 = arith.cmpi sgt, %add3A_484, %broadcast_in_dim3A_24 : vector<16xi32>
    %select_n3A_486 = arith.select %gt3A_485, %abs3A_475, %select_n3A_468 : vector<16xi1>, vector<16xf32>
    %broadcast_in_dim3A_487 = vector.broadcast %squeeze3A_472 : f32 to vector<16xf32>
    %select_n3A_488 = arith.select %gt3A_485, %broadcast_in_dim3A_487, %select_n3A_470 : vector<16xi1>, vector<16xf32>
    %slice3A_489 = vector.extract_strided_slice %get3A_13 {offsets = [10], sizes = [1], strides = [1]} : vector<16xf32> to vector<1xf32>
    %squeeze3A_490 = vector.extract %slice3A_489[0] : f32 from vector<1xf32>
    %sub3A_491 = vector.broadcast %squeeze3A_490 : f32 to vector<16xf32>
    %sub3A_492 = arith.subf %convert_element_type3A, %sub3A_491 : vector<16xf32>
    %abs3A_493 = math.absf %sub3A_492 : vector<16xf32>
    %lt3A_494 = arith.cmpf olt, %abs3A_493, %select_n3A_486 : vector<16xf32>
    %select_n3A_495 = arith.select %lt3A_494, %broadcast_in_dim3A_22, %broadcast_in_dim3A_24 : vector<16xi1>, vector<16xi32>
    %eq3A_496 = arith.cmpf oeq, %abs3A_493, %select_n3A_486 : vector<16xf32>
    %select_n3A_497 = arith.select %eq3A_496, %broadcast_in_dim3A_22, %broadcast_in_dim3A_24 : vector<16xi1>, vector<16xi32>
    %gt3A_498 = vector.broadcast %squeeze3A_490 : f32 to vector<16xf32>
    %gt3A_499 = arith.cmpf ogt, %select_n3A_488, %gt3A_498 : vector<16xf32>
    %select_n3A_500 = arith.select %gt3A_499, %broadcast_in_dim3A_22, %broadcast_in_dim3A_24 : vector<16xi1>, vector<16xi32>
    %mul3A_501 = arith.muli %select_n3A_497, %select_n3A_500 : vector<16xi32>
    %add3A_502 = arith.addi %select_n3A_495, %mul3A_501 : vector<16xi32>
    %gt3A_503 = arith.cmpi sgt, %add3A_502, %broadcast_in_dim3A_24 : vector<16xi32>
    %select_n3A_504 = arith.select %gt3A_503, %abs3A_493, %select_n3A_486 : vector<16xi1>, vector<16xf32>
    %broadcast_in_dim3A_505 = vector.broadcast %squeeze3A_490 : f32 to vector<16xf32>
    %select_n3A_506 = arith.select %gt3A_503, %broadcast_in_dim3A_505, %select_n3A_488 : vector<16xi1>, vector<16xf32>
    %slice3A_507 = vector.extract_strided_slice %get3A_13 {offsets = [11], sizes = [1], strides = [1]} : vector<16xf32> to vector<1xf32>
    %squeeze3A_508 = vector.extract %slice3A_507[0] : f32 from vector<1xf32>
    %sub3A_509 = vector.broadcast %squeeze3A_508 : f32 to vector<16xf32>
    %sub3A_510 = arith.subf %convert_element_type3A, %sub3A_509 : vector<16xf32>
    %abs3A_511 = math.absf %sub3A_510 : vector<16xf32>
    %lt3A_512 = arith.cmpf olt, %abs3A_511, %select_n3A_504 : vector<16xf32>
    %select_n3A_513 = arith.select %lt3A_512, %broadcast_in_dim3A_22, %broadcast_in_dim3A_24 : vector<16xi1>, vector<16xi32>
    %eq3A_514 = arith.cmpf oeq, %abs3A_511, %select_n3A_504 : vector<16xf32>
    %select_n3A_515 = arith.select %eq3A_514, %broadcast_in_dim3A_22, %broadcast_in_dim3A_24 : vector<16xi1>, vector<16xi32>
    %gt3A_516 = vector.broadcast %squeeze3A_508 : f32 to vector<16xf32>
    %gt3A_517 = arith.cmpf ogt, %select_n3A_506, %gt3A_516 : vector<16xf32>
    %select_n3A_518 = arith.select %gt3A_517, %broadcast_in_dim3A_22, %broadcast_in_dim3A_24 : vector<16xi1>, vector<16xi32>
    %mul3A_519 = arith.muli %select_n3A_515, %select_n3A_518 : vector<16xi32>
    %add3A_520 = arith.addi %select_n3A_513, %mul3A_519 : vector<16xi32>
    %gt3A_521 = arith.cmpi sgt, %add3A_520, %broadcast_in_dim3A_24 : vector<16xi32>
    %select_n3A_522 = arith.select %gt3A_521, %abs3A_511, %select_n3A_504 : vector<16xi1>, vector<16xf32>
    %broadcast_in_dim3A_523 = vector.broadcast %squeeze3A_508 : f32 to vector<16xf32>
    %select_n3A_524 = arith.select %gt3A_521, %broadcast_in_dim3A_523, %select_n3A_506 : vector<16xi1>, vector<16xf32>
    %slice3A_525 = vector.extract_strided_slice %get3A_13 {offsets = [12], sizes = [1], strides = [1]} : vector<16xf32> to vector<1xf32>
    %squeeze3A_526 = vector.extract %slice3A_525[0] : f32 from vector<1xf32>
    %sub3A_527 = vector.broadcast %squeeze3A_526 : f32 to vector<16xf32>
    %sub3A_528 = arith.subf %convert_element_type3A, %sub3A_527 : vector<16xf32>
    %abs3A_529 = math.absf %sub3A_528 : vector<16xf32>
    %lt3A_530 = arith.cmpf olt, %abs3A_529, %select_n3A_522 : vector<16xf32>
    %select_n3A_531 = arith.select %lt3A_530, %broadcast_in_dim3A_22, %broadcast_in_dim3A_24 : vector<16xi1>, vector<16xi32>
    %eq3A_532 = arith.cmpf oeq, %abs3A_529, %select_n3A_522 : vector<16xf32>
    %select_n3A_533 = arith.select %eq3A_532, %broadcast_in_dim3A_22, %broadcast_in_dim3A_24 : vector<16xi1>, vector<16xi32>
    %gt3A_534 = vector.broadcast %squeeze3A_526 : f32 to vector<16xf32>
    %gt3A_535 = arith.cmpf ogt, %select_n3A_524, %gt3A_534 : vector<16xf32>
    %select_n3A_536 = arith.select %gt3A_535, %broadcast_in_dim3A_22, %broadcast_in_dim3A_24 : vector<16xi1>, vector<16xi32>
    %mul3A_537 = arith.muli %select_n3A_533, %select_n3A_536 : vector<16xi32>
    %add3A_538 = arith.addi %select_n3A_531, %mul3A_537 : vector<16xi32>
    %gt3A_539 = arith.cmpi sgt, %add3A_538, %broadcast_in_dim3A_24 : vector<16xi32>
    %select_n3A_540 = arith.select %gt3A_539, %abs3A_529, %select_n3A_522 : vector<16xi1>, vector<16xf32>
    %broadcast_in_dim3A_541 = vector.broadcast %squeeze3A_526 : f32 to vector<16xf32>
    %select_n3A_542 = arith.select %gt3A_539, %broadcast_in_dim3A_541, %select_n3A_524 : vector<16xi1>, vector<16xf32>
    %slice3A_543 = vector.extract_strided_slice %get3A_13 {offsets = [13], sizes = [1], strides = [1]} : vector<16xf32> to vector<1xf32>
    %squeeze3A_544 = vector.extract %slice3A_543[0] : f32 from vector<1xf32>
    %sub3A_545 = vector.broadcast %squeeze3A_544 : f32 to vector<16xf32>
    %sub3A_546 = arith.subf %convert_element_type3A, %sub3A_545 : vector<16xf32>
    %abs3A_547 = math.absf %sub3A_546 : vector<16xf32>
    %lt3A_548 = arith.cmpf olt, %abs3A_547, %select_n3A_540 : vector<16xf32>
    %select_n3A_549 = arith.select %lt3A_548, %broadcast_in_dim3A_22, %broadcast_in_dim3A_24 : vector<16xi1>, vector<16xi32>
    %eq3A_550 = arith.cmpf oeq, %abs3A_547, %select_n3A_540 : vector<16xf32>
    %select_n3A_551 = arith.select %eq3A_550, %broadcast_in_dim3A_22, %broadcast_in_dim3A_24 : vector<16xi1>, vector<16xi32>
    %gt3A_552 = vector.broadcast %squeeze3A_544 : f32 to vector<16xf32>
    %gt3A_553 = arith.cmpf ogt, %select_n3A_542, %gt3A_552 : vector<16xf32>
    %select_n3A_554 = arith.select %gt3A_553, %broadcast_in_dim3A_22, %broadcast_in_dim3A_24 : vector<16xi1>, vector<16xi32>
    %mul3A_555 = arith.muli %select_n3A_551, %select_n3A_554 : vector<16xi32>
    %add3A_556 = arith.addi %select_n3A_549, %mul3A_555 : vector<16xi32>
    %gt3A_557 = arith.cmpi sgt, %add3A_556, %broadcast_in_dim3A_24 : vector<16xi32>
    %select_n3A_558 = arith.select %gt3A_557, %abs3A_547, %select_n3A_540 : vector<16xi1>, vector<16xf32>
    %broadcast_in_dim3A_559 = vector.broadcast %squeeze3A_544 : f32 to vector<16xf32>
    %select_n3A_560 = arith.select %gt3A_557, %broadcast_in_dim3A_559, %select_n3A_542 : vector<16xi1>, vector<16xf32>
    %slice3A_561 = vector.extract_strided_slice %get3A_13 {offsets = [14], sizes = [1], strides = [1]} : vector<16xf32> to vector<1xf32>
    %squeeze3A_562 = vector.extract %slice3A_561[0] : f32 from vector<1xf32>
    %sub3A_563 = vector.broadcast %squeeze3A_562 : f32 to vector<16xf32>
    %sub3A_564 = arith.subf %convert_element_type3A, %sub3A_563 : vector<16xf32>
    %abs3A_565 = math.absf %sub3A_564 : vector<16xf32>
    %lt3A_566 = arith.cmpf olt, %abs3A_565, %select_n3A_558 : vector<16xf32>
    %select_n3A_567 = arith.select %lt3A_566, %broadcast_in_dim3A_22, %broadcast_in_dim3A_24 : vector<16xi1>, vector<16xi32>
    %eq3A_568 = arith.cmpf oeq, %abs3A_565, %select_n3A_558 : vector<16xf32>
    %select_n3A_569 = arith.select %eq3A_568, %broadcast_in_dim3A_22, %broadcast_in_dim3A_24 : vector<16xi1>, vector<16xi32>
    %gt3A_570 = vector.broadcast %squeeze3A_562 : f32 to vector<16xf32>
    %gt3A_571 = arith.cmpf ogt, %select_n3A_560, %gt3A_570 : vector<16xf32>
    %select_n3A_572 = arith.select %gt3A_571, %broadcast_in_dim3A_22, %broadcast_in_dim3A_24 : vector<16xi1>, vector<16xi32>
    %mul3A_573 = arith.muli %select_n3A_569, %select_n3A_572 : vector<16xi32>
    %add3A_574 = arith.addi %select_n3A_567, %mul3A_573 : vector<16xi32>
    %gt3A_575 = arith.cmpi sgt, %add3A_574, %broadcast_in_dim3A_24 : vector<16xi32>
    %select_n3A_576 = arith.select %gt3A_575, %abs3A_565, %select_n3A_558 : vector<16xi1>, vector<16xf32>
    %broadcast_in_dim3A_577 = vector.broadcast %squeeze3A_562 : f32 to vector<16xf32>
    %select_n3A_578 = arith.select %gt3A_575, %broadcast_in_dim3A_577, %select_n3A_560 : vector<16xi1>, vector<16xf32>
    %slice3A_579 = vector.extract_strided_slice %get3A_13 {offsets = [15], sizes = [1], strides = [1]} : vector<16xf32> to vector<1xf32>
    %squeeze3A_580 = vector.extract %slice3A_579[0] : f32 from vector<1xf32>
    %sub3A_581 = vector.broadcast %squeeze3A_580 : f32 to vector<16xf32>
    %sub3A_582 = arith.subf %convert_element_type3A, %sub3A_581 : vector<16xf32>
    %abs3A_583 = math.absf %sub3A_582 : vector<16xf32>
    %lt3A_584 = arith.cmpf olt, %abs3A_583, %select_n3A_576 : vector<16xf32>
    %select_n3A_585 = arith.select %lt3A_584, %broadcast_in_dim3A_22, %broadcast_in_dim3A_24 : vector<16xi1>, vector<16xi32>
    %eq3A_586 = arith.cmpf oeq, %abs3A_583, %select_n3A_576 : vector<16xf32>
    %select_n3A_587 = arith.select %eq3A_586, %broadcast_in_dim3A_22, %broadcast_in_dim3A_24 : vector<16xi1>, vector<16xi32>
    %gt3A_588 = vector.broadcast %squeeze3A_580 : f32 to vector<16xf32>
    %gt3A_589 = arith.cmpf ogt, %select_n3A_578, %gt3A_588 : vector<16xf32>
    %select_n3A_590 = arith.select %gt3A_589, %broadcast_in_dim3A_22, %broadcast_in_dim3A_24 : vector<16xi1>, vector<16xi32>
    %mul3A_591 = arith.muli %select_n3A_587, %select_n3A_590 : vector<16xi32>
    %add3A_592 = arith.addi %select_n3A_585, %mul3A_591 : vector<16xi32>
    %gt3A_593 = arith.cmpi sgt, %add3A_592, %broadcast_in_dim3A_24 : vector<16xi32>
    %select_n3A_594 = arith.select %gt3A_593, %abs3A_583, %select_n3A_576 : vector<16xi1>, vector<16xf32>
    %broadcast_in_dim3A_595 = vector.broadcast %squeeze3A_580 : f32 to vector<16xf32>
    %select_n3A_596 = arith.select %gt3A_593, %broadcast_in_dim3A_595, %select_n3A_578 : vector<16xi1>, vector<16xf32>
    %broadcast_in_dim3A_597 = arith.constant 0 : i32
    %broadcast_in_dim3A_598 = vector.broadcast %broadcast_in_dim3A_597 : i32 to vector<16xi32>
    %slice3A_599 = vector.extract_strided_slice %get3A_10 {offsets = [0], sizes = [1], strides = [1]} : vector<16xf32> to vector<1xf32>
    %squeeze3A_600 = vector.extract %slice3A_599[0] : f32 from vector<1xf32>
    %gt3A_601 = vector.broadcast %squeeze3A_600 : f32 to vector<16xf32>
    %gt3A_602 = arith.cmpf ogt, %select_n3A_596, %gt3A_601 : vector<16xf32>
    %select_n3A_603 = arith.select %gt3A_602, %broadcast_in_dim3A_22, %broadcast_in_dim3A_24 : vector<16xi1>, vector<16xi32>
    %add3A_604 = arith.addi %broadcast_in_dim3A_598, %select_n3A_603 : vector<16xi32>
    %slice3A_605 = vector.extract_strided_slice %get3A_10 {offsets = [1], sizes = [1], strides = [1]} : vector<16xf32> to vector<1xf32>
    %squeeze3A_606 = vector.extract %slice3A_605[0] : f32 from vector<1xf32>
    %gt3A_607 = vector.broadcast %squeeze3A_606 : f32 to vector<16xf32>
    %gt3A_608 = arith.cmpf ogt, %select_n3A_596, %gt3A_607 : vector<16xf32>
    %select_n3A_609 = arith.select %gt3A_608, %broadcast_in_dim3A_22, %broadcast_in_dim3A_24 : vector<16xi1>, vector<16xi32>
    %add3A_610 = arith.addi %add3A_604, %select_n3A_609 : vector<16xi32>
    %slice3A_611 = vector.extract_strided_slice %get3A_10 {offsets = [2], sizes = [1], strides = [1]} : vector<16xf32> to vector<1xf32>
    %squeeze3A_612 = vector.extract %slice3A_611[0] : f32 from vector<1xf32>
    %gt3A_613 = vector.broadcast %squeeze3A_612 : f32 to vector<16xf32>
    %gt3A_614 = arith.cmpf ogt, %select_n3A_596, %gt3A_613 : vector<16xf32>
    %select_n3A_615 = arith.select %gt3A_614, %broadcast_in_dim3A_22, %broadcast_in_dim3A_24 : vector<16xi1>, vector<16xi32>
    %add3A_616 = arith.addi %add3A_610, %select_n3A_615 : vector<16xi32>
    %slice3A_617 = vector.extract_strided_slice %get3A_10 {offsets = [3], sizes = [1], strides = [1]} : vector<16xf32> to vector<1xf32>
    %squeeze3A_618 = vector.extract %slice3A_617[0] : f32 from vector<1xf32>
    %gt3A_619 = vector.broadcast %squeeze3A_618 : f32 to vector<16xf32>
    %gt3A_620 = arith.cmpf ogt, %select_n3A_596, %gt3A_619 : vector<16xf32>
    %select_n3A_621 = arith.select %gt3A_620, %broadcast_in_dim3A_22, %broadcast_in_dim3A_24 : vector<16xi1>, vector<16xi32>
    %add3A_622 = arith.addi %add3A_616, %select_n3A_621 : vector<16xi32>
    %slice3A_623 = vector.extract_strided_slice %get3A_10 {offsets = [4], sizes = [1], strides = [1]} : vector<16xf32> to vector<1xf32>
    %squeeze3A_624 = vector.extract %slice3A_623[0] : f32 from vector<1xf32>
    %gt3A_625 = vector.broadcast %squeeze3A_624 : f32 to vector<16xf32>
    %gt3A_626 = arith.cmpf ogt, %select_n3A_596, %gt3A_625 : vector<16xf32>
    %select_n3A_627 = arith.select %gt3A_626, %broadcast_in_dim3A_22, %broadcast_in_dim3A_24 : vector<16xi1>, vector<16xi32>
    %add3A_628 = arith.addi %add3A_622, %select_n3A_627 : vector<16xi32>
    %slice3A_629 = vector.extract_strided_slice %get3A_10 {offsets = [5], sizes = [1], strides = [1]} : vector<16xf32> to vector<1xf32>
    %squeeze3A_630 = vector.extract %slice3A_629[0] : f32 from vector<1xf32>
    %gt3A_631 = vector.broadcast %squeeze3A_630 : f32 to vector<16xf32>
    %gt3A_632 = arith.cmpf ogt, %select_n3A_596, %gt3A_631 : vector<16xf32>
    %select_n3A_633 = arith.select %gt3A_632, %broadcast_in_dim3A_22, %broadcast_in_dim3A_24 : vector<16xi1>, vector<16xi32>
    %add3A_634 = arith.addi %add3A_628, %select_n3A_633 : vector<16xi32>
    %slice3A_635 = vector.extract_strided_slice %get3A_10 {offsets = [6], sizes = [1], strides = [1]} : vector<16xf32> to vector<1xf32>
    %squeeze3A_636 = vector.extract %slice3A_635[0] : f32 from vector<1xf32>
    %gt3A_637 = vector.broadcast %squeeze3A_636 : f32 to vector<16xf32>
    %gt3A_638 = arith.cmpf ogt, %select_n3A_596, %gt3A_637 : vector<16xf32>
    %select_n3A_639 = arith.select %gt3A_638, %broadcast_in_dim3A_22, %broadcast_in_dim3A_24 : vector<16xi1>, vector<16xi32>
    %add3A_640 = arith.addi %add3A_634, %select_n3A_639 : vector<16xi32>
    %slice3A_641 = vector.extract_strided_slice %get3A_10 {offsets = [7], sizes = [1], strides = [1]} : vector<16xf32> to vector<1xf32>
    %squeeze3A_642 = vector.extract %slice3A_641[0] : f32 from vector<1xf32>
    %gt3A_643 = vector.broadcast %squeeze3A_642 : f32 to vector<16xf32>
    %gt3A_644 = arith.cmpf ogt, %select_n3A_596, %gt3A_643 : vector<16xf32>
    %select_n3A_645 = arith.select %gt3A_644, %broadcast_in_dim3A_22, %broadcast_in_dim3A_24 : vector<16xi1>, vector<16xi32>
    %add3A_646 = arith.addi %add3A_640, %select_n3A_645 : vector<16xi32>
    %slice3A_647 = vector.extract_strided_slice %get3A_10 {offsets = [8], sizes = [1], strides = [1]} : vector<16xf32> to vector<1xf32>
    %squeeze3A_648 = vector.extract %slice3A_647[0] : f32 from vector<1xf32>
    %gt3A_649 = vector.broadcast %squeeze3A_648 : f32 to vector<16xf32>
    %gt3A_650 = arith.cmpf ogt, %select_n3A_596, %gt3A_649 : vector<16xf32>
    %select_n3A_651 = arith.select %gt3A_650, %broadcast_in_dim3A_22, %broadcast_in_dim3A_24 : vector<16xi1>, vector<16xi32>
    %add3A_652 = arith.addi %add3A_646, %select_n3A_651 : vector<16xi32>
    %slice3A_653 = vector.extract_strided_slice %get3A_10 {offsets = [9], sizes = [1], strides = [1]} : vector<16xf32> to vector<1xf32>
    %squeeze3A_654 = vector.extract %slice3A_653[0] : f32 from vector<1xf32>
    %gt3A_655 = vector.broadcast %squeeze3A_654 : f32 to vector<16xf32>
    %gt3A_656 = arith.cmpf ogt, %select_n3A_596, %gt3A_655 : vector<16xf32>
    %select_n3A_657 = arith.select %gt3A_656, %broadcast_in_dim3A_22, %broadcast_in_dim3A_24 : vector<16xi1>, vector<16xi32>
    %add3A_658 = arith.addi %add3A_652, %select_n3A_657 : vector<16xi32>
    %slice3A_659 = vector.extract_strided_slice %get3A_10 {offsets = [10], sizes = [1], strides = [1]} : vector<16xf32> to vector<1xf32>
    %squeeze3A_660 = vector.extract %slice3A_659[0] : f32 from vector<1xf32>
    %gt3A_661 = vector.broadcast %squeeze3A_660 : f32 to vector<16xf32>
    %gt3A_662 = arith.cmpf ogt, %select_n3A_596, %gt3A_661 : vector<16xf32>
    %select_n3A_663 = arith.select %gt3A_662, %broadcast_in_dim3A_22, %broadcast_in_dim3A_24 : vector<16xi1>, vector<16xi32>
    %add3A_664 = arith.addi %add3A_658, %select_n3A_663 : vector<16xi32>
    %slice3A_665 = vector.extract_strided_slice %get3A_10 {offsets = [11], sizes = [1], strides = [1]} : vector<16xf32> to vector<1xf32>
    %squeeze3A_666 = vector.extract %slice3A_665[0] : f32 from vector<1xf32>
    %gt3A_667 = vector.broadcast %squeeze3A_666 : f32 to vector<16xf32>
    %gt3A_668 = arith.cmpf ogt, %select_n3A_596, %gt3A_667 : vector<16xf32>
    %select_n3A_669 = arith.select %gt3A_668, %broadcast_in_dim3A_22, %broadcast_in_dim3A_24 : vector<16xi1>, vector<16xi32>
    %add3A_670 = arith.addi %add3A_664, %select_n3A_669 : vector<16xi32>
    %slice3A_671 = vector.extract_strided_slice %get3A_10 {offsets = [12], sizes = [1], strides = [1]} : vector<16xf32> to vector<1xf32>
    %squeeze3A_672 = vector.extract %slice3A_671[0] : f32 from vector<1xf32>
    %gt3A_673 = vector.broadcast %squeeze3A_672 : f32 to vector<16xf32>
    %gt3A_674 = arith.cmpf ogt, %select_n3A_596, %gt3A_673 : vector<16xf32>
    %select_n3A_675 = arith.select %gt3A_674, %broadcast_in_dim3A_22, %broadcast_in_dim3A_24 : vector<16xi1>, vector<16xi32>
    %add3A_676 = arith.addi %add3A_670, %select_n3A_675 : vector<16xi32>
    %slice3A_677 = vector.extract_strided_slice %get3A_10 {offsets = [13], sizes = [1], strides = [1]} : vector<16xf32> to vector<1xf32>
    %squeeze3A_678 = vector.extract %slice3A_677[0] : f32 from vector<1xf32>
    %gt3A_679 = vector.broadcast %squeeze3A_678 : f32 to vector<16xf32>
    %gt3A_680 = arith.cmpf ogt, %select_n3A_596, %gt3A_679 : vector<16xf32>
    %select_n3A_681 = arith.select %gt3A_680, %broadcast_in_dim3A_22, %broadcast_in_dim3A_24 : vector<16xi1>, vector<16xi32>
    %add3A_682 = arith.addi %add3A_676, %select_n3A_681 : vector<16xi32>
    %slice3A_683 = vector.extract_strided_slice %get3A_10 {offsets = [14], sizes = [1], strides = [1]} : vector<16xf32> to vector<1xf32>
    %squeeze3A_684 = vector.extract %slice3A_683[0] : f32 from vector<1xf32>
    %gt3A_685 = vector.broadcast %squeeze3A_684 : f32 to vector<16xf32>
    %gt3A_686 = arith.cmpf ogt, %select_n3A_596, %gt3A_685 : vector<16xf32>
    %select_n3A_687 = arith.select %gt3A_686, %broadcast_in_dim3A_22, %broadcast_in_dim3A_24 : vector<16xi1>, vector<16xi32>
    %add3A_688 = arith.addi %add3A_682, %select_n3A_687 : vector<16xi32>
    %slice3A_689 = vector.extract_strided_slice %get3A_10 {offsets = [15], sizes = [1], strides = [1]} : vector<16xf32> to vector<1xf32>
    %squeeze3A_690 = vector.extract %slice3A_689[0] : f32 from vector<1xf32>
    %gt3A_691 = vector.broadcast %squeeze3A_690 : f32 to vector<16xf32>
    %gt3A_692 = arith.cmpf ogt, %select_n3A_596, %gt3A_691 : vector<16xf32>
    %select_n3A_693 = arith.select %gt3A_692, %broadcast_in_dim3A_22, %broadcast_in_dim3A_24 : vector<16xi1>, vector<16xi32>
    %add3A_694 = arith.addi %add3A_688, %select_n3A_693 : vector<16xi32>
    %slice3A_695 = vector.extract_strided_slice %get3A_13 {offsets = [0], sizes = [1], strides = [1]} : vector<16xf32> to vector<1xf32>
    %squeeze3A_696 = vector.extract %slice3A_695[0] : f32 from vector<1xf32>
    %gt3A_697 = vector.broadcast %squeeze3A_696 : f32 to vector<16xf32>
    %gt3A_698 = arith.cmpf ogt, %select_n3A_596, %gt3A_697 : vector<16xf32>
    %select_n3A_699 = arith.select %gt3A_698, %broadcast_in_dim3A_22, %broadcast_in_dim3A_24 : vector<16xi1>, vector<16xi32>
    %add3A_700 = arith.addi %add3A_694, %select_n3A_699 : vector<16xi32>
    %slice3A_701 = vector.extract_strided_slice %get3A_13 {offsets = [1], sizes = [1], strides = [1]} : vector<16xf32> to vector<1xf32>
    %squeeze3A_702 = vector.extract %slice3A_701[0] : f32 from vector<1xf32>
    %gt3A_703 = vector.broadcast %squeeze3A_702 : f32 to vector<16xf32>
    %gt3A_704 = arith.cmpf ogt, %select_n3A_596, %gt3A_703 : vector<16xf32>
    %select_n3A_705 = arith.select %gt3A_704, %broadcast_in_dim3A_22, %broadcast_in_dim3A_24 : vector<16xi1>, vector<16xi32>
    %add3A_706 = arith.addi %add3A_700, %select_n3A_705 : vector<16xi32>
    %slice3A_707 = vector.extract_strided_slice %get3A_13 {offsets = [2], sizes = [1], strides = [1]} : vector<16xf32> to vector<1xf32>
    %squeeze3A_708 = vector.extract %slice3A_707[0] : f32 from vector<1xf32>
    %gt3A_709 = vector.broadcast %squeeze3A_708 : f32 to vector<16xf32>
    %gt3A_710 = arith.cmpf ogt, %select_n3A_596, %gt3A_709 : vector<16xf32>
    %select_n3A_711 = arith.select %gt3A_710, %broadcast_in_dim3A_22, %broadcast_in_dim3A_24 : vector<16xi1>, vector<16xi32>
    %add3A_712 = arith.addi %add3A_706, %select_n3A_711 : vector<16xi32>
    %slice3A_713 = vector.extract_strided_slice %get3A_13 {offsets = [3], sizes = [1], strides = [1]} : vector<16xf32> to vector<1xf32>
    %squeeze3A_714 = vector.extract %slice3A_713[0] : f32 from vector<1xf32>
    %gt3A_715 = vector.broadcast %squeeze3A_714 : f32 to vector<16xf32>
    %gt3A_716 = arith.cmpf ogt, %select_n3A_596, %gt3A_715 : vector<16xf32>
    %select_n3A_717 = arith.select %gt3A_716, %broadcast_in_dim3A_22, %broadcast_in_dim3A_24 : vector<16xi1>, vector<16xi32>
    %add3A_718 = arith.addi %add3A_712, %select_n3A_717 : vector<16xi32>
    %slice3A_719 = vector.extract_strided_slice %get3A_13 {offsets = [4], sizes = [1], strides = [1]} : vector<16xf32> to vector<1xf32>
    %squeeze3A_720 = vector.extract %slice3A_719[0] : f32 from vector<1xf32>
    %gt3A_721 = vector.broadcast %squeeze3A_720 : f32 to vector<16xf32>
    %gt3A_722 = arith.cmpf ogt, %select_n3A_596, %gt3A_721 : vector<16xf32>
    %select_n3A_723 = arith.select %gt3A_722, %broadcast_in_dim3A_22, %broadcast_in_dim3A_24 : vector<16xi1>, vector<16xi32>
    %add3A_724 = arith.addi %add3A_718, %select_n3A_723 : vector<16xi32>
    %slice3A_725 = vector.extract_strided_slice %get3A_13 {offsets = [5], sizes = [1], strides = [1]} : vector<16xf32> to vector<1xf32>
    %squeeze3A_726 = vector.extract %slice3A_725[0] : f32 from vector<1xf32>
    %gt3A_727 = vector.broadcast %squeeze3A_726 : f32 to vector<16xf32>
    %gt3A_728 = arith.cmpf ogt, %select_n3A_596, %gt3A_727 : vector<16xf32>
    %select_n3A_729 = arith.select %gt3A_728, %broadcast_in_dim3A_22, %broadcast_in_dim3A_24 : vector<16xi1>, vector<16xi32>
    %add3A_730 = arith.addi %add3A_724, %select_n3A_729 : vector<16xi32>
    %slice3A_731 = vector.extract_strided_slice %get3A_13 {offsets = [6], sizes = [1], strides = [1]} : vector<16xf32> to vector<1xf32>
    %squeeze3A_732 = vector.extract %slice3A_731[0] : f32 from vector<1xf32>
    %gt3A_733 = vector.broadcast %squeeze3A_732 : f32 to vector<16xf32>
    %gt3A_734 = arith.cmpf ogt, %select_n3A_596, %gt3A_733 : vector<16xf32>
    %select_n3A_735 = arith.select %gt3A_734, %broadcast_in_dim3A_22, %broadcast_in_dim3A_24 : vector<16xi1>, vector<16xi32>
    %add3A_736 = arith.addi %add3A_730, %select_n3A_735 : vector<16xi32>
    %slice3A_737 = vector.extract_strided_slice %get3A_13 {offsets = [7], sizes = [1], strides = [1]} : vector<16xf32> to vector<1xf32>
    %squeeze3A_738 = vector.extract %slice3A_737[0] : f32 from vector<1xf32>
    %gt3A_739 = vector.broadcast %squeeze3A_738 : f32 to vector<16xf32>
    %gt3A_740 = arith.cmpf ogt, %select_n3A_596, %gt3A_739 : vector<16xf32>
    %select_n3A_741 = arith.select %gt3A_740, %broadcast_in_dim3A_22, %broadcast_in_dim3A_24 : vector<16xi1>, vector<16xi32>
    %add3A_742 = arith.addi %add3A_736, %select_n3A_741 : vector<16xi32>
    %slice3A_743 = vector.extract_strided_slice %get3A_13 {offsets = [8], sizes = [1], strides = [1]} : vector<16xf32> to vector<1xf32>
    %squeeze3A_744 = vector.extract %slice3A_743[0] : f32 from vector<1xf32>
    %gt3A_745 = vector.broadcast %squeeze3A_744 : f32 to vector<16xf32>
    %gt3A_746 = arith.cmpf ogt, %select_n3A_596, %gt3A_745 : vector<16xf32>
    %select_n3A_747 = arith.select %gt3A_746, %broadcast_in_dim3A_22, %broadcast_in_dim3A_24 : vector<16xi1>, vector<16xi32>
    %add3A_748 = arith.addi %add3A_742, %select_n3A_747 : vector<16xi32>
    %slice3A_749 = vector.extract_strided_slice %get3A_13 {offsets = [9], sizes = [1], strides = [1]} : vector<16xf32> to vector<1xf32>
    %squeeze3A_750 = vector.extract %slice3A_749[0] : f32 from vector<1xf32>
    %gt3A_751 = vector.broadcast %squeeze3A_750 : f32 to vector<16xf32>
    %gt3A_752 = arith.cmpf ogt, %select_n3A_596, %gt3A_751 : vector<16xf32>
    %select_n3A_753 = arith.select %gt3A_752, %broadcast_in_dim3A_22, %broadcast_in_dim3A_24 : vector<16xi1>, vector<16xi32>
    %add3A_754 = arith.addi %add3A_748, %select_n3A_753 : vector<16xi32>
    %slice3A_755 = vector.extract_strided_slice %get3A_13 {offsets = [10], sizes = [1], strides = [1]} : vector<16xf32> to vector<1xf32>
    %squeeze3A_756 = vector.extract %slice3A_755[0] : f32 from vector<1xf32>
    %gt3A_757 = vector.broadcast %squeeze3A_756 : f32 to vector<16xf32>
    %gt3A_758 = arith.cmpf ogt, %select_n3A_596, %gt3A_757 : vector<16xf32>
    %select_n3A_759 = arith.select %gt3A_758, %broadcast_in_dim3A_22, %broadcast_in_dim3A_24 : vector<16xi1>, vector<16xi32>
    %add3A_760 = arith.addi %add3A_754, %select_n3A_759 : vector<16xi32>
    %slice3A_761 = vector.extract_strided_slice %get3A_13 {offsets = [11], sizes = [1], strides = [1]} : vector<16xf32> to vector<1xf32>
    %squeeze3A_762 = vector.extract %slice3A_761[0] : f32 from vector<1xf32>
    %gt3A_763 = vector.broadcast %squeeze3A_762 : f32 to vector<16xf32>
    %gt3A_764 = arith.cmpf ogt, %select_n3A_596, %gt3A_763 : vector<16xf32>
    %select_n3A_765 = arith.select %gt3A_764, %broadcast_in_dim3A_22, %broadcast_in_dim3A_24 : vector<16xi1>, vector<16xi32>
    %add3A_766 = arith.addi %add3A_760, %select_n3A_765 : vector<16xi32>
    %slice3A_767 = vector.extract_strided_slice %get3A_13 {offsets = [12], sizes = [1], strides = [1]} : vector<16xf32> to vector<1xf32>
    %squeeze3A_768 = vector.extract %slice3A_767[0] : f32 from vector<1xf32>
    %gt3A_769 = vector.broadcast %squeeze3A_768 : f32 to vector<16xf32>
    %gt3A_770 = arith.cmpf ogt, %select_n3A_596, %gt3A_769 : vector<16xf32>
    %select_n3A_771 = arith.select %gt3A_770, %broadcast_in_dim3A_22, %broadcast_in_dim3A_24 : vector<16xi1>, vector<16xi32>
    %add3A_772 = arith.addi %add3A_766, %select_n3A_771 : vector<16xi32>
    %slice3A_773 = vector.extract_strided_slice %get3A_13 {offsets = [13], sizes = [1], strides = [1]} : vector<16xf32> to vector<1xf32>
    %squeeze3A_774 = vector.extract %slice3A_773[0] : f32 from vector<1xf32>
    %gt3A_775 = vector.broadcast %squeeze3A_774 : f32 to vector<16xf32>
    %gt3A_776 = arith.cmpf ogt, %select_n3A_596, %gt3A_775 : vector<16xf32>
    %select_n3A_777 = arith.select %gt3A_776, %broadcast_in_dim3A_22, %broadcast_in_dim3A_24 : vector<16xi1>, vector<16xi32>
    %add3A_778 = arith.addi %add3A_772, %select_n3A_777 : vector<16xi32>
    %slice3A_779 = vector.extract_strided_slice %get3A_13 {offsets = [14], sizes = [1], strides = [1]} : vector<16xf32> to vector<1xf32>
    %squeeze3A_780 = vector.extract %slice3A_779[0] : f32 from vector<1xf32>
    %gt3A_781 = vector.broadcast %squeeze3A_780 : f32 to vector<16xf32>
    %gt3A_782 = arith.cmpf ogt, %select_n3A_596, %gt3A_781 : vector<16xf32>
    %select_n3A_783 = arith.select %gt3A_782, %broadcast_in_dim3A_22, %broadcast_in_dim3A_24 : vector<16xi1>, vector<16xi32>
    %add3A_784 = arith.addi %add3A_778, %select_n3A_783 : vector<16xi32>
    %slice3A_785 = vector.extract_strided_slice %get3A_13 {offsets = [15], sizes = [1], strides = [1]} : vector<16xf32> to vector<1xf32>
    %squeeze3A_786 = vector.extract %slice3A_785[0] : f32 from vector<1xf32>
    %gt3A_787 = vector.broadcast %squeeze3A_786 : f32 to vector<16xf32>
    %gt3A_788 = arith.cmpf ogt, %select_n3A_596, %gt3A_787 : vector<16xf32>
    %select_n3A_789 = arith.select %gt3A_788, %broadcast_in_dim3A_22, %broadcast_in_dim3A_24 : vector<16xi1>, vector<16xi32>
    %add3A_790 = arith.addi %add3A_784, %select_n3A_789 : vector<16xi32>
    %swap3A = arith.constant 0 : index
    %swap3A_791 = tpu.vector_load %arg6[%swap3A] {strides = array<i32>} : memref<32xi32, #tpu.memory_space<vmem>>, vector<16xi32>,
    %swap3A_792 = vector.shape_cast %swap3A_791 : vector<16xi32> to vector<16xi32>
    %swap3A_793 = vector.shape_cast %add3A_790 : vector<16xi32> to vector<16xi32>
    tpu.vector_store %arg6[%swap3A], %swap3A_793 {strides = array<i32>} : memref<32xi32, #tpu.memory_space<vmem>>, vector<16xi32>,
    %mul3A_794 = arith.constant 2 : i32
    %mul3A_795 = arith.muli %arg1, %mul3A_794 : i32
    %add3A_796 = arith.constant 1 : i32
    %add3A_797 = arith.addi %mul3A_795, %add3A_796 : i32
    %mul3A_798 = arith.constant 16 : i32
    %mul3A_799 = arith.muli %add3A_797, %mul3A_798 : i32
    %add3A_800 = vector.broadcast %mul3A_799 : i32 to vector<16xi32>
    %add3A_801 = arith.addi %iota3A, %add3A_800 : vector<16xi32>
    %convert_element_type3A_802 = arith.sitofp %add3A_801 : vector<16xi32> to vector<16xf32>
    %broadcast_in_dim3A_803 = arith.constant 1 : i32
    %broadcast_in_dim3A_804 = vector.broadcast %broadcast_in_dim3A_803 : i32 to vector<16xi32>
    %broadcast_in_dim3A_805 = arith.constant 0 : i32
    %broadcast_in_dim3A_806 = vector.broadcast %broadcast_in_dim3A_805 : i32 to vector<16xi32>
    %broadcast_in_dim3A_807 = arith.constant 0x7F800000 : f32
    %broadcast_in_dim3A_808 = vector.broadcast %broadcast_in_dim3A_807 : f32 to vector<16xf32>
    %broadcast_in_dim3A_809 = arith.constant 0xFF800000 : f32
    %broadcast_in_dim3A_810 = vector.broadcast %broadcast_in_dim3A_809 : f32 to vector<16xf32>
    %slice3A_811 = vector.extract_strided_slice %get3A_10 {offsets = [0], sizes = [1], strides = [1]} : vector<16xf32> to vector<1xf32>
    %squeeze3A_812 = vector.extract %slice3A_811[0] : f32 from vector<1xf32>
    %sub3A_813 = vector.broadcast %squeeze3A_812 : f32 to vector<16xf32>
    %sub3A_814 = arith.subf %convert_element_type3A_802, %sub3A_813 : vector<16xf32>
    %abs3A_815 = math.absf %sub3A_814 : vector<16xf32>
    %lt3A_816 = arith.cmpf olt, %abs3A_815, %broadcast_in_dim3A_808 : vector<16xf32>
    %select_n3A_817 = arith.select %lt3A_816, %broadcast_in_dim3A_804, %broadcast_in_dim3A_806 : vector<16xi1>, vector<16xi32>
    %eq3A_818 = arith.cmpf oeq, %abs3A_815, %broadcast_in_dim3A_808 : vector<16xf32>
    %select_n3A_819 = arith.select %eq3A_818, %broadcast_in_dim3A_804, %broadcast_in_dim3A_806 : vector<16xi1>, vector<16xi32>
    %gt3A_820 = vector.broadcast %squeeze3A_812 : f32 to vector<16xf32>
    %gt3A_821 = arith.cmpf ogt, %broadcast_in_dim3A_810, %gt3A_820 : vector<16xf32>
    %select_n3A_822 = arith.select %gt3A_821, %broadcast_in_dim3A_804, %broadcast_in_dim3A_806 : vector<16xi1>, vector<16xi32>
    %mul3A_823 = arith.muli %select_n3A_819, %select_n3A_822 : vector<16xi32>
    %add3A_824 = arith.addi %select_n3A_817, %mul3A_823 : vector<16xi32>
    %gt3A_825 = arith.cmpi sgt, %add3A_824, %broadcast_in_dim3A_806 : vector<16xi32>
    %select_n3A_826 = arith.select %gt3A_825, %abs3A_815, %broadcast_in_dim3A_808 : vector<16xi1>, vector<16xf32>
    %broadcast_in_dim3A_827 = vector.broadcast %squeeze3A_812 : f32 to vector<16xf32>
    %select_n3A_828 = arith.select %gt3A_825, %broadcast_in_dim3A_827, %broadcast_in_dim3A_810 : vector<16xi1>, vector<16xf32>
    %slice3A_829 = vector.extract_strided_slice %get3A_10 {offsets = [1], sizes = [1], strides = [1]} : vector<16xf32> to vector<1xf32>
    %squeeze3A_830 = vector.extract %slice3A_829[0] : f32 from vector<1xf32>
    %sub3A_831 = vector.broadcast %squeeze3A_830 : f32 to vector<16xf32>
    %sub3A_832 = arith.subf %convert_element_type3A_802, %sub3A_831 : vector<16xf32>
    %abs3A_833 = math.absf %sub3A_832 : vector<16xf32>
    %lt3A_834 = arith.cmpf olt, %abs3A_833, %select_n3A_826 : vector<16xf32>
    %select_n3A_835 = arith.select %lt3A_834, %broadcast_in_dim3A_804, %broadcast_in_dim3A_806 : vector<16xi1>, vector<16xi32>
    %eq3A_836 = arith.cmpf oeq, %abs3A_833, %select_n3A_826 : vector<16xf32>
    %select_n3A_837 = arith.select %eq3A_836, %broadcast_in_dim3A_804, %broadcast_in_dim3A_806 : vector<16xi1>, vector<16xi32>
    %gt3A_838 = vector.broadcast %squeeze3A_830 : f32 to vector<16xf32>
    %gt3A_839 = arith.cmpf ogt, %select_n3A_828, %gt3A_838 : vector<16xf32>
    %select_n3A_840 = arith.select %gt3A_839, %broadcast_in_dim3A_804, %broadcast_in_dim3A_806 : vector<16xi1>, vector<16xi32>
    %mul3A_841 = arith.muli %select_n3A_837, %select_n3A_840 : vector<16xi32>
    %add3A_842 = arith.addi %select_n3A_835, %mul3A_841 : vector<16xi32>
    %gt3A_843 = arith.cmpi sgt, %add3A_842, %broadcast_in_dim3A_806 : vector<16xi32>
    %select_n3A_844 = arith.select %gt3A_843, %abs3A_833, %select_n3A_826 : vector<16xi1>, vector<16xf32>
    %broadcast_in_dim3A_845 = vector.broadcast %squeeze3A_830 : f32 to vector<16xf32>
    %select_n3A_846 = arith.select %gt3A_843, %broadcast_in_dim3A_845, %select_n3A_828 : vector<16xi1>, vector<16xf32>
    %slice3A_847 = vector.extract_strided_slice %get3A_10 {offsets = [2], sizes = [1], strides = [1]} : vector<16xf32> to vector<1xf32>
    %squeeze3A_848 = vector.extract %slice3A_847[0] : f32 from vector<1xf32>
    %sub3A_849 = vector.broadcast %squeeze3A_848 : f32 to vector<16xf32>
    %sub3A_850 = arith.subf %convert_element_type3A_802, %sub3A_849 : vector<16xf32>
    %abs3A_851 = math.absf %sub3A_850 : vector<16xf32>
    %lt3A_852 = arith.cmpf olt, %abs3A_851, %select_n3A_844 : vector<16xf32>
    %select_n3A_853 = arith.select %lt3A_852, %broadcast_in_dim3A_804, %broadcast_in_dim3A_806 : vector<16xi1>, vector<16xi32>
    %eq3A_854 = arith.cmpf oeq, %abs3A_851, %select_n3A_844 : vector<16xf32>
    %select_n3A_855 = arith.select %eq3A_854, %broadcast_in_dim3A_804, %broadcast_in_dim3A_806 : vector<16xi1>, vector<16xi32>
    %gt3A_856 = vector.broadcast %squeeze3A_848 : f32 to vector<16xf32>
    %gt3A_857 = arith.cmpf ogt, %select_n3A_846, %gt3A_856 : vector<16xf32>
    %select_n3A_858 = arith.select %gt3A_857, %broadcast_in_dim3A_804, %broadcast_in_dim3A_806 : vector<16xi1>, vector<16xi32>
    %mul3A_859 = arith.muli %select_n3A_855, %select_n3A_858 : vector<16xi32>
    %add3A_860 = arith.addi %select_n3A_853, %mul3A_859 : vector<16xi32>
    %gt3A_861 = arith.cmpi sgt, %add3A_860, %broadcast_in_dim3A_806 : vector<16xi32>
    %select_n3A_862 = arith.select %gt3A_861, %abs3A_851, %select_n3A_844 : vector<16xi1>, vector<16xf32>
    %broadcast_in_dim3A_863 = vector.broadcast %squeeze3A_848 : f32 to vector<16xf32>
    %select_n3A_864 = arith.select %gt3A_861, %broadcast_in_dim3A_863, %select_n3A_846 : vector<16xi1>, vector<16xf32>
    %slice3A_865 = vector.extract_strided_slice %get3A_10 {offsets = [3], sizes = [1], strides = [1]} : vector<16xf32> to vector<1xf32>
    %squeeze3A_866 = vector.extract %slice3A_865[0] : f32 from vector<1xf32>
    %sub3A_867 = vector.broadcast %squeeze3A_866 : f32 to vector<16xf32>
    %sub3A_868 = arith.subf %convert_element_type3A_802, %sub3A_867 : vector<16xf32>
    %abs3A_869 = math.absf %sub3A_868 : vector<16xf32>
    %lt3A_870 = arith.cmpf olt, %abs3A_869, %select_n3A_862 : vector<16xf32>
    %select_n3A_871 = arith.select %lt3A_870, %broadcast_in_dim3A_804, %broadcast_in_dim3A_806 : vector<16xi1>, vector<16xi32>
    %eq3A_872 = arith.cmpf oeq, %abs3A_869, %select_n3A_862 : vector<16xf32>
    %select_n3A_873 = arith.select %eq3A_872, %broadcast_in_dim3A_804, %broadcast_in_dim3A_806 : vector<16xi1>, vector<16xi32>
    %gt3A_874 = vector.broadcast %squeeze3A_866 : f32 to vector<16xf32>
    %gt3A_875 = arith.cmpf ogt, %select_n3A_864, %gt3A_874 : vector<16xf32>
    %select_n3A_876 = arith.select %gt3A_875, %broadcast_in_dim3A_804, %broadcast_in_dim3A_806 : vector<16xi1>, vector<16xi32>
    %mul3A_877 = arith.muli %select_n3A_873, %select_n3A_876 : vector<16xi32>
    %add3A_878 = arith.addi %select_n3A_871, %mul3A_877 : vector<16xi32>
    %gt3A_879 = arith.cmpi sgt, %add3A_878, %broadcast_in_dim3A_806 : vector<16xi32>
    %select_n3A_880 = arith.select %gt3A_879, %abs3A_869, %select_n3A_862 : vector<16xi1>, vector<16xf32>
    %broadcast_in_dim3A_881 = vector.broadcast %squeeze3A_866 : f32 to vector<16xf32>
    %select_n3A_882 = arith.select %gt3A_879, %broadcast_in_dim3A_881, %select_n3A_864 : vector<16xi1>, vector<16xf32>
    %slice3A_883 = vector.extract_strided_slice %get3A_10 {offsets = [4], sizes = [1], strides = [1]} : vector<16xf32> to vector<1xf32>
    %squeeze3A_884 = vector.extract %slice3A_883[0] : f32 from vector<1xf32>
    %sub3A_885 = vector.broadcast %squeeze3A_884 : f32 to vector<16xf32>
    %sub3A_886 = arith.subf %convert_element_type3A_802, %sub3A_885 : vector<16xf32>
    %abs3A_887 = math.absf %sub3A_886 : vector<16xf32>
    %lt3A_888 = arith.cmpf olt, %abs3A_887, %select_n3A_880 : vector<16xf32>
    %select_n3A_889 = arith.select %lt3A_888, %broadcast_in_dim3A_804, %broadcast_in_dim3A_806 : vector<16xi1>, vector<16xi32>
    %eq3A_890 = arith.cmpf oeq, %abs3A_887, %select_n3A_880 : vector<16xf32>
    %select_n3A_891 = arith.select %eq3A_890, %broadcast_in_dim3A_804, %broadcast_in_dim3A_806 : vector<16xi1>, vector<16xi32>
    %gt3A_892 = vector.broadcast %squeeze3A_884 : f32 to vector<16xf32>
    %gt3A_893 = arith.cmpf ogt, %select_n3A_882, %gt3A_892 : vector<16xf32>
    %select_n3A_894 = arith.select %gt3A_893, %broadcast_in_dim3A_804, %broadcast_in_dim3A_806 : vector<16xi1>, vector<16xi32>
    %mul3A_895 = arith.muli %select_n3A_891, %select_n3A_894 : vector<16xi32>
    %add3A_896 = arith.addi %select_n3A_889, %mul3A_895 : vector<16xi32>
    %gt3A_897 = arith.cmpi sgt, %add3A_896, %broadcast_in_dim3A_806 : vector<16xi32>
    %select_n3A_898 = arith.select %gt3A_897, %abs3A_887, %select_n3A_880 : vector<16xi1>, vector<16xf32>
    %broadcast_in_dim3A_899 = vector.broadcast %squeeze3A_884 : f32 to vector<16xf32>
    %select_n3A_900 = arith.select %gt3A_897, %broadcast_in_dim3A_899, %select_n3A_882 : vector<16xi1>, vector<16xf32>
    %slice3A_901 = vector.extract_strided_slice %get3A_10 {offsets = [5], sizes = [1], strides = [1]} : vector<16xf32> to vector<1xf32>
    %squeeze3A_902 = vector.extract %slice3A_901[0] : f32 from vector<1xf32>
    %sub3A_903 = vector.broadcast %squeeze3A_902 : f32 to vector<16xf32>
    %sub3A_904 = arith.subf %convert_element_type3A_802, %sub3A_903 : vector<16xf32>
    %abs3A_905 = math.absf %sub3A_904 : vector<16xf32>
    %lt3A_906 = arith.cmpf olt, %abs3A_905, %select_n3A_898 : vector<16xf32>
    %select_n3A_907 = arith.select %lt3A_906, %broadcast_in_dim3A_804, %broadcast_in_dim3A_806 : vector<16xi1>, vector<16xi32>
    %eq3A_908 = arith.cmpf oeq, %abs3A_905, %select_n3A_898 : vector<16xf32>
    %select_n3A_909 = arith.select %eq3A_908, %broadcast_in_dim3A_804, %broadcast_in_dim3A_806 : vector<16xi1>, vector<16xi32>
    %gt3A_910 = vector.broadcast %squeeze3A_902 : f32 to vector<16xf32>
    %gt3A_911 = arith.cmpf ogt, %select_n3A_900, %gt3A_910 : vector<16xf32>
    %select_n3A_912 = arith.select %gt3A_911, %broadcast_in_dim3A_804, %broadcast_in_dim3A_806 : vector<16xi1>, vector<16xi32>
    %mul3A_913 = arith.muli %select_n3A_909, %select_n3A_912 : vector<16xi32>
    %add3A_914 = arith.addi %select_n3A_907, %mul3A_913 : vector<16xi32>
    %gt3A_915 = arith.cmpi sgt, %add3A_914, %broadcast_in_dim3A_806 : vector<16xi32>
    %select_n3A_916 = arith.select %gt3A_915, %abs3A_905, %select_n3A_898 : vector<16xi1>, vector<16xf32>
    %broadcast_in_dim3A_917 = vector.broadcast %squeeze3A_902 : f32 to vector<16xf32>
    %select_n3A_918 = arith.select %gt3A_915, %broadcast_in_dim3A_917, %select_n3A_900 : vector<16xi1>, vector<16xf32>
    %slice3A_919 = vector.extract_strided_slice %get3A_10 {offsets = [6], sizes = [1], strides = [1]} : vector<16xf32> to vector<1xf32>
    %squeeze3A_920 = vector.extract %slice3A_919[0] : f32 from vector<1xf32>
    %sub3A_921 = vector.broadcast %squeeze3A_920 : f32 to vector<16xf32>
    %sub3A_922 = arith.subf %convert_element_type3A_802, %sub3A_921 : vector<16xf32>
    %abs3A_923 = math.absf %sub3A_922 : vector<16xf32>
    %lt3A_924 = arith.cmpf olt, %abs3A_923, %select_n3A_916 : vector<16xf32>
    %select_n3A_925 = arith.select %lt3A_924, %broadcast_in_dim3A_804, %broadcast_in_dim3A_806 : vector<16xi1>, vector<16xi32>
    %eq3A_926 = arith.cmpf oeq, %abs3A_923, %select_n3A_916 : vector<16xf32>
    %select_n3A_927 = arith.select %eq3A_926, %broadcast_in_dim3A_804, %broadcast_in_dim3A_806 : vector<16xi1>, vector<16xi32>
    %gt3A_928 = vector.broadcast %squeeze3A_920 : f32 to vector<16xf32>
    %gt3A_929 = arith.cmpf ogt, %select_n3A_918, %gt3A_928 : vector<16xf32>
    %select_n3A_930 = arith.select %gt3A_929, %broadcast_in_dim3A_804, %broadcast_in_dim3A_806 : vector<16xi1>, vector<16xi32>
    %mul3A_931 = arith.muli %select_n3A_927, %select_n3A_930 : vector<16xi32>
    %add3A_932 = arith.addi %select_n3A_925, %mul3A_931 : vector<16xi32>
    %gt3A_933 = arith.cmpi sgt, %add3A_932, %broadcast_in_dim3A_806 : vector<16xi32>
    %select_n3A_934 = arith.select %gt3A_933, %abs3A_923, %select_n3A_916 : vector<16xi1>, vector<16xf32>
    %broadcast_in_dim3A_935 = vector.broadcast %squeeze3A_920 : f32 to vector<16xf32>
    %select_n3A_936 = arith.select %gt3A_933, %broadcast_in_dim3A_935, %select_n3A_918 : vector<16xi1>, vector<16xf32>
    %slice3A_937 = vector.extract_strided_slice %get3A_10 {offsets = [7], sizes = [1], strides = [1]} : vector<16xf32> to vector<1xf32>
    %squeeze3A_938 = vector.extract %slice3A_937[0] : f32 from vector<1xf32>
    %sub3A_939 = vector.broadcast %squeeze3A_938 : f32 to vector<16xf32>
    %sub3A_940 = arith.subf %convert_element_type3A_802, %sub3A_939 : vector<16xf32>
    %abs3A_941 = math.absf %sub3A_940 : vector<16xf32>
    %lt3A_942 = arith.cmpf olt, %abs3A_941, %select_n3A_934 : vector<16xf32>
    %select_n3A_943 = arith.select %lt3A_942, %broadcast_in_dim3A_804, %broadcast_in_dim3A_806 : vector<16xi1>, vector<16xi32>
    %eq3A_944 = arith.cmpf oeq, %abs3A_941, %select_n3A_934 : vector<16xf32>
    %select_n3A_945 = arith.select %eq3A_944, %broadcast_in_dim3A_804, %broadcast_in_dim3A_806 : vector<16xi1>, vector<16xi32>
    %gt3A_946 = vector.broadcast %squeeze3A_938 : f32 to vector<16xf32>
    %gt3A_947 = arith.cmpf ogt, %select_n3A_936, %gt3A_946 : vector<16xf32>
    %select_n3A_948 = arith.select %gt3A_947, %broadcast_in_dim3A_804, %broadcast_in_dim3A_806 : vector<16xi1>, vector<16xi32>
    %mul3A_949 = arith.muli %select_n3A_945, %select_n3A_948 : vector<16xi32>
    %add3A_950 = arith.addi %select_n3A_943, %mul3A_949 : vector<16xi32>
    %gt3A_951 = arith.cmpi sgt, %add3A_950, %broadcast_in_dim3A_806 : vector<16xi32>
    %select_n3A_952 = arith.select %gt3A_951, %abs3A_941, %select_n3A_934 : vector<16xi1>, vector<16xf32>
    %broadcast_in_dim3A_953 = vector.broadcast %squeeze3A_938 : f32 to vector<16xf32>
    %select_n3A_954 = arith.select %gt3A_951, %broadcast_in_dim3A_953, %select_n3A_936 : vector<16xi1>, vector<16xf32>
    %slice3A_955 = vector.extract_strided_slice %get3A_10 {offsets = [8], sizes = [1], strides = [1]} : vector<16xf32> to vector<1xf32>
    %squeeze3A_956 = vector.extract %slice3A_955[0] : f32 from vector<1xf32>
    %sub3A_957 = vector.broadcast %squeeze3A_956 : f32 to vector<16xf32>
    %sub3A_958 = arith.subf %convert_element_type3A_802, %sub3A_957 : vector<16xf32>
    %abs3A_959 = math.absf %sub3A_958 : vector<16xf32>
    %lt3A_960 = arith.cmpf olt, %abs3A_959, %select_n3A_952 : vector<16xf32>
    %select_n3A_961 = arith.select %lt3A_960, %broadcast_in_dim3A_804, %broadcast_in_dim3A_806 : vector<16xi1>, vector<16xi32>
    %eq3A_962 = arith.cmpf oeq, %abs3A_959, %select_n3A_952 : vector<16xf32>
    %select_n3A_963 = arith.select %eq3A_962, %broadcast_in_dim3A_804, %broadcast_in_dim3A_806 : vector<16xi1>, vector<16xi32>
    %gt3A_964 = vector.broadcast %squeeze3A_956 : f32 to vector<16xf32>
    %gt3A_965 = arith.cmpf ogt, %select_n3A_954, %gt3A_964 : vector<16xf32>
    %select_n3A_966 = arith.select %gt3A_965, %broadcast_in_dim3A_804, %broadcast_in_dim3A_806 : vector<16xi1>, vector<16xi32>
    %mul3A_967 = arith.muli %select_n3A_963, %select_n3A_966 : vector<16xi32>
    %add3A_968 = arith.addi %select_n3A_961, %mul3A_967 : vector<16xi32>
    %gt3A_969 = arith.cmpi sgt, %add3A_968, %broadcast_in_dim3A_806 : vector<16xi32>
    %select_n3A_970 = arith.select %gt3A_969, %abs3A_959, %select_n3A_952 : vector<16xi1>, vector<16xf32>
    %broadcast_in_dim3A_971 = vector.broadcast %squeeze3A_956 : f32 to vector<16xf32>
    %select_n3A_972 = arith.select %gt3A_969, %broadcast_in_dim3A_971, %select_n3A_954 : vector<16xi1>, vector<16xf32>
    %slice3A_973 = vector.extract_strided_slice %get3A_10 {offsets = [9], sizes = [1], strides = [1]} : vector<16xf32> to vector<1xf32>
    %squeeze3A_974 = vector.extract %slice3A_973[0] : f32 from vector<1xf32>
    %sub3A_975 = vector.broadcast %squeeze3A_974 : f32 to vector<16xf32>
    %sub3A_976 = arith.subf %convert_element_type3A_802, %sub3A_975 : vector<16xf32>
    %abs3A_977 = math.absf %sub3A_976 : vector<16xf32>
    %lt3A_978 = arith.cmpf olt, %abs3A_977, %select_n3A_970 : vector<16xf32>
    %select_n3A_979 = arith.select %lt3A_978, %broadcast_in_dim3A_804, %broadcast_in_dim3A_806 : vector<16xi1>, vector<16xi32>
    %eq3A_980 = arith.cmpf oeq, %abs3A_977, %select_n3A_970 : vector<16xf32>
    %select_n3A_981 = arith.select %eq3A_980, %broadcast_in_dim3A_804, %broadcast_in_dim3A_806 : vector<16xi1>, vector<16xi32>
    %gt3A_982 = vector.broadcast %squeeze3A_974 : f32 to vector<16xf32>
    %gt3A_983 = arith.cmpf ogt, %select_n3A_972, %gt3A_982 : vector<16xf32>
    %select_n3A_984 = arith.select %gt3A_983, %broadcast_in_dim3A_804, %broadcast_in_dim3A_806 : vector<16xi1>, vector<16xi32>
    %mul3A_985 = arith.muli %select_n3A_981, %select_n3A_984 : vector<16xi32>
    %add3A_986 = arith.addi %select_n3A_979, %mul3A_985 : vector<16xi32>
    %gt3A_987 = arith.cmpi sgt, %add3A_986, %broadcast_in_dim3A_806 : vector<16xi32>
    %select_n3A_988 = arith.select %gt3A_987, %abs3A_977, %select_n3A_970 : vector<16xi1>, vector<16xf32>
    %broadcast_in_dim3A_989 = vector.broadcast %squeeze3A_974 : f32 to vector<16xf32>
    %select_n3A_990 = arith.select %gt3A_987, %broadcast_in_dim3A_989, %select_n3A_972 : vector<16xi1>, vector<16xf32>
    %slice3A_991 = vector.extract_strided_slice %get3A_10 {offsets = [10], sizes = [1], strides = [1]} : vector<16xf32> to vector<1xf32>
    %squeeze3A_992 = vector.extract %slice3A_991[0] : f32 from vector<1xf32>
    %sub3A_993 = vector.broadcast %squeeze3A_992 : f32 to vector<16xf32>
    %sub3A_994 = arith.subf %convert_element_type3A_802, %sub3A_993 : vector<16xf32>
    %abs3A_995 = math.absf %sub3A_994 : vector<16xf32>
    %lt3A_996 = arith.cmpf olt, %abs3A_995, %select_n3A_988 : vector<16xf32>
    %select_n3A_997 = arith.select %lt3A_996, %broadcast_in_dim3A_804, %broadcast_in_dim3A_806 : vector<16xi1>, vector<16xi32>
    %eq3A_998 = arith.cmpf oeq, %abs3A_995, %select_n3A_988 : vector<16xf32>
    %select_n3A_999 = arith.select %eq3A_998, %broadcast_in_dim3A_804, %broadcast_in_dim3A_806 : vector<16xi1>, vector<16xi32>
    %gt3A_1000 = vector.broadcast %squeeze3A_992 : f32 to vector<16xf32>
    %gt3A_1001 = arith.cmpf ogt, %select_n3A_990, %gt3A_1000 : vector<16xf32>
    %select_n3A_1002 = arith.select %gt3A_1001, %broadcast_in_dim3A_804, %broadcast_in_dim3A_806 : vector<16xi1>, vector<16xi32>
    %mul3A_1003 = arith.muli %select_n3A_999, %select_n3A_1002 : vector<16xi32>
    %add3A_1004 = arith.addi %select_n3A_997, %mul3A_1003 : vector<16xi32>
    %gt3A_1005 = arith.cmpi sgt, %add3A_1004, %broadcast_in_dim3A_806 : vector<16xi32>
    %select_n3A_1006 = arith.select %gt3A_1005, %abs3A_995, %select_n3A_988 : vector<16xi1>, vector<16xf32>
    %broadcast_in_dim3A_1007 = vector.broadcast %squeeze3A_992 : f32 to vector<16xf32>
    %select_n3A_1008 = arith.select %gt3A_1005, %broadcast_in_dim3A_1007, %select_n3A_990 : vector<16xi1>, vector<16xf32>
    %slice3A_1009 = vector.extract_strided_slice %get3A_10 {offsets = [11], sizes = [1], strides = [1]} : vector<16xf32> to vector<1xf32>
    %squeeze3A_1010 = vector.extract %slice3A_1009[0] : f32 from vector<1xf32>
    %sub3A_1011 = vector.broadcast %squeeze3A_1010 : f32 to vector<16xf32>
    %sub3A_1012 = arith.subf %convert_element_type3A_802, %sub3A_1011 : vector<16xf32>
    %abs3A_1013 = math.absf %sub3A_1012 : vector<16xf32>
    %lt3A_1014 = arith.cmpf olt, %abs3A_1013, %select_n3A_1006 : vector<16xf32>
    %select_n3A_1015 = arith.select %lt3A_1014, %broadcast_in_dim3A_804, %broadcast_in_dim3A_806 : vector<16xi1>, vector<16xi32>
    %eq3A_1016 = arith.cmpf oeq, %abs3A_1013, %select_n3A_1006 : vector<16xf32>
    %select_n3A_1017 = arith.select %eq3A_1016, %broadcast_in_dim3A_804, %broadcast_in_dim3A_806 : vector<16xi1>, vector<16xi32>
    %gt3A_1018 = vector.broadcast %squeeze3A_1010 : f32 to vector<16xf32>
    %gt3A_1019 = arith.cmpf ogt, %select_n3A_1008, %gt3A_1018 : vector<16xf32>
    %select_n3A_1020 = arith.select %gt3A_1019, %broadcast_in_dim3A_804, %broadcast_in_dim3A_806 : vector<16xi1>, vector<16xi32>
    %mul3A_1021 = arith.muli %select_n3A_1017, %select_n3A_1020 : vector<16xi32>
    %add3A_1022 = arith.addi %select_n3A_1015, %mul3A_1021 : vector<16xi32>
    %gt3A_1023 = arith.cmpi sgt, %add3A_1022, %broadcast_in_dim3A_806 : vector<16xi32>
    %select_n3A_1024 = arith.select %gt3A_1023, %abs3A_1013, %select_n3A_1006 : vector<16xi1>, vector<16xf32>
    %broadcast_in_dim3A_1025 = vector.broadcast %squeeze3A_1010 : f32 to vector<16xf32>
    %select_n3A_1026 = arith.select %gt3A_1023, %broadcast_in_dim3A_1025, %select_n3A_1008 : vector<16xi1>, vector<16xf32>
    %slice3A_1027 = vector.extract_strided_slice %get3A_10 {offsets = [12], sizes = [1], strides = [1]} : vector<16xf32> to vector<1xf32>
    %squeeze3A_1028 = vector.extract %slice3A_1027[0] : f32 from vector<1xf32>
    %sub3A_1029 = vector.broadcast %squeeze3A_1028 : f32 to vector<16xf32>
    %sub3A_1030 = arith.subf %convert_element_type3A_802, %sub3A_1029 : vector<16xf32>
    %abs3A_1031 = math.absf %sub3A_1030 : vector<16xf32>
    %lt3A_1032 = arith.cmpf olt, %abs3A_1031, %select_n3A_1024 : vector<16xf32>
    %select_n3A_1033 = arith.select %lt3A_1032, %broadcast_in_dim3A_804, %broadcast_in_dim3A_806 : vector<16xi1>, vector<16xi32>
    %eq3A_1034 = arith.cmpf oeq, %abs3A_1031, %select_n3A_1024 : vector<16xf32>
    %select_n3A_1035 = arith.select %eq3A_1034, %broadcast_in_dim3A_804, %broadcast_in_dim3A_806 : vector<16xi1>, vector<16xi32>
    %gt3A_1036 = vector.broadcast %squeeze3A_1028 : f32 to vector<16xf32>
    %gt3A_1037 = arith.cmpf ogt, %select_n3A_1026, %gt3A_1036 : vector<16xf32>
    %select_n3A_1038 = arith.select %gt3A_1037, %broadcast_in_dim3A_804, %broadcast_in_dim3A_806 : vector<16xi1>, vector<16xi32>
    %mul3A_1039 = arith.muli %select_n3A_1035, %select_n3A_1038 : vector<16xi32>
    %add3A_1040 = arith.addi %select_n3A_1033, %mul3A_1039 : vector<16xi32>
    %gt3A_1041 = arith.cmpi sgt, %add3A_1040, %broadcast_in_dim3A_806 : vector<16xi32>
    %select_n3A_1042 = arith.select %gt3A_1041, %abs3A_1031, %select_n3A_1024 : vector<16xi1>, vector<16xf32>
    %broadcast_in_dim3A_1043 = vector.broadcast %squeeze3A_1028 : f32 to vector<16xf32>
    %select_n3A_1044 = arith.select %gt3A_1041, %broadcast_in_dim3A_1043, %select_n3A_1026 : vector<16xi1>, vector<16xf32>
    %slice3A_1045 = vector.extract_strided_slice %get3A_10 {offsets = [13], sizes = [1], strides = [1]} : vector<16xf32> to vector<1xf32>
    %squeeze3A_1046 = vector.extract %slice3A_1045[0] : f32 from vector<1xf32>
    %sub3A_1047 = vector.broadcast %squeeze3A_1046 : f32 to vector<16xf32>
    %sub3A_1048 = arith.subf %convert_element_type3A_802, %sub3A_1047 : vector<16xf32>
    %abs3A_1049 = math.absf %sub3A_1048 : vector<16xf32>
    %lt3A_1050 = arith.cmpf olt, %abs3A_1049, %select_n3A_1042 : vector<16xf32>
    %select_n3A_1051 = arith.select %lt3A_1050, %broadcast_in_dim3A_804, %broadcast_in_dim3A_806 : vector<16xi1>, vector<16xi32>
    %eq3A_1052 = arith.cmpf oeq, %abs3A_1049, %select_n3A_1042 : vector<16xf32>
    %select_n3A_1053 = arith.select %eq3A_1052, %broadcast_in_dim3A_804, %broadcast_in_dim3A_806 : vector<16xi1>, vector<16xi32>
    %gt3A_1054 = vector.broadcast %squeeze3A_1046 : f32 to vector<16xf32>
    %gt3A_1055 = arith.cmpf ogt, %select_n3A_1044, %gt3A_1054 : vector<16xf32>
    %select_n3A_1056 = arith.select %gt3A_1055, %broadcast_in_dim3A_804, %broadcast_in_dim3A_806 : vector<16xi1>, vector<16xi32>
    %mul3A_1057 = arith.muli %select_n3A_1053, %select_n3A_1056 : vector<16xi32>
    %add3A_1058 = arith.addi %select_n3A_1051, %mul3A_1057 : vector<16xi32>
    %gt3A_1059 = arith.cmpi sgt, %add3A_1058, %broadcast_in_dim3A_806 : vector<16xi32>
    %select_n3A_1060 = arith.select %gt3A_1059, %abs3A_1049, %select_n3A_1042 : vector<16xi1>, vector<16xf32>
    %broadcast_in_dim3A_1061 = vector.broadcast %squeeze3A_1046 : f32 to vector<16xf32>
    %select_n3A_1062 = arith.select %gt3A_1059, %broadcast_in_dim3A_1061, %select_n3A_1044 : vector<16xi1>, vector<16xf32>
    %slice3A_1063 = vector.extract_strided_slice %get3A_10 {offsets = [14], sizes = [1], strides = [1]} : vector<16xf32> to vector<1xf32>
    %squeeze3A_1064 = vector.extract %slice3A_1063[0] : f32 from vector<1xf32>
    %sub3A_1065 = vector.broadcast %squeeze3A_1064 : f32 to vector<16xf32>
    %sub3A_1066 = arith.subf %convert_element_type3A_802, %sub3A_1065 : vector<16xf32>
    %abs3A_1067 = math.absf %sub3A_1066 : vector<16xf32>
    %lt3A_1068 = arith.cmpf olt, %abs3A_1067, %select_n3A_1060 : vector<16xf32>
    %select_n3A_1069 = arith.select %lt3A_1068, %broadcast_in_dim3A_804, %broadcast_in_dim3A_806 : vector<16xi1>, vector<16xi32>
    %eq3A_1070 = arith.cmpf oeq, %abs3A_1067, %select_n3A_1060 : vector<16xf32>
    %select_n3A_1071 = arith.select %eq3A_1070, %broadcast_in_dim3A_804, %broadcast_in_dim3A_806 : vector<16xi1>, vector<16xi32>
    %gt3A_1072 = vector.broadcast %squeeze3A_1064 : f32 to vector<16xf32>
    %gt3A_1073 = arith.cmpf ogt, %select_n3A_1062, %gt3A_1072 : vector<16xf32>
    %select_n3A_1074 = arith.select %gt3A_1073, %broadcast_in_dim3A_804, %broadcast_in_dim3A_806 : vector<16xi1>, vector<16xi32>
    %mul3A_1075 = arith.muli %select_n3A_1071, %select_n3A_1074 : vector<16xi32>
    %add3A_1076 = arith.addi %select_n3A_1069, %mul3A_1075 : vector<16xi32>
    %gt3A_1077 = arith.cmpi sgt, %add3A_1076, %broadcast_in_dim3A_806 : vector<16xi32>
    %select_n3A_1078 = arith.select %gt3A_1077, %abs3A_1067, %select_n3A_1060 : vector<16xi1>, vector<16xf32>
    %broadcast_in_dim3A_1079 = vector.broadcast %squeeze3A_1064 : f32 to vector<16xf32>
    %select_n3A_1080 = arith.select %gt3A_1077, %broadcast_in_dim3A_1079, %select_n3A_1062 : vector<16xi1>, vector<16xf32>
    %slice3A_1081 = vector.extract_strided_slice %get3A_10 {offsets = [15], sizes = [1], strides = [1]} : vector<16xf32> to vector<1xf32>
    %squeeze3A_1082 = vector.extract %slice3A_1081[0] : f32 from vector<1xf32>
    %sub3A_1083 = vector.broadcast %squeeze3A_1082 : f32 to vector<16xf32>
    %sub3A_1084 = arith.subf %convert_element_type3A_802, %sub3A_1083 : vector<16xf32>
    %abs3A_1085 = math.absf %sub3A_1084 : vector<16xf32>
    %lt3A_1086 = arith.cmpf olt, %abs3A_1085, %select_n3A_1078 : vector<16xf32>
    %select_n3A_1087 = arith.select %lt3A_1086, %broadcast_in_dim3A_804, %broadcast_in_dim3A_806 : vector<16xi1>, vector<16xi32>
    %eq3A_1088 = arith.cmpf oeq, %abs3A_1085, %select_n3A_1078 : vector<16xf32>
    %select_n3A_1089 = arith.select %eq3A_1088, %broadcast_in_dim3A_804, %broadcast_in_dim3A_806 : vector<16xi1>, vector<16xi32>
    %gt3A_1090 = vector.broadcast %squeeze3A_1082 : f32 to vector<16xf32>
    %gt3A_1091 = arith.cmpf ogt, %select_n3A_1080, %gt3A_1090 : vector<16xf32>
    %select_n3A_1092 = arith.select %gt3A_1091, %broadcast_in_dim3A_804, %broadcast_in_dim3A_806 : vector<16xi1>, vector<16xi32>
    %mul3A_1093 = arith.muli %select_n3A_1089, %select_n3A_1092 : vector<16xi32>
    %add3A_1094 = arith.addi %select_n3A_1087, %mul3A_1093 : vector<16xi32>
    %gt3A_1095 = arith.cmpi sgt, %add3A_1094, %broadcast_in_dim3A_806 : vector<16xi32>
    %select_n3A_1096 = arith.select %gt3A_1095, %abs3A_1085, %select_n3A_1078 : vector<16xi1>, vector<16xf32>
    %broadcast_in_dim3A_1097 = vector.broadcast %squeeze3A_1082 : f32 to vector<16xf32>
    %select_n3A_1098 = arith.select %gt3A_1095, %broadcast_in_dim3A_1097, %select_n3A_1080 : vector<16xi1>, vector<16xf32>
    %slice3A_1099 = vector.extract_strided_slice %get3A_13 {offsets = [0], sizes = [1], strides = [1]} : vector<16xf32> to vector<1xf32>
    %squeeze3A_1100 = vector.extract %slice3A_1099[0] : f32 from vector<1xf32>
    %sub3A_1101 = vector.broadcast %squeeze3A_1100 : f32 to vector<16xf32>
    %sub3A_1102 = arith.subf %convert_element_type3A_802, %sub3A_1101 : vector<16xf32>
    %abs3A_1103 = math.absf %sub3A_1102 : vector<16xf32>
    %lt3A_1104 = arith.cmpf olt, %abs3A_1103, %select_n3A_1096 : vector<16xf32>
    %select_n3A_1105 = arith.select %lt3A_1104, %broadcast_in_dim3A_804, %broadcast_in_dim3A_806 : vector<16xi1>, vector<16xi32>
    %eq3A_1106 = arith.cmpf oeq, %abs3A_1103, %select_n3A_1096 : vector<16xf32>
    %select_n3A_1107 = arith.select %eq3A_1106, %broadcast_in_dim3A_804, %broadcast_in_dim3A_806 : vector<16xi1>, vector<16xi32>
    %gt3A_1108 = vector.broadcast %squeeze3A_1100 : f32 to vector<16xf32>
    %gt3A_1109 = arith.cmpf ogt, %select_n3A_1098, %gt3A_1108 : vector<16xf32>
    %select_n3A_1110 = arith.select %gt3A_1109, %broadcast_in_dim3A_804, %broadcast_in_dim3A_806 : vector<16xi1>, vector<16xi32>
    %mul3A_1111 = arith.muli %select_n3A_1107, %select_n3A_1110 : vector<16xi32>
    %add3A_1112 = arith.addi %select_n3A_1105, %mul3A_1111 : vector<16xi32>
    %gt3A_1113 = arith.cmpi sgt, %add3A_1112, %broadcast_in_dim3A_806 : vector<16xi32>
    %select_n3A_1114 = arith.select %gt3A_1113, %abs3A_1103, %select_n3A_1096 : vector<16xi1>, vector<16xf32>
    %broadcast_in_dim3A_1115 = vector.broadcast %squeeze3A_1100 : f32 to vector<16xf32>
    %select_n3A_1116 = arith.select %gt3A_1113, %broadcast_in_dim3A_1115, %select_n3A_1098 : vector<16xi1>, vector<16xf32>
    %slice3A_1117 = vector.extract_strided_slice %get3A_13 {offsets = [1], sizes = [1], strides = [1]} : vector<16xf32> to vector<1xf32>
    %squeeze3A_1118 = vector.extract %slice3A_1117[0] : f32 from vector<1xf32>
    %sub3A_1119 = vector.broadcast %squeeze3A_1118 : f32 to vector<16xf32>
    %sub3A_1120 = arith.subf %convert_element_type3A_802, %sub3A_1119 : vector<16xf32>
    %abs3A_1121 = math.absf %sub3A_1120 : vector<16xf32>
    %lt3A_1122 = arith.cmpf olt, %abs3A_1121, %select_n3A_1114 : vector<16xf32>
    %select_n3A_1123 = arith.select %lt3A_1122, %broadcast_in_dim3A_804, %broadcast_in_dim3A_806 : vector<16xi1>, vector<16xi32>
    %eq3A_1124 = arith.cmpf oeq, %abs3A_1121, %select_n3A_1114 : vector<16xf32>
    %select_n3A_1125 = arith.select %eq3A_1124, %broadcast_in_dim3A_804, %broadcast_in_dim3A_806 : vector<16xi1>, vector<16xi32>
    %gt3A_1126 = vector.broadcast %squeeze3A_1118 : f32 to vector<16xf32>
    %gt3A_1127 = arith.cmpf ogt, %select_n3A_1116, %gt3A_1126 : vector<16xf32>
    %select_n3A_1128 = arith.select %gt3A_1127, %broadcast_in_dim3A_804, %broadcast_in_dim3A_806 : vector<16xi1>, vector<16xi32>
    %mul3A_1129 = arith.muli %select_n3A_1125, %select_n3A_1128 : vector<16xi32>
    %add3A_1130 = arith.addi %select_n3A_1123, %mul3A_1129 : vector<16xi32>
    %gt3A_1131 = arith.cmpi sgt, %add3A_1130, %broadcast_in_dim3A_806 : vector<16xi32>
    %select_n3A_1132 = arith.select %gt3A_1131, %abs3A_1121, %select_n3A_1114 : vector<16xi1>, vector<16xf32>
    %broadcast_in_dim3A_1133 = vector.broadcast %squeeze3A_1118 : f32 to vector<16xf32>
    %select_n3A_1134 = arith.select %gt3A_1131, %broadcast_in_dim3A_1133, %select_n3A_1116 : vector<16xi1>, vector<16xf32>
    %slice3A_1135 = vector.extract_strided_slice %get3A_13 {offsets = [2], sizes = [1], strides = [1]} : vector<16xf32> to vector<1xf32>
    %squeeze3A_1136 = vector.extract %slice3A_1135[0] : f32 from vector<1xf32>
    %sub3A_1137 = vector.broadcast %squeeze3A_1136 : f32 to vector<16xf32>
    %sub3A_1138 = arith.subf %convert_element_type3A_802, %sub3A_1137 : vector<16xf32>
    %abs3A_1139 = math.absf %sub3A_1138 : vector<16xf32>
    %lt3A_1140 = arith.cmpf olt, %abs3A_1139, %select_n3A_1132 : vector<16xf32>
    %select_n3A_1141 = arith.select %lt3A_1140, %broadcast_in_dim3A_804, %broadcast_in_dim3A_806 : vector<16xi1>, vector<16xi32>
    %eq3A_1142 = arith.cmpf oeq, %abs3A_1139, %select_n3A_1132 : vector<16xf32>
    %select_n3A_1143 = arith.select %eq3A_1142, %broadcast_in_dim3A_804, %broadcast_in_dim3A_806 : vector<16xi1>, vector<16xi32>
    %gt3A_1144 = vector.broadcast %squeeze3A_1136 : f32 to vector<16xf32>
    %gt3A_1145 = arith.cmpf ogt, %select_n3A_1134, %gt3A_1144 : vector<16xf32>
    %select_n3A_1146 = arith.select %gt3A_1145, %broadcast_in_dim3A_804, %broadcast_in_dim3A_806 : vector<16xi1>, vector<16xi32>
    %mul3A_1147 = arith.muli %select_n3A_1143, %select_n3A_1146 : vector<16xi32>
    %add3A_1148 = arith.addi %select_n3A_1141, %mul3A_1147 : vector<16xi32>
    %gt3A_1149 = arith.cmpi sgt, %add3A_1148, %broadcast_in_dim3A_806 : vector<16xi32>
    %select_n3A_1150 = arith.select %gt3A_1149, %abs3A_1139, %select_n3A_1132 : vector<16xi1>, vector<16xf32>
    %broadcast_in_dim3A_1151 = vector.broadcast %squeeze3A_1136 : f32 to vector<16xf32>
    %select_n3A_1152 = arith.select %gt3A_1149, %broadcast_in_dim3A_1151, %select_n3A_1134 : vector<16xi1>, vector<16xf32>
    %slice3A_1153 = vector.extract_strided_slice %get3A_13 {offsets = [3], sizes = [1], strides = [1]} : vector<16xf32> to vector<1xf32>
    %squeeze3A_1154 = vector.extract %slice3A_1153[0] : f32 from vector<1xf32>
    %sub3A_1155 = vector.broadcast %squeeze3A_1154 : f32 to vector<16xf32>
    %sub3A_1156 = arith.subf %convert_element_type3A_802, %sub3A_1155 : vector<16xf32>
    %abs3A_1157 = math.absf %sub3A_1156 : vector<16xf32>
    %lt3A_1158 = arith.cmpf olt, %abs3A_1157, %select_n3A_1150 : vector<16xf32>
    %select_n3A_1159 = arith.select %lt3A_1158, %broadcast_in_dim3A_804, %broadcast_in_dim3A_806 : vector<16xi1>, vector<16xi32>
    %eq3A_1160 = arith.cmpf oeq, %abs3A_1157, %select_n3A_1150 : vector<16xf32>
    %select_n3A_1161 = arith.select %eq3A_1160, %broadcast_in_dim3A_804, %broadcast_in_dim3A_806 : vector<16xi1>, vector<16xi32>
    %gt3A_1162 = vector.broadcast %squeeze3A_1154 : f32 to vector<16xf32>
    %gt3A_1163 = arith.cmpf ogt, %select_n3A_1152, %gt3A_1162 : vector<16xf32>
    %select_n3A_1164 = arith.select %gt3A_1163, %broadcast_in_dim3A_804, %broadcast_in_dim3A_806 : vector<16xi1>, vector<16xi32>
    %mul3A_1165 = arith.muli %select_n3A_1161, %select_n3A_1164 : vector<16xi32>
    %add3A_1166 = arith.addi %select_n3A_1159, %mul3A_1165 : vector<16xi32>
    %gt3A_1167 = arith.cmpi sgt, %add3A_1166, %broadcast_in_dim3A_806 : vector<16xi32>
    %select_n3A_1168 = arith.select %gt3A_1167, %abs3A_1157, %select_n3A_1150 : vector<16xi1>, vector<16xf32>
    %broadcast_in_dim3A_1169 = vector.broadcast %squeeze3A_1154 : f32 to vector<16xf32>
    %select_n3A_1170 = arith.select %gt3A_1167, %broadcast_in_dim3A_1169, %select_n3A_1152 : vector<16xi1>, vector<16xf32>
    %slice3A_1171 = vector.extract_strided_slice %get3A_13 {offsets = [4], sizes = [1], strides = [1]} : vector<16xf32> to vector<1xf32>
    %squeeze3A_1172 = vector.extract %slice3A_1171[0] : f32 from vector<1xf32>
    %sub3A_1173 = vector.broadcast %squeeze3A_1172 : f32 to vector<16xf32>
    %sub3A_1174 = arith.subf %convert_element_type3A_802, %sub3A_1173 : vector<16xf32>
    %abs3A_1175 = math.absf %sub3A_1174 : vector<16xf32>
    %lt3A_1176 = arith.cmpf olt, %abs3A_1175, %select_n3A_1168 : vector<16xf32>
    %select_n3A_1177 = arith.select %lt3A_1176, %broadcast_in_dim3A_804, %broadcast_in_dim3A_806 : vector<16xi1>, vector<16xi32>
    %eq3A_1178 = arith.cmpf oeq, %abs3A_1175, %select_n3A_1168 : vector<16xf32>
    %select_n3A_1179 = arith.select %eq3A_1178, %broadcast_in_dim3A_804, %broadcast_in_dim3A_806 : vector<16xi1>, vector<16xi32>
    %gt3A_1180 = vector.broadcast %squeeze3A_1172 : f32 to vector<16xf32>
    %gt3A_1181 = arith.cmpf ogt, %select_n3A_1170, %gt3A_1180 : vector<16xf32>
    %select_n3A_1182 = arith.select %gt3A_1181, %broadcast_in_dim3A_804, %broadcast_in_dim3A_806 : vector<16xi1>, vector<16xi32>
    %mul3A_1183 = arith.muli %select_n3A_1179, %select_n3A_1182 : vector<16xi32>
    %add3A_1184 = arith.addi %select_n3A_1177, %mul3A_1183 : vector<16xi32>
    %gt3A_1185 = arith.cmpi sgt, %add3A_1184, %broadcast_in_dim3A_806 : vector<16xi32>
    %select_n3A_1186 = arith.select %gt3A_1185, %abs3A_1175, %select_n3A_1168 : vector<16xi1>, vector<16xf32>
    %broadcast_in_dim3A_1187 = vector.broadcast %squeeze3A_1172 : f32 to vector<16xf32>
    %select_n3A_1188 = arith.select %gt3A_1185, %broadcast_in_dim3A_1187, %select_n3A_1170 : vector<16xi1>, vector<16xf32>
    %slice3A_1189 = vector.extract_strided_slice %get3A_13 {offsets = [5], sizes = [1], strides = [1]} : vector<16xf32> to vector<1xf32>
    %squeeze3A_1190 = vector.extract %slice3A_1189[0] : f32 from vector<1xf32>
    %sub3A_1191 = vector.broadcast %squeeze3A_1190 : f32 to vector<16xf32>
    %sub3A_1192 = arith.subf %convert_element_type3A_802, %sub3A_1191 : vector<16xf32>
    %abs3A_1193 = math.absf %sub3A_1192 : vector<16xf32>
    %lt3A_1194 = arith.cmpf olt, %abs3A_1193, %select_n3A_1186 : vector<16xf32>
    %select_n3A_1195 = arith.select %lt3A_1194, %broadcast_in_dim3A_804, %broadcast_in_dim3A_806 : vector<16xi1>, vector<16xi32>
    %eq3A_1196 = arith.cmpf oeq, %abs3A_1193, %select_n3A_1186 : vector<16xf32>
    %select_n3A_1197 = arith.select %eq3A_1196, %broadcast_in_dim3A_804, %broadcast_in_dim3A_806 : vector<16xi1>, vector<16xi32>
    %gt3A_1198 = vector.broadcast %squeeze3A_1190 : f32 to vector<16xf32>
    %gt3A_1199 = arith.cmpf ogt, %select_n3A_1188, %gt3A_1198 : vector<16xf32>
    %select_n3A_1200 = arith.select %gt3A_1199, %broadcast_in_dim3A_804, %broadcast_in_dim3A_806 : vector<16xi1>, vector<16xi32>
    %mul3A_1201 = arith.muli %select_n3A_1197, %select_n3A_1200 : vector<16xi32>
    %add3A_1202 = arith.addi %select_n3A_1195, %mul3A_1201 : vector<16xi32>
    %gt3A_1203 = arith.cmpi sgt, %add3A_1202, %broadcast_in_dim3A_806 : vector<16xi32>
    %select_n3A_1204 = arith.select %gt3A_1203, %abs3A_1193, %select_n3A_1186 : vector<16xi1>, vector<16xf32>
    %broadcast_in_dim3A_1205 = vector.broadcast %squeeze3A_1190 : f32 to vector<16xf32>
    %select_n3A_1206 = arith.select %gt3A_1203, %broadcast_in_dim3A_1205, %select_n3A_1188 : vector<16xi1>, vector<16xf32>
    %slice3A_1207 = vector.extract_strided_slice %get3A_13 {offsets = [6], sizes = [1], strides = [1]} : vector<16xf32> to vector<1xf32>
    %squeeze3A_1208 = vector.extract %slice3A_1207[0] : f32 from vector<1xf32>
    %sub3A_1209 = vector.broadcast %squeeze3A_1208 : f32 to vector<16xf32>
    %sub3A_1210 = arith.subf %convert_element_type3A_802, %sub3A_1209 : vector<16xf32>
    %abs3A_1211 = math.absf %sub3A_1210 : vector<16xf32>
    %lt3A_1212 = arith.cmpf olt, %abs3A_1211, %select_n3A_1204 : vector<16xf32>
    %select_n3A_1213 = arith.select %lt3A_1212, %broadcast_in_dim3A_804, %broadcast_in_dim3A_806 : vector<16xi1>, vector<16xi32>
    %eq3A_1214 = arith.cmpf oeq, %abs3A_1211, %select_n3A_1204 : vector<16xf32>
    %select_n3A_1215 = arith.select %eq3A_1214, %broadcast_in_dim3A_804, %broadcast_in_dim3A_806 : vector<16xi1>, vector<16xi32>
    %gt3A_1216 = vector.broadcast %squeeze3A_1208 : f32 to vector<16xf32>
    %gt3A_1217 = arith.cmpf ogt, %select_n3A_1206, %gt3A_1216 : vector<16xf32>
    %select_n3A_1218 = arith.select %gt3A_1217, %broadcast_in_dim3A_804, %broadcast_in_dim3A_806 : vector<16xi1>, vector<16xi32>
    %mul3A_1219 = arith.muli %select_n3A_1215, %select_n3A_1218 : vector<16xi32>
    %add3A_1220 = arith.addi %select_n3A_1213, %mul3A_1219 : vector<16xi32>
    %gt3A_1221 = arith.cmpi sgt, %add3A_1220, %broadcast_in_dim3A_806 : vector<16xi32>
    %select_n3A_1222 = arith.select %gt3A_1221, %abs3A_1211, %select_n3A_1204 : vector<16xi1>, vector<16xf32>
    %broadcast_in_dim3A_1223 = vector.broadcast %squeeze3A_1208 : f32 to vector<16xf32>
    %select_n3A_1224 = arith.select %gt3A_1221, %broadcast_in_dim3A_1223, %select_n3A_1206 : vector<16xi1>, vector<16xf32>
    %slice3A_1225 = vector.extract_strided_slice %get3A_13 {offsets = [7], sizes = [1], strides = [1]} : vector<16xf32> to vector<1xf32>
    %squeeze3A_1226 = vector.extract %slice3A_1225[0] : f32 from vector<1xf32>
    %sub3A_1227 = vector.broadcast %squeeze3A_1226 : f32 to vector<16xf32>
    %sub3A_1228 = arith.subf %convert_element_type3A_802, %sub3A_1227 : vector<16xf32>
    %abs3A_1229 = math.absf %sub3A_1228 : vector<16xf32>
    %lt3A_1230 = arith.cmpf olt, %abs3A_1229, %select_n3A_1222 : vector<16xf32>
    %select_n3A_1231 = arith.select %lt3A_1230, %broadcast_in_dim3A_804, %broadcast_in_dim3A_806 : vector<16xi1>, vector<16xi32>
    %eq3A_1232 = arith.cmpf oeq, %abs3A_1229, %select_n3A_1222 : vector<16xf32>
    %select_n3A_1233 = arith.select %eq3A_1232, %broadcast_in_dim3A_804, %broadcast_in_dim3A_806 : vector<16xi1>, vector<16xi32>
    %gt3A_1234 = vector.broadcast %squeeze3A_1226 : f32 to vector<16xf32>
    %gt3A_1235 = arith.cmpf ogt, %select_n3A_1224, %gt3A_1234 : vector<16xf32>
    %select_n3A_1236 = arith.select %gt3A_1235, %broadcast_in_dim3A_804, %broadcast_in_dim3A_806 : vector<16xi1>, vector<16xi32>
    %mul3A_1237 = arith.muli %select_n3A_1233, %select_n3A_1236 : vector<16xi32>
    %add3A_1238 = arith.addi %select_n3A_1231, %mul3A_1237 : vector<16xi32>
    %gt3A_1239 = arith.cmpi sgt, %add3A_1238, %broadcast_in_dim3A_806 : vector<16xi32>
    %select_n3A_1240 = arith.select %gt3A_1239, %abs3A_1229, %select_n3A_1222 : vector<16xi1>, vector<16xf32>
    %broadcast_in_dim3A_1241 = vector.broadcast %squeeze3A_1226 : f32 to vector<16xf32>
    %select_n3A_1242 = arith.select %gt3A_1239, %broadcast_in_dim3A_1241, %select_n3A_1224 : vector<16xi1>, vector<16xf32>
    %slice3A_1243 = vector.extract_strided_slice %get3A_13 {offsets = [8], sizes = [1], strides = [1]} : vector<16xf32> to vector<1xf32>
    %squeeze3A_1244 = vector.extract %slice3A_1243[0] : f32 from vector<1xf32>
    %sub3A_1245 = vector.broadcast %squeeze3A_1244 : f32 to vector<16xf32>
    %sub3A_1246 = arith.subf %convert_element_type3A_802, %sub3A_1245 : vector<16xf32>
    %abs3A_1247 = math.absf %sub3A_1246 : vector<16xf32>
    %lt3A_1248 = arith.cmpf olt, %abs3A_1247, %select_n3A_1240 : vector<16xf32>
    %select_n3A_1249 = arith.select %lt3A_1248, %broadcast_in_dim3A_804, %broadcast_in_dim3A_806 : vector<16xi1>, vector<16xi32>
    %eq3A_1250 = arith.cmpf oeq, %abs3A_1247, %select_n3A_1240 : vector<16xf32>
    %select_n3A_1251 = arith.select %eq3A_1250, %broadcast_in_dim3A_804, %broadcast_in_dim3A_806 : vector<16xi1>, vector<16xi32>
    %gt3A_1252 = vector.broadcast %squeeze3A_1244 : f32 to vector<16xf32>
    %gt3A_1253 = arith.cmpf ogt, %select_n3A_1242, %gt3A_1252 : vector<16xf32>
    %select_n3A_1254 = arith.select %gt3A_1253, %broadcast_in_dim3A_804, %broadcast_in_dim3A_806 : vector<16xi1>, vector<16xi32>
    %mul3A_1255 = arith.muli %select_n3A_1251, %select_n3A_1254 : vector<16xi32>
    %add3A_1256 = arith.addi %select_n3A_1249, %mul3A_1255 : vector<16xi32>
    %gt3A_1257 = arith.cmpi sgt, %add3A_1256, %broadcast_in_dim3A_806 : vector<16xi32>
    %select_n3A_1258 = arith.select %gt3A_1257, %abs3A_1247, %select_n3A_1240 : vector<16xi1>, vector<16xf32>
    %broadcast_in_dim3A_1259 = vector.broadcast %squeeze3A_1244 : f32 to vector<16xf32>
    %select_n3A_1260 = arith.select %gt3A_1257, %broadcast_in_dim3A_1259, %select_n3A_1242 : vector<16xi1>, vector<16xf32>
    %slice3A_1261 = vector.extract_strided_slice %get3A_13 {offsets = [9], sizes = [1], strides = [1]} : vector<16xf32> to vector<1xf32>
    %squeeze3A_1262 = vector.extract %slice3A_1261[0] : f32 from vector<1xf32>
    %sub3A_1263 = vector.broadcast %squeeze3A_1262 : f32 to vector<16xf32>
    %sub3A_1264 = arith.subf %convert_element_type3A_802, %sub3A_1263 : vector<16xf32>
    %abs3A_1265 = math.absf %sub3A_1264 : vector<16xf32>
    %lt3A_1266 = arith.cmpf olt, %abs3A_1265, %select_n3A_1258 : vector<16xf32>
    %select_n3A_1267 = arith.select %lt3A_1266, %broadcast_in_dim3A_804, %broadcast_in_dim3A_806 : vector<16xi1>, vector<16xi32>
    %eq3A_1268 = arith.cmpf oeq, %abs3A_1265, %select_n3A_1258 : vector<16xf32>
    %select_n3A_1269 = arith.select %eq3A_1268, %broadcast_in_dim3A_804, %broadcast_in_dim3A_806 : vector<16xi1>, vector<16xi32>
    %gt3A_1270 = vector.broadcast %squeeze3A_1262 : f32 to vector<16xf32>
    %gt3A_1271 = arith.cmpf ogt, %select_n3A_1260, %gt3A_1270 : vector<16xf32>
    %select_n3A_1272 = arith.select %gt3A_1271, %broadcast_in_dim3A_804, %broadcast_in_dim3A_806 : vector<16xi1>, vector<16xi32>
    %mul3A_1273 = arith.muli %select_n3A_1269, %select_n3A_1272 : vector<16xi32>
    %add3A_1274 = arith.addi %select_n3A_1267, %mul3A_1273 : vector<16xi32>
    %gt3A_1275 = arith.cmpi sgt, %add3A_1274, %broadcast_in_dim3A_806 : vector<16xi32>
    %select_n3A_1276 = arith.select %gt3A_1275, %abs3A_1265, %select_n3A_1258 : vector<16xi1>, vector<16xf32>
    %broadcast_in_dim3A_1277 = vector.broadcast %squeeze3A_1262 : f32 to vector<16xf32>
    %select_n3A_1278 = arith.select %gt3A_1275, %broadcast_in_dim3A_1277, %select_n3A_1260 : vector<16xi1>, vector<16xf32>
    %slice3A_1279 = vector.extract_strided_slice %get3A_13 {offsets = [10], sizes = [1], strides = [1]} : vector<16xf32> to vector<1xf32>
    %squeeze3A_1280 = vector.extract %slice3A_1279[0] : f32 from vector<1xf32>
    %sub3A_1281 = vector.broadcast %squeeze3A_1280 : f32 to vector<16xf32>
    %sub3A_1282 = arith.subf %convert_element_type3A_802, %sub3A_1281 : vector<16xf32>
    %abs3A_1283 = math.absf %sub3A_1282 : vector<16xf32>
    %lt3A_1284 = arith.cmpf olt, %abs3A_1283, %select_n3A_1276 : vector<16xf32>
    %select_n3A_1285 = arith.select %lt3A_1284, %broadcast_in_dim3A_804, %broadcast_in_dim3A_806 : vector<16xi1>, vector<16xi32>
    %eq3A_1286 = arith.cmpf oeq, %abs3A_1283, %select_n3A_1276 : vector<16xf32>
    %select_n3A_1287 = arith.select %eq3A_1286, %broadcast_in_dim3A_804, %broadcast_in_dim3A_806 : vector<16xi1>, vector<16xi32>
    %gt3A_1288 = vector.broadcast %squeeze3A_1280 : f32 to vector<16xf32>
    %gt3A_1289 = arith.cmpf ogt, %select_n3A_1278, %gt3A_1288 : vector<16xf32>
    %select_n3A_1290 = arith.select %gt3A_1289, %broadcast_in_dim3A_804, %broadcast_in_dim3A_806 : vector<16xi1>, vector<16xi32>
    %mul3A_1291 = arith.muli %select_n3A_1287, %select_n3A_1290 : vector<16xi32>
    %add3A_1292 = arith.addi %select_n3A_1285, %mul3A_1291 : vector<16xi32>
    %gt3A_1293 = arith.cmpi sgt, %add3A_1292, %broadcast_in_dim3A_806 : vector<16xi32>
    %select_n3A_1294 = arith.select %gt3A_1293, %abs3A_1283, %select_n3A_1276 : vector<16xi1>, vector<16xf32>
    %broadcast_in_dim3A_1295 = vector.broadcast %squeeze3A_1280 : f32 to vector<16xf32>
    %select_n3A_1296 = arith.select %gt3A_1293, %broadcast_in_dim3A_1295, %select_n3A_1278 : vector<16xi1>, vector<16xf32>
    %slice3A_1297 = vector.extract_strided_slice %get3A_13 {offsets = [11], sizes = [1], strides = [1]} : vector<16xf32> to vector<1xf32>
    %squeeze3A_1298 = vector.extract %slice3A_1297[0] : f32 from vector<1xf32>
    %sub3A_1299 = vector.broadcast %squeeze3A_1298 : f32 to vector<16xf32>
    %sub3A_1300 = arith.subf %convert_element_type3A_802, %sub3A_1299 : vector<16xf32>
    %abs3A_1301 = math.absf %sub3A_1300 : vector<16xf32>
    %lt3A_1302 = arith.cmpf olt, %abs3A_1301, %select_n3A_1294 : vector<16xf32>
    %select_n3A_1303 = arith.select %lt3A_1302, %broadcast_in_dim3A_804, %broadcast_in_dim3A_806 : vector<16xi1>, vector<16xi32>
    %eq3A_1304 = arith.cmpf oeq, %abs3A_1301, %select_n3A_1294 : vector<16xf32>
    %select_n3A_1305 = arith.select %eq3A_1304, %broadcast_in_dim3A_804, %broadcast_in_dim3A_806 : vector<16xi1>, vector<16xi32>
    %gt3A_1306 = vector.broadcast %squeeze3A_1298 : f32 to vector<16xf32>
    %gt3A_1307 = arith.cmpf ogt, %select_n3A_1296, %gt3A_1306 : vector<16xf32>
    %select_n3A_1308 = arith.select %gt3A_1307, %broadcast_in_dim3A_804, %broadcast_in_dim3A_806 : vector<16xi1>, vector<16xi32>
    %mul3A_1309 = arith.muli %select_n3A_1305, %select_n3A_1308 : vector<16xi32>
    %add3A_1310 = arith.addi %select_n3A_1303, %mul3A_1309 : vector<16xi32>
    %gt3A_1311 = arith.cmpi sgt, %add3A_1310, %broadcast_in_dim3A_806 : vector<16xi32>
    %select_n3A_1312 = arith.select %gt3A_1311, %abs3A_1301, %select_n3A_1294 : vector<16xi1>, vector<16xf32>
    %broadcast_in_dim3A_1313 = vector.broadcast %squeeze3A_1298 : f32 to vector<16xf32>
    %select_n3A_1314 = arith.select %gt3A_1311, %broadcast_in_dim3A_1313, %select_n3A_1296 : vector<16xi1>, vector<16xf32>
    %slice3A_1315 = vector.extract_strided_slice %get3A_13 {offsets = [12], sizes = [1], strides = [1]} : vector<16xf32> to vector<1xf32>
    %squeeze3A_1316 = vector.extract %slice3A_1315[0] : f32 from vector<1xf32>
    %sub3A_1317 = vector.broadcast %squeeze3A_1316 : f32 to vector<16xf32>
    %sub3A_1318 = arith.subf %convert_element_type3A_802, %sub3A_1317 : vector<16xf32>
    %abs3A_1319 = math.absf %sub3A_1318 : vector<16xf32>
    %lt3A_1320 = arith.cmpf olt, %abs3A_1319, %select_n3A_1312 : vector<16xf32>
    %select_n3A_1321 = arith.select %lt3A_1320, %broadcast_in_dim3A_804, %broadcast_in_dim3A_806 : vector<16xi1>, vector<16xi32>
    %eq3A_1322 = arith.cmpf oeq, %abs3A_1319, %select_n3A_1312 : vector<16xf32>
    %select_n3A_1323 = arith.select %eq3A_1322, %broadcast_in_dim3A_804, %broadcast_in_dim3A_806 : vector<16xi1>, vector<16xi32>
    %gt3A_1324 = vector.broadcast %squeeze3A_1316 : f32 to vector<16xf32>
    %gt3A_1325 = arith.cmpf ogt, %select_n3A_1314, %gt3A_1324 : vector<16xf32>
    %select_n3A_1326 = arith.select %gt3A_1325, %broadcast_in_dim3A_804, %broadcast_in_dim3A_806 : vector<16xi1>, vector<16xi32>
    %mul3A_1327 = arith.muli %select_n3A_1323, %select_n3A_1326 : vector<16xi32>
    %add3A_1328 = arith.addi %select_n3A_1321, %mul3A_1327 : vector<16xi32>
    %gt3A_1329 = arith.cmpi sgt, %add3A_1328, %broadcast_in_dim3A_806 : vector<16xi32>
    %select_n3A_1330 = arith.select %gt3A_1329, %abs3A_1319, %select_n3A_1312 : vector<16xi1>, vector<16xf32>
    %broadcast_in_dim3A_1331 = vector.broadcast %squeeze3A_1316 : f32 to vector<16xf32>
    %select_n3A_1332 = arith.select %gt3A_1329, %broadcast_in_dim3A_1331, %select_n3A_1314 : vector<16xi1>, vector<16xf32>
    %slice3A_1333 = vector.extract_strided_slice %get3A_13 {offsets = [13], sizes = [1], strides = [1]} : vector<16xf32> to vector<1xf32>
    %squeeze3A_1334 = vector.extract %slice3A_1333[0] : f32 from vector<1xf32>
    %sub3A_1335 = vector.broadcast %squeeze3A_1334 : f32 to vector<16xf32>
    %sub3A_1336 = arith.subf %convert_element_type3A_802, %sub3A_1335 : vector<16xf32>
    %abs3A_1337 = math.absf %sub3A_1336 : vector<16xf32>
    %lt3A_1338 = arith.cmpf olt, %abs3A_1337, %select_n3A_1330 : vector<16xf32>
    %select_n3A_1339 = arith.select %lt3A_1338, %broadcast_in_dim3A_804, %broadcast_in_dim3A_806 : vector<16xi1>, vector<16xi32>
    %eq3A_1340 = arith.cmpf oeq, %abs3A_1337, %select_n3A_1330 : vector<16xf32>
    %select_n3A_1341 = arith.select %eq3A_1340, %broadcast_in_dim3A_804, %broadcast_in_dim3A_806 : vector<16xi1>, vector<16xi32>
    %gt3A_1342 = vector.broadcast %squeeze3A_1334 : f32 to vector<16xf32>
    %gt3A_1343 = arith.cmpf ogt, %select_n3A_1332, %gt3A_1342 : vector<16xf32>
    %select_n3A_1344 = arith.select %gt3A_1343, %broadcast_in_dim3A_804, %broadcast_in_dim3A_806 : vector<16xi1>, vector<16xi32>
    %mul3A_1345 = arith.muli %select_n3A_1341, %select_n3A_1344 : vector<16xi32>
    %add3A_1346 = arith.addi %select_n3A_1339, %mul3A_1345 : vector<16xi32>
    %gt3A_1347 = arith.cmpi sgt, %add3A_1346, %broadcast_in_dim3A_806 : vector<16xi32>
    %select_n3A_1348 = arith.select %gt3A_1347, %abs3A_1337, %select_n3A_1330 : vector<16xi1>, vector<16xf32>
    %broadcast_in_dim3A_1349 = vector.broadcast %squeeze3A_1334 : f32 to vector<16xf32>
    %select_n3A_1350 = arith.select %gt3A_1347, %broadcast_in_dim3A_1349, %select_n3A_1332 : vector<16xi1>, vector<16xf32>
    %slice3A_1351 = vector.extract_strided_slice %get3A_13 {offsets = [14], sizes = [1], strides = [1]} : vector<16xf32> to vector<1xf32>
    %squeeze3A_1352 = vector.extract %slice3A_1351[0] : f32 from vector<1xf32>
    %sub3A_1353 = vector.broadcast %squeeze3A_1352 : f32 to vector<16xf32>
    %sub3A_1354 = arith.subf %convert_element_type3A_802, %sub3A_1353 : vector<16xf32>
    %abs3A_1355 = math.absf %sub3A_1354 : vector<16xf32>
    %lt3A_1356 = arith.cmpf olt, %abs3A_1355, %select_n3A_1348 : vector<16xf32>
    %select_n3A_1357 = arith.select %lt3A_1356, %broadcast_in_dim3A_804, %broadcast_in_dim3A_806 : vector<16xi1>, vector<16xi32>
    %eq3A_1358 = arith.cmpf oeq, %abs3A_1355, %select_n3A_1348 : vector<16xf32>
    %select_n3A_1359 = arith.select %eq3A_1358, %broadcast_in_dim3A_804, %broadcast_in_dim3A_806 : vector<16xi1>, vector<16xi32>
    %gt3A_1360 = vector.broadcast %squeeze3A_1352 : f32 to vector<16xf32>
    %gt3A_1361 = arith.cmpf ogt, %select_n3A_1350, %gt3A_1360 : vector<16xf32>
    %select_n3A_1362 = arith.select %gt3A_1361, %broadcast_in_dim3A_804, %broadcast_in_dim3A_806 : vector<16xi1>, vector<16xi32>
    %mul3A_1363 = arith.muli %select_n3A_1359, %select_n3A_1362 : vector<16xi32>
    %add3A_1364 = arith.addi %select_n3A_1357, %mul3A_1363 : vector<16xi32>
    %gt3A_1365 = arith.cmpi sgt, %add3A_1364, %broadcast_in_dim3A_806 : vector<16xi32>
    %select_n3A_1366 = arith.select %gt3A_1365, %abs3A_1355, %select_n3A_1348 : vector<16xi1>, vector<16xf32>
    %broadcast_in_dim3A_1367 = vector.broadcast %squeeze3A_1352 : f32 to vector<16xf32>
    %select_n3A_1368 = arith.select %gt3A_1365, %broadcast_in_dim3A_1367, %select_n3A_1350 : vector<16xi1>, vector<16xf32>
    %slice3A_1369 = vector.extract_strided_slice %get3A_13 {offsets = [15], sizes = [1], strides = [1]} : vector<16xf32> to vector<1xf32>
    %squeeze3A_1370 = vector.extract %slice3A_1369[0] : f32 from vector<1xf32>
    %sub3A_1371 = vector.broadcast %squeeze3A_1370 : f32 to vector<16xf32>
    %sub3A_1372 = arith.subf %convert_element_type3A_802, %sub3A_1371 : vector<16xf32>
    %abs3A_1373 = math.absf %sub3A_1372 : vector<16xf32>
    %lt3A_1374 = arith.cmpf olt, %abs3A_1373, %select_n3A_1366 : vector<16xf32>
    %select_n3A_1375 = arith.select %lt3A_1374, %broadcast_in_dim3A_804, %broadcast_in_dim3A_806 : vector<16xi1>, vector<16xi32>
    %eq3A_1376 = arith.cmpf oeq, %abs3A_1373, %select_n3A_1366 : vector<16xf32>
    %select_n3A_1377 = arith.select %eq3A_1376, %broadcast_in_dim3A_804, %broadcast_in_dim3A_806 : vector<16xi1>, vector<16xi32>
    %gt3A_1378 = vector.broadcast %squeeze3A_1370 : f32 to vector<16xf32>
    %gt3A_1379 = arith.cmpf ogt, %select_n3A_1368, %gt3A_1378 : vector<16xf32>
    %select_n3A_1380 = arith.select %gt3A_1379, %broadcast_in_dim3A_804, %broadcast_in_dim3A_806 : vector<16xi1>, vector<16xi32>
    %mul3A_1381 = arith.muli %select_n3A_1377, %select_n3A_1380 : vector<16xi32>
    %add3A_1382 = arith.addi %select_n3A_1375, %mul3A_1381 : vector<16xi32>
    %gt3A_1383 = arith.cmpi sgt, %add3A_1382, %broadcast_in_dim3A_806 : vector<16xi32>
    %select_n3A_1384 = arith.select %gt3A_1383, %abs3A_1373, %select_n3A_1366 : vector<16xi1>, vector<16xf32>
    %broadcast_in_dim3A_1385 = vector.broadcast %squeeze3A_1370 : f32 to vector<16xf32>
    %select_n3A_1386 = arith.select %gt3A_1383, %broadcast_in_dim3A_1385, %select_n3A_1368 : vector<16xi1>, vector<16xf32>
    %broadcast_in_dim3A_1387 = arith.constant 0 : i32
    %broadcast_in_dim3A_1388 = vector.broadcast %broadcast_in_dim3A_1387 : i32 to vector<16xi32>
    %slice3A_1389 = vector.extract_strided_slice %get3A_10 {offsets = [0], sizes = [1], strides = [1]} : vector<16xf32> to vector<1xf32>
    %squeeze3A_1390 = vector.extract %slice3A_1389[0] : f32 from vector<1xf32>
    %gt3A_1391 = vector.broadcast %squeeze3A_1390 : f32 to vector<16xf32>
    %gt3A_1392 = arith.cmpf ogt, %select_n3A_1386, %gt3A_1391 : vector<16xf32>
    %select_n3A_1393 = arith.select %gt3A_1392, %broadcast_in_dim3A_804, %broadcast_in_dim3A_806 : vector<16xi1>, vector<16xi32>
    %add3A_1394 = arith.addi %broadcast_in_dim3A_1388, %select_n3A_1393 : vector<16xi32>
    %slice3A_1395 = vector.extract_strided_slice %get3A_10 {offsets = [1], sizes = [1], strides = [1]} : vector<16xf32> to vector<1xf32>
    %squeeze3A_1396 = vector.extract %slice3A_1395[0] : f32 from vector<1xf32>
    %gt3A_1397 = vector.broadcast %squeeze3A_1396 : f32 to vector<16xf32>
    %gt3A_1398 = arith.cmpf ogt, %select_n3A_1386, %gt3A_1397 : vector<16xf32>
    %select_n3A_1399 = arith.select %gt3A_1398, %broadcast_in_dim3A_804, %broadcast_in_dim3A_806 : vector<16xi1>, vector<16xi32>
    %add3A_1400 = arith.addi %add3A_1394, %select_n3A_1399 : vector<16xi32>
    %slice3A_1401 = vector.extract_strided_slice %get3A_10 {offsets = [2], sizes = [1], strides = [1]} : vector<16xf32> to vector<1xf32>
    %squeeze3A_1402 = vector.extract %slice3A_1401[0] : f32 from vector<1xf32>
    %gt3A_1403 = vector.broadcast %squeeze3A_1402 : f32 to vector<16xf32>
    %gt3A_1404 = arith.cmpf ogt, %select_n3A_1386, %gt3A_1403 : vector<16xf32>
    %select_n3A_1405 = arith.select %gt3A_1404, %broadcast_in_dim3A_804, %broadcast_in_dim3A_806 : vector<16xi1>, vector<16xi32>
    %add3A_1406 = arith.addi %add3A_1400, %select_n3A_1405 : vector<16xi32>
    %slice3A_1407 = vector.extract_strided_slice %get3A_10 {offsets = [3], sizes = [1], strides = [1]} : vector<16xf32> to vector<1xf32>
    %squeeze3A_1408 = vector.extract %slice3A_1407[0] : f32 from vector<1xf32>
    %gt3A_1409 = vector.broadcast %squeeze3A_1408 : f32 to vector<16xf32>
    %gt3A_1410 = arith.cmpf ogt, %select_n3A_1386, %gt3A_1409 : vector<16xf32>
    %select_n3A_1411 = arith.select %gt3A_1410, %broadcast_in_dim3A_804, %broadcast_in_dim3A_806 : vector<16xi1>, vector<16xi32>
    %add3A_1412 = arith.addi %add3A_1406, %select_n3A_1411 : vector<16xi32>
    %slice3A_1413 = vector.extract_strided_slice %get3A_10 {offsets = [4], sizes = [1], strides = [1]} : vector<16xf32> to vector<1xf32>
    %squeeze3A_1414 = vector.extract %slice3A_1413[0] : f32 from vector<1xf32>
    %gt3A_1415 = vector.broadcast %squeeze3A_1414 : f32 to vector<16xf32>
    %gt3A_1416 = arith.cmpf ogt, %select_n3A_1386, %gt3A_1415 : vector<16xf32>
    %select_n3A_1417 = arith.select %gt3A_1416, %broadcast_in_dim3A_804, %broadcast_in_dim3A_806 : vector<16xi1>, vector<16xi32>
    %add3A_1418 = arith.addi %add3A_1412, %select_n3A_1417 : vector<16xi32>
    %slice3A_1419 = vector.extract_strided_slice %get3A_10 {offsets = [5], sizes = [1], strides = [1]} : vector<16xf32> to vector<1xf32>
    %squeeze3A_1420 = vector.extract %slice3A_1419[0] : f32 from vector<1xf32>
    %gt3A_1421 = vector.broadcast %squeeze3A_1420 : f32 to vector<16xf32>
    %gt3A_1422 = arith.cmpf ogt, %select_n3A_1386, %gt3A_1421 : vector<16xf32>
    %select_n3A_1423 = arith.select %gt3A_1422, %broadcast_in_dim3A_804, %broadcast_in_dim3A_806 : vector<16xi1>, vector<16xi32>
    %add3A_1424 = arith.addi %add3A_1418, %select_n3A_1423 : vector<16xi32>
    %slice3A_1425 = vector.extract_strided_slice %get3A_10 {offsets = [6], sizes = [1], strides = [1]} : vector<16xf32> to vector<1xf32>
    %squeeze3A_1426 = vector.extract %slice3A_1425[0] : f32 from vector<1xf32>
    %gt3A_1427 = vector.broadcast %squeeze3A_1426 : f32 to vector<16xf32>
    %gt3A_1428 = arith.cmpf ogt, %select_n3A_1386, %gt3A_1427 : vector<16xf32>
    %select_n3A_1429 = arith.select %gt3A_1428, %broadcast_in_dim3A_804, %broadcast_in_dim3A_806 : vector<16xi1>, vector<16xi32>
    %add3A_1430 = arith.addi %add3A_1424, %select_n3A_1429 : vector<16xi32>
    %slice3A_1431 = vector.extract_strided_slice %get3A_10 {offsets = [7], sizes = [1], strides = [1]} : vector<16xf32> to vector<1xf32>
    %squeeze3A_1432 = vector.extract %slice3A_1431[0] : f32 from vector<1xf32>
    %gt3A_1433 = vector.broadcast %squeeze3A_1432 : f32 to vector<16xf32>
    %gt3A_1434 = arith.cmpf ogt, %select_n3A_1386, %gt3A_1433 : vector<16xf32>
    %select_n3A_1435 = arith.select %gt3A_1434, %broadcast_in_dim3A_804, %broadcast_in_dim3A_806 : vector<16xi1>, vector<16xi32>
    %add3A_1436 = arith.addi %add3A_1430, %select_n3A_1435 : vector<16xi32>
    %slice3A_1437 = vector.extract_strided_slice %get3A_10 {offsets = [8], sizes = [1], strides = [1]} : vector<16xf32> to vector<1xf32>
    %squeeze3A_1438 = vector.extract %slice3A_1437[0] : f32 from vector<1xf32>
    %gt3A_1439 = vector.broadcast %squeeze3A_1438 : f32 to vector<16xf32>
    %gt3A_1440 = arith.cmpf ogt, %select_n3A_1386, %gt3A_1439 : vector<16xf32>
    %select_n3A_1441 = arith.select %gt3A_1440, %broadcast_in_dim3A_804, %broadcast_in_dim3A_806 : vector<16xi1>, vector<16xi32>
    %add3A_1442 = arith.addi %add3A_1436, %select_n3A_1441 : vector<16xi32>
    %slice3A_1443 = vector.extract_strided_slice %get3A_10 {offsets = [9], sizes = [1], strides = [1]} : vector<16xf32> to vector<1xf32>
    %squeeze3A_1444 = vector.extract %slice3A_1443[0] : f32 from vector<1xf32>
    %gt3A_1445 = vector.broadcast %squeeze3A_1444 : f32 to vector<16xf32>
    %gt3A_1446 = arith.cmpf ogt, %select_n3A_1386, %gt3A_1445 : vector<16xf32>
    %select_n3A_1447 = arith.select %gt3A_1446, %broadcast_in_dim3A_804, %broadcast_in_dim3A_806 : vector<16xi1>, vector<16xi32>
    %add3A_1448 = arith.addi %add3A_1442, %select_n3A_1447 : vector<16xi32>
    %slice3A_1449 = vector.extract_strided_slice %get3A_10 {offsets = [10], sizes = [1], strides = [1]} : vector<16xf32> to vector<1xf32>
    %squeeze3A_1450 = vector.extract %slice3A_1449[0] : f32 from vector<1xf32>
    %gt3A_1451 = vector.broadcast %squeeze3A_1450 : f32 to vector<16xf32>
    %gt3A_1452 = arith.cmpf ogt, %select_n3A_1386, %gt3A_1451 : vector<16xf32>
    %select_n3A_1453 = arith.select %gt3A_1452, %broadcast_in_dim3A_804, %broadcast_in_dim3A_806 : vector<16xi1>, vector<16xi32>
    %add3A_1454 = arith.addi %add3A_1448, %select_n3A_1453 : vector<16xi32>
    %slice3A_1455 = vector.extract_strided_slice %get3A_10 {offsets = [11], sizes = [1], strides = [1]} : vector<16xf32> to vector<1xf32>
    %squeeze3A_1456 = vector.extract %slice3A_1455[0] : f32 from vector<1xf32>
    %gt3A_1457 = vector.broadcast %squeeze3A_1456 : f32 to vector<16xf32>
    %gt3A_1458 = arith.cmpf ogt, %select_n3A_1386, %gt3A_1457 : vector<16xf32>
    %select_n3A_1459 = arith.select %gt3A_1458, %broadcast_in_dim3A_804, %broadcast_in_dim3A_806 : vector<16xi1>, vector<16xi32>
    %add3A_1460 = arith.addi %add3A_1454, %select_n3A_1459 : vector<16xi32>
    %slice3A_1461 = vector.extract_strided_slice %get3A_10 {offsets = [12], sizes = [1], strides = [1]} : vector<16xf32> to vector<1xf32>
    %squeeze3A_1462 = vector.extract %slice3A_1461[0] : f32 from vector<1xf32>
    %gt3A_1463 = vector.broadcast %squeeze3A_1462 : f32 to vector<16xf32>
    %gt3A_1464 = arith.cmpf ogt, %select_n3A_1386, %gt3A_1463 : vector<16xf32>
    %select_n3A_1465 = arith.select %gt3A_1464, %broadcast_in_dim3A_804, %broadcast_in_dim3A_806 : vector<16xi1>, vector<16xi32>
    %add3A_1466 = arith.addi %add3A_1460, %select_n3A_1465 : vector<16xi32>
    %slice3A_1467 = vector.extract_strided_slice %get3A_10 {offsets = [13], sizes = [1], strides = [1]} : vector<16xf32> to vector<1xf32>
    %squeeze3A_1468 = vector.extract %slice3A_1467[0] : f32 from vector<1xf32>
    %gt3A_1469 = vector.broadcast %squeeze3A_1468 : f32 to vector<16xf32>
    %gt3A_1470 = arith.cmpf ogt, %select_n3A_1386, %gt3A_1469 : vector<16xf32>
    %select_n3A_1471 = arith.select %gt3A_1470, %broadcast_in_dim3A_804, %broadcast_in_dim3A_806 : vector<16xi1>, vector<16xi32>
    %add3A_1472 = arith.addi %add3A_1466, %select_n3A_1471 : vector<16xi32>
    %slice3A_1473 = vector.extract_strided_slice %get3A_10 {offsets = [14], sizes = [1], strides = [1]} : vector<16xf32> to vector<1xf32>
    %squeeze3A_1474 = vector.extract %slice3A_1473[0] : f32 from vector<1xf32>
    %gt3A_1475 = vector.broadcast %squeeze3A_1474 : f32 to vector<16xf32>
    %gt3A_1476 = arith.cmpf ogt, %select_n3A_1386, %gt3A_1475 : vector<16xf32>
    %select_n3A_1477 = arith.select %gt3A_1476, %broadcast_in_dim3A_804, %broadcast_in_dim3A_806 : vector<16xi1>, vector<16xi32>
    %add3A_1478 = arith.addi %add3A_1472, %select_n3A_1477 : vector<16xi32>
    %slice3A_1479 = vector.extract_strided_slice %get3A_10 {offsets = [15], sizes = [1], strides = [1]} : vector<16xf32> to vector<1xf32>
    %squeeze3A_1480 = vector.extract %slice3A_1479[0] : f32 from vector<1xf32>
    %gt3A_1481 = vector.broadcast %squeeze3A_1480 : f32 to vector<16xf32>
    %gt3A_1482 = arith.cmpf ogt, %select_n3A_1386, %gt3A_1481 : vector<16xf32>
    %select_n3A_1483 = arith.select %gt3A_1482, %broadcast_in_dim3A_804, %broadcast_in_dim3A_806 : vector<16xi1>, vector<16xi32>
    %add3A_1484 = arith.addi %add3A_1478, %select_n3A_1483 : vector<16xi32>
    %slice3A_1485 = vector.extract_strided_slice %get3A_13 {offsets = [0], sizes = [1], strides = [1]} : vector<16xf32> to vector<1xf32>
    %squeeze3A_1486 = vector.extract %slice3A_1485[0] : f32 from vector<1xf32>
    %gt3A_1487 = vector.broadcast %squeeze3A_1486 : f32 to vector<16xf32>
    %gt3A_1488 = arith.cmpf ogt, %select_n3A_1386, %gt3A_1487 : vector<16xf32>
    %select_n3A_1489 = arith.select %gt3A_1488, %broadcast_in_dim3A_804, %broadcast_in_dim3A_806 : vector<16xi1>, vector<16xi32>
    %add3A_1490 = arith.addi %add3A_1484, %select_n3A_1489 : vector<16xi32>
    %slice3A_1491 = vector.extract_strided_slice %get3A_13 {offsets = [1], sizes = [1], strides = [1]} : vector<16xf32> to vector<1xf32>
    %squeeze3A_1492 = vector.extract %slice3A_1491[0] : f32 from vector<1xf32>
    %gt3A_1493 = vector.broadcast %squeeze3A_1492 : f32 to vector<16xf32>
    %gt3A_1494 = arith.cmpf ogt, %select_n3A_1386, %gt3A_1493 : vector<16xf32>
    %select_n3A_1495 = arith.select %gt3A_1494, %broadcast_in_dim3A_804, %broadcast_in_dim3A_806 : vector<16xi1>, vector<16xi32>
    %add3A_1496 = arith.addi %add3A_1490, %select_n3A_1495 : vector<16xi32>
    %slice3A_1497 = vector.extract_strided_slice %get3A_13 {offsets = [2], sizes = [1], strides = [1]} : vector<16xf32> to vector<1xf32>
    %squeeze3A_1498 = vector.extract %slice3A_1497[0] : f32 from vector<1xf32>
    %gt3A_1499 = vector.broadcast %squeeze3A_1498 : f32 to vector<16xf32>
    %gt3A_1500 = arith.cmpf ogt, %select_n3A_1386, %gt3A_1499 : vector<16xf32>
    %select_n3A_1501 = arith.select %gt3A_1500, %broadcast_in_dim3A_804, %broadcast_in_dim3A_806 : vector<16xi1>, vector<16xi32>
    %add3A_1502 = arith.addi %add3A_1496, %select_n3A_1501 : vector<16xi32>
    %slice3A_1503 = vector.extract_strided_slice %get3A_13 {offsets = [3], sizes = [1], strides = [1]} : vector<16xf32> to vector<1xf32>
    %squeeze3A_1504 = vector.extract %slice3A_1503[0] : f32 from vector<1xf32>
    %gt3A_1505 = vector.broadcast %squeeze3A_1504 : f32 to vector<16xf32>
    %gt3A_1506 = arith.cmpf ogt, %select_n3A_1386, %gt3A_1505 : vector<16xf32>
    %select_n3A_1507 = arith.select %gt3A_1506, %broadcast_in_dim3A_804, %broadcast_in_dim3A_806 : vector<16xi1>, vector<16xi32>
    %add3A_1508 = arith.addi %add3A_1502, %select_n3A_1507 : vector<16xi32>
    %slice3A_1509 = vector.extract_strided_slice %get3A_13 {offsets = [4], sizes = [1], strides = [1]} : vector<16xf32> to vector<1xf32>
    %squeeze3A_1510 = vector.extract %slice3A_1509[0] : f32 from vector<1xf32>
    %gt3A_1511 = vector.broadcast %squeeze3A_1510 : f32 to vector<16xf32>
    %gt3A_1512 = arith.cmpf ogt, %select_n3A_1386, %gt3A_1511 : vector<16xf32>
    %select_n3A_1513 = arith.select %gt3A_1512, %broadcast_in_dim3A_804, %broadcast_in_dim3A_806 : vector<16xi1>, vector<16xi32>
    %add3A_1514 = arith.addi %add3A_1508, %select_n3A_1513 : vector<16xi32>
    %slice3A_1515 = vector.extract_strided_slice %get3A_13 {offsets = [5], sizes = [1], strides = [1]} : vector<16xf32> to vector<1xf32>
    %squeeze3A_1516 = vector.extract %slice3A_1515[0] : f32 from vector<1xf32>
    %gt3A_1517 = vector.broadcast %squeeze3A_1516 : f32 to vector<16xf32>
    %gt3A_1518 = arith.cmpf ogt, %select_n3A_1386, %gt3A_1517 : vector<16xf32>
    %select_n3A_1519 = arith.select %gt3A_1518, %broadcast_in_dim3A_804, %broadcast_in_dim3A_806 : vector<16xi1>, vector<16xi32>
    %add3A_1520 = arith.addi %add3A_1514, %select_n3A_1519 : vector<16xi32>
    %slice3A_1521 = vector.extract_strided_slice %get3A_13 {offsets = [6], sizes = [1], strides = [1]} : vector<16xf32> to vector<1xf32>
    %squeeze3A_1522 = vector.extract %slice3A_1521[0] : f32 from vector<1xf32>
    %gt3A_1523 = vector.broadcast %squeeze3A_1522 : f32 to vector<16xf32>
    %gt3A_1524 = arith.cmpf ogt, %select_n3A_1386, %gt3A_1523 : vector<16xf32>
    %select_n3A_1525 = arith.select %gt3A_1524, %broadcast_in_dim3A_804, %broadcast_in_dim3A_806 : vector<16xi1>, vector<16xi32>
    %add3A_1526 = arith.addi %add3A_1520, %select_n3A_1525 : vector<16xi32>
    %slice3A_1527 = vector.extract_strided_slice %get3A_13 {offsets = [7], sizes = [1], strides = [1]} : vector<16xf32> to vector<1xf32>
    %squeeze3A_1528 = vector.extract %slice3A_1527[0] : f32 from vector<1xf32>
    %gt3A_1529 = vector.broadcast %squeeze3A_1528 : f32 to vector<16xf32>
    %gt3A_1530 = arith.cmpf ogt, %select_n3A_1386, %gt3A_1529 : vector<16xf32>
    %select_n3A_1531 = arith.select %gt3A_1530, %broadcast_in_dim3A_804, %broadcast_in_dim3A_806 : vector<16xi1>, vector<16xi32>
    %add3A_1532 = arith.addi %add3A_1526, %select_n3A_1531 : vector<16xi32>
    %slice3A_1533 = vector.extract_strided_slice %get3A_13 {offsets = [8], sizes = [1], strides = [1]} : vector<16xf32> to vector<1xf32>
    %squeeze3A_1534 = vector.extract %slice3A_1533[0] : f32 from vector<1xf32>
    %gt3A_1535 = vector.broadcast %squeeze3A_1534 : f32 to vector<16xf32>
    %gt3A_1536 = arith.cmpf ogt, %select_n3A_1386, %gt3A_1535 : vector<16xf32>
    %select_n3A_1537 = arith.select %gt3A_1536, %broadcast_in_dim3A_804, %broadcast_in_dim3A_806 : vector<16xi1>, vector<16xi32>
    %add3A_1538 = arith.addi %add3A_1532, %select_n3A_1537 : vector<16xi32>
    %slice3A_1539 = vector.extract_strided_slice %get3A_13 {offsets = [9], sizes = [1], strides = [1]} : vector<16xf32> to vector<1xf32>
    %squeeze3A_1540 = vector.extract %slice3A_1539[0] : f32 from vector<1xf32>
    %gt3A_1541 = vector.broadcast %squeeze3A_1540 : f32 to vector<16xf32>
    %gt3A_1542 = arith.cmpf ogt, %select_n3A_1386, %gt3A_1541 : vector<16xf32>
    %select_n3A_1543 = arith.select %gt3A_1542, %broadcast_in_dim3A_804, %broadcast_in_dim3A_806 : vector<16xi1>, vector<16xi32>
    %add3A_1544 = arith.addi %add3A_1538, %select_n3A_1543 : vector<16xi32>
    %slice3A_1545 = vector.extract_strided_slice %get3A_13 {offsets = [10], sizes = [1], strides = [1]} : vector<16xf32> to vector<1xf32>
    %squeeze3A_1546 = vector.extract %slice3A_1545[0] : f32 from vector<1xf32>
    %gt3A_1547 = vector.broadcast %squeeze3A_1546 : f32 to vector<16xf32>
    %gt3A_1548 = arith.cmpf ogt, %select_n3A_1386, %gt3A_1547 : vector<16xf32>
    %select_n3A_1549 = arith.select %gt3A_1548, %broadcast_in_dim3A_804, %broadcast_in_dim3A_806 : vector<16xi1>, vector<16xi32>
    %add3A_1550 = arith.addi %add3A_1544, %select_n3A_1549 : vector<16xi32>
    %slice3A_1551 = vector.extract_strided_slice %get3A_13 {offsets = [11], sizes = [1], strides = [1]} : vector<16xf32> to vector<1xf32>
    %squeeze3A_1552 = vector.extract %slice3A_1551[0] : f32 from vector<1xf32>
    %gt3A_1553 = vector.broadcast %squeeze3A_1552 : f32 to vector<16xf32>
    %gt3A_1554 = arith.cmpf ogt, %select_n3A_1386, %gt3A_1553 : vector<16xf32>
    %select_n3A_1555 = arith.select %gt3A_1554, %broadcast_in_dim3A_804, %broadcast_in_dim3A_806 : vector<16xi1>, vector<16xi32>
    %add3A_1556 = arith.addi %add3A_1550, %select_n3A_1555 : vector<16xi32>
    %slice3A_1557 = vector.extract_strided_slice %get3A_13 {offsets = [12], sizes = [1], strides = [1]} : vector<16xf32> to vector<1xf32>
    %squeeze3A_1558 = vector.extract %slice3A_1557[0] : f32 from vector<1xf32>
    %gt3A_1559 = vector.broadcast %squeeze3A_1558 : f32 to vector<16xf32>
    %gt3A_1560 = arith.cmpf ogt, %select_n3A_1386, %gt3A_1559 : vector<16xf32>
    %select_n3A_1561 = arith.select %gt3A_1560, %broadcast_in_dim3A_804, %broadcast_in_dim3A_806 : vector<16xi1>, vector<16xi32>
    %add3A_1562 = arith.addi %add3A_1556, %select_n3A_1561 : vector<16xi32>
    %slice3A_1563 = vector.extract_strided_slice %get3A_13 {offsets = [13], sizes = [1], strides = [1]} : vector<16xf32> to vector<1xf32>
    %squeeze3A_1564 = vector.extract %slice3A_1563[0] : f32 from vector<1xf32>
    %gt3A_1565 = vector.broadcast %squeeze3A_1564 : f32 to vector<16xf32>
    %gt3A_1566 = arith.cmpf ogt, %select_n3A_1386, %gt3A_1565 : vector<16xf32>
    %select_n3A_1567 = arith.select %gt3A_1566, %broadcast_in_dim3A_804, %broadcast_in_dim3A_806 : vector<16xi1>, vector<16xi32>
    %add3A_1568 = arith.addi %add3A_1562, %select_n3A_1567 : vector<16xi32>
    %slice3A_1569 = vector.extract_strided_slice %get3A_13 {offsets = [14], sizes = [1], strides = [1]} : vector<16xf32> to vector<1xf32>
    %squeeze3A_1570 = vector.extract %slice3A_1569[0] : f32 from vector<1xf32>
    %gt3A_1571 = vector.broadcast %squeeze3A_1570 : f32 to vector<16xf32>
    %gt3A_1572 = arith.cmpf ogt, %select_n3A_1386, %gt3A_1571 : vector<16xf32>
    %select_n3A_1573 = arith.select %gt3A_1572, %broadcast_in_dim3A_804, %broadcast_in_dim3A_806 : vector<16xi1>, vector<16xi32>
    %add3A_1574 = arith.addi %add3A_1568, %select_n3A_1573 : vector<16xi32>
    %slice3A_1575 = vector.extract_strided_slice %get3A_13 {offsets = [15], sizes = [1], strides = [1]} : vector<16xf32> to vector<1xf32>
    %squeeze3A_1576 = vector.extract %slice3A_1575[0] : f32 from vector<1xf32>
    %gt3A_1577 = vector.broadcast %squeeze3A_1576 : f32 to vector<16xf32>
    %gt3A_1578 = arith.cmpf ogt, %select_n3A_1386, %gt3A_1577 : vector<16xf32>
    %select_n3A_1579 = arith.select %gt3A_1578, %broadcast_in_dim3A_804, %broadcast_in_dim3A_806 : vector<16xi1>, vector<16xi32>
    %add3A_1580 = arith.addi %add3A_1574, %select_n3A_1579 : vector<16xi32>
    %swap3A_1581 = arith.constant 16 : index
    %swap3A_1582 = tpu.vector_load %arg6[%swap3A_1581] {strides = array<i32>} : memref<32xi32, #tpu.memory_space<vmem>>, vector<16xi32>,
    %swap3A_1583 = vector.shape_cast %swap3A_1582 : vector<16xi32> to vector<16xi32>
    %swap3A_1584 = vector.shape_cast %add3A_1580 : vector<16xi32> to vector<16xi32>
    tpu.vector_store %arg6[%swap3A_1581], %swap3A_1584 {strides = array<i32>} : memref<32xi32, #tpu.memory_space<vmem>>, vector<16xi32>,
    %mul3A_1585 = arith.constant 2 : i32
    %mul3A_1586 = arith.muli %arg1, %mul3A_1585 : i32
    %mul3A_1587 = arith.constant 16 : i32
    %mul3A_1588 = arith.muli %mul3A_1586, %mul3A_1587 : i32
    "tpu.region"() ({
      %run_scoped3A = tpu.sem_alloc : memref<!tpu.dma_semaphore, #tpu.memory_space<semaphore_mem>>
      %dma_start3A = tpu.memref_slice %arg8[%mul3A_1588] : memref<512xi32, #tpu.memory_space<vmem_shared>> -> memref<32xi32, #tpu.memory_space<vmem_shared>>
      %dma_start3A_2379 = tpu.memref_slice %arg8[%mul3A_1588] : memref<512xi32, #tpu.memory_space<vmem_shared>> -> memref<32xi32, #tpu.memory_space<vmem_shared>>
      tpu.enqueue_dma source(%arg6 : memref<32xi32, #tpu.memory_space<vmem>>) target(%dma_start3A_2379 : memref<32xi32, #tpu.memory_space<vmem_shared>>) target_semaphore(%run_scoped3A : memref<!tpu.dma_semaphore, #tpu.memory_space<semaphore_mem>>)
      %dma_wait3A = tpu.memref_slice %arg8[%mul3A_1588] : memref<512xi32, #tpu.memory_space<vmem_shared>> -> memref<32xi32, #tpu.memory_space<vmem_shared>>
      %dma_wait3A_2380 = tpu.memref_slice %arg8[%mul3A_1588] : memref<512xi32, #tpu.memory_space<vmem_shared>> -> memref<32xi32, #tpu.memory_space<vmem_shared>>
      tpu.wait_dma2 semaphore(%run_scoped3A : memref<!tpu.dma_semaphore, #tpu.memory_space<semaphore_mem>>) src(%arg6 : memref<32xi32, #tpu.memory_space<vmem>>) dst(%dma_wait3A_2380 : memref<32xi32, #tpu.memory_space<vmem_shared>>)
      tpu.yield
    }) : () -> ()
    %barrier3A = arith.constant 0 : index
    tpu.barrier barrier_id(%barrier3A)
    "tpu.region"() ({
      %run_scoped3A = tpu.sem_alloc : memref<!tpu.dma_semaphore, #tpu.memory_space<semaphore_mem>>
      tpu.enqueue_dma source(%arg8 : memref<512xi32, #tpu.memory_space<vmem_shared>>) target(%arg5 : memref<512xi32, #tpu.memory_space<vmem>>) target_semaphore(%run_scoped3A : memref<!tpu.dma_semaphore, #tpu.memory_space<semaphore_mem>>)
      tpu.wait_dma2 semaphore(%run_scoped3A : memref<!tpu.dma_semaphore, #tpu.memory_space<semaphore_mem>>) src(%arg8 : memref<512xi32, #tpu.memory_space<vmem_shared>>) dst(%arg5 : memref<512xi32, #tpu.memory_space<vmem>>)
      tpu.yield
    }) : () -> ()
    %add3A_1589 = vector.broadcast %mul3A_2 : i32 to vector<16xi32>
    %add3A_1590 = arith.addi %iota3A, %add3A_1589 : vector<16xi32>
    %convert_element_type3A_1591 = arith.sitofp %add3A_1590 : vector<16xi32> to vector<16xf32>
    %broadcast_in_dim3A_1592 = arith.constant 1 : i32
    %broadcast_in_dim3A_1593 = vector.broadcast %broadcast_in_dim3A_1592 : i32 to vector<16xi32>
    %broadcast_in_dim3A_1594 = arith.constant 0 : i32
    %broadcast_in_dim3A_1595 = vector.broadcast %broadcast_in_dim3A_1594 : i32 to vector<16xi32>
    %broadcast_in_dim3A_1596 = arith.constant 0x7F800000 : f32
    %broadcast_in_dim3A_1597 = vector.broadcast %broadcast_in_dim3A_1596 : f32 to vector<16xf32>
    %broadcast_in_dim3A_1598 = arith.constant 0xFF800000 : f32
    %broadcast_in_dim3A_1599 = vector.broadcast %broadcast_in_dim3A_1598 : f32 to vector<16xf32>
    %slice3A_1600 = vector.extract_strided_slice %get3A_4 {offsets = [0], sizes = [1], strides = [1]} : vector<16xf32> to vector<1xf32>
    %squeeze3A_1601 = vector.extract %slice3A_1600[0] : f32 from vector<1xf32>
    %sub3A_1602 = vector.broadcast %squeeze3A_1601 : f32 to vector<16xf32>
    %sub3A_1603 = arith.subf %convert_element_type3A_1591, %sub3A_1602 : vector<16xf32>
    %abs3A_1604 = math.absf %sub3A_1603 : vector<16xf32>
    %lt3A_1605 = arith.cmpf olt, %abs3A_1604, %broadcast_in_dim3A_1597 : vector<16xf32>
    %select_n3A_1606 = arith.select %lt3A_1605, %broadcast_in_dim3A_1593, %broadcast_in_dim3A_1595 : vector<16xi1>, vector<16xi32>
    %eq3A_1607 = arith.cmpf oeq, %abs3A_1604, %broadcast_in_dim3A_1597 : vector<16xf32>
    %select_n3A_1608 = arith.select %eq3A_1607, %broadcast_in_dim3A_1593, %broadcast_in_dim3A_1595 : vector<16xi1>, vector<16xi32>
    %gt3A_1609 = vector.broadcast %squeeze3A_1601 : f32 to vector<16xf32>
    %gt3A_1610 = arith.cmpf ogt, %broadcast_in_dim3A_1599, %gt3A_1609 : vector<16xf32>
    %select_n3A_1611 = arith.select %gt3A_1610, %broadcast_in_dim3A_1593, %broadcast_in_dim3A_1595 : vector<16xi1>, vector<16xi32>
    %mul3A_1612 = arith.muli %select_n3A_1608, %select_n3A_1611 : vector<16xi32>
    %add3A_1613 = arith.addi %select_n3A_1606, %mul3A_1612 : vector<16xi32>
    %gt3A_1614 = arith.cmpi sgt, %add3A_1613, %broadcast_in_dim3A_1595 : vector<16xi32>
    %select_n3A_1615 = arith.select %gt3A_1614, %abs3A_1604, %broadcast_in_dim3A_1597 : vector<16xi1>, vector<16xf32>
    %broadcast_in_dim3A_1616 = vector.broadcast %squeeze3A_1601 : f32 to vector<16xf32>
    %select_n3A_1617 = arith.select %gt3A_1614, %broadcast_in_dim3A_1616, %broadcast_in_dim3A_1599 : vector<16xi1>, vector<16xf32>
    %slice3A_1618 = vector.extract_strided_slice %get3A_4 {offsets = [1], sizes = [1], strides = [1]} : vector<16xf32> to vector<1xf32>
    %squeeze3A_1619 = vector.extract %slice3A_1618[0] : f32 from vector<1xf32>
    %sub3A_1620 = vector.broadcast %squeeze3A_1619 : f32 to vector<16xf32>
    %sub3A_1621 = arith.subf %convert_element_type3A_1591, %sub3A_1620 : vector<16xf32>
    %abs3A_1622 = math.absf %sub3A_1621 : vector<16xf32>
    %lt3A_1623 = arith.cmpf olt, %abs3A_1622, %select_n3A_1615 : vector<16xf32>
    %select_n3A_1624 = arith.select %lt3A_1623, %broadcast_in_dim3A_1593, %broadcast_in_dim3A_1595 : vector<16xi1>, vector<16xi32>
    %eq3A_1625 = arith.cmpf oeq, %abs3A_1622, %select_n3A_1615 : vector<16xf32>
    %select_n3A_1626 = arith.select %eq3A_1625, %broadcast_in_dim3A_1593, %broadcast_in_dim3A_1595 : vector<16xi1>, vector<16xi32>
    %gt3A_1627 = vector.broadcast %squeeze3A_1619 : f32 to vector<16xf32>
    %gt3A_1628 = arith.cmpf ogt, %select_n3A_1617, %gt3A_1627 : vector<16xf32>
    %select_n3A_1629 = arith.select %gt3A_1628, %broadcast_in_dim3A_1593, %broadcast_in_dim3A_1595 : vector<16xi1>, vector<16xi32>
    %mul3A_1630 = arith.muli %select_n3A_1626, %select_n3A_1629 : vector<16xi32>
    %add3A_1631 = arith.addi %select_n3A_1624, %mul3A_1630 : vector<16xi32>
    %gt3A_1632 = arith.cmpi sgt, %add3A_1631, %broadcast_in_dim3A_1595 : vector<16xi32>
    %select_n3A_1633 = arith.select %gt3A_1632, %abs3A_1622, %select_n3A_1615 : vector<16xi1>, vector<16xf32>
    %broadcast_in_dim3A_1634 = vector.broadcast %squeeze3A_1619 : f32 to vector<16xf32>
    %select_n3A_1635 = arith.select %gt3A_1632, %broadcast_in_dim3A_1634, %select_n3A_1617 : vector<16xi1>, vector<16xf32>
    %slice3A_1636 = vector.extract_strided_slice %get3A_4 {offsets = [2], sizes = [1], strides = [1]} : vector<16xf32> to vector<1xf32>
    %squeeze3A_1637 = vector.extract %slice3A_1636[0] : f32 from vector<1xf32>
    %sub3A_1638 = vector.broadcast %squeeze3A_1637 : f32 to vector<16xf32>
    %sub3A_1639 = arith.subf %convert_element_type3A_1591, %sub3A_1638 : vector<16xf32>
    %abs3A_1640 = math.absf %sub3A_1639 : vector<16xf32>
    %lt3A_1641 = arith.cmpf olt, %abs3A_1640, %select_n3A_1633 : vector<16xf32>
    %select_n3A_1642 = arith.select %lt3A_1641, %broadcast_in_dim3A_1593, %broadcast_in_dim3A_1595 : vector<16xi1>, vector<16xi32>
    %eq3A_1643 = arith.cmpf oeq, %abs3A_1640, %select_n3A_1633 : vector<16xf32>
    %select_n3A_1644 = arith.select %eq3A_1643, %broadcast_in_dim3A_1593, %broadcast_in_dim3A_1595 : vector<16xi1>, vector<16xi32>
    %gt3A_1645 = vector.broadcast %squeeze3A_1637 : f32 to vector<16xf32>
    %gt3A_1646 = arith.cmpf ogt, %select_n3A_1635, %gt3A_1645 : vector<16xf32>
    %select_n3A_1647 = arith.select %gt3A_1646, %broadcast_in_dim3A_1593, %broadcast_in_dim3A_1595 : vector<16xi1>, vector<16xi32>
    %mul3A_1648 = arith.muli %select_n3A_1644, %select_n3A_1647 : vector<16xi32>
    %add3A_1649 = arith.addi %select_n3A_1642, %mul3A_1648 : vector<16xi32>
    %gt3A_1650 = arith.cmpi sgt, %add3A_1649, %broadcast_in_dim3A_1595 : vector<16xi32>
    %select_n3A_1651 = arith.select %gt3A_1650, %abs3A_1640, %select_n3A_1633 : vector<16xi1>, vector<16xf32>
    %broadcast_in_dim3A_1652 = vector.broadcast %squeeze3A_1637 : f32 to vector<16xf32>
    %select_n3A_1653 = arith.select %gt3A_1650, %broadcast_in_dim3A_1652, %select_n3A_1635 : vector<16xi1>, vector<16xf32>
    %slice3A_1654 = vector.extract_strided_slice %get3A_4 {offsets = [3], sizes = [1], strides = [1]} : vector<16xf32> to vector<1xf32>
    %squeeze3A_1655 = vector.extract %slice3A_1654[0] : f32 from vector<1xf32>
    %sub3A_1656 = vector.broadcast %squeeze3A_1655 : f32 to vector<16xf32>
    %sub3A_1657 = arith.subf %convert_element_type3A_1591, %sub3A_1656 : vector<16xf32>
    %abs3A_1658 = math.absf %sub3A_1657 : vector<16xf32>
    %lt3A_1659 = arith.cmpf olt, %abs3A_1658, %select_n3A_1651 : vector<16xf32>
    %select_n3A_1660 = arith.select %lt3A_1659, %broadcast_in_dim3A_1593, %broadcast_in_dim3A_1595 : vector<16xi1>, vector<16xi32>
    %eq3A_1661 = arith.cmpf oeq, %abs3A_1658, %select_n3A_1651 : vector<16xf32>
    %select_n3A_1662 = arith.select %eq3A_1661, %broadcast_in_dim3A_1593, %broadcast_in_dim3A_1595 : vector<16xi1>, vector<16xi32>
    %gt3A_1663 = vector.broadcast %squeeze3A_1655 : f32 to vector<16xf32>
    %gt3A_1664 = arith.cmpf ogt, %select_n3A_1653, %gt3A_1663 : vector<16xf32>
    %select_n3A_1665 = arith.select %gt3A_1664, %broadcast_in_dim3A_1593, %broadcast_in_dim3A_1595 : vector<16xi1>, vector<16xi32>
    %mul3A_1666 = arith.muli %select_n3A_1662, %select_n3A_1665 : vector<16xi32>
    %add3A_1667 = arith.addi %select_n3A_1660, %mul3A_1666 : vector<16xi32>
    %gt3A_1668 = arith.cmpi sgt, %add3A_1667, %broadcast_in_dim3A_1595 : vector<16xi32>
    %select_n3A_1669 = arith.select %gt3A_1668, %abs3A_1658, %select_n3A_1651 : vector<16xi1>, vector<16xf32>
    %broadcast_in_dim3A_1670 = vector.broadcast %squeeze3A_1655 : f32 to vector<16xf32>
    %select_n3A_1671 = arith.select %gt3A_1668, %broadcast_in_dim3A_1670, %select_n3A_1653 : vector<16xi1>, vector<16xf32>
    %slice3A_1672 = vector.extract_strided_slice %get3A_4 {offsets = [4], sizes = [1], strides = [1]} : vector<16xf32> to vector<1xf32>
    %squeeze3A_1673 = vector.extract %slice3A_1672[0] : f32 from vector<1xf32>
    %sub3A_1674 = vector.broadcast %squeeze3A_1673 : f32 to vector<16xf32>
    %sub3A_1675 = arith.subf %convert_element_type3A_1591, %sub3A_1674 : vector<16xf32>
    %abs3A_1676 = math.absf %sub3A_1675 : vector<16xf32>
    %lt3A_1677 = arith.cmpf olt, %abs3A_1676, %select_n3A_1669 : vector<16xf32>
    %select_n3A_1678 = arith.select %lt3A_1677, %broadcast_in_dim3A_1593, %broadcast_in_dim3A_1595 : vector<16xi1>, vector<16xi32>
    %eq3A_1679 = arith.cmpf oeq, %abs3A_1676, %select_n3A_1669 : vector<16xf32>
    %select_n3A_1680 = arith.select %eq3A_1679, %broadcast_in_dim3A_1593, %broadcast_in_dim3A_1595 : vector<16xi1>, vector<16xi32>
    %gt3A_1681 = vector.broadcast %squeeze3A_1673 : f32 to vector<16xf32>
    %gt3A_1682 = arith.cmpf ogt, %select_n3A_1671, %gt3A_1681 : vector<16xf32>
    %select_n3A_1683 = arith.select %gt3A_1682, %broadcast_in_dim3A_1593, %broadcast_in_dim3A_1595 : vector<16xi1>, vector<16xi32>
    %mul3A_1684 = arith.muli %select_n3A_1680, %select_n3A_1683 : vector<16xi32>
    %add3A_1685 = arith.addi %select_n3A_1678, %mul3A_1684 : vector<16xi32>
    %gt3A_1686 = arith.cmpi sgt, %add3A_1685, %broadcast_in_dim3A_1595 : vector<16xi32>
    %select_n3A_1687 = arith.select %gt3A_1686, %abs3A_1676, %select_n3A_1669 : vector<16xi1>, vector<16xf32>
    %broadcast_in_dim3A_1688 = vector.broadcast %squeeze3A_1673 : f32 to vector<16xf32>
    %select_n3A_1689 = arith.select %gt3A_1686, %broadcast_in_dim3A_1688, %select_n3A_1671 : vector<16xi1>, vector<16xf32>
    %slice3A_1690 = vector.extract_strided_slice %get3A_4 {offsets = [5], sizes = [1], strides = [1]} : vector<16xf32> to vector<1xf32>
    %squeeze3A_1691 = vector.extract %slice3A_1690[0] : f32 from vector<1xf32>
    %sub3A_1692 = vector.broadcast %squeeze3A_1691 : f32 to vector<16xf32>
    %sub3A_1693 = arith.subf %convert_element_type3A_1591, %sub3A_1692 : vector<16xf32>
    %abs3A_1694 = math.absf %sub3A_1693 : vector<16xf32>
    %lt3A_1695 = arith.cmpf olt, %abs3A_1694, %select_n3A_1687 : vector<16xf32>
    %select_n3A_1696 = arith.select %lt3A_1695, %broadcast_in_dim3A_1593, %broadcast_in_dim3A_1595 : vector<16xi1>, vector<16xi32>
    %eq3A_1697 = arith.cmpf oeq, %abs3A_1694, %select_n3A_1687 : vector<16xf32>
    %select_n3A_1698 = arith.select %eq3A_1697, %broadcast_in_dim3A_1593, %broadcast_in_dim3A_1595 : vector<16xi1>, vector<16xi32>
    %gt3A_1699 = vector.broadcast %squeeze3A_1691 : f32 to vector<16xf32>
    %gt3A_1700 = arith.cmpf ogt, %select_n3A_1689, %gt3A_1699 : vector<16xf32>
    %select_n3A_1701 = arith.select %gt3A_1700, %broadcast_in_dim3A_1593, %broadcast_in_dim3A_1595 : vector<16xi1>, vector<16xi32>
    %mul3A_1702 = arith.muli %select_n3A_1698, %select_n3A_1701 : vector<16xi32>
    %add3A_1703 = arith.addi %select_n3A_1696, %mul3A_1702 : vector<16xi32>
    %gt3A_1704 = arith.cmpi sgt, %add3A_1703, %broadcast_in_dim3A_1595 : vector<16xi32>
    %select_n3A_1705 = arith.select %gt3A_1704, %abs3A_1694, %select_n3A_1687 : vector<16xi1>, vector<16xf32>
    %broadcast_in_dim3A_1706 = vector.broadcast %squeeze3A_1691 : f32 to vector<16xf32>
    %select_n3A_1707 = arith.select %gt3A_1704, %broadcast_in_dim3A_1706, %select_n3A_1689 : vector<16xi1>, vector<16xf32>
    %slice3A_1708 = vector.extract_strided_slice %get3A_4 {offsets = [6], sizes = [1], strides = [1]} : vector<16xf32> to vector<1xf32>
    %squeeze3A_1709 = vector.extract %slice3A_1708[0] : f32 from vector<1xf32>
    %sub3A_1710 = vector.broadcast %squeeze3A_1709 : f32 to vector<16xf32>
    %sub3A_1711 = arith.subf %convert_element_type3A_1591, %sub3A_1710 : vector<16xf32>
    %abs3A_1712 = math.absf %sub3A_1711 : vector<16xf32>
    %lt3A_1713 = arith.cmpf olt, %abs3A_1712, %select_n3A_1705 : vector<16xf32>
    %select_n3A_1714 = arith.select %lt3A_1713, %broadcast_in_dim3A_1593, %broadcast_in_dim3A_1595 : vector<16xi1>, vector<16xi32>
    %eq3A_1715 = arith.cmpf oeq, %abs3A_1712, %select_n3A_1705 : vector<16xf32>
    %select_n3A_1716 = arith.select %eq3A_1715, %broadcast_in_dim3A_1593, %broadcast_in_dim3A_1595 : vector<16xi1>, vector<16xi32>
    %gt3A_1717 = vector.broadcast %squeeze3A_1709 : f32 to vector<16xf32>
    %gt3A_1718 = arith.cmpf ogt, %select_n3A_1707, %gt3A_1717 : vector<16xf32>
    %select_n3A_1719 = arith.select %gt3A_1718, %broadcast_in_dim3A_1593, %broadcast_in_dim3A_1595 : vector<16xi1>, vector<16xi32>
    %mul3A_1720 = arith.muli %select_n3A_1716, %select_n3A_1719 : vector<16xi32>
    %add3A_1721 = arith.addi %select_n3A_1714, %mul3A_1720 : vector<16xi32>
    %gt3A_1722 = arith.cmpi sgt, %add3A_1721, %broadcast_in_dim3A_1595 : vector<16xi32>
    %select_n3A_1723 = arith.select %gt3A_1722, %abs3A_1712, %select_n3A_1705 : vector<16xi1>, vector<16xf32>
    %broadcast_in_dim3A_1724 = vector.broadcast %squeeze3A_1709 : f32 to vector<16xf32>
    %select_n3A_1725 = arith.select %gt3A_1722, %broadcast_in_dim3A_1724, %select_n3A_1707 : vector<16xi1>, vector<16xf32>
    %slice3A_1726 = vector.extract_strided_slice %get3A_4 {offsets = [7], sizes = [1], strides = [1]} : vector<16xf32> to vector<1xf32>
    %squeeze3A_1727 = vector.extract %slice3A_1726[0] : f32 from vector<1xf32>
    %sub3A_1728 = vector.broadcast %squeeze3A_1727 : f32 to vector<16xf32>
    %sub3A_1729 = arith.subf %convert_element_type3A_1591, %sub3A_1728 : vector<16xf32>
    %abs3A_1730 = math.absf %sub3A_1729 : vector<16xf32>
    %lt3A_1731 = arith.cmpf olt, %abs3A_1730, %select_n3A_1723 : vector<16xf32>
    %select_n3A_1732 = arith.select %lt3A_1731, %broadcast_in_dim3A_1593, %broadcast_in_dim3A_1595 : vector<16xi1>, vector<16xi32>
    %eq3A_1733 = arith.cmpf oeq, %abs3A_1730, %select_n3A_1723 : vector<16xf32>
    %select_n3A_1734 = arith.select %eq3A_1733, %broadcast_in_dim3A_1593, %broadcast_in_dim3A_1595 : vector<16xi1>, vector<16xi32>
    %gt3A_1735 = vector.broadcast %squeeze3A_1727 : f32 to vector<16xf32>
    %gt3A_1736 = arith.cmpf ogt, %select_n3A_1725, %gt3A_1735 : vector<16xf32>
    %select_n3A_1737 = arith.select %gt3A_1736, %broadcast_in_dim3A_1593, %broadcast_in_dim3A_1595 : vector<16xi1>, vector<16xi32>
    %mul3A_1738 = arith.muli %select_n3A_1734, %select_n3A_1737 : vector<16xi32>
    %add3A_1739 = arith.addi %select_n3A_1732, %mul3A_1738 : vector<16xi32>
    %gt3A_1740 = arith.cmpi sgt, %add3A_1739, %broadcast_in_dim3A_1595 : vector<16xi32>
    %select_n3A_1741 = arith.select %gt3A_1740, %abs3A_1730, %select_n3A_1723 : vector<16xi1>, vector<16xf32>
    %broadcast_in_dim3A_1742 = vector.broadcast %squeeze3A_1727 : f32 to vector<16xf32>
    %select_n3A_1743 = arith.select %gt3A_1740, %broadcast_in_dim3A_1742, %select_n3A_1725 : vector<16xi1>, vector<16xf32>
    %slice3A_1744 = vector.extract_strided_slice %get3A_4 {offsets = [8], sizes = [1], strides = [1]} : vector<16xf32> to vector<1xf32>
    %squeeze3A_1745 = vector.extract %slice3A_1744[0] : f32 from vector<1xf32>
    %sub3A_1746 = vector.broadcast %squeeze3A_1745 : f32 to vector<16xf32>
    %sub3A_1747 = arith.subf %convert_element_type3A_1591, %sub3A_1746 : vector<16xf32>
    %abs3A_1748 = math.absf %sub3A_1747 : vector<16xf32>
    %lt3A_1749 = arith.cmpf olt, %abs3A_1748, %select_n3A_1741 : vector<16xf32>
    %select_n3A_1750 = arith.select %lt3A_1749, %broadcast_in_dim3A_1593, %broadcast_in_dim3A_1595 : vector<16xi1>, vector<16xi32>
    %eq3A_1751 = arith.cmpf oeq, %abs3A_1748, %select_n3A_1741 : vector<16xf32>
    %select_n3A_1752 = arith.select %eq3A_1751, %broadcast_in_dim3A_1593, %broadcast_in_dim3A_1595 : vector<16xi1>, vector<16xi32>
    %gt3A_1753 = vector.broadcast %squeeze3A_1745 : f32 to vector<16xf32>
    %gt3A_1754 = arith.cmpf ogt, %select_n3A_1743, %gt3A_1753 : vector<16xf32>
    %select_n3A_1755 = arith.select %gt3A_1754, %broadcast_in_dim3A_1593, %broadcast_in_dim3A_1595 : vector<16xi1>, vector<16xi32>
    %mul3A_1756 = arith.muli %select_n3A_1752, %select_n3A_1755 : vector<16xi32>
    %add3A_1757 = arith.addi %select_n3A_1750, %mul3A_1756 : vector<16xi32>
    %gt3A_1758 = arith.cmpi sgt, %add3A_1757, %broadcast_in_dim3A_1595 : vector<16xi32>
    %select_n3A_1759 = arith.select %gt3A_1758, %abs3A_1748, %select_n3A_1741 : vector<16xi1>, vector<16xf32>
    %broadcast_in_dim3A_1760 = vector.broadcast %squeeze3A_1745 : f32 to vector<16xf32>
    %select_n3A_1761 = arith.select %gt3A_1758, %broadcast_in_dim3A_1760, %select_n3A_1743 : vector<16xi1>, vector<16xf32>
    %slice3A_1762 = vector.extract_strided_slice %get3A_4 {offsets = [9], sizes = [1], strides = [1]} : vector<16xf32> to vector<1xf32>
    %squeeze3A_1763 = vector.extract %slice3A_1762[0] : f32 from vector<1xf32>
    %sub3A_1764 = vector.broadcast %squeeze3A_1763 : f32 to vector<16xf32>
    %sub3A_1765 = arith.subf %convert_element_type3A_1591, %sub3A_1764 : vector<16xf32>
    %abs3A_1766 = math.absf %sub3A_1765 : vector<16xf32>
    %lt3A_1767 = arith.cmpf olt, %abs3A_1766, %select_n3A_1759 : vector<16xf32>
    %select_n3A_1768 = arith.select %lt3A_1767, %broadcast_in_dim3A_1593, %broadcast_in_dim3A_1595 : vector<16xi1>, vector<16xi32>
    %eq3A_1769 = arith.cmpf oeq, %abs3A_1766, %select_n3A_1759 : vector<16xf32>
    %select_n3A_1770 = arith.select %eq3A_1769, %broadcast_in_dim3A_1593, %broadcast_in_dim3A_1595 : vector<16xi1>, vector<16xi32>
    %gt3A_1771 = vector.broadcast %squeeze3A_1763 : f32 to vector<16xf32>
    %gt3A_1772 = arith.cmpf ogt, %select_n3A_1761, %gt3A_1771 : vector<16xf32>
    %select_n3A_1773 = arith.select %gt3A_1772, %broadcast_in_dim3A_1593, %broadcast_in_dim3A_1595 : vector<16xi1>, vector<16xi32>
    %mul3A_1774 = arith.muli %select_n3A_1770, %select_n3A_1773 : vector<16xi32>
    %add3A_1775 = arith.addi %select_n3A_1768, %mul3A_1774 : vector<16xi32>
    %gt3A_1776 = arith.cmpi sgt, %add3A_1775, %broadcast_in_dim3A_1595 : vector<16xi32>
    %select_n3A_1777 = arith.select %gt3A_1776, %abs3A_1766, %select_n3A_1759 : vector<16xi1>, vector<16xf32>
    %broadcast_in_dim3A_1778 = vector.broadcast %squeeze3A_1763 : f32 to vector<16xf32>
    %select_n3A_1779 = arith.select %gt3A_1776, %broadcast_in_dim3A_1778, %select_n3A_1761 : vector<16xi1>, vector<16xf32>
    %slice3A_1780 = vector.extract_strided_slice %get3A_4 {offsets = [10], sizes = [1], strides = [1]} : vector<16xf32> to vector<1xf32>
    %squeeze3A_1781 = vector.extract %slice3A_1780[0] : f32 from vector<1xf32>
    %sub3A_1782 = vector.broadcast %squeeze3A_1781 : f32 to vector<16xf32>
    %sub3A_1783 = arith.subf %convert_element_type3A_1591, %sub3A_1782 : vector<16xf32>
    %abs3A_1784 = math.absf %sub3A_1783 : vector<16xf32>
    %lt3A_1785 = arith.cmpf olt, %abs3A_1784, %select_n3A_1777 : vector<16xf32>
    %select_n3A_1786 = arith.select %lt3A_1785, %broadcast_in_dim3A_1593, %broadcast_in_dim3A_1595 : vector<16xi1>, vector<16xi32>
    %eq3A_1787 = arith.cmpf oeq, %abs3A_1784, %select_n3A_1777 : vector<16xf32>
    %select_n3A_1788 = arith.select %eq3A_1787, %broadcast_in_dim3A_1593, %broadcast_in_dim3A_1595 : vector<16xi1>, vector<16xi32>
    %gt3A_1789 = vector.broadcast %squeeze3A_1781 : f32 to vector<16xf32>
    %gt3A_1790 = arith.cmpf ogt, %select_n3A_1779, %gt3A_1789 : vector<16xf32>
    %select_n3A_1791 = arith.select %gt3A_1790, %broadcast_in_dim3A_1593, %broadcast_in_dim3A_1595 : vector<16xi1>, vector<16xi32>
    %mul3A_1792 = arith.muli %select_n3A_1788, %select_n3A_1791 : vector<16xi32>
    %add3A_1793 = arith.addi %select_n3A_1786, %mul3A_1792 : vector<16xi32>
    %gt3A_1794 = arith.cmpi sgt, %add3A_1793, %broadcast_in_dim3A_1595 : vector<16xi32>
    %select_n3A_1795 = arith.select %gt3A_1794, %abs3A_1784, %select_n3A_1777 : vector<16xi1>, vector<16xf32>
    %broadcast_in_dim3A_1796 = vector.broadcast %squeeze3A_1781 : f32 to vector<16xf32>
    %select_n3A_1797 = arith.select %gt3A_1794, %broadcast_in_dim3A_1796, %select_n3A_1779 : vector<16xi1>, vector<16xf32>
    %slice3A_1798 = vector.extract_strided_slice %get3A_4 {offsets = [11], sizes = [1], strides = [1]} : vector<16xf32> to vector<1xf32>
    %squeeze3A_1799 = vector.extract %slice3A_1798[0] : f32 from vector<1xf32>
    %sub3A_1800 = vector.broadcast %squeeze3A_1799 : f32 to vector<16xf32>
    %sub3A_1801 = arith.subf %convert_element_type3A_1591, %sub3A_1800 : vector<16xf32>
    %abs3A_1802 = math.absf %sub3A_1801 : vector<16xf32>
    %lt3A_1803 = arith.cmpf olt, %abs3A_1802, %select_n3A_1795 : vector<16xf32>
    %select_n3A_1804 = arith.select %lt3A_1803, %broadcast_in_dim3A_1593, %broadcast_in_dim3A_1595 : vector<16xi1>, vector<16xi32>
    %eq3A_1805 = arith.cmpf oeq, %abs3A_1802, %select_n3A_1795 : vector<16xf32>
    %select_n3A_1806 = arith.select %eq3A_1805, %broadcast_in_dim3A_1593, %broadcast_in_dim3A_1595 : vector<16xi1>, vector<16xi32>
    %gt3A_1807 = vector.broadcast %squeeze3A_1799 : f32 to vector<16xf32>
    %gt3A_1808 = arith.cmpf ogt, %select_n3A_1797, %gt3A_1807 : vector<16xf32>
    %select_n3A_1809 = arith.select %gt3A_1808, %broadcast_in_dim3A_1593, %broadcast_in_dim3A_1595 : vector<16xi1>, vector<16xi32>
    %mul3A_1810 = arith.muli %select_n3A_1806, %select_n3A_1809 : vector<16xi32>
    %add3A_1811 = arith.addi %select_n3A_1804, %mul3A_1810 : vector<16xi32>
    %gt3A_1812 = arith.cmpi sgt, %add3A_1811, %broadcast_in_dim3A_1595 : vector<16xi32>
    %select_n3A_1813 = arith.select %gt3A_1812, %abs3A_1802, %select_n3A_1795 : vector<16xi1>, vector<16xf32>
    %broadcast_in_dim3A_1814 = vector.broadcast %squeeze3A_1799 : f32 to vector<16xf32>
    %select_n3A_1815 = arith.select %gt3A_1812, %broadcast_in_dim3A_1814, %select_n3A_1797 : vector<16xi1>, vector<16xf32>
    %slice3A_1816 = vector.extract_strided_slice %get3A_4 {offsets = [12], sizes = [1], strides = [1]} : vector<16xf32> to vector<1xf32>
    %squeeze3A_1817 = vector.extract %slice3A_1816[0] : f32 from vector<1xf32>
    %sub3A_1818 = vector.broadcast %squeeze3A_1817 : f32 to vector<16xf32>
    %sub3A_1819 = arith.subf %convert_element_type3A_1591, %sub3A_1818 : vector<16xf32>
    %abs3A_1820 = math.absf %sub3A_1819 : vector<16xf32>
    %lt3A_1821 = arith.cmpf olt, %abs3A_1820, %select_n3A_1813 : vector<16xf32>
    %select_n3A_1822 = arith.select %lt3A_1821, %broadcast_in_dim3A_1593, %broadcast_in_dim3A_1595 : vector<16xi1>, vector<16xi32>
    %eq3A_1823 = arith.cmpf oeq, %abs3A_1820, %select_n3A_1813 : vector<16xf32>
    %select_n3A_1824 = arith.select %eq3A_1823, %broadcast_in_dim3A_1593, %broadcast_in_dim3A_1595 : vector<16xi1>, vector<16xi32>
    %gt3A_1825 = vector.broadcast %squeeze3A_1817 : f32 to vector<16xf32>
    %gt3A_1826 = arith.cmpf ogt, %select_n3A_1815, %gt3A_1825 : vector<16xf32>
    %select_n3A_1827 = arith.select %gt3A_1826, %broadcast_in_dim3A_1593, %broadcast_in_dim3A_1595 : vector<16xi1>, vector<16xi32>
    %mul3A_1828 = arith.muli %select_n3A_1824, %select_n3A_1827 : vector<16xi32>
    %add3A_1829 = arith.addi %select_n3A_1822, %mul3A_1828 : vector<16xi32>
    %gt3A_1830 = arith.cmpi sgt, %add3A_1829, %broadcast_in_dim3A_1595 : vector<16xi32>
    %select_n3A_1831 = arith.select %gt3A_1830, %abs3A_1820, %select_n3A_1813 : vector<16xi1>, vector<16xf32>
    %broadcast_in_dim3A_1832 = vector.broadcast %squeeze3A_1817 : f32 to vector<16xf32>
    %select_n3A_1833 = arith.select %gt3A_1830, %broadcast_in_dim3A_1832, %select_n3A_1815 : vector<16xi1>, vector<16xf32>
    %slice3A_1834 = vector.extract_strided_slice %get3A_4 {offsets = [13], sizes = [1], strides = [1]} : vector<16xf32> to vector<1xf32>
    %squeeze3A_1835 = vector.extract %slice3A_1834[0] : f32 from vector<1xf32>
    %sub3A_1836 = vector.broadcast %squeeze3A_1835 : f32 to vector<16xf32>
    %sub3A_1837 = arith.subf %convert_element_type3A_1591, %sub3A_1836 : vector<16xf32>
    %abs3A_1838 = math.absf %sub3A_1837 : vector<16xf32>
    %lt3A_1839 = arith.cmpf olt, %abs3A_1838, %select_n3A_1831 : vector<16xf32>
    %select_n3A_1840 = arith.select %lt3A_1839, %broadcast_in_dim3A_1593, %broadcast_in_dim3A_1595 : vector<16xi1>, vector<16xi32>
    %eq3A_1841 = arith.cmpf oeq, %abs3A_1838, %select_n3A_1831 : vector<16xf32>
    %select_n3A_1842 = arith.select %eq3A_1841, %broadcast_in_dim3A_1593, %broadcast_in_dim3A_1595 : vector<16xi1>, vector<16xi32>
    %gt3A_1843 = vector.broadcast %squeeze3A_1835 : f32 to vector<16xf32>
    %gt3A_1844 = arith.cmpf ogt, %select_n3A_1833, %gt3A_1843 : vector<16xf32>
    %select_n3A_1845 = arith.select %gt3A_1844, %broadcast_in_dim3A_1593, %broadcast_in_dim3A_1595 : vector<16xi1>, vector<16xi32>
    %mul3A_1846 = arith.muli %select_n3A_1842, %select_n3A_1845 : vector<16xi32>
    %add3A_1847 = arith.addi %select_n3A_1840, %mul3A_1846 : vector<16xi32>
    %gt3A_1848 = arith.cmpi sgt, %add3A_1847, %broadcast_in_dim3A_1595 : vector<16xi32>
    %select_n3A_1849 = arith.select %gt3A_1848, %abs3A_1838, %select_n3A_1831 : vector<16xi1>, vector<16xf32>
    %broadcast_in_dim3A_1850 = vector.broadcast %squeeze3A_1835 : f32 to vector<16xf32>
    %select_n3A_1851 = arith.select %gt3A_1848, %broadcast_in_dim3A_1850, %select_n3A_1833 : vector<16xi1>, vector<16xf32>
    %slice3A_1852 = vector.extract_strided_slice %get3A_4 {offsets = [14], sizes = [1], strides = [1]} : vector<16xf32> to vector<1xf32>
    %squeeze3A_1853 = vector.extract %slice3A_1852[0] : f32 from vector<1xf32>
    %sub3A_1854 = vector.broadcast %squeeze3A_1853 : f32 to vector<16xf32>
    %sub3A_1855 = arith.subf %convert_element_type3A_1591, %sub3A_1854 : vector<16xf32>
    %abs3A_1856 = math.absf %sub3A_1855 : vector<16xf32>
    %lt3A_1857 = arith.cmpf olt, %abs3A_1856, %select_n3A_1849 : vector<16xf32>
    %select_n3A_1858 = arith.select %lt3A_1857, %broadcast_in_dim3A_1593, %broadcast_in_dim3A_1595 : vector<16xi1>, vector<16xi32>
    %eq3A_1859 = arith.cmpf oeq, %abs3A_1856, %select_n3A_1849 : vector<16xf32>
    %select_n3A_1860 = arith.select %eq3A_1859, %broadcast_in_dim3A_1593, %broadcast_in_dim3A_1595 : vector<16xi1>, vector<16xi32>
    %gt3A_1861 = vector.broadcast %squeeze3A_1853 : f32 to vector<16xf32>
    %gt3A_1862 = arith.cmpf ogt, %select_n3A_1851, %gt3A_1861 : vector<16xf32>
    %select_n3A_1863 = arith.select %gt3A_1862, %broadcast_in_dim3A_1593, %broadcast_in_dim3A_1595 : vector<16xi1>, vector<16xi32>
    %mul3A_1864 = arith.muli %select_n3A_1860, %select_n3A_1863 : vector<16xi32>
    %add3A_1865 = arith.addi %select_n3A_1858, %mul3A_1864 : vector<16xi32>
    %gt3A_1866 = arith.cmpi sgt, %add3A_1865, %broadcast_in_dim3A_1595 : vector<16xi32>
    %select_n3A_1867 = arith.select %gt3A_1866, %abs3A_1856, %select_n3A_1849 : vector<16xi1>, vector<16xf32>
    %broadcast_in_dim3A_1868 = vector.broadcast %squeeze3A_1853 : f32 to vector<16xf32>
    %select_n3A_1869 = arith.select %gt3A_1866, %broadcast_in_dim3A_1868, %select_n3A_1851 : vector<16xi1>, vector<16xf32>
    %slice3A_1870 = vector.extract_strided_slice %get3A_4 {offsets = [15], sizes = [1], strides = [1]} : vector<16xf32> to vector<1xf32>
    %squeeze3A_1871 = vector.extract %slice3A_1870[0] : f32 from vector<1xf32>
    %sub3A_1872 = vector.broadcast %squeeze3A_1871 : f32 to vector<16xf32>
    %sub3A_1873 = arith.subf %convert_element_type3A_1591, %sub3A_1872 : vector<16xf32>
    %abs3A_1874 = math.absf %sub3A_1873 : vector<16xf32>
    %lt3A_1875 = arith.cmpf olt, %abs3A_1874, %select_n3A_1867 : vector<16xf32>
    %select_n3A_1876 = arith.select %lt3A_1875, %broadcast_in_dim3A_1593, %broadcast_in_dim3A_1595 : vector<16xi1>, vector<16xi32>
    %eq3A_1877 = arith.cmpf oeq, %abs3A_1874, %select_n3A_1867 : vector<16xf32>
    %select_n3A_1878 = arith.select %eq3A_1877, %broadcast_in_dim3A_1593, %broadcast_in_dim3A_1595 : vector<16xi1>, vector<16xi32>
    %gt3A_1879 = vector.broadcast %squeeze3A_1871 : f32 to vector<16xf32>
    %gt3A_1880 = arith.cmpf ogt, %select_n3A_1869, %gt3A_1879 : vector<16xf32>
    %select_n3A_1881 = arith.select %gt3A_1880, %broadcast_in_dim3A_1593, %broadcast_in_dim3A_1595 : vector<16xi1>, vector<16xi32>
    %mul3A_1882 = arith.muli %select_n3A_1878, %select_n3A_1881 : vector<16xi32>
    %add3A_1883 = arith.addi %select_n3A_1876, %mul3A_1882 : vector<16xi32>
    %gt3A_1884 = arith.cmpi sgt, %add3A_1883, %broadcast_in_dim3A_1595 : vector<16xi32>
    %select_n3A_1885 = arith.select %gt3A_1884, %abs3A_1874, %select_n3A_1867 : vector<16xi1>, vector<16xf32>
    %broadcast_in_dim3A_1886 = vector.broadcast %squeeze3A_1871 : f32 to vector<16xf32>
    %select_n3A_1887 = arith.select %gt3A_1884, %broadcast_in_dim3A_1886, %select_n3A_1869 : vector<16xi1>, vector<16xf32>
    %slice3A_1888 = vector.extract_strided_slice %get3A_7 {offsets = [0], sizes = [1], strides = [1]} : vector<16xf32> to vector<1xf32>
    %squeeze3A_1889 = vector.extract %slice3A_1888[0] : f32 from vector<1xf32>
    %sub3A_1890 = vector.broadcast %squeeze3A_1889 : f32 to vector<16xf32>
    %sub3A_1891 = arith.subf %convert_element_type3A_1591, %sub3A_1890 : vector<16xf32>
    %abs3A_1892 = math.absf %sub3A_1891 : vector<16xf32>
    %lt3A_1893 = arith.cmpf olt, %abs3A_1892, %select_n3A_1885 : vector<16xf32>
    %select_n3A_1894 = arith.select %lt3A_1893, %broadcast_in_dim3A_1593, %broadcast_in_dim3A_1595 : vector<16xi1>, vector<16xi32>
    %eq3A_1895 = arith.cmpf oeq, %abs3A_1892, %select_n3A_1885 : vector<16xf32>
    %select_n3A_1896 = arith.select %eq3A_1895, %broadcast_in_dim3A_1593, %broadcast_in_dim3A_1595 : vector<16xi1>, vector<16xi32>
    %gt3A_1897 = vector.broadcast %squeeze3A_1889 : f32 to vector<16xf32>
    %gt3A_1898 = arith.cmpf ogt, %select_n3A_1887, %gt3A_1897 : vector<16xf32>
    %select_n3A_1899 = arith.select %gt3A_1898, %broadcast_in_dim3A_1593, %broadcast_in_dim3A_1595 : vector<16xi1>, vector<16xi32>
    %mul3A_1900 = arith.muli %select_n3A_1896, %select_n3A_1899 : vector<16xi32>
    %add3A_1901 = arith.addi %select_n3A_1894, %mul3A_1900 : vector<16xi32>
    %gt3A_1902 = arith.cmpi sgt, %add3A_1901, %broadcast_in_dim3A_1595 : vector<16xi32>
    %select_n3A_1903 = arith.select %gt3A_1902, %abs3A_1892, %select_n3A_1885 : vector<16xi1>, vector<16xf32>
    %broadcast_in_dim3A_1904 = vector.broadcast %squeeze3A_1889 : f32 to vector<16xf32>
    %select_n3A_1905 = arith.select %gt3A_1902, %broadcast_in_dim3A_1904, %select_n3A_1887 : vector<16xi1>, vector<16xf32>
    %slice3A_1906 = vector.extract_strided_slice %get3A_7 {offsets = [1], sizes = [1], strides = [1]} : vector<16xf32> to vector<1xf32>
    %squeeze3A_1907 = vector.extract %slice3A_1906[0] : f32 from vector<1xf32>
    %sub3A_1908 = vector.broadcast %squeeze3A_1907 : f32 to vector<16xf32>
    %sub3A_1909 = arith.subf %convert_element_type3A_1591, %sub3A_1908 : vector<16xf32>
    %abs3A_1910 = math.absf %sub3A_1909 : vector<16xf32>
    %lt3A_1911 = arith.cmpf olt, %abs3A_1910, %select_n3A_1903 : vector<16xf32>
    %select_n3A_1912 = arith.select %lt3A_1911, %broadcast_in_dim3A_1593, %broadcast_in_dim3A_1595 : vector<16xi1>, vector<16xi32>
    %eq3A_1913 = arith.cmpf oeq, %abs3A_1910, %select_n3A_1903 : vector<16xf32>
    %select_n3A_1914 = arith.select %eq3A_1913, %broadcast_in_dim3A_1593, %broadcast_in_dim3A_1595 : vector<16xi1>, vector<16xi32>
    %gt3A_1915 = vector.broadcast %squeeze3A_1907 : f32 to vector<16xf32>
    %gt3A_1916 = arith.cmpf ogt, %select_n3A_1905, %gt3A_1915 : vector<16xf32>
    %select_n3A_1917 = arith.select %gt3A_1916, %broadcast_in_dim3A_1593, %broadcast_in_dim3A_1595 : vector<16xi1>, vector<16xi32>
    %mul3A_1918 = arith.muli %select_n3A_1914, %select_n3A_1917 : vector<16xi32>
    %add3A_1919 = arith.addi %select_n3A_1912, %mul3A_1918 : vector<16xi32>
    %gt3A_1920 = arith.cmpi sgt, %add3A_1919, %broadcast_in_dim3A_1595 : vector<16xi32>
    %select_n3A_1921 = arith.select %gt3A_1920, %abs3A_1910, %select_n3A_1903 : vector<16xi1>, vector<16xf32>
    %broadcast_in_dim3A_1922 = vector.broadcast %squeeze3A_1907 : f32 to vector<16xf32>
    %select_n3A_1923 = arith.select %gt3A_1920, %broadcast_in_dim3A_1922, %select_n3A_1905 : vector<16xi1>, vector<16xf32>
    %slice3A_1924 = vector.extract_strided_slice %get3A_7 {offsets = [2], sizes = [1], strides = [1]} : vector<16xf32> to vector<1xf32>
    %squeeze3A_1925 = vector.extract %slice3A_1924[0] : f32 from vector<1xf32>
    %sub3A_1926 = vector.broadcast %squeeze3A_1925 : f32 to vector<16xf32>
    %sub3A_1927 = arith.subf %convert_element_type3A_1591, %sub3A_1926 : vector<16xf32>
    %abs3A_1928 = math.absf %sub3A_1927 : vector<16xf32>
    %lt3A_1929 = arith.cmpf olt, %abs3A_1928, %select_n3A_1921 : vector<16xf32>
    %select_n3A_1930 = arith.select %lt3A_1929, %broadcast_in_dim3A_1593, %broadcast_in_dim3A_1595 : vector<16xi1>, vector<16xi32>
    %eq3A_1931 = arith.cmpf oeq, %abs3A_1928, %select_n3A_1921 : vector<16xf32>
    %select_n3A_1932 = arith.select %eq3A_1931, %broadcast_in_dim3A_1593, %broadcast_in_dim3A_1595 : vector<16xi1>, vector<16xi32>
    %gt3A_1933 = vector.broadcast %squeeze3A_1925 : f32 to vector<16xf32>
    %gt3A_1934 = arith.cmpf ogt, %select_n3A_1923, %gt3A_1933 : vector<16xf32>
    %select_n3A_1935 = arith.select %gt3A_1934, %broadcast_in_dim3A_1593, %broadcast_in_dim3A_1595 : vector<16xi1>, vector<16xi32>
    %mul3A_1936 = arith.muli %select_n3A_1932, %select_n3A_1935 : vector<16xi32>
    %add3A_1937 = arith.addi %select_n3A_1930, %mul3A_1936 : vector<16xi32>
    %gt3A_1938 = arith.cmpi sgt, %add3A_1937, %broadcast_in_dim3A_1595 : vector<16xi32>
    %select_n3A_1939 = arith.select %gt3A_1938, %abs3A_1928, %select_n3A_1921 : vector<16xi1>, vector<16xf32>
    %broadcast_in_dim3A_1940 = vector.broadcast %squeeze3A_1925 : f32 to vector<16xf32>
    %select_n3A_1941 = arith.select %gt3A_1938, %broadcast_in_dim3A_1940, %select_n3A_1923 : vector<16xi1>, vector<16xf32>
    %slice3A_1942 = vector.extract_strided_slice %get3A_7 {offsets = [3], sizes = [1], strides = [1]} : vector<16xf32> to vector<1xf32>
    %squeeze3A_1943 = vector.extract %slice3A_1942[0] : f32 from vector<1xf32>
    %sub3A_1944 = vector.broadcast %squeeze3A_1943 : f32 to vector<16xf32>
    %sub3A_1945 = arith.subf %convert_element_type3A_1591, %sub3A_1944 : vector<16xf32>
    %abs3A_1946 = math.absf %sub3A_1945 : vector<16xf32>
    %lt3A_1947 = arith.cmpf olt, %abs3A_1946, %select_n3A_1939 : vector<16xf32>
    %select_n3A_1948 = arith.select %lt3A_1947, %broadcast_in_dim3A_1593, %broadcast_in_dim3A_1595 : vector<16xi1>, vector<16xi32>
    %eq3A_1949 = arith.cmpf oeq, %abs3A_1946, %select_n3A_1939 : vector<16xf32>
    %select_n3A_1950 = arith.select %eq3A_1949, %broadcast_in_dim3A_1593, %broadcast_in_dim3A_1595 : vector<16xi1>, vector<16xi32>
    %gt3A_1951 = vector.broadcast %squeeze3A_1943 : f32 to vector<16xf32>
    %gt3A_1952 = arith.cmpf ogt, %select_n3A_1941, %gt3A_1951 : vector<16xf32>
    %select_n3A_1953 = arith.select %gt3A_1952, %broadcast_in_dim3A_1593, %broadcast_in_dim3A_1595 : vector<16xi1>, vector<16xi32>
    %mul3A_1954 = arith.muli %select_n3A_1950, %select_n3A_1953 : vector<16xi32>
    %add3A_1955 = arith.addi %select_n3A_1948, %mul3A_1954 : vector<16xi32>
    %gt3A_1956 = arith.cmpi sgt, %add3A_1955, %broadcast_in_dim3A_1595 : vector<16xi32>
    %select_n3A_1957 = arith.select %gt3A_1956, %abs3A_1946, %select_n3A_1939 : vector<16xi1>, vector<16xf32>
    %broadcast_in_dim3A_1958 = vector.broadcast %squeeze3A_1943 : f32 to vector<16xf32>
    %select_n3A_1959 = arith.select %gt3A_1956, %broadcast_in_dim3A_1958, %select_n3A_1941 : vector<16xi1>, vector<16xf32>
    %slice3A_1960 = vector.extract_strided_slice %get3A_7 {offsets = [4], sizes = [1], strides = [1]} : vector<16xf32> to vector<1xf32>
    %squeeze3A_1961 = vector.extract %slice3A_1960[0] : f32 from vector<1xf32>
    %sub3A_1962 = vector.broadcast %squeeze3A_1961 : f32 to vector<16xf32>
    %sub3A_1963 = arith.subf %convert_element_type3A_1591, %sub3A_1962 : vector<16xf32>
    %abs3A_1964 = math.absf %sub3A_1963 : vector<16xf32>
    %lt3A_1965 = arith.cmpf olt, %abs3A_1964, %select_n3A_1957 : vector<16xf32>
    %select_n3A_1966 = arith.select %lt3A_1965, %broadcast_in_dim3A_1593, %broadcast_in_dim3A_1595 : vector<16xi1>, vector<16xi32>
    %eq3A_1967 = arith.cmpf oeq, %abs3A_1964, %select_n3A_1957 : vector<16xf32>
    %select_n3A_1968 = arith.select %eq3A_1967, %broadcast_in_dim3A_1593, %broadcast_in_dim3A_1595 : vector<16xi1>, vector<16xi32>
    %gt3A_1969 = vector.broadcast %squeeze3A_1961 : f32 to vector<16xf32>
    %gt3A_1970 = arith.cmpf ogt, %select_n3A_1959, %gt3A_1969 : vector<16xf32>
    %select_n3A_1971 = arith.select %gt3A_1970, %broadcast_in_dim3A_1593, %broadcast_in_dim3A_1595 : vector<16xi1>, vector<16xi32>
    %mul3A_1972 = arith.muli %select_n3A_1968, %select_n3A_1971 : vector<16xi32>
    %add3A_1973 = arith.addi %select_n3A_1966, %mul3A_1972 : vector<16xi32>
    %gt3A_1974 = arith.cmpi sgt, %add3A_1973, %broadcast_in_dim3A_1595 : vector<16xi32>
    %select_n3A_1975 = arith.select %gt3A_1974, %abs3A_1964, %select_n3A_1957 : vector<16xi1>, vector<16xf32>
    %broadcast_in_dim3A_1976 = vector.broadcast %squeeze3A_1961 : f32 to vector<16xf32>
    %select_n3A_1977 = arith.select %gt3A_1974, %broadcast_in_dim3A_1976, %select_n3A_1959 : vector<16xi1>, vector<16xf32>
    %slice3A_1978 = vector.extract_strided_slice %get3A_7 {offsets = [5], sizes = [1], strides = [1]} : vector<16xf32> to vector<1xf32>
    %squeeze3A_1979 = vector.extract %slice3A_1978[0] : f32 from vector<1xf32>
    %sub3A_1980 = vector.broadcast %squeeze3A_1979 : f32 to vector<16xf32>
    %sub3A_1981 = arith.subf %convert_element_type3A_1591, %sub3A_1980 : vector<16xf32>
    %abs3A_1982 = math.absf %sub3A_1981 : vector<16xf32>
    %lt3A_1983 = arith.cmpf olt, %abs3A_1982, %select_n3A_1975 : vector<16xf32>
    %select_n3A_1984 = arith.select %lt3A_1983, %broadcast_in_dim3A_1593, %broadcast_in_dim3A_1595 : vector<16xi1>, vector<16xi32>
    %eq3A_1985 = arith.cmpf oeq, %abs3A_1982, %select_n3A_1975 : vector<16xf32>
    %select_n3A_1986 = arith.select %eq3A_1985, %broadcast_in_dim3A_1593, %broadcast_in_dim3A_1595 : vector<16xi1>, vector<16xi32>
    %gt3A_1987 = vector.broadcast %squeeze3A_1979 : f32 to vector<16xf32>
    %gt3A_1988 = arith.cmpf ogt, %select_n3A_1977, %gt3A_1987 : vector<16xf32>
    %select_n3A_1989 = arith.select %gt3A_1988, %broadcast_in_dim3A_1593, %broadcast_in_dim3A_1595 : vector<16xi1>, vector<16xi32>
    %mul3A_1990 = arith.muli %select_n3A_1986, %select_n3A_1989 : vector<16xi32>
    %add3A_1991 = arith.addi %select_n3A_1984, %mul3A_1990 : vector<16xi32>
    %gt3A_1992 = arith.cmpi sgt, %add3A_1991, %broadcast_in_dim3A_1595 : vector<16xi32>
    %select_n3A_1993 = arith.select %gt3A_1992, %abs3A_1982, %select_n3A_1975 : vector<16xi1>, vector<16xf32>
    %broadcast_in_dim3A_1994 = vector.broadcast %squeeze3A_1979 : f32 to vector<16xf32>
    %select_n3A_1995 = arith.select %gt3A_1992, %broadcast_in_dim3A_1994, %select_n3A_1977 : vector<16xi1>, vector<16xf32>
    %slice3A_1996 = vector.extract_strided_slice %get3A_7 {offsets = [6], sizes = [1], strides = [1]} : vector<16xf32> to vector<1xf32>
    %squeeze3A_1997 = vector.extract %slice3A_1996[0] : f32 from vector<1xf32>
    %sub3A_1998 = vector.broadcast %squeeze3A_1997 : f32 to vector<16xf32>
    %sub3A_1999 = arith.subf %convert_element_type3A_1591, %sub3A_1998 : vector<16xf32>
    %abs3A_2000 = math.absf %sub3A_1999 : vector<16xf32>
    %lt3A_2001 = arith.cmpf olt, %abs3A_2000, %select_n3A_1993 : vector<16xf32>
    %select_n3A_2002 = arith.select %lt3A_2001, %broadcast_in_dim3A_1593, %broadcast_in_dim3A_1595 : vector<16xi1>, vector<16xi32>
    %eq3A_2003 = arith.cmpf oeq, %abs3A_2000, %select_n3A_1993 : vector<16xf32>
    %select_n3A_2004 = arith.select %eq3A_2003, %broadcast_in_dim3A_1593, %broadcast_in_dim3A_1595 : vector<16xi1>, vector<16xi32>
    %gt3A_2005 = vector.broadcast %squeeze3A_1997 : f32 to vector<16xf32>
    %gt3A_2006 = arith.cmpf ogt, %select_n3A_1995, %gt3A_2005 : vector<16xf32>
    %select_n3A_2007 = arith.select %gt3A_2006, %broadcast_in_dim3A_1593, %broadcast_in_dim3A_1595 : vector<16xi1>, vector<16xi32>
    %mul3A_2008 = arith.muli %select_n3A_2004, %select_n3A_2007 : vector<16xi32>
    %add3A_2009 = arith.addi %select_n3A_2002, %mul3A_2008 : vector<16xi32>
    %gt3A_2010 = arith.cmpi sgt, %add3A_2009, %broadcast_in_dim3A_1595 : vector<16xi32>
    %select_n3A_2011 = arith.select %gt3A_2010, %abs3A_2000, %select_n3A_1993 : vector<16xi1>, vector<16xf32>
    %broadcast_in_dim3A_2012 = vector.broadcast %squeeze3A_1997 : f32 to vector<16xf32>
    %select_n3A_2013 = arith.select %gt3A_2010, %broadcast_in_dim3A_2012, %select_n3A_1995 : vector<16xi1>, vector<16xf32>
    %slice3A_2014 = vector.extract_strided_slice %get3A_7 {offsets = [7], sizes = [1], strides = [1]} : vector<16xf32> to vector<1xf32>
    %squeeze3A_2015 = vector.extract %slice3A_2014[0] : f32 from vector<1xf32>
    %sub3A_2016 = vector.broadcast %squeeze3A_2015 : f32 to vector<16xf32>
    %sub3A_2017 = arith.subf %convert_element_type3A_1591, %sub3A_2016 : vector<16xf32>
    %abs3A_2018 = math.absf %sub3A_2017 : vector<16xf32>
    %lt3A_2019 = arith.cmpf olt, %abs3A_2018, %select_n3A_2011 : vector<16xf32>
    %select_n3A_2020 = arith.select %lt3A_2019, %broadcast_in_dim3A_1593, %broadcast_in_dim3A_1595 : vector<16xi1>, vector<16xi32>
    %eq3A_2021 = arith.cmpf oeq, %abs3A_2018, %select_n3A_2011 : vector<16xf32>
    %select_n3A_2022 = arith.select %eq3A_2021, %broadcast_in_dim3A_1593, %broadcast_in_dim3A_1595 : vector<16xi1>, vector<16xi32>
    %gt3A_2023 = vector.broadcast %squeeze3A_2015 : f32 to vector<16xf32>
    %gt3A_2024 = arith.cmpf ogt, %select_n3A_2013, %gt3A_2023 : vector<16xf32>
    %select_n3A_2025 = arith.select %gt3A_2024, %broadcast_in_dim3A_1593, %broadcast_in_dim3A_1595 : vector<16xi1>, vector<16xi32>
    %mul3A_2026 = arith.muli %select_n3A_2022, %select_n3A_2025 : vector<16xi32>
    %add3A_2027 = arith.addi %select_n3A_2020, %mul3A_2026 : vector<16xi32>
    %gt3A_2028 = arith.cmpi sgt, %add3A_2027, %broadcast_in_dim3A_1595 : vector<16xi32>
    %select_n3A_2029 = arith.select %gt3A_2028, %abs3A_2018, %select_n3A_2011 : vector<16xi1>, vector<16xf32>
    %broadcast_in_dim3A_2030 = vector.broadcast %squeeze3A_2015 : f32 to vector<16xf32>
    %select_n3A_2031 = arith.select %gt3A_2028, %broadcast_in_dim3A_2030, %select_n3A_2013 : vector<16xi1>, vector<16xf32>
    %slice3A_2032 = vector.extract_strided_slice %get3A_7 {offsets = [8], sizes = [1], strides = [1]} : vector<16xf32> to vector<1xf32>
    %squeeze3A_2033 = vector.extract %slice3A_2032[0] : f32 from vector<1xf32>
    %sub3A_2034 = vector.broadcast %squeeze3A_2033 : f32 to vector<16xf32>
    %sub3A_2035 = arith.subf %convert_element_type3A_1591, %sub3A_2034 : vector<16xf32>
    %abs3A_2036 = math.absf %sub3A_2035 : vector<16xf32>
    %lt3A_2037 = arith.cmpf olt, %abs3A_2036, %select_n3A_2029 : vector<16xf32>
    %select_n3A_2038 = arith.select %lt3A_2037, %broadcast_in_dim3A_1593, %broadcast_in_dim3A_1595 : vector<16xi1>, vector<16xi32>
    %eq3A_2039 = arith.cmpf oeq, %abs3A_2036, %select_n3A_2029 : vector<16xf32>
    %select_n3A_2040 = arith.select %eq3A_2039, %broadcast_in_dim3A_1593, %broadcast_in_dim3A_1595 : vector<16xi1>, vector<16xi32>
    %gt3A_2041 = vector.broadcast %squeeze3A_2033 : f32 to vector<16xf32>
    %gt3A_2042 = arith.cmpf ogt, %select_n3A_2031, %gt3A_2041 : vector<16xf32>
    %select_n3A_2043 = arith.select %gt3A_2042, %broadcast_in_dim3A_1593, %broadcast_in_dim3A_1595 : vector<16xi1>, vector<16xi32>
    %mul3A_2044 = arith.muli %select_n3A_2040, %select_n3A_2043 : vector<16xi32>
    %add3A_2045 = arith.addi %select_n3A_2038, %mul3A_2044 : vector<16xi32>
    %gt3A_2046 = arith.cmpi sgt, %add3A_2045, %broadcast_in_dim3A_1595 : vector<16xi32>
    %select_n3A_2047 = arith.select %gt3A_2046, %abs3A_2036, %select_n3A_2029 : vector<16xi1>, vector<16xf32>
    %broadcast_in_dim3A_2048 = vector.broadcast %squeeze3A_2033 : f32 to vector<16xf32>
    %select_n3A_2049 = arith.select %gt3A_2046, %broadcast_in_dim3A_2048, %select_n3A_2031 : vector<16xi1>, vector<16xf32>
    %slice3A_2050 = vector.extract_strided_slice %get3A_7 {offsets = [9], sizes = [1], strides = [1]} : vector<16xf32> to vector<1xf32>
    %squeeze3A_2051 = vector.extract %slice3A_2050[0] : f32 from vector<1xf32>
    %sub3A_2052 = vector.broadcast %squeeze3A_2051 : f32 to vector<16xf32>
    %sub3A_2053 = arith.subf %convert_element_type3A_1591, %sub3A_2052 : vector<16xf32>
    %abs3A_2054 = math.absf %sub3A_2053 : vector<16xf32>
    %lt3A_2055 = arith.cmpf olt, %abs3A_2054, %select_n3A_2047 : vector<16xf32>
    %select_n3A_2056 = arith.select %lt3A_2055, %broadcast_in_dim3A_1593, %broadcast_in_dim3A_1595 : vector<16xi1>, vector<16xi32>
    %eq3A_2057 = arith.cmpf oeq, %abs3A_2054, %select_n3A_2047 : vector<16xf32>
    %select_n3A_2058 = arith.select %eq3A_2057, %broadcast_in_dim3A_1593, %broadcast_in_dim3A_1595 : vector<16xi1>, vector<16xi32>
    %gt3A_2059 = vector.broadcast %squeeze3A_2051 : f32 to vector<16xf32>
    %gt3A_2060 = arith.cmpf ogt, %select_n3A_2049, %gt3A_2059 : vector<16xf32>
    %select_n3A_2061 = arith.select %gt3A_2060, %broadcast_in_dim3A_1593, %broadcast_in_dim3A_1595 : vector<16xi1>, vector<16xi32>
    %mul3A_2062 = arith.muli %select_n3A_2058, %select_n3A_2061 : vector<16xi32>
    %add3A_2063 = arith.addi %select_n3A_2056, %mul3A_2062 : vector<16xi32>
    %gt3A_2064 = arith.cmpi sgt, %add3A_2063, %broadcast_in_dim3A_1595 : vector<16xi32>
    %select_n3A_2065 = arith.select %gt3A_2064, %abs3A_2054, %select_n3A_2047 : vector<16xi1>, vector<16xf32>
    %broadcast_in_dim3A_2066 = vector.broadcast %squeeze3A_2051 : f32 to vector<16xf32>
    %select_n3A_2067 = arith.select %gt3A_2064, %broadcast_in_dim3A_2066, %select_n3A_2049 : vector<16xi1>, vector<16xf32>
    %slice3A_2068 = vector.extract_strided_slice %get3A_7 {offsets = [10], sizes = [1], strides = [1]} : vector<16xf32> to vector<1xf32>
    %squeeze3A_2069 = vector.extract %slice3A_2068[0] : f32 from vector<1xf32>
    %sub3A_2070 = vector.broadcast %squeeze3A_2069 : f32 to vector<16xf32>
    %sub3A_2071 = arith.subf %convert_element_type3A_1591, %sub3A_2070 : vector<16xf32>
    %abs3A_2072 = math.absf %sub3A_2071 : vector<16xf32>
    %lt3A_2073 = arith.cmpf olt, %abs3A_2072, %select_n3A_2065 : vector<16xf32>
    %select_n3A_2074 = arith.select %lt3A_2073, %broadcast_in_dim3A_1593, %broadcast_in_dim3A_1595 : vector<16xi1>, vector<16xi32>
    %eq3A_2075 = arith.cmpf oeq, %abs3A_2072, %select_n3A_2065 : vector<16xf32>
    %select_n3A_2076 = arith.select %eq3A_2075, %broadcast_in_dim3A_1593, %broadcast_in_dim3A_1595 : vector<16xi1>, vector<16xi32>
    %gt3A_2077 = vector.broadcast %squeeze3A_2069 : f32 to vector<16xf32>
    %gt3A_2078 = arith.cmpf ogt, %select_n3A_2067, %gt3A_2077 : vector<16xf32>
    %select_n3A_2079 = arith.select %gt3A_2078, %broadcast_in_dim3A_1593, %broadcast_in_dim3A_1595 : vector<16xi1>, vector<16xi32>
    %mul3A_2080 = arith.muli %select_n3A_2076, %select_n3A_2079 : vector<16xi32>
    %add3A_2081 = arith.addi %select_n3A_2074, %mul3A_2080 : vector<16xi32>
    %gt3A_2082 = arith.cmpi sgt, %add3A_2081, %broadcast_in_dim3A_1595 : vector<16xi32>
    %select_n3A_2083 = arith.select %gt3A_2082, %abs3A_2072, %select_n3A_2065 : vector<16xi1>, vector<16xf32>
    %broadcast_in_dim3A_2084 = vector.broadcast %squeeze3A_2069 : f32 to vector<16xf32>
    %select_n3A_2085 = arith.select %gt3A_2082, %broadcast_in_dim3A_2084, %select_n3A_2067 : vector<16xi1>, vector<16xf32>
    %slice3A_2086 = vector.extract_strided_slice %get3A_7 {offsets = [11], sizes = [1], strides = [1]} : vector<16xf32> to vector<1xf32>
    %squeeze3A_2087 = vector.extract %slice3A_2086[0] : f32 from vector<1xf32>
    %sub3A_2088 = vector.broadcast %squeeze3A_2087 : f32 to vector<16xf32>
    %sub3A_2089 = arith.subf %convert_element_type3A_1591, %sub3A_2088 : vector<16xf32>
    %abs3A_2090 = math.absf %sub3A_2089 : vector<16xf32>
    %lt3A_2091 = arith.cmpf olt, %abs3A_2090, %select_n3A_2083 : vector<16xf32>
    %select_n3A_2092 = arith.select %lt3A_2091, %broadcast_in_dim3A_1593, %broadcast_in_dim3A_1595 : vector<16xi1>, vector<16xi32>
    %eq3A_2093 = arith.cmpf oeq, %abs3A_2090, %select_n3A_2083 : vector<16xf32>
    %select_n3A_2094 = arith.select %eq3A_2093, %broadcast_in_dim3A_1593, %broadcast_in_dim3A_1595 : vector<16xi1>, vector<16xi32>
    %gt3A_2095 = vector.broadcast %squeeze3A_2087 : f32 to vector<16xf32>
    %gt3A_2096 = arith.cmpf ogt, %select_n3A_2085, %gt3A_2095 : vector<16xf32>
    %select_n3A_2097 = arith.select %gt3A_2096, %broadcast_in_dim3A_1593, %broadcast_in_dim3A_1595 : vector<16xi1>, vector<16xi32>
    %mul3A_2098 = arith.muli %select_n3A_2094, %select_n3A_2097 : vector<16xi32>
    %add3A_2099 = arith.addi %select_n3A_2092, %mul3A_2098 : vector<16xi32>
    %gt3A_2100 = arith.cmpi sgt, %add3A_2099, %broadcast_in_dim3A_1595 : vector<16xi32>
    %select_n3A_2101 = arith.select %gt3A_2100, %abs3A_2090, %select_n3A_2083 : vector<16xi1>, vector<16xf32>
    %broadcast_in_dim3A_2102 = vector.broadcast %squeeze3A_2087 : f32 to vector<16xf32>
    %select_n3A_2103 = arith.select %gt3A_2100, %broadcast_in_dim3A_2102, %select_n3A_2085 : vector<16xi1>, vector<16xf32>
    %slice3A_2104 = vector.extract_strided_slice %get3A_7 {offsets = [12], sizes = [1], strides = [1]} : vector<16xf32> to vector<1xf32>
    %squeeze3A_2105 = vector.extract %slice3A_2104[0] : f32 from vector<1xf32>
    %sub3A_2106 = vector.broadcast %squeeze3A_2105 : f32 to vector<16xf32>
    %sub3A_2107 = arith.subf %convert_element_type3A_1591, %sub3A_2106 : vector<16xf32>
    %abs3A_2108 = math.absf %sub3A_2107 : vector<16xf32>
    %lt3A_2109 = arith.cmpf olt, %abs3A_2108, %select_n3A_2101 : vector<16xf32>
    %select_n3A_2110 = arith.select %lt3A_2109, %broadcast_in_dim3A_1593, %broadcast_in_dim3A_1595 : vector<16xi1>, vector<16xi32>
    %eq3A_2111 = arith.cmpf oeq, %abs3A_2108, %select_n3A_2101 : vector<16xf32>
    %select_n3A_2112 = arith.select %eq3A_2111, %broadcast_in_dim3A_1593, %broadcast_in_dim3A_1595 : vector<16xi1>, vector<16xi32>
    %gt3A_2113 = vector.broadcast %squeeze3A_2105 : f32 to vector<16xf32>
    %gt3A_2114 = arith.cmpf ogt, %select_n3A_2103, %gt3A_2113 : vector<16xf32>
    %select_n3A_2115 = arith.select %gt3A_2114, %broadcast_in_dim3A_1593, %broadcast_in_dim3A_1595 : vector<16xi1>, vector<16xi32>
    %mul3A_2116 = arith.muli %select_n3A_2112, %select_n3A_2115 : vector<16xi32>
    %add3A_2117 = arith.addi %select_n3A_2110, %mul3A_2116 : vector<16xi32>
    %gt3A_2118 = arith.cmpi sgt, %add3A_2117, %broadcast_in_dim3A_1595 : vector<16xi32>
    %select_n3A_2119 = arith.select %gt3A_2118, %abs3A_2108, %select_n3A_2101 : vector<16xi1>, vector<16xf32>
    %broadcast_in_dim3A_2120 = vector.broadcast %squeeze3A_2105 : f32 to vector<16xf32>
    %select_n3A_2121 = arith.select %gt3A_2118, %broadcast_in_dim3A_2120, %select_n3A_2103 : vector<16xi1>, vector<16xf32>
    %slice3A_2122 = vector.extract_strided_slice %get3A_7 {offsets = [13], sizes = [1], strides = [1]} : vector<16xf32> to vector<1xf32>
    %squeeze3A_2123 = vector.extract %slice3A_2122[0] : f32 from vector<1xf32>
    %sub3A_2124 = vector.broadcast %squeeze3A_2123 : f32 to vector<16xf32>
    %sub3A_2125 = arith.subf %convert_element_type3A_1591, %sub3A_2124 : vector<16xf32>
    %abs3A_2126 = math.absf %sub3A_2125 : vector<16xf32>
    %lt3A_2127 = arith.cmpf olt, %abs3A_2126, %select_n3A_2119 : vector<16xf32>
    %select_n3A_2128 = arith.select %lt3A_2127, %broadcast_in_dim3A_1593, %broadcast_in_dim3A_1595 : vector<16xi1>, vector<16xi32>
    %eq3A_2129 = arith.cmpf oeq, %abs3A_2126, %select_n3A_2119 : vector<16xf32>
    %select_n3A_2130 = arith.select %eq3A_2129, %broadcast_in_dim3A_1593, %broadcast_in_dim3A_1595 : vector<16xi1>, vector<16xi32>
    %gt3A_2131 = vector.broadcast %squeeze3A_2123 : f32 to vector<16xf32>
    %gt3A_2132 = arith.cmpf ogt, %select_n3A_2121, %gt3A_2131 : vector<16xf32>
    %select_n3A_2133 = arith.select %gt3A_2132, %broadcast_in_dim3A_1593, %broadcast_in_dim3A_1595 : vector<16xi1>, vector<16xi32>
    %mul3A_2134 = arith.muli %select_n3A_2130, %select_n3A_2133 : vector<16xi32>
    %add3A_2135 = arith.addi %select_n3A_2128, %mul3A_2134 : vector<16xi32>
    %gt3A_2136 = arith.cmpi sgt, %add3A_2135, %broadcast_in_dim3A_1595 : vector<16xi32>
    %select_n3A_2137 = arith.select %gt3A_2136, %abs3A_2126, %select_n3A_2119 : vector<16xi1>, vector<16xf32>
    %broadcast_in_dim3A_2138 = vector.broadcast %squeeze3A_2123 : f32 to vector<16xf32>
    %select_n3A_2139 = arith.select %gt3A_2136, %broadcast_in_dim3A_2138, %select_n3A_2121 : vector<16xi1>, vector<16xf32>
    %slice3A_2140 = vector.extract_strided_slice %get3A_7 {offsets = [14], sizes = [1], strides = [1]} : vector<16xf32> to vector<1xf32>
    %squeeze3A_2141 = vector.extract %slice3A_2140[0] : f32 from vector<1xf32>
    %sub3A_2142 = vector.broadcast %squeeze3A_2141 : f32 to vector<16xf32>
    %sub3A_2143 = arith.subf %convert_element_type3A_1591, %sub3A_2142 : vector<16xf32>
    %abs3A_2144 = math.absf %sub3A_2143 : vector<16xf32>
    %lt3A_2145 = arith.cmpf olt, %abs3A_2144, %select_n3A_2137 : vector<16xf32>
    %select_n3A_2146 = arith.select %lt3A_2145, %broadcast_in_dim3A_1593, %broadcast_in_dim3A_1595 : vector<16xi1>, vector<16xi32>
    %eq3A_2147 = arith.cmpf oeq, %abs3A_2144, %select_n3A_2137 : vector<16xf32>
    %select_n3A_2148 = arith.select %eq3A_2147, %broadcast_in_dim3A_1593, %broadcast_in_dim3A_1595 : vector<16xi1>, vector<16xi32>
    %gt3A_2149 = vector.broadcast %squeeze3A_2141 : f32 to vector<16xf32>
    %gt3A_2150 = arith.cmpf ogt, %select_n3A_2139, %gt3A_2149 : vector<16xf32>
    %select_n3A_2151 = arith.select %gt3A_2150, %broadcast_in_dim3A_1593, %broadcast_in_dim3A_1595 : vector<16xi1>, vector<16xi32>
    %mul3A_2152 = arith.muli %select_n3A_2148, %select_n3A_2151 : vector<16xi32>
    %add3A_2153 = arith.addi %select_n3A_2146, %mul3A_2152 : vector<16xi32>
    %gt3A_2154 = arith.cmpi sgt, %add3A_2153, %broadcast_in_dim3A_1595 : vector<16xi32>
    %select_n3A_2155 = arith.select %gt3A_2154, %abs3A_2144, %select_n3A_2137 : vector<16xi1>, vector<16xf32>
    %broadcast_in_dim3A_2156 = vector.broadcast %squeeze3A_2141 : f32 to vector<16xf32>
    %select_n3A_2157 = arith.select %gt3A_2154, %broadcast_in_dim3A_2156, %select_n3A_2139 : vector<16xi1>, vector<16xf32>
    %slice3A_2158 = vector.extract_strided_slice %get3A_7 {offsets = [15], sizes = [1], strides = [1]} : vector<16xf32> to vector<1xf32>
    %squeeze3A_2159 = vector.extract %slice3A_2158[0] : f32 from vector<1xf32>
    %sub3A_2160 = vector.broadcast %squeeze3A_2159 : f32 to vector<16xf32>
    %sub3A_2161 = arith.subf %convert_element_type3A_1591, %sub3A_2160 : vector<16xf32>
    %abs3A_2162 = math.absf %sub3A_2161 : vector<16xf32>
    %lt3A_2163 = arith.cmpf olt, %abs3A_2162, %select_n3A_2155 : vector<16xf32>
    %select_n3A_2164 = arith.select %lt3A_2163, %broadcast_in_dim3A_1593, %broadcast_in_dim3A_1595 : vector<16xi1>, vector<16xi32>
    %eq3A_2165 = arith.cmpf oeq, %abs3A_2162, %select_n3A_2155 : vector<16xf32>
    %select_n3A_2166 = arith.select %eq3A_2165, %broadcast_in_dim3A_1593, %broadcast_in_dim3A_1595 : vector<16xi1>, vector<16xi32>
    %gt3A_2167 = vector.broadcast %squeeze3A_2159 : f32 to vector<16xf32>
    %gt3A_2168 = arith.cmpf ogt, %select_n3A_2157, %gt3A_2167 : vector<16xf32>
    %select_n3A_2169 = arith.select %gt3A_2168, %broadcast_in_dim3A_1593, %broadcast_in_dim3A_1595 : vector<16xi1>, vector<16xi32>
    %mul3A_2170 = arith.muli %select_n3A_2166, %select_n3A_2169 : vector<16xi32>
    %add3A_2171 = arith.addi %select_n3A_2164, %mul3A_2170 : vector<16xi32>
    %gt3A_2172 = arith.cmpi sgt, %add3A_2171, %broadcast_in_dim3A_1595 : vector<16xi32>
    %select_n3A_2173 = arith.select %gt3A_2172, %abs3A_2162, %select_n3A_2155 : vector<16xi1>, vector<16xf32>
    %broadcast_in_dim3A_2174 = vector.broadcast %squeeze3A_2159 : f32 to vector<16xf32>
    %select_n3A_2175 = arith.select %gt3A_2172, %broadcast_in_dim3A_2174, %select_n3A_2157 : vector<16xi1>, vector<16xf32>
    %broadcast_in_dim3A_2176 = arith.constant 0 : i32
    %broadcast_in_dim3A_2177 = vector.broadcast %broadcast_in_dim3A_2176 : i32 to vector<16xi32>
    %slice3A_2178 = vector.extract_strided_slice %get3A_4 {offsets = [0], sizes = [1], strides = [1]} : vector<16xf32> to vector<1xf32>
    %squeeze3A_2179 = vector.extract %slice3A_2178[0] : f32 from vector<1xf32>
    %gt3A_2180 = vector.broadcast %squeeze3A_2179 : f32 to vector<16xf32>
    %gt3A_2181 = arith.cmpf ogt, %select_n3A_2175, %gt3A_2180 : vector<16xf32>
    %select_n3A_2182 = arith.select %gt3A_2181, %broadcast_in_dim3A_1593, %broadcast_in_dim3A_1595 : vector<16xi1>, vector<16xi32>
    %add3A_2183 = arith.addi %broadcast_in_dim3A_2177, %select_n3A_2182 : vector<16xi32>
    %slice3A_2184 = vector.extract_strided_slice %get3A_4 {offsets = [1], sizes = [1], strides = [1]} : vector<16xf32> to vector<1xf32>
    %squeeze3A_2185 = vector.extract %slice3A_2184[0] : f32 from vector<1xf32>
    %gt3A_2186 = vector.broadcast %squeeze3A_2185 : f32 to vector<16xf32>
    %gt3A_2187 = arith.cmpf ogt, %select_n3A_2175, %gt3A_2186 : vector<16xf32>
    %select_n3A_2188 = arith.select %gt3A_2187, %broadcast_in_dim3A_1593, %broadcast_in_dim3A_1595 : vector<16xi1>, vector<16xi32>
    %add3A_2189 = arith.addi %add3A_2183, %select_n3A_2188 : vector<16xi32>
    %slice3A_2190 = vector.extract_strided_slice %get3A_4 {offsets = [2], sizes = [1], strides = [1]} : vector<16xf32> to vector<1xf32>
    %squeeze3A_2191 = vector.extract %slice3A_2190[0] : f32 from vector<1xf32>
    %gt3A_2192 = vector.broadcast %squeeze3A_2191 : f32 to vector<16xf32>
    %gt3A_2193 = arith.cmpf ogt, %select_n3A_2175, %gt3A_2192 : vector<16xf32>
    %select_n3A_2194 = arith.select %gt3A_2193, %broadcast_in_dim3A_1593, %broadcast_in_dim3A_1595 : vector<16xi1>, vector<16xi32>
    %add3A_2195 = arith.addi %add3A_2189, %select_n3A_2194 : vector<16xi32>
    %slice3A_2196 = vector.extract_strided_slice %get3A_4 {offsets = [3], sizes = [1], strides = [1]} : vector<16xf32> to vector<1xf32>
    %squeeze3A_2197 = vector.extract %slice3A_2196[0] : f32 from vector<1xf32>
    %gt3A_2198 = vector.broadcast %squeeze3A_2197 : f32 to vector<16xf32>
    %gt3A_2199 = arith.cmpf ogt, %select_n3A_2175, %gt3A_2198 : vector<16xf32>
    %select_n3A_2200 = arith.select %gt3A_2199, %broadcast_in_dim3A_1593, %broadcast_in_dim3A_1595 : vector<16xi1>, vector<16xi32>
    %add3A_2201 = arith.addi %add3A_2195, %select_n3A_2200 : vector<16xi32>
    %slice3A_2202 = vector.extract_strided_slice %get3A_4 {offsets = [4], sizes = [1], strides = [1]} : vector<16xf32> to vector<1xf32>
    %squeeze3A_2203 = vector.extract %slice3A_2202[0] : f32 from vector<1xf32>
    %gt3A_2204 = vector.broadcast %squeeze3A_2203 : f32 to vector<16xf32>
    %gt3A_2205 = arith.cmpf ogt, %select_n3A_2175, %gt3A_2204 : vector<16xf32>
    %select_n3A_2206 = arith.select %gt3A_2205, %broadcast_in_dim3A_1593, %broadcast_in_dim3A_1595 : vector<16xi1>, vector<16xi32>
    %add3A_2207 = arith.addi %add3A_2201, %select_n3A_2206 : vector<16xi32>
    %slice3A_2208 = vector.extract_strided_slice %get3A_4 {offsets = [5], sizes = [1], strides = [1]} : vector<16xf32> to vector<1xf32>
    %squeeze3A_2209 = vector.extract %slice3A_2208[0] : f32 from vector<1xf32>
    %gt3A_2210 = vector.broadcast %squeeze3A_2209 : f32 to vector<16xf32>
    %gt3A_2211 = arith.cmpf ogt, %select_n3A_2175, %gt3A_2210 : vector<16xf32>
    %select_n3A_2212 = arith.select %gt3A_2211, %broadcast_in_dim3A_1593, %broadcast_in_dim3A_1595 : vector<16xi1>, vector<16xi32>
    %add3A_2213 = arith.addi %add3A_2207, %select_n3A_2212 : vector<16xi32>
    %slice3A_2214 = vector.extract_strided_slice %get3A_4 {offsets = [6], sizes = [1], strides = [1]} : vector<16xf32> to vector<1xf32>
    %squeeze3A_2215 = vector.extract %slice3A_2214[0] : f32 from vector<1xf32>
    %gt3A_2216 = vector.broadcast %squeeze3A_2215 : f32 to vector<16xf32>
    %gt3A_2217 = arith.cmpf ogt, %select_n3A_2175, %gt3A_2216 : vector<16xf32>
    %select_n3A_2218 = arith.select %gt3A_2217, %broadcast_in_dim3A_1593, %broadcast_in_dim3A_1595 : vector<16xi1>, vector<16xi32>
    %add3A_2219 = arith.addi %add3A_2213, %select_n3A_2218 : vector<16xi32>
    %slice3A_2220 = vector.extract_strided_slice %get3A_4 {offsets = [7], sizes = [1], strides = [1]} : vector<16xf32> to vector<1xf32>
    %squeeze3A_2221 = vector.extract %slice3A_2220[0] : f32 from vector<1xf32>
    %gt3A_2222 = vector.broadcast %squeeze3A_2221 : f32 to vector<16xf32>
    %gt3A_2223 = arith.cmpf ogt, %select_n3A_2175, %gt3A_2222 : vector<16xf32>
    %select_n3A_2224 = arith.select %gt3A_2223, %broadcast_in_dim3A_1593, %broadcast_in_dim3A_1595 : vector<16xi1>, vector<16xi32>
    %add3A_2225 = arith.addi %add3A_2219, %select_n3A_2224 : vector<16xi32>
    %slice3A_2226 = vector.extract_strided_slice %get3A_4 {offsets = [8], sizes = [1], strides = [1]} : vector<16xf32> to vector<1xf32>
    %squeeze3A_2227 = vector.extract %slice3A_2226[0] : f32 from vector<1xf32>
    %gt3A_2228 = vector.broadcast %squeeze3A_2227 : f32 to vector<16xf32>
    %gt3A_2229 = arith.cmpf ogt, %select_n3A_2175, %gt3A_2228 : vector<16xf32>
    %select_n3A_2230 = arith.select %gt3A_2229, %broadcast_in_dim3A_1593, %broadcast_in_dim3A_1595 : vector<16xi1>, vector<16xi32>
    %add3A_2231 = arith.addi %add3A_2225, %select_n3A_2230 : vector<16xi32>
    %slice3A_2232 = vector.extract_strided_slice %get3A_4 {offsets = [9], sizes = [1], strides = [1]} : vector<16xf32> to vector<1xf32>
    %squeeze3A_2233 = vector.extract %slice3A_2232[0] : f32 from vector<1xf32>
    %gt3A_2234 = vector.broadcast %squeeze3A_2233 : f32 to vector<16xf32>
    %gt3A_2235 = arith.cmpf ogt, %select_n3A_2175, %gt3A_2234 : vector<16xf32>
    %select_n3A_2236 = arith.select %gt3A_2235, %broadcast_in_dim3A_1593, %broadcast_in_dim3A_1595 : vector<16xi1>, vector<16xi32>
    %add3A_2237 = arith.addi %add3A_2231, %select_n3A_2236 : vector<16xi32>
    %slice3A_2238 = vector.extract_strided_slice %get3A_4 {offsets = [10], sizes = [1], strides = [1]} : vector<16xf32> to vector<1xf32>
    %squeeze3A_2239 = vector.extract %slice3A_2238[0] : f32 from vector<1xf32>
    %gt3A_2240 = vector.broadcast %squeeze3A_2239 : f32 to vector<16xf32>
    %gt3A_2241 = arith.cmpf ogt, %select_n3A_2175, %gt3A_2240 : vector<16xf32>
    %select_n3A_2242 = arith.select %gt3A_2241, %broadcast_in_dim3A_1593, %broadcast_in_dim3A_1595 : vector<16xi1>, vector<16xi32>
    %add3A_2243 = arith.addi %add3A_2237, %select_n3A_2242 : vector<16xi32>
    %slice3A_2244 = vector.extract_strided_slice %get3A_4 {offsets = [11], sizes = [1], strides = [1]} : vector<16xf32> to vector<1xf32>
    %squeeze3A_2245 = vector.extract %slice3A_2244[0] : f32 from vector<1xf32>
    %gt3A_2246 = vector.broadcast %squeeze3A_2245 : f32 to vector<16xf32>
    %gt3A_2247 = arith.cmpf ogt, %select_n3A_2175, %gt3A_2246 : vector<16xf32>
    %select_n3A_2248 = arith.select %gt3A_2247, %broadcast_in_dim3A_1593, %broadcast_in_dim3A_1595 : vector<16xi1>, vector<16xi32>
    %add3A_2249 = arith.addi %add3A_2243, %select_n3A_2248 : vector<16xi32>
    %slice3A_2250 = vector.extract_strided_slice %get3A_4 {offsets = [12], sizes = [1], strides = [1]} : vector<16xf32> to vector<1xf32>
    %squeeze3A_2251 = vector.extract %slice3A_2250[0] : f32 from vector<1xf32>
    %gt3A_2252 = vector.broadcast %squeeze3A_2251 : f32 to vector<16xf32>
    %gt3A_2253 = arith.cmpf ogt, %select_n3A_2175, %gt3A_2252 : vector<16xf32>
    %select_n3A_2254 = arith.select %gt3A_2253, %broadcast_in_dim3A_1593, %broadcast_in_dim3A_1595 : vector<16xi1>, vector<16xi32>
    %add3A_2255 = arith.addi %add3A_2249, %select_n3A_2254 : vector<16xi32>
    %slice3A_2256 = vector.extract_strided_slice %get3A_4 {offsets = [13], sizes = [1], strides = [1]} : vector<16xf32> to vector<1xf32>
    %squeeze3A_2257 = vector.extract %slice3A_2256[0] : f32 from vector<1xf32>
    %gt3A_2258 = vector.broadcast %squeeze3A_2257 : f32 to vector<16xf32>
    %gt3A_2259 = arith.cmpf ogt, %select_n3A_2175, %gt3A_2258 : vector<16xf32>
    %select_n3A_2260 = arith.select %gt3A_2259, %broadcast_in_dim3A_1593, %broadcast_in_dim3A_1595 : vector<16xi1>, vector<16xi32>
    %add3A_2261 = arith.addi %add3A_2255, %select_n3A_2260 : vector<16xi32>
    %slice3A_2262 = vector.extract_strided_slice %get3A_4 {offsets = [14], sizes = [1], strides = [1]} : vector<16xf32> to vector<1xf32>
    %squeeze3A_2263 = vector.extract %slice3A_2262[0] : f32 from vector<1xf32>
    %gt3A_2264 = vector.broadcast %squeeze3A_2263 : f32 to vector<16xf32>
    %gt3A_2265 = arith.cmpf ogt, %select_n3A_2175, %gt3A_2264 : vector<16xf32>
    %select_n3A_2266 = arith.select %gt3A_2265, %broadcast_in_dim3A_1593, %broadcast_in_dim3A_1595 : vector<16xi1>, vector<16xi32>
    %add3A_2267 = arith.addi %add3A_2261, %select_n3A_2266 : vector<16xi32>
    %slice3A_2268 = vector.extract_strided_slice %get3A_4 {offsets = [15], sizes = [1], strides = [1]} : vector<16xf32> to vector<1xf32>
    %squeeze3A_2269 = vector.extract %slice3A_2268[0] : f32 from vector<1xf32>
    %gt3A_2270 = vector.broadcast %squeeze3A_2269 : f32 to vector<16xf32>
    %gt3A_2271 = arith.cmpf ogt, %select_n3A_2175, %gt3A_2270 : vector<16xf32>
    %select_n3A_2272 = arith.select %gt3A_2271, %broadcast_in_dim3A_1593, %broadcast_in_dim3A_1595 : vector<16xi1>, vector<16xi32>
    %add3A_2273 = arith.addi %add3A_2267, %select_n3A_2272 : vector<16xi32>
    %slice3A_2274 = vector.extract_strided_slice %get3A_7 {offsets = [0], sizes = [1], strides = [1]} : vector<16xf32> to vector<1xf32>
    %squeeze3A_2275 = vector.extract %slice3A_2274[0] : f32 from vector<1xf32>
    %gt3A_2276 = vector.broadcast %squeeze3A_2275 : f32 to vector<16xf32>
    %gt3A_2277 = arith.cmpf ogt, %select_n3A_2175, %gt3A_2276 : vector<16xf32>
    %select_n3A_2278 = arith.select %gt3A_2277, %broadcast_in_dim3A_1593, %broadcast_in_dim3A_1595 : vector<16xi1>, vector<16xi32>
    %add3A_2279 = arith.addi %add3A_2273, %select_n3A_2278 : vector<16xi32>
    %slice3A_2280 = vector.extract_strided_slice %get3A_7 {offsets = [1], sizes = [1], strides = [1]} : vector<16xf32> to vector<1xf32>
    %squeeze3A_2281 = vector.extract %slice3A_2280[0] : f32 from vector<1xf32>
    %gt3A_2282 = vector.broadcast %squeeze3A_2281 : f32 to vector<16xf32>
    %gt3A_2283 = arith.cmpf ogt, %select_n3A_2175, %gt3A_2282 : vector<16xf32>
    %select_n3A_2284 = arith.select %gt3A_2283, %broadcast_in_dim3A_1593, %broadcast_in_dim3A_1595 : vector<16xi1>, vector<16xi32>
    %add3A_2285 = arith.addi %add3A_2279, %select_n3A_2284 : vector<16xi32>
    %slice3A_2286 = vector.extract_strided_slice %get3A_7 {offsets = [2], sizes = [1], strides = [1]} : vector<16xf32> to vector<1xf32>
    %squeeze3A_2287 = vector.extract %slice3A_2286[0] : f32 from vector<1xf32>
    %gt3A_2288 = vector.broadcast %squeeze3A_2287 : f32 to vector<16xf32>
    %gt3A_2289 = arith.cmpf ogt, %select_n3A_2175, %gt3A_2288 : vector<16xf32>
    %select_n3A_2290 = arith.select %gt3A_2289, %broadcast_in_dim3A_1593, %broadcast_in_dim3A_1595 : vector<16xi1>, vector<16xi32>
    %add3A_2291 = arith.addi %add3A_2285, %select_n3A_2290 : vector<16xi32>
    %slice3A_2292 = vector.extract_strided_slice %get3A_7 {offsets = [3], sizes = [1], strides = [1]} : vector<16xf32> to vector<1xf32>
    %squeeze3A_2293 = vector.extract %slice3A_2292[0] : f32 from vector<1xf32>
    %gt3A_2294 = vector.broadcast %squeeze3A_2293 : f32 to vector<16xf32>
    %gt3A_2295 = arith.cmpf ogt, %select_n3A_2175, %gt3A_2294 : vector<16xf32>
    %select_n3A_2296 = arith.select %gt3A_2295, %broadcast_in_dim3A_1593, %broadcast_in_dim3A_1595 : vector<16xi1>, vector<16xi32>
    %add3A_2297 = arith.addi %add3A_2291, %select_n3A_2296 : vector<16xi32>
    %slice3A_2298 = vector.extract_strided_slice %get3A_7 {offsets = [4], sizes = [1], strides = [1]} : vector<16xf32> to vector<1xf32>
    %squeeze3A_2299 = vector.extract %slice3A_2298[0] : f32 from vector<1xf32>
    %gt3A_2300 = vector.broadcast %squeeze3A_2299 : f32 to vector<16xf32>
    %gt3A_2301 = arith.cmpf ogt, %select_n3A_2175, %gt3A_2300 : vector<16xf32>
    %select_n3A_2302 = arith.select %gt3A_2301, %broadcast_in_dim3A_1593, %broadcast_in_dim3A_1595 : vector<16xi1>, vector<16xi32>
    %add3A_2303 = arith.addi %add3A_2297, %select_n3A_2302 : vector<16xi32>
    %slice3A_2304 = vector.extract_strided_slice %get3A_7 {offsets = [5], sizes = [1], strides = [1]} : vector<16xf32> to vector<1xf32>
    %squeeze3A_2305 = vector.extract %slice3A_2304[0] : f32 from vector<1xf32>
    %gt3A_2306 = vector.broadcast %squeeze3A_2305 : f32 to vector<16xf32>
    %gt3A_2307 = arith.cmpf ogt, %select_n3A_2175, %gt3A_2306 : vector<16xf32>
    %select_n3A_2308 = arith.select %gt3A_2307, %broadcast_in_dim3A_1593, %broadcast_in_dim3A_1595 : vector<16xi1>, vector<16xi32>
    %add3A_2309 = arith.addi %add3A_2303, %select_n3A_2308 : vector<16xi32>
    %slice3A_2310 = vector.extract_strided_slice %get3A_7 {offsets = [6], sizes = [1], strides = [1]} : vector<16xf32> to vector<1xf32>
    %squeeze3A_2311 = vector.extract %slice3A_2310[0] : f32 from vector<1xf32>
    %gt3A_2312 = vector.broadcast %squeeze3A_2311 : f32 to vector<16xf32>
    %gt3A_2313 = arith.cmpf ogt, %select_n3A_2175, %gt3A_2312 : vector<16xf32>
    %select_n3A_2314 = arith.select %gt3A_2313, %broadcast_in_dim3A_1593, %broadcast_in_dim3A_1595 : vector<16xi1>, vector<16xi32>
    %add3A_2315 = arith.addi %add3A_2309, %select_n3A_2314 : vector<16xi32>
    %slice3A_2316 = vector.extract_strided_slice %get3A_7 {offsets = [7], sizes = [1], strides = [1]} : vector<16xf32> to vector<1xf32>
    %squeeze3A_2317 = vector.extract %slice3A_2316[0] : f32 from vector<1xf32>
    %gt3A_2318 = vector.broadcast %squeeze3A_2317 : f32 to vector<16xf32>
    %gt3A_2319 = arith.cmpf ogt, %select_n3A_2175, %gt3A_2318 : vector<16xf32>
    %select_n3A_2320 = arith.select %gt3A_2319, %broadcast_in_dim3A_1593, %broadcast_in_dim3A_1595 : vector<16xi1>, vector<16xi32>
    %add3A_2321 = arith.addi %add3A_2315, %select_n3A_2320 : vector<16xi32>
    %slice3A_2322 = vector.extract_strided_slice %get3A_7 {offsets = [8], sizes = [1], strides = [1]} : vector<16xf32> to vector<1xf32>
    %squeeze3A_2323 = vector.extract %slice3A_2322[0] : f32 from vector<1xf32>
    %gt3A_2324 = vector.broadcast %squeeze3A_2323 : f32 to vector<16xf32>
    %gt3A_2325 = arith.cmpf ogt, %select_n3A_2175, %gt3A_2324 : vector<16xf32>
    %select_n3A_2326 = arith.select %gt3A_2325, %broadcast_in_dim3A_1593, %broadcast_in_dim3A_1595 : vector<16xi1>, vector<16xi32>
    %add3A_2327 = arith.addi %add3A_2321, %select_n3A_2326 : vector<16xi32>
    %slice3A_2328 = vector.extract_strided_slice %get3A_7 {offsets = [9], sizes = [1], strides = [1]} : vector<16xf32> to vector<1xf32>
    %squeeze3A_2329 = vector.extract %slice3A_2328[0] : f32 from vector<1xf32>
    %gt3A_2330 = vector.broadcast %squeeze3A_2329 : f32 to vector<16xf32>
    %gt3A_2331 = arith.cmpf ogt, %select_n3A_2175, %gt3A_2330 : vector<16xf32>
    %select_n3A_2332 = arith.select %gt3A_2331, %broadcast_in_dim3A_1593, %broadcast_in_dim3A_1595 : vector<16xi1>, vector<16xi32>
    %add3A_2333 = arith.addi %add3A_2327, %select_n3A_2332 : vector<16xi32>
    %slice3A_2334 = vector.extract_strided_slice %get3A_7 {offsets = [10], sizes = [1], strides = [1]} : vector<16xf32> to vector<1xf32>
    %squeeze3A_2335 = vector.extract %slice3A_2334[0] : f32 from vector<1xf32>
    %gt3A_2336 = vector.broadcast %squeeze3A_2335 : f32 to vector<16xf32>
    %gt3A_2337 = arith.cmpf ogt, %select_n3A_2175, %gt3A_2336 : vector<16xf32>
    %select_n3A_2338 = arith.select %gt3A_2337, %broadcast_in_dim3A_1593, %broadcast_in_dim3A_1595 : vector<16xi1>, vector<16xi32>
    %add3A_2339 = arith.addi %add3A_2333, %select_n3A_2338 : vector<16xi32>
    %slice3A_2340 = vector.extract_strided_slice %get3A_7 {offsets = [11], sizes = [1], strides = [1]} : vector<16xf32> to vector<1xf32>
    %squeeze3A_2341 = vector.extract %slice3A_2340[0] : f32 from vector<1xf32>
    %gt3A_2342 = vector.broadcast %squeeze3A_2341 : f32 to vector<16xf32>
    %gt3A_2343 = arith.cmpf ogt, %select_n3A_2175, %gt3A_2342 : vector<16xf32>
    %select_n3A_2344 = arith.select %gt3A_2343, %broadcast_in_dim3A_1593, %broadcast_in_dim3A_1595 : vector<16xi1>, vector<16xi32>
    %add3A_2345 = arith.addi %add3A_2339, %select_n3A_2344 : vector<16xi32>
    %slice3A_2346 = vector.extract_strided_slice %get3A_7 {offsets = [12], sizes = [1], strides = [1]} : vector<16xf32> to vector<1xf32>
    %squeeze3A_2347 = vector.extract %slice3A_2346[0] : f32 from vector<1xf32>
    %gt3A_2348 = vector.broadcast %squeeze3A_2347 : f32 to vector<16xf32>
    %gt3A_2349 = arith.cmpf ogt, %select_n3A_2175, %gt3A_2348 : vector<16xf32>
    %select_n3A_2350 = arith.select %gt3A_2349, %broadcast_in_dim3A_1593, %broadcast_in_dim3A_1595 : vector<16xi1>, vector<16xi32>
    %add3A_2351 = arith.addi %add3A_2345, %select_n3A_2350 : vector<16xi32>
    %slice3A_2352 = vector.extract_strided_slice %get3A_7 {offsets = [13], sizes = [1], strides = [1]} : vector<16xf32> to vector<1xf32>
    %squeeze3A_2353 = vector.extract %slice3A_2352[0] : f32 from vector<1xf32>
    %gt3A_2354 = vector.broadcast %squeeze3A_2353 : f32 to vector<16xf32>
    %gt3A_2355 = arith.cmpf ogt, %select_n3A_2175, %gt3A_2354 : vector<16xf32>
    %select_n3A_2356 = arith.select %gt3A_2355, %broadcast_in_dim3A_1593, %broadcast_in_dim3A_1595 : vector<16xi1>, vector<16xi32>
    %add3A_2357 = arith.addi %add3A_2351, %select_n3A_2356 : vector<16xi32>
    %slice3A_2358 = vector.extract_strided_slice %get3A_7 {offsets = [14], sizes = [1], strides = [1]} : vector<16xf32> to vector<1xf32>
    %squeeze3A_2359 = vector.extract %slice3A_2358[0] : f32 from vector<1xf32>
    %gt3A_2360 = vector.broadcast %squeeze3A_2359 : f32 to vector<16xf32>
    %gt3A_2361 = arith.cmpf ogt, %select_n3A_2175, %gt3A_2360 : vector<16xf32>
    %select_n3A_2362 = arith.select %gt3A_2361, %broadcast_in_dim3A_1593, %broadcast_in_dim3A_1595 : vector<16xi1>, vector<16xi32>
    %add3A_2363 = arith.addi %add3A_2357, %select_n3A_2362 : vector<16xi32>
    %slice3A_2364 = vector.extract_strided_slice %get3A_7 {offsets = [15], sizes = [1], strides = [1]} : vector<16xf32> to vector<1xf32>
    %squeeze3A_2365 = vector.extract %slice3A_2364[0] : f32 from vector<1xf32>
    %gt3A_2366 = vector.broadcast %squeeze3A_2365 : f32 to vector<16xf32>
    %gt3A_2367 = arith.cmpf ogt, %select_n3A_2175, %gt3A_2366 : vector<16xf32>
    %select_n3A_2368 = arith.select %gt3A_2367, %broadcast_in_dim3A_1593, %broadcast_in_dim3A_1595 : vector<16xi1>, vector<16xi32>
    %add3A_2369 = arith.addi %add3A_2363, %select_n3A_2368 : vector<16xi32>
    %mul3A_2370 = arith.constant 32 : i32
    %mul3A_2371 = vector.broadcast %mul3A_2370 : i32 to vector<16xi32>
    %mul3A_2372 = arith.muli %add3A_2369, %mul3A_2371 : vector<16xi32>
    %scan3A = arith.constant 0 : i32
    %scan3A_2373 = arith.constant 0 : i32
    %scan3A_2374 = arith.constant 32 : i32
    %scan3A_2375 = arith.addi %scan3A_2373, %scan3A_2374 : i32
    %scan3A_2376 = arith.constant 1 : i32
    %scan3A_2377 = scf.for %scan3A_2379 = %scan3A_2373 to %scan3A_2375 step %scan3A_2376 iter_args(%scan3A_2380 = %scan3A) -> (i32)  : i32 {
      %mul3A_2381 = arith.constant 16 : i32
      %mul3A_2382 = arith.muli %scan3A_2379, %mul3A_2381 : i32
      %get3A_2383 = arith.index_cast %mul3A_2382 : i32 to index
      %get3A_2384 = tpu.vector_load %arg5[%get3A_2383] {strides = array<i32>} : memref<512xi32, #tpu.memory_space<vmem>>, vector<16xi32>,
      %get3A_2385 = vector.shape_cast %get3A_2384 : vector<16xi32> to vector<16xi32>
      %slice3A_2386 = vector.extract_strided_slice %mul3A_2372 {offsets = [0], sizes = [1], strides = [1]} : vector<16xi32> to vector<1xi32>
      %squeeze3A_2387 = vector.extract %slice3A_2386[0] : i32 from vector<1xi32>
      %add3A_2388 = vector.broadcast %squeeze3A_2387 : i32 to vector<16xi32>
      %add3A_2389 = arith.addi %get3A_2385, %add3A_2388 : vector<16xi32>
      %mul3A_2390 = arith.constant 16 : i32
      %mul3A_2391 = arith.muli %scan3A_2379, %mul3A_2390 : i32
      %swap3A_2392 = arith.constant 0 : i32
      %swap3A_2393 = arith.index_cast %swap3A_2392 : i32 to index
      %swap3A_2394 = arith.index_cast %mul3A_2391 : i32 to index
      %swap3A_2395 = tpu.vector_load %arg7[%swap3A_2393, %swap3A_2394] {strides = array<i32>} : memref<16x512xi32, #tpu.memory_space<vmem>>, vector<1x16xi32>,
      %swap3A_2396 = vector.shape_cast %swap3A_2395 : vector<1x16xi32> to vector<16xi32>
      %swap3A_2397 = vector.shape_cast %add3A_2389 : vector<16xi32> to vector<1x16xi32>
      tpu.vector_store %arg7[%swap3A_2393, %swap3A_2394], %swap3A_2397 {strides = array<i32>} : memref<16x512xi32, #tpu.memory_space<vmem>>, vector<1x16xi32>,
      %slice3A_2398 = vector.extract_strided_slice %mul3A_2372 {offsets = [1], sizes = [1], strides = [1]} : vector<16xi32> to vector<1xi32>
      %squeeze3A_2399 = vector.extract %slice3A_2398[0] : i32 from vector<1xi32>
      %add3A_2400 = vector.broadcast %squeeze3A_2399 : i32 to vector<16xi32>
      %add3A_2401 = arith.addi %get3A_2385, %add3A_2400 : vector<16xi32>
      %mul3A_2402 = arith.constant 16 : i32
      %mul3A_2403 = arith.muli %scan3A_2379, %mul3A_2402 : i32
      %swap3A_2404 = arith.constant 1 : i32
      %swap3A_2405 = arith.index_cast %swap3A_2404 : i32 to index
      %swap3A_2406 = arith.index_cast %mul3A_2403 : i32 to index
      %swap3A_2407 = tpu.vector_load %arg7[%swap3A_2405, %swap3A_2406] {strides = array<i32>} : memref<16x512xi32, #tpu.memory_space<vmem>>, vector<1x16xi32>,
      %swap3A_2408 = vector.shape_cast %swap3A_2407 : vector<1x16xi32> to vector<16xi32>
      %swap3A_2409 = vector.shape_cast %add3A_2401 : vector<16xi32> to vector<1x16xi32>
      tpu.vector_store %arg7[%swap3A_2405, %swap3A_2406], %swap3A_2409 {strides = array<i32>} : memref<16x512xi32, #tpu.memory_space<vmem>>, vector<1x16xi32>,
      %slice3A_2410 = vector.extract_strided_slice %mul3A_2372 {offsets = [2], sizes = [1], strides = [1]} : vector<16xi32> to vector<1xi32>
      %squeeze3A_2411 = vector.extract %slice3A_2410[0] : i32 from vector<1xi32>
      %add3A_2412 = vector.broadcast %squeeze3A_2411 : i32 to vector<16xi32>
      %add3A_2413 = arith.addi %get3A_2385, %add3A_2412 : vector<16xi32>
      %mul3A_2414 = arith.constant 16 : i32
      %mul3A_2415 = arith.muli %scan3A_2379, %mul3A_2414 : i32
      %swap3A_2416 = arith.constant 2 : i32
      %swap3A_2417 = arith.index_cast %swap3A_2416 : i32 to index
      %swap3A_2418 = arith.index_cast %mul3A_2415 : i32 to index
      %swap3A_2419 = tpu.vector_load %arg7[%swap3A_2417, %swap3A_2418] {strides = array<i32>} : memref<16x512xi32, #tpu.memory_space<vmem>>, vector<1x16xi32>,
      %swap3A_2420 = vector.shape_cast %swap3A_2419 : vector<1x16xi32> to vector<16xi32>
      %swap3A_2421 = vector.shape_cast %add3A_2413 : vector<16xi32> to vector<1x16xi32>
      tpu.vector_store %arg7[%swap3A_2417, %swap3A_2418], %swap3A_2421 {strides = array<i32>} : memref<16x512xi32, #tpu.memory_space<vmem>>, vector<1x16xi32>,
      %slice3A_2422 = vector.extract_strided_slice %mul3A_2372 {offsets = [3], sizes = [1], strides = [1]} : vector<16xi32> to vector<1xi32>
      %squeeze3A_2423 = vector.extract %slice3A_2422[0] : i32 from vector<1xi32>
      %add3A_2424 = vector.broadcast %squeeze3A_2423 : i32 to vector<16xi32>
      %add3A_2425 = arith.addi %get3A_2385, %add3A_2424 : vector<16xi32>
      %mul3A_2426 = arith.constant 16 : i32
      %mul3A_2427 = arith.muli %scan3A_2379, %mul3A_2426 : i32
      %swap3A_2428 = arith.constant 3 : i32
      %swap3A_2429 = arith.index_cast %swap3A_2428 : i32 to index
      %swap3A_2430 = arith.index_cast %mul3A_2427 : i32 to index
      %swap3A_2431 = tpu.vector_load %arg7[%swap3A_2429, %swap3A_2430] {strides = array<i32>} : memref<16x512xi32, #tpu.memory_space<vmem>>, vector<1x16xi32>,
      %swap3A_2432 = vector.shape_cast %swap3A_2431 : vector<1x16xi32> to vector<16xi32>
      %swap3A_2433 = vector.shape_cast %add3A_2425 : vector<16xi32> to vector<1x16xi32>
      tpu.vector_store %arg7[%swap3A_2429, %swap3A_2430], %swap3A_2433 {strides = array<i32>} : memref<16x512xi32, #tpu.memory_space<vmem>>, vector<1x16xi32>,
      %slice3A_2434 = vector.extract_strided_slice %mul3A_2372 {offsets = [4], sizes = [1], strides = [1]} : vector<16xi32> to vector<1xi32>
      %squeeze3A_2435 = vector.extract %slice3A_2434[0] : i32 from vector<1xi32>
      %add3A_2436 = vector.broadcast %squeeze3A_2435 : i32 to vector<16xi32>
      %add3A_2437 = arith.addi %get3A_2385, %add3A_2436 : vector<16xi32>
      %mul3A_2438 = arith.constant 16 : i32
      %mul3A_2439 = arith.muli %scan3A_2379, %mul3A_2438 : i32
      %swap3A_2440 = arith.constant 4 : i32
      %swap3A_2441 = arith.index_cast %swap3A_2440 : i32 to index
      %swap3A_2442 = arith.index_cast %mul3A_2439 : i32 to index
      %swap3A_2443 = tpu.vector_load %arg7[%swap3A_2441, %swap3A_2442] {strides = array<i32>} : memref<16x512xi32, #tpu.memory_space<vmem>>, vector<1x16xi32>,
      %swap3A_2444 = vector.shape_cast %swap3A_2443 : vector<1x16xi32> to vector<16xi32>
      %swap3A_2445 = vector.shape_cast %add3A_2437 : vector<16xi32> to vector<1x16xi32>
      tpu.vector_store %arg7[%swap3A_2441, %swap3A_2442], %swap3A_2445 {strides = array<i32>} : memref<16x512xi32, #tpu.memory_space<vmem>>, vector<1x16xi32>,
      %slice3A_2446 = vector.extract_strided_slice %mul3A_2372 {offsets = [5], sizes = [1], strides = [1]} : vector<16xi32> to vector<1xi32>
      %squeeze3A_2447 = vector.extract %slice3A_2446[0] : i32 from vector<1xi32>
      %add3A_2448 = vector.broadcast %squeeze3A_2447 : i32 to vector<16xi32>
      %add3A_2449 = arith.addi %get3A_2385, %add3A_2448 : vector<16xi32>
      %mul3A_2450 = arith.constant 16 : i32
      %mul3A_2451 = arith.muli %scan3A_2379, %mul3A_2450 : i32
      %swap3A_2452 = arith.constant 5 : i32
      %swap3A_2453 = arith.index_cast %swap3A_2452 : i32 to index
      %swap3A_2454 = arith.index_cast %mul3A_2451 : i32 to index
      %swap3A_2455 = tpu.vector_load %arg7[%swap3A_2453, %swap3A_2454] {strides = array<i32>} : memref<16x512xi32, #tpu.memory_space<vmem>>, vector<1x16xi32>,
      %swap3A_2456 = vector.shape_cast %swap3A_2455 : vector<1x16xi32> to vector<16xi32>
      %swap3A_2457 = vector.shape_cast %add3A_2449 : vector<16xi32> to vector<1x16xi32>
      tpu.vector_store %arg7[%swap3A_2453, %swap3A_2454], %swap3A_2457 {strides = array<i32>} : memref<16x512xi32, #tpu.memory_space<vmem>>, vector<1x16xi32>,
      %slice3A_2458 = vector.extract_strided_slice %mul3A_2372 {offsets = [6], sizes = [1], strides = [1]} : vector<16xi32> to vector<1xi32>
      %squeeze3A_2459 = vector.extract %slice3A_2458[0] : i32 from vector<1xi32>
      %add3A_2460 = vector.broadcast %squeeze3A_2459 : i32 to vector<16xi32>
      %add3A_2461 = arith.addi %get3A_2385, %add3A_2460 : vector<16xi32>
      %mul3A_2462 = arith.constant 16 : i32
      %mul3A_2463 = arith.muli %scan3A_2379, %mul3A_2462 : i32
      %swap3A_2464 = arith.constant 6 : i32
      %swap3A_2465 = arith.index_cast %swap3A_2464 : i32 to index
      %swap3A_2466 = arith.index_cast %mul3A_2463 : i32 to index
      %swap3A_2467 = tpu.vector_load %arg7[%swap3A_2465, %swap3A_2466] {strides = array<i32>} : memref<16x512xi32, #tpu.memory_space<vmem>>, vector<1x16xi32>,
      %swap3A_2468 = vector.shape_cast %swap3A_2467 : vector<1x16xi32> to vector<16xi32>
      %swap3A_2469 = vector.shape_cast %add3A_2461 : vector<16xi32> to vector<1x16xi32>
      tpu.vector_store %arg7[%swap3A_2465, %swap3A_2466], %swap3A_2469 {strides = array<i32>} : memref<16x512xi32, #tpu.memory_space<vmem>>, vector<1x16xi32>,
      %slice3A_2470 = vector.extract_strided_slice %mul3A_2372 {offsets = [7], sizes = [1], strides = [1]} : vector<16xi32> to vector<1xi32>
      %squeeze3A_2471 = vector.extract %slice3A_2470[0] : i32 from vector<1xi32>
      %add3A_2472 = vector.broadcast %squeeze3A_2471 : i32 to vector<16xi32>
      %add3A_2473 = arith.addi %get3A_2385, %add3A_2472 : vector<16xi32>
      %mul3A_2474 = arith.constant 16 : i32
      %mul3A_2475 = arith.muli %scan3A_2379, %mul3A_2474 : i32
      %swap3A_2476 = arith.constant 7 : i32
      %swap3A_2477 = arith.index_cast %swap3A_2476 : i32 to index
      %swap3A_2478 = arith.index_cast %mul3A_2475 : i32 to index
      %swap3A_2479 = tpu.vector_load %arg7[%swap3A_2477, %swap3A_2478] {strides = array<i32>} : memref<16x512xi32, #tpu.memory_space<vmem>>, vector<1x16xi32>,
      %swap3A_2480 = vector.shape_cast %swap3A_2479 : vector<1x16xi32> to vector<16xi32>
      %swap3A_2481 = vector.shape_cast %add3A_2473 : vector<16xi32> to vector<1x16xi32>
      tpu.vector_store %arg7[%swap3A_2477, %swap3A_2478], %swap3A_2481 {strides = array<i32>} : memref<16x512xi32, #tpu.memory_space<vmem>>, vector<1x16xi32>,
      %slice3A_2482 = vector.extract_strided_slice %mul3A_2372 {offsets = [8], sizes = [1], strides = [1]} : vector<16xi32> to vector<1xi32>
      %squeeze3A_2483 = vector.extract %slice3A_2482[0] : i32 from vector<1xi32>
      %add3A_2484 = vector.broadcast %squeeze3A_2483 : i32 to vector<16xi32>
      %add3A_2485 = arith.addi %get3A_2385, %add3A_2484 : vector<16xi32>
      %mul3A_2486 = arith.constant 16 : i32
      %mul3A_2487 = arith.muli %scan3A_2379, %mul3A_2486 : i32
      %swap3A_2488 = arith.constant 8 : i32
      %swap3A_2489 = arith.index_cast %swap3A_2488 : i32 to index
      %swap3A_2490 = arith.index_cast %mul3A_2487 : i32 to index
      %swap3A_2491 = tpu.vector_load %arg7[%swap3A_2489, %swap3A_2490] {strides = array<i32>} : memref<16x512xi32, #tpu.memory_space<vmem>>, vector<1x16xi32>,
      %swap3A_2492 = vector.shape_cast %swap3A_2491 : vector<1x16xi32> to vector<16xi32>
      %swap3A_2493 = vector.shape_cast %add3A_2485 : vector<16xi32> to vector<1x16xi32>
      tpu.vector_store %arg7[%swap3A_2489, %swap3A_2490], %swap3A_2493 {strides = array<i32>} : memref<16x512xi32, #tpu.memory_space<vmem>>, vector<1x16xi32>,
      %slice3A_2494 = vector.extract_strided_slice %mul3A_2372 {offsets = [9], sizes = [1], strides = [1]} : vector<16xi32> to vector<1xi32>
      %squeeze3A_2495 = vector.extract %slice3A_2494[0] : i32 from vector<1xi32>
      %add3A_2496 = vector.broadcast %squeeze3A_2495 : i32 to vector<16xi32>
      %add3A_2497 = arith.addi %get3A_2385, %add3A_2496 : vector<16xi32>
      %mul3A_2498 = arith.constant 16 : i32
      %mul3A_2499 = arith.muli %scan3A_2379, %mul3A_2498 : i32
      %swap3A_2500 = arith.constant 9 : i32
      %swap3A_2501 = arith.index_cast %swap3A_2500 : i32 to index
      %swap3A_2502 = arith.index_cast %mul3A_2499 : i32 to index
      %swap3A_2503 = tpu.vector_load %arg7[%swap3A_2501, %swap3A_2502] {strides = array<i32>} : memref<16x512xi32, #tpu.memory_space<vmem>>, vector<1x16xi32>,
      %swap3A_2504 = vector.shape_cast %swap3A_2503 : vector<1x16xi32> to vector<16xi32>
      %swap3A_2505 = vector.shape_cast %add3A_2497 : vector<16xi32> to vector<1x16xi32>
      tpu.vector_store %arg7[%swap3A_2501, %swap3A_2502], %swap3A_2505 {strides = array<i32>} : memref<16x512xi32, #tpu.memory_space<vmem>>, vector<1x16xi32>,
      %slice3A_2506 = vector.extract_strided_slice %mul3A_2372 {offsets = [10], sizes = [1], strides = [1]} : vector<16xi32> to vector<1xi32>
      %squeeze3A_2507 = vector.extract %slice3A_2506[0] : i32 from vector<1xi32>
      %add3A_2508 = vector.broadcast %squeeze3A_2507 : i32 to vector<16xi32>
      %add3A_2509 = arith.addi %get3A_2385, %add3A_2508 : vector<16xi32>
      %mul3A_2510 = arith.constant 16 : i32
      %mul3A_2511 = arith.muli %scan3A_2379, %mul3A_2510 : i32
      %swap3A_2512 = arith.constant 10 : i32
      %swap3A_2513 = arith.index_cast %swap3A_2512 : i32 to index
      %swap3A_2514 = arith.index_cast %mul3A_2511 : i32 to index
      %swap3A_2515 = tpu.vector_load %arg7[%swap3A_2513, %swap3A_2514] {strides = array<i32>} : memref<16x512xi32, #tpu.memory_space<vmem>>, vector<1x16xi32>,
      %swap3A_2516 = vector.shape_cast %swap3A_2515 : vector<1x16xi32> to vector<16xi32>
      %swap3A_2517 = vector.shape_cast %add3A_2509 : vector<16xi32> to vector<1x16xi32>
      tpu.vector_store %arg7[%swap3A_2513, %swap3A_2514], %swap3A_2517 {strides = array<i32>} : memref<16x512xi32, #tpu.memory_space<vmem>>, vector<1x16xi32>,
      %slice3A_2518 = vector.extract_strided_slice %mul3A_2372 {offsets = [11], sizes = [1], strides = [1]} : vector<16xi32> to vector<1xi32>
      %squeeze3A_2519 = vector.extract %slice3A_2518[0] : i32 from vector<1xi32>
      %add3A_2520 = vector.broadcast %squeeze3A_2519 : i32 to vector<16xi32>
      %add3A_2521 = arith.addi %get3A_2385, %add3A_2520 : vector<16xi32>
      %mul3A_2522 = arith.constant 16 : i32
      %mul3A_2523 = arith.muli %scan3A_2379, %mul3A_2522 : i32
      %swap3A_2524 = arith.constant 11 : i32
      %swap3A_2525 = arith.index_cast %swap3A_2524 : i32 to index
      %swap3A_2526 = arith.index_cast %mul3A_2523 : i32 to index
      %swap3A_2527 = tpu.vector_load %arg7[%swap3A_2525, %swap3A_2526] {strides = array<i32>} : memref<16x512xi32, #tpu.memory_space<vmem>>, vector<1x16xi32>,
      %swap3A_2528 = vector.shape_cast %swap3A_2527 : vector<1x16xi32> to vector<16xi32>
      %swap3A_2529 = vector.shape_cast %add3A_2521 : vector<16xi32> to vector<1x16xi32>
      tpu.vector_store %arg7[%swap3A_2525, %swap3A_2526], %swap3A_2529 {strides = array<i32>} : memref<16x512xi32, #tpu.memory_space<vmem>>, vector<1x16xi32>,
      %slice3A_2530 = vector.extract_strided_slice %mul3A_2372 {offsets = [12], sizes = [1], strides = [1]} : vector<16xi32> to vector<1xi32>
      %squeeze3A_2531 = vector.extract %slice3A_2530[0] : i32 from vector<1xi32>
      %add3A_2532 = vector.broadcast %squeeze3A_2531 : i32 to vector<16xi32>
      %add3A_2533 = arith.addi %get3A_2385, %add3A_2532 : vector<16xi32>
      %mul3A_2534 = arith.constant 16 : i32
      %mul3A_2535 = arith.muli %scan3A_2379, %mul3A_2534 : i32
      %swap3A_2536 = arith.constant 12 : i32
      %swap3A_2537 = arith.index_cast %swap3A_2536 : i32 to index
      %swap3A_2538 = arith.index_cast %mul3A_2535 : i32 to index
      %swap3A_2539 = tpu.vector_load %arg7[%swap3A_2537, %swap3A_2538] {strides = array<i32>} : memref<16x512xi32, #tpu.memory_space<vmem>>, vector<1x16xi32>,
      %swap3A_2540 = vector.shape_cast %swap3A_2539 : vector<1x16xi32> to vector<16xi32>
      %swap3A_2541 = vector.shape_cast %add3A_2533 : vector<16xi32> to vector<1x16xi32>
      tpu.vector_store %arg7[%swap3A_2537, %swap3A_2538], %swap3A_2541 {strides = array<i32>} : memref<16x512xi32, #tpu.memory_space<vmem>>, vector<1x16xi32>,
      %slice3A_2542 = vector.extract_strided_slice %mul3A_2372 {offsets = [13], sizes = [1], strides = [1]} : vector<16xi32> to vector<1xi32>
      %squeeze3A_2543 = vector.extract %slice3A_2542[0] : i32 from vector<1xi32>
      %add3A_2544 = vector.broadcast %squeeze3A_2543 : i32 to vector<16xi32>
      %add3A_2545 = arith.addi %get3A_2385, %add3A_2544 : vector<16xi32>
      %mul3A_2546 = arith.constant 16 : i32
      %mul3A_2547 = arith.muli %scan3A_2379, %mul3A_2546 : i32
      %swap3A_2548 = arith.constant 13 : i32
      %swap3A_2549 = arith.index_cast %swap3A_2548 : i32 to index
      %swap3A_2550 = arith.index_cast %mul3A_2547 : i32 to index
      %swap3A_2551 = tpu.vector_load %arg7[%swap3A_2549, %swap3A_2550] {strides = array<i32>} : memref<16x512xi32, #tpu.memory_space<vmem>>, vector<1x16xi32>,
      %swap3A_2552 = vector.shape_cast %swap3A_2551 : vector<1x16xi32> to vector<16xi32>
      %swap3A_2553 = vector.shape_cast %add3A_2545 : vector<16xi32> to vector<1x16xi32>
      tpu.vector_store %arg7[%swap3A_2549, %swap3A_2550], %swap3A_2553 {strides = array<i32>} : memref<16x512xi32, #tpu.memory_space<vmem>>, vector<1x16xi32>,
      %slice3A_2554 = vector.extract_strided_slice %mul3A_2372 {offsets = [14], sizes = [1], strides = [1]} : vector<16xi32> to vector<1xi32>
      %squeeze3A_2555 = vector.extract %slice3A_2554[0] : i32 from vector<1xi32>
      %add3A_2556 = vector.broadcast %squeeze3A_2555 : i32 to vector<16xi32>
      %add3A_2557 = arith.addi %get3A_2385, %add3A_2556 : vector<16xi32>
      %mul3A_2558 = arith.constant 16 : i32
      %mul3A_2559 = arith.muli %scan3A_2379, %mul3A_2558 : i32
      %swap3A_2560 = arith.constant 14 : i32
      %swap3A_2561 = arith.index_cast %swap3A_2560 : i32 to index
      %swap3A_2562 = arith.index_cast %mul3A_2559 : i32 to index
      %swap3A_2563 = tpu.vector_load %arg7[%swap3A_2561, %swap3A_2562] {strides = array<i32>} : memref<16x512xi32, #tpu.memory_space<vmem>>, vector<1x16xi32>,
      %swap3A_2564 = vector.shape_cast %swap3A_2563 : vector<1x16xi32> to vector<16xi32>
      %swap3A_2565 = vector.shape_cast %add3A_2557 : vector<16xi32> to vector<1x16xi32>
      tpu.vector_store %arg7[%swap3A_2561, %swap3A_2562], %swap3A_2565 {strides = array<i32>} : memref<16x512xi32, #tpu.memory_space<vmem>>, vector<1x16xi32>,
      %slice3A_2566 = vector.extract_strided_slice %mul3A_2372 {offsets = [15], sizes = [1], strides = [1]} : vector<16xi32> to vector<1xi32>
      %squeeze3A_2567 = vector.extract %slice3A_2566[0] : i32 from vector<1xi32>
      %add3A_2568 = vector.broadcast %squeeze3A_2567 : i32 to vector<16xi32>
      %add3A_2569 = arith.addi %get3A_2385, %add3A_2568 : vector<16xi32>
      %mul3A_2570 = arith.constant 16 : i32
      %mul3A_2571 = arith.muli %scan3A_2379, %mul3A_2570 : i32
      %swap3A_2572 = arith.constant 15 : i32
      %swap3A_2573 = arith.index_cast %swap3A_2572 : i32 to index
      %swap3A_2574 = arith.index_cast %mul3A_2571 : i32 to index
      %swap3A_2575 = tpu.vector_load %arg7[%swap3A_2573, %swap3A_2574] {strides = array<i32>} : memref<16x512xi32, #tpu.memory_space<vmem>>, vector<1x16xi32>,
      %swap3A_2576 = vector.shape_cast %swap3A_2575 : vector<1x16xi32> to vector<16xi32>
      %swap3A_2577 = vector.shape_cast %add3A_2569 : vector<16xi32> to vector<1x16xi32>
      tpu.vector_store %arg7[%swap3A_2573, %swap3A_2574], %swap3A_2577 {strides = array<i32>} : memref<16x512xi32, #tpu.memory_space<vmem>>, vector<1x16xi32>,
      %scan3A_2578 = arith.constant 0 : i32
      scf.yield %scan3A_2578 : i32
    }
    %scan3A_2378 = arith.constant 32 : i32
    "tpu.region"() ({
      %run_scoped3A = tpu.sem_alloc : memref<!tpu.dma_semaphore, #tpu.memory_space<semaphore_mem>>
      %dma_start3A = arith.constant 0 : i32
      %dma_start3A_2379 = tpu.memref_slice %arg3[%mul3A_2, %dma_start3A] : memref<512x512xi32, #tpu.memory_space<hbm>> -> memref<16x512xi32, #tpu.memory_space<hbm>>
      %dma_start3A_2380 = arith.constant 0 : i32
      %dma_start3A_2381 = tpu.memref_slice %arg3[%mul3A_2, %dma_start3A_2380] : memref<512x512xi32, #tpu.memory_space<hbm>> -> memref<16x512xi32, #tpu.memory_space<hbm>>
      tpu.enqueue_dma source(%arg7 : memref<16x512xi32, #tpu.memory_space<vmem>>) target(%dma_start3A_2381 : memref<16x512xi32, #tpu.memory_space<hbm>>) target_semaphore(%run_scoped3A : memref<!tpu.dma_semaphore, #tpu.memory_space<semaphore_mem>>)
      %dma_wait3A = arith.constant 0 : i32
      %dma_wait3A_2382 = tpu.memref_slice %arg3[%mul3A_2, %dma_wait3A] : memref<512x512xi32, #tpu.memory_space<hbm>> -> memref<16x512xi32, #tpu.memory_space<hbm>>
      %dma_wait3A_2383 = arith.constant 0 : i32
      %dma_wait3A_2384 = tpu.memref_slice %arg3[%mul3A_2, %dma_wait3A_2383] : memref<512x512xi32, #tpu.memory_space<hbm>> -> memref<16x512xi32, #tpu.memory_space<hbm>>
      tpu.wait_dma2 semaphore(%run_scoped3A : memref<!tpu.dma_semaphore, #tpu.memory_space<semaphore_mem>>) src(%arg7 : memref<16x512xi32, #tpu.memory_space<vmem>>) dst(%dma_wait3A_2384 : memref<16x512xi32, #tpu.memory_space<hbm>>)
      tpu.yield
    }) : () -> ()
    return
  }
}

</mosaic_0001>

<sc_bundles>
// kernel: _sc_launch.3.cloned.1.call-start
scs
__scs_entry_jumppad:
0x0: {  	(pc) =	sbr.rel $0x88, $3  }
0x1: {  	(tag) =	ssettag $0x0;
	lr =	simm.s32 $0x1  }
0x2: {  	[smem:$0x3F9F] =	sst lr;
	_ =	strace $0xD0000000  }
0x3: {  	_ = 	snop  }
0x4: {  	_ = 	snop  }
0x5: {  	_ = 	snop  }
0x6: {  	_ = 	snop  }
0x7: {  	_ = 	snop  }
__scs_overlays_trampoline_lowered:
0x8: {  	[smem:$0x3FAE] =	sst s0  }
0x9: {  	[smem:$0x3FAF] =	sst s1  }
0xa: {  	[smem:$0x3FB0] =	sst s2  }
0xb: {  	[smem:$0x3FB1] =	sst s3  }
0xc: {  	[smem:$0x3FB2] =	sst s4  }
0xd: {  	[smem:$0x3FB3] =	sst s5  }
0xe: {  	[smem:$0x3FB4] =	sst s6  }
0xf: {  	[smem:$0x3FB5] =	sst s7  }
0x10: {  	[smem:$0x3FB6] =	sst s8  }
0x11: {  	[smem:$0x3FB7] =	sst s9;
	s0 =	simm.s32 @!p0 $0x0  }
0x12: {  	s1 =	sld [smem:$0x3F9D];
	s0 =	simm.s32 @p0 $0x1  }
0x13: {  	[smem:$0x3FB8] =	sst s0;
	s0 =	simm.s32 @!p1 $0x0  }
0x14: {  	s2 =	sld [smem:$0x3F9C];
	s0 =	simm.s32 @p1 $0x1  }
0x15: {  	[smem:$0x3FB9] =	sst s0;
	s0 =	simm.s32 @!p2 $0x0  }
0x16: {  	s3 =	sld [smem:$0x3FDB];
	s0 =	simm.s32 @p2 $0x1  }
0x17: {  	s4 =	simm.s32 $0x1BF5;
	[smem:$0x3FBB] =	sst s0  }
0x18: {  	s0 =	sld [smem:$0x3F9E];
	_ =	swait.ge [sflag:s4], $0x0  }
0x19: {  	s7 =	sld [smem:$0x3F9F]  }
0x1a: {  	s8 =	sadd.s32 $0xFFFFE003, lr  }
0x1b: {  	s9 =	sadd.s32 $0xFFFFFEF7, lr;
	s5 =	simm.s32 $0xFFFFFFFF;
	p2 =	slt.u32 s8, $0xFFFFF086  }
0x1c: {  	p1 =	slt.u32 s9, $0xF7A;
	s5 =	simm.s32 @!p2 $0x0  }
0x1d: {  	s5 =	simm.s32 @p1 $0x1;
	p0 =	seq.s32 s7, s2  }
0x1e: {  	s7 =	smul.u32 @!p0 $0xF7A, s2;
	p2 =	seq.s32 @!p0 s5, $0x0  }
0x1f: {  	s9 =	smul.u32 $0xF7A, s1;
	s8 =	simm.s32 @!p0 $0x1BF5;
	p2 =	por !p2, p0  }
0x20: {  	[sflag:s8] =	ssyncset.s32 @!p0 $0xFFFFF086;
	s6 =	sadd.s32 @!p0 s3, s7;
	s7 =	simm.s32 @!p0 $0x108  }
0x21: {  	s3 =	sadd.s32 s3, s9;
	s6 =	sadd.s32 @!p0 $0x88, s6;
	s7 =	simm.s32 @p2 $0x1082  }
0x22: {  	[simem:s7], [sflag:s8] =	dma.local @!p0 [hbm:s6], $0xF7A  }
0x23: {  	s9 =	sor.u32 $0xD0000000, s2;
	s6 =	simm.s32 $0x108;
	_ =	swait.ge @!p0 [sflag:s8], $0x0  }
0x24: {  	s3 =	sadd.s32 $0x88, s3;
	s6 =	simm.s32 @!p1 $0x1082;
	[sflag:s4] =	ssyncset.s32 $0xFFFFF086  }
0x25: {  	[simem:s6], [sflag:s4] =	dma.local [hbm:s3], $0xF7A  }
0x26: {  	[smem:$0x3F9F] =	sst s1;
	(tag) =	ssettag s2;
	_ =	strace s9  }
0x27: {  	s1 =	sld [smem:$0x3FAF]  }
0x28: {  	s2 =	sld [smem:$0x3FB0]  }
0x29: {  	s4 =	sld [smem:$0x3FB2]  }
0x2a: {  	p0 =	seq.s32 s5, $0x0;
	s5 =	sld [smem:$0x3FB3]  }
0x2b: {  	s6 =	sld [smem:$0x3FB4]  }
0x2c: {  	s7 =	sld [smem:$0x3FB5]  }
0x2d: {  	s3 =	simm.s32 $0x108;
	s8 =	sld [smem:$0x3FB6]  }
0x2e: {  	s3 =	simm.s32 @!p0 $0x1082;
	s9 =	sld [smem:$0x3FB7]  }
0x2f: {  	lr =	sadd.s32 s0, s3;
	s0 =	sld [smem:$0x3FAE]  }
0x30: {  	s3 =	sld [smem:$0x3FB1]  }
0x31: {  	[smem:$0x3FBA] =	sst s10  }
0x32: {  	s10 =	sld [smem:$0x3FB8];
	_ =	sdelay $0x3  }
0x33: {  	p0 =	seq.s32 s10, $0x1;
	s10 =	sld [smem:$0x3FBA];
	_ =	sdelay $0x3  }
0x34: {  	[smem:$0x3FBA] =	sst s10  }
0x35: {  	s10 =	sld [smem:$0x3FB9];
	_ =	sdelay $0x3  }
0x36: {  	p1 =	seq.s32 s10, $0x1;
	s10 =	sld [smem:$0x3FBA];
	_ =	sdelay $0x3  }
0x37: {  	[smem:$0x3FBA] =	sst s10  }
0x38: {  	s10 =	sld [smem:$0x3FBB]  }
0x39: {  	_ = 	snop;
	(pc) =	sbr.ind lr, $3  }
0x3a: {  	_ = 	snop  }
0x3b: {  	_ = 	snop  }
0x3c: {  	p2 =	seq.s32 s10, $0x1;
	s10 =	sld [smem:$0x3FBA]  }
0x3d: {  	_ =	shalt  }
0x3e: {  	_ =	shalt  }
0x3f: {  	_ =	shalt  }
0x40: {  	_ =	shalt  }
0x41: {  	_ =	shalt  }
0x42: {  	_ =	shalt  }
0x43: {  	_ =	shalt  }
0x44: {  	_ =	shalt  }
0x45: {  	_ =	shalt  }
0x46: {  	_ =	shalt  }
0x47: {  	_ =	shalt  }
0x48: {  	_ =	shalt  }
0x49: {  	_ =	shalt  }
0x4a: {  	_ =	shalt  }
0x4b: {  	_ =	shalt  }
0x4c: {  	_ =	shalt  }
0x4d: {  	_ =	shalt  }
0x4e: {  	_ =	shalt  }
0x4f: {  	_ =	shalt  }
0x50: {  	_ =	shalt  }
0x51: {  	_ =	shalt  }
0x52: {  	_ =	shalt  }
0x53: {  	_ =	shalt  }
0x54: {  	_ =	shalt  }
0x55: {  	_ =	shalt  }
0x56: {  	_ =	shalt  }
0x57: {  	_ =	shalt  }
0x58: {  	_ =	shalt  }
0x59: {  	_ =	shalt  }
0x5a: {  	_ =	shalt  }
0x5b: {  	_ =	shalt  }
0x5c: {  	_ =	shalt  }
0x5d: {  	_ =	shalt  }
0x5e: {  	_ =	shalt  }
0x5f: {  	_ =	shalt  }
0x60: {  	_ =	shalt  }
0x61: {  	_ =	shalt  }
0x62: {  	_ =	shalt  }
0x63: {  	_ =	shalt  }
0x64: {  	_ =	shalt  }
0x65: {  	_ =	shalt  }
0x66: {  	_ =	shalt  }
0x67: {  	_ =	shalt  }
0x68: {  	_ =	shalt  }
0x69: {  	_ =	shalt  }
0x6a: {  	_ =	shalt  }
0x6b: {  	_ =	shalt  }
0x6c: {  	_ =	shalt  }
0x6d: {  	_ =	shalt  }
0x6e: {  	_ =	shalt  }
0x6f: {  	_ =	shalt  }
0x70: {  	_ =	shalt  }
0x71: {  	_ =	shalt  }
0x72: {  	_ =	shalt  }
0x73: {  	_ =	shalt  }
0x74: {  	_ =	shalt  }
0x75: {  	_ =	shalt  }
0x76: {  	_ =	shalt  }
0x77: {  	_ =	shalt  }
0x78: {  	_ =	shalt  }
0x79: {  	_ =	shalt  }
0x7a: {  	_ =	shalt  }
0x7b: {  	_ =	shalt  }
0x7c: {  	_ =	shalt  }
0x7d: {  	_ =	shalt  }
0x7e: {  	_ =	shalt  }
0x7f: {  	_ =	shalt  }
0x80: {  	_ =	shalt  }
0x81: {  	_ =	shalt  }
0x82: {  	_ =	shalt  }
0x83: {  	_ =	shalt  }
0x84: {  	_ =	shalt  }
0x85: {  	_ =	shalt  }
0x86: {  	_ =	shalt  }
0x87: {  	_ =	shalt  }
.Lfunc_end0:
.L_simem_size_0:
called_computation_lowered:
.L_overlay_start_0:
0x88: {  	s2 =	sld [smem:$0x3FD9]  }
0x89: {  	s3 =	sld [smem:$0x3FFE];
	_ =	sdelay $0x1  }
0x8a: {  	s1 =	srdreg.scid  }
0x8b: {  	s0 =	sand.u32 $0x1, s1  }
0x8c: {  	s17 =	sshll.u32 s0, $0xA;
	s2 =	sadd.s32 s3, s2  }
0x8d: {  	s2 =	sadd.s32 s2, s17  }
0x8e: {  	[smem:$0x3FC6] =	sst s2  }
0x8f: {  	_ = 	snop  }
0x90: {  	s2 =	sld [smem:$0x3FD0];
	(tm) =	ssettm $0x1  }
0x91: {  	s18 =	sld [smem:$0x3FFB];
	_ =	sdelay $0x3  }
0x92: {  	_ =	strace s18  }
0x93: {  	s3 =	sld [smem:$0x3FFC];
	_ =	sdelay $0x3  }
0x94: {  	_ =	strace s3  }
0x95: {  	s3 =	sld [smem:$0x3FFD];
	_ =	sdelay $0x3  }
0x96: {  	_ =	strace s3  }
0x97: {  	_ =	strace $0x8FFFFFFF  }
0x98: {  	s19 =	sld [smem:$0x3FDB];
	_ =	sdelay $0x1  }
0x99: {  	s4 =	simm.s32 $_scs_section_size  }
0x9a: {  	s5 =	simm.s32 $_size__tile_overlayer_lowered;
	s6 =	simm.s32 $_tile_overlayer_lowered  }
0x9b: {  	s22 =	simm.s32 $0x1BFF;
	s21 =	sshll.u32 s6, $0x1;
	s3 =	sadd.s32 s4, s19  }
0x9c: {  	s7 =	simm.s32 $0x0;
	s20 =	sshll.u32 s5, $0x1;
	s5 =	sadd.s32 s21, s3  }
0x9d: {  	[timem:s7], [sflag:s22] =	dma.local [hbm:s5], s20  }
0x9e: {  	_ =	swait.ge [sflag:s22], s20  }
0x9f: {  	s4 =	ssub.s32 $0x0, s20;
	[sflag:s22] =	ssyncset.done $0x0  }
0xa0: {  	[sflag:s22] =	ssyncadd.s32 s4;
	_ =	sdelay $0x1  }
0xa1: {  	s23 =	simm.s32 $0x1B8B  }
0xa2: {  	_ =	swait.ge [sflag:s23], $0x1  }
0xa3: {  	[sflag:s23] =	ssyncset.done $0x0  }
0xa4: {  	s25 =	simm.s32 $0x1B8E;
	s24 =	sld [smem:$0x3FFE];
	[sflag:s23] =	ssyncadd.s32 $0xFFFFFFFF  }
0xa5: {  	s26 =	simm.s32 $execute0_lowered;
	[smem:$0x3FD2] =	sst s25  }
0xa6: {  	s5 =	sshll.u32 s26, $0x1;
	_ =	strace $0x80000046;
	[dreg:$0x1] =	wrdreg $0xFFFFFFFF  }
0xa7: {  	s28 =	simm.s32 $_size_execute0_lowered;
	s3 =	sadd.s32 s3, s5;
	[dreg:$0x0] =	wrdreg $0x0  }
0xa8: {  	s5 =	sshll.u32 s28, $0x1;
	[dreg:$0x2] =	wrdreg s3  }
0xa9: {  	[dreg:$0x3] =	wrdreg s5  }
0xaa: {  	[dreg:$0x4] =	wrdreg $0xC0  }
0xab: {  	_ =	task [dreg:s7], $0x5FFFF  }
0xac: {  	[dreg:$0x1] =	wrdreg $0xFFFFFFFF  }
0xad: {  	[dreg:$0x0] =	wrdreg $0x60  }
0xae: {  	[dreg:$0x2] =	wrdreg s24  }
0xaf: {  	[dreg:$0x3] =	wrdreg s2  }
0xb0: {  	[dreg:$0x4] =	wrdreg $0x23000  }
0xb1: {  	[dreg:$0x5] =	wrdreg $0x9  }
0xb2: {  	_ =	task.clear_ibuf [dreg:s7], $0x6FFFF;
	_ =	strace $0x90000046  }
0xb3: {  	s29 =	simm.s32 $0x9;
	_ =	strace $0x80000048  }
0xb4: {  	_ =	swait.ge [sflag:s29], $0x1  }
0xb5: {  	[sflag:s29] =	ssyncadd.s32 $0xFFFFFFFF  }
0xb6: {  	_ =	strace $0x90000048  }
0xb7: {  	_ =	sfence  }
0xb8: {  	s30 =	sld [smem:$0x0];
	_ =	sdelay $0x2  }
0xb9: {  	s31 =	sshll.u32 s1, $0xD;
	s1 =	sshrl.u32 s1, $0x2  }
0xba: {  	s3 =	sand.u32 $0x4000, s31;
	s1 =	sadd.s32 s1, s30  }
0xbb: {  	s0 =	sor.u32 s3, s0;
	s1 =	sshll.u32 s1, $0x11  }
0xbc: {  	s0 =	sor.u32 s1, s0  }
0xbd: {  	s0 =	sadd.s32 $0x8F2B, s0  }
0xbe: {  	[sflag:s0] =	ssyncadd.remote.s32 $0x1  }
0xbf: {  	_ =	sfence.sel $0xFFFF  }
0xc0: {  	[dreg:$0x0] =	wrdreg $0xFFFFFFFF;
	(pc) =	sbr.abs _section_cstart, $3  }
0xc1: {  	[dreg:$0x1] =	wrdreg $0xFFFFFFFF  }
0xc2: {  	_ =	task.clear_ibuf [dreg:s7], $0x2FFFF;
	_ =	strace $0x9FFFFFFF  }
0xc3: {  	(tm) =	ssettm $0x7FFFFFFF  }
tec
execute0_lowered:
.L_overlay_start_1:
0x0: {  	(tag) =	ssettag $0x1  }
0x1: {  	s3 =	rddreg [dreg:$0x0]  }
0x2: {  	s6 =	rddreg [dreg:$0x1]  }
0x3: {  	s1 =	rddreg [dreg:$0x2]  }
0x4: {  	s0 =	rddreg [dreg:$0x3];
	s2 =	simm.s32 $0x0;
	s4 =	srdreg.scid  }
0x5: {  	s11 =	simm.s32 $0x0;
	[smem:$0x7FF] =	sst s2;
	s5 =	sand.u32 $0x1, s4  }
0x6: {  	s4 =	sadd.s32 $0x800, s3;
	s3 =	stileid.u32;
	_ =	strace $0x80000047  }
0x7: {  	s7 =	ssub.s32 $0x2, s5;
	s5 =	sshll.u32 s5, $0x8;
	s9 =	sshll.u32 s3, $0x4  }
0x8: {  	v1 =	vlaneseq.u32;
	s30 =	sshll.u32 s3, $0x5;
	s8 =	sshrl.u32 s7, $0x1;
	s29 =	sor.u32 s9, s5  }
0x9: {  	v0 =	vor.u32 s30, v1;
	s31 =	sor.u32 $0x10, s30;
	s5 =	sadd.s32 s30, s1;
	s9 =	simm.s32 $0x280  }
0xa: {  	s7 =	ssub.s32 s7, s8;
	s10 =	sshll.u32 s29, $0x6;
	v0 =	vcvt.s32.f32 v0;
	v2 =	vor.u32 s31, v1;
	v3 =	vor.u32 s29, v1;
	s8 =	simm.s32 $0x1  }
0xb: {  	s6 =	sadd.s32 s6, s10;
	s7 =	smax.u32 s7, $0x1;
	v1 =	vcvt.s32.f32 v2;
	v2 =	vcvt.s32.f32 v3;
	v3 =	vimm.s32 $0x0;
	s10 =	simm.s32 $0x300  }
.LBB2_1:
0xc: {  	[tilespmem:s2], [sflag:$0x1] =	stream.linear.gather [hbm4b:s4+s2], $0x80, $0x38;
	[tilespmem:$0x2320] =	vst v63  }
0xd: {  	_ =	swait.ge [sflag:s8], $0x80  }
0xe: {  	[sflag:s8] =	ssyncset.done $0x0  }
0xf: {  	[sflag:s8] =	ssyncadd.s32 $0xFFFFFF80  }
0x10: {  	v4 =	vld [tilespmem:$0x20];
	_ =	sdelay $0x4  }
0x11: {  	v34 =	vbroadcast v4, $0x0;
	_ =	sdelay $0x1  }
0x12: {  	v33 =	vbroadcast v4, $0x1;
	v5 =	vsub.f32 v0, v34;
	_ =	sdelay $0x1  }
0x13: {  	v6 =	vsub.f32 v0, v33;
	v7 =	vand.u32 $0x7FFFFFFF, v5;
	vm0 =	vclass.f32 v5, $0xFC  }
0x14: {  	v5 =	vnsel vm0, $0x7F800000, v7;
	v7 =	vnsel vm0, $0xFF800000, v34  }
0x15: {  	v32 =	vbroadcast v4, $0x2;
	v6 =	vand.u32 $0x7FFFFFFF, v6;
	vm1 =	vgt.f32 v7, v33  }
0x16: {  	vm13 =	vlt.f32 v6, v5;
	vm2 =	vne.f32 v6, v5;
	vm1 =	vmneg vm1  }
0x17: {  	vm0 =	vmneg vm13;
	vm1 =	vmor vm2, vm1  }
0x18: {  	v8 =	vsub.f32 v0, v32;
	vm0 =	vmand vm0, vm1  }
0x19: {  	v5 =	vsel vm0, v5, v6;
	v6 =	vsel vm0, v7, v33  }
0x1a: {  	v31 =	vbroadcast v4, $0x3;
	v7 =	vand.u32 $0x7FFFFFFF, v8;
	vm0 =	vgt.f32 v6, v32  }
0x1b: {  	vm14 =	vlt.f32 v7, v5;
	vm15 =	vne.f32 v7, v5;
	vm0 =	vmneg vm0  }
0x1c: {  	vm1 =	vmneg vm14;
	vm0 =	vmor vm15, vm0  }
0x1d: {  	v8 =	vsub.f32 v0, v31;
	vm0 =	vmand vm1, vm0  }
0x1e: {  	v30 =	vbroadcast v4, $0x4;
	v6 =	vsel vm0, v6, v32  }
0x1f: {  	v5 =	vsel vm0, v5, v7;
	v7 =	vand.u32 $0x7FFFFFFF, v8;
	vm5 =	vgt.f32 v6, v31  }
0x20: {  	vm4 =	vlt.f32 v7, v5;
	vm6 =	vne.f32 v7, v5;
	vm1 =	vmneg vm5  }
0x21: {  	vm0 =	vmneg vm4;
	vm1 =	vmor vm6, vm1  }
0x22: {  	v8 =	vsub.f32 v0, v30;
	vm0 =	vmand vm0, vm1  }
0x23: {  	v28 =	vbroadcast v4, $0x5;
	v6 =	vsel vm0, v6, v31  }
0x24: {  	v5 =	vsel vm0, v5, v7;
	v7 =	vand.u32 $0x7FFFFFFF, v8;
	vm0 =	vgt.f32 v6, v30  }
0x25: {  	vm7 =	vlt.f32 v7, v5;
	vm8 =	vne.f32 v7, v5;
	vm0 =	vmneg vm0  }
0x26: {  	vm1 =	vmneg vm7;
	vm0 =	vmor vm8, vm0  }
0x27: {  	v8 =	vsub.f32 v0, v28;
	vm0 =	vmand vm1, vm0  }
0x28: {  	v27 =	vbroadcast v4, $0x6;
	v6 =	vsel vm0, v6, v30  }
0x29: {  	v5 =	vsel vm0, v5, v7;
	v7 =	vand.u32 $0x7FFFFFFF, v8;
	vm10 =	vgt.f32 v6, v28  }
0x2a: {  	vm9 =	vlt.f32 v7, v5;
	vm11 =	vne.f32 v7, v5;
	vm1 =	vmneg vm10  }
0x2b: {  	vm0 =	vmneg vm9;
	vm1 =	vmor vm11, vm1  }
0x2c: {  	v8 =	vsub.f32 v0, v27;
	vm0 =	vmand vm0, vm1  }
0x2d: {  	v26 =	vbroadcast v4, $0x7;
	v6 =	vsel vm0, v6, v28  }
0x2e: {  	v5 =	vsel vm0, v5, v7;
	v7 =	vand.u32 $0x7FFFFFFF, v8;
	vm0 =	vgt.f32 v6, v27  }
0x2f: {  	vm12 =	vlt.f32 v7, v5;
	vm13 =	vne.f32 v7, v5;
	vm0 =	vmneg vm0  }
0x30: {  	vm1 =	vmneg vm12;
	vm0 =	vmor vm13, vm0  }
0x31: {  	v8 =	vsub.f32 v0, v26;
	vm0 =	vmand vm1, vm0  }
0x32: {  	v25 =	vbroadcast v4, $0x8;
	v6 =	vsel vm0, v6, v27  }
0x33: {  	v5 =	vsel vm0, v5, v7;
	v7 =	vand.u32 $0x7FFFFFFF, v8;
	vm15 =	vgt.f32 v6, v26  }
0x34: {  	vm14 =	vlt.f32 v7, v5;
	vm4 =	vne.f32 v7, v5;
	vm1 =	vmneg vm15  }
0x35: {  	vm0 =	vmneg vm14;
	vm1 =	vmor vm4, vm1  }
0x36: {  	v8 =	vsub.f32 v0, v25;
	vm0 =	vmand vm0, vm1  }
0x37: {  	v24 =	vbroadcast v4, $0x9;
	v6 =	vsel vm0, v6, v26  }
0x38: {  	v5 =	vsel vm0, v5, v7;
	v7 =	vand.u32 $0x7FFFFFFF, v8;
	vm0 =	vgt.f32 v6, v25  }
0x39: {  	vm5 =	vlt.f32 v7, v5;
	vm6 =	vne.f32 v7, v5;
	vm0 =	vmneg vm0  }
0x3a: {  	vm1 =	vmneg vm5;
	vm0 =	vmor vm6, vm0  }
0x3b: {  	v8 =	vsub.f32 v0, v24;
	vm0 =	vmand vm1, vm0  }
0x3c: {  	v23 =	vbroadcast v4, $0xA;
	v6 =	vsel vm0, v6, v25  }
0x3d: {  	v5 =	vsel vm0, v5, v7;
	v7 =	vand.u32 $0x7FFFFFFF, v8;
	vm8 =	vgt.f32 v6, v24  }
0x3e: {  	vm7 =	vlt.f32 v7, v5;
	vm9 =	vne.f32 v7, v5;
	vm1 =	vmneg vm8  }
0x3f: {  	vm0 =	vmneg vm7;
	vm1 =	vmor vm9, vm1  }
0x40: {  	v8 =	vsub.f32 v0, v23;
	vm0 =	vmand vm0, vm1  }
0x41: {  	v22 =	vbroadcast v4, $0xB;
	v6 =	vsel vm0, v6, v24  }
0x42: {  	v5 =	vsel vm0, v5, v7;
	v7 =	vand.u32 $0x7FFFFFFF, v8;
	vm0 =	vgt.f32 v6, v23  }
0x43: {  	vm10 =	vlt.f32 v7, v5;
	vm11 =	vne.f32 v7, v5;
	vm0 =	vmneg vm0  }
0x44: {  	vm1 =	vmneg vm10;
	vm0 =	vmor vm11, vm0  }
0x45: {  	v8 =	vsub.f32 v0, v22;
	vm0 =	vmand vm1, vm0  }
0x46: {  	v21 =	vbroadcast v4, $0xC;
	v6 =	vsel vm0, v6, v23  }
0x47: {  	v5 =	vsel vm0, v5, v7;
	v7 =	vand.u32 $0x7FFFFFFF, v8;
	vm13 =	vgt.f32 v6, v22  }
0x48: {  	vm12 =	vlt.f32 v7, v5;
	vm14 =	vne.f32 v7, v5;
	vm1 =	vmneg vm13  }
0x49: {  	vm0 =	vmneg vm12;
	vm1 =	vmor vm14, vm1  }
0x4a: {  	v8 =	vsub.f32 v0, v21;
	vm0 =	vmand vm0, vm1  }
0x4b: {  	v20 =	vbroadcast v4, $0xD;
	v6 =	vsel vm0, v6, v22  }
0x4c: {  	v5 =	vsel vm0, v5, v7;
	v7 =	vand.u32 $0x7FFFFFFF, v8;
	vm0 =	vgt.f32 v6, v21  }
0x4d: {  	vm15 =	vlt.f32 v7, v5;
	vm4 =	vne.f32 v7, v5;
	vm0 =	vmneg vm0  }
0x4e: {  	vm1 =	vmneg vm15;
	vm0 =	vmor vm4, vm0  }
0x4f: {  	v8 =	vsub.f32 v0, v20;
	vm0 =	vmand vm1, vm0  }
0x50: {  	v18 =	vbroadcast v4, $0xE;
	v6 =	vsel vm0, v6, v21  }
0x51: {  	v5 =	vsel vm0, v5, v7;
	v7 =	vand.u32 $0x7FFFFFFF, v8;
	vm6 =	vgt.f32 v6, v20  }
0x52: {  	vm5 =	vlt.f32 v7, v5;
	vm7 =	vne.f32 v7, v5;
	vm1 =	vmneg vm6  }
0x53: {  	vm0 =	vmneg vm5;
	vm1 =	vmor vm7, vm1  }
0x54: {  	v8 =	vsub.f32 v0, v18;
	vm0 =	vmand vm0, vm1  }
0x55: {  	v35 =	vld [tilespmem:$0x30];
	v16 =	vbroadcast v4, $0xF;
	v6 =	vsel vm0, v6, v20  }
0x56: {  	v5 =	vsel vm0, v5, v7;
	v7 =	vand.u32 $0x7FFFFFFF, v8;
	vm0 =	vgt.f32 v6, v18  }
0x57: {  	vm8 =	vlt.f32 v7, v5;
	vm9 =	vne.f32 v7, v5;
	vm0 =	vmneg vm0  }
0x58: {  	vm1 =	vmneg vm8;
	vm0 =	vmor vm9, vm0  }
0x59: {  	v4 =	vsub.f32 v0, v16;
	vm0 =	vmand vm1, vm0  }
0x5a: {  	v17 =	vbroadcast v35, $0x0;
	v6 =	vsel vm0, v6, v18  }
0x5b: {  	v4 =	vand.u32 $0x7FFFFFFF, v4;
	v5 =	vsel vm0, v5, v7;
	vm11 =	vgt.f32 v6, v16  }
0x5c: {  	vm10 =	vlt.f32 v4, v5;
	vm12 =	vne.f32 v4, v5;
	vm1 =	vmneg vm11  }
0x5d: {  	vm0 =	vmneg vm10;
	vm1 =	vmor vm12, vm1  }
0x5e: {  	v7 =	vsub.f32 v0, v17;
	vm0 =	vmand vm0, vm1  }
0x5f: {  	v4 =	vsel vm0, v5, v4;
	v5 =	vsel vm0, v6, v16  }
0x60: {  	v14 =	vbroadcast v35, $0x1;
	v6 =	vand.u32 $0x7FFFFFFF, v7;
	vm0 =	vgt.f32 v5, v17  }
0x61: {  	vm13 =	vlt.f32 v6, v4;
	vm14 =	vne.f32 v6, v4;
	vm0 =	vmneg vm0  }
0x62: {  	vm1 =	vmneg vm13;
	vm0 =	vmor vm14, vm0  }
0x63: {  	v7 =	vsub.f32 v0, v14;
	vm0 =	vmand vm1, vm0  }
0x64: {  	v13 =	vbroadcast v35, $0x2;
	v5 =	vsel vm0, v5, v17  }
0x65: {  	v4 =	vsel vm0, v4, v6;
	v6 =	vand.u32 $0x7FFFFFFF, v7;
	vm4 =	vgt.f32 v5, v14  }
0x66: {  	vm15 =	vlt.f32 v6, v4;
	vm5 =	vne.f32 v6, v4;
	vm1 =	vmneg vm4  }
0x67: {  	vm0 =	vmneg vm15;
	vm1 =	vmor vm5, vm1  }
0x68: {  	v7 =	vsub.f32 v0, v13;
	vm0 =	vmand vm0, vm1  }
0x69: {  	v12 =	vbroadcast v35, $0x3;
	v5 =	vsel vm0, v5, v14  }
0x6a: {  	v4 =	vsel vm0, v4, v6;
	v6 =	vand.u32 $0x7FFFFFFF, v7;
	vm0 =	vgt.f32 v5, v13  }
0x6b: {  	vm6 =	vlt.f32 v6, v4;
	vm7 =	vne.f32 v6, v4;
	vm0 =	vmneg vm0  }
0x6c: {  	vm1 =	vmneg vm6;
	vm0 =	vmor vm7, vm0  }
0x6d: {  	v7 =	vsub.f32 v0, v12;
	vm0 =	vmand vm1, vm0  }
0x6e: {  	v11 =	vbroadcast v35, $0x4;
	v5 =	vsel vm0, v5, v13  }
0x6f: {  	v4 =	vsel vm0, v4, v6;
	v6 =	vand.u32 $0x7FFFFFFF, v7;
	vm9 =	vgt.f32 v5, v12  }
0x70: {  	vm8 =	vlt.f32 v6, v4;
	vm10 =	vne.f32 v6, v4;
	vm1 =	vmneg vm9  }
0x71: {  	vm0 =	vmneg vm8;
	vm1 =	vmor vm10, vm1  }
0x72: {  	v7 =	vsub.f32 v0, v11;
	vm0 =	vmand vm0, vm1  }
0x73: {  	v9 =	vbroadcast v35, $0x5;
	v5 =	vsel vm0, v5, v12  }
0x74: {  	v4 =	vsel vm0, v4, v6;
	v6 =	vand.u32 $0x7FFFFFFF, v7;
	vm0 =	vgt.f32 v5, v11  }
0x75: {  	vm11 =	vlt.f32 v6, v4;
	vm12 =	vne.f32 v6, v4;
	vm0 =	vmneg vm0  }
0x76: {  	vm1 =	vmneg vm11;
	vm0 =	vmor vm12, vm0  }
0x77: {  	v8 =	vbroadcast v35, $0x6;
	v7 =	vsub.f32 v0, v9;
	vm0 =	vmand vm1, vm0  }
0x78: {  	v4 =	vsel vm0, v4, v6;
	v5 =	vsel vm0, v5, v11  }
0x79: {  	v6 =	vand.u32 $0x7FFFFFFF, v7;
	v7 =	vsub.f32 v0, v8;
	vm14 =	vgt.f32 v5, v9  }
0x7a: {  	vm13 =	vlt.f32 v6, v4;
	vm15 =	vne.f32 v6, v4;
	vm1 =	vmneg vm14  }
0x7b: {  	vm0 =	vmneg vm13;
	vm1 =	vmor vm15, vm1  }
0x7c: {  	v7 =	vand.u32 $0x7FFFFFFF, v7;
	vm0 =	vmand vm0, vm1  }
0x7d: {  	v4 =	vsel vm0, v4, v6;
	v5 =	vsel vm0, v5, v9;
	v6 =	vbroadcast v35, $0x7  }
0x7e: {  	vm0 =	vgt.f32 v5, v8;
	vm4 =	vlt.f32 v7, v4  }
0x7f: {  	vm5 =	vne.f32 v7, v4;
	vm0 =	vmneg vm0;
	v10 =	vsub.f32 v0, v6  }
0x80: {  	vm1 =	vmneg vm4;
	vm0 =	vmor vm5, vm0  }
0x81: {  	vm0 =	vmand vm1, vm0;
	v10 =	vand.u32 $0x7FFFFFFF, v10  }
0x82: {  	v4 =	vsel vm0, v4, v7;
	v7 =	vsel vm0, v5, v8;
	v5 =	vbroadcast v35, $0x8  }
0x83: {  	vm6 =	vlt.f32 v10, v4;
	vm7 =	vgt.f32 v7, v6  }
0x84: {  	vm8 =	vne.f32 v10, v4;
	vm1 =	vmneg vm7;
	v15 =	vsub.f32 v0, v5  }
0x85: {  	vm0 =	vmneg vm6;
	vm1 =	vmor vm8, vm1  }
0x86: {  	vm0 =	vmand vm0, vm1;
	v15 =	vand.u32 $0x7FFFFFFF, v15  }
0x87: {  	v10 =	vsel vm0, v4, v10;
	v7 =	vsel vm0, v7, v6;
	v4 =	vbroadcast v35, $0x9  }
0x88: {  	vm0 =	vgt.f32 v7, v5;
	vm9 =	vlt.f32 v15, v10  }
0x89: {  	vm10 =	vne.f32 v15, v10;
	vm0 =	vmneg vm0;
	v19 =	vsub.f32 v0, v4  }
0x8a: {  	vm1 =	vmneg vm9;
	vm0 =	vmor vm10, vm0  }
0x8b: {  	vm0 =	vmand vm1, vm0;
	v19 =	vand.u32 $0x7FFFFFFF, v19  }
0x8c: {  	v10 =	vsel vm0, v10, v15;
	v15 =	vsel vm0, v7, v5;
	v7 =	vbroadcast v35, $0xA  }
0x8d: {  	vm11 =	vlt.f32 v19, v10;
	vm12 =	vgt.f32 v15, v4  }
0x8e: {  	vm13 =	vne.f32 v19, v10;
	vm1 =	vmneg vm12;
	v29 =	vsub.f32 v0, v7  }
0x8f: {  	v58 =	vsub.f32 v1, v34;
	vm0 =	vmneg vm11;
	vm1 =	vmor vm13, vm1  }
0x90: {  	v59 =	vsub.f32 v1, v33;
	vm0 =	vmand vm0, vm1;
	v29 =	vand.u32 $0x7FFFFFFF, v29  }
0x91: {  	v19 =	vsel vm0, v10, v19;
	v15 =	vsel vm0, v15, v4;
	v10 =	vbroadcast v35, $0xB  }
0x92: {  	v42 =	vsub.f32 v1, v32;
	vm0 =	vgt.f32 v15, v7;
	vm14 =	vlt.f32 v29, v19  }
0x93: {  	vm15 =	vne.f32 v29, v19;
	vm0 =	vmneg vm0;
	v36 =	vsub.f32 v0, v10  }
0x94: {  	v62 =	vsub.f32 v1, v31;
	vm1 =	vmneg vm14;
	vm0 =	vmor vm15, vm0  }
0x95: {  	v41 =	vand.u32 $0x7FFFFFFF, v59;
	vm0 =	vmand vm1, vm0;
	v36 =	vand.u32 $0x7FFFFFFF, v36  }
0x96: {  	v19 =	vsel vm0, v19, v29;
	v56 =	vsel vm0, v15, v7;
	v15 =	vbroadcast v35, $0xC  }
0x97: {  	v61 =	vand.u32 $0x7FFFFFFF, v42;
	vm4 =	vlt.f32 v36, v19;
	vm5 =	vgt.f32 v56, v10  }
0x98: {  	vm6 =	vne.f32 v36, v19;
	vm1 =	vmneg vm5;
	v37 =	vsub.f32 v0, v15  }
0x99: {  	vm11 =	vclass.f32 v58, $0xFC;
	vm0 =	vmneg vm4;
	vm1 =	vmor vm6, vm1  }
0x9a: {  	v40 =	vnsel vm11, $0xFF800000, v34;
	vm0 =	vmand vm0, vm1;
	v37 =	vand.u32 $0x7FFFFFFF, v37  }
0x9b: {  	v36 =	vsel vm0, v19, v36;
	v29 =	vsel vm0, v56, v10;
	v19 =	vbroadcast v35, $0xD  }
0x9c: {  	vm12 =	vgt.f32 v40, v33;
	vm0 =	vgt.f32 v29, v15;
	vm7 =	vlt.f32 v37, v36  }
0x9d: {  	vm8 =	vne.f32 v37, v36;
	vm0 =	vmneg vm0;
	v38 =	vsub.f32 v0, v19  }
0x9e: {  	vm2 =	vmneg vm12;
	vm1 =	vmneg vm7;
	vm0 =	vmor vm8, vm0  }
0x9f: {  	vm0 =	vmand vm1, vm0;
	v57 =	vand.u32 $0x7FFFFFFF, v38;
	v38 =	vand.u32 $0x7FFFFFFF, v58  }
0xa0: {  	v36 =	vsel vm0, v36, v37;
	v39 =	vsel vm0, v29, v15;
	v38 =	vnsel vm11, $0x7F800000, v38  }
0xa1: {  	v29 =	vbroadcast v35, $0xE;
	vm9 =	vne.f32 v57, v36;
	vm10 =	vgt.f32 v39, v19  }
0xa2: {  	vm13 =	vne.f32 v41, v38;
	vm14 =	vlt.f32 v41, v38;
	vm1 =	vmneg vm10  }
0xa3: {  	vm0 =	vmor vm9, vm1;
	vm1 =	vmor vm13, vm2;
	vm2 =	vmneg vm14  }
0xa4: {  	v63 =	vand.u32 $0x7FFFFFFF, v62;
	vm3 =	vlt.f32 v57, v36;
	vm1 =	vmand vm2, vm1  }
0xa5: {  	vm3 =	vmneg vm3;
	v60 =	vsub.f32 v0, v29;
	v40 =	vsel vm1, v40, v33  }
0xa6: {  	vm0 =	vmand vm3, vm0;
	v38 =	vsel vm1, v38, v41;
	vm15 =	vgt.f32 v40, v32  }
0xa7: {  	vm6 =	vlt.f32 v61, v38;
	vm7 =	vne.f32 v61, v38;
	vm1 =	vmneg vm15  }
0xa8: {  	v37 =	vand.u32 $0x7FFFFFFF, v60;
	vm8 =	vmneg vm6;
	vm1 =	vmor vm7, vm1  }
0xa9: {  	v36 =	vsel vm0, v36, v57;
	v39 =	vsel vm0, v39, v19;
	vm0 =	vmand vm8, vm1  }
0xaa: {  	vm9 =	vne.f32 v37, v36;
	vm10 =	vgt.f32 v39, v29;
	v40 =	vsel vm0, v40, v32  }
0xab: {  	vm2 =	vmneg vm10;
	v38 =	vsel vm0, v38, v61;
	vm11 =	vgt.f32 v40, v31  }
0xac: {  	vm12 =	vne.f32 v63, v38;
	vm13 =	vlt.f32 v63, v38;
	vm0 =	vmneg vm11  }
0xad: {  	vm1 =	vmor vm9, vm2;
	vm2 =	vmneg vm13;
	vm0 =	vmor vm12, vm0  }
0xae: {  	v45 =	vsub.f32 v1, v30;
	vm0 =	vmand vm2, vm0  }
0xaf: {  	v48 =	vsub.f32 v1, v28;
	v40 =	vsel vm0, v40, v31  }
0xb0: {  	v46 =	vand.u32 $0x7FFFFFFF, v45;
	v38 =	vsel vm0, v38, v63;
	vm15 =	vgt.f32 v40, v30  }
0xb1: {  	vm6 =	vlt.f32 v46, v38;
	vm7 =	vne.f32 v46, v38;
	vm0 =	vmneg vm15  }
0xb2: {  	v35 =	vbroadcast v35, $0xF;
	vm2 =	vmneg vm6;
	vm0 =	vmor vm7, vm0  }
0xb3: {  	v50 =	vsub.f32 v1, v27;
	v52 =	vsub.f32 v1, v26;
	vm0 =	vmand vm2, vm0  }
0xb4: {  	v49 =	vand.u32 $0x7FFFFFFF, v48;
	v43 =	vsub.f32 v0, v35;
	v40 =	vsel vm0, v40, v30  }
0xb5: {  	vm14 =	vlt.f32 v37, v36;
	v38 =	vsel vm0, v38, v46;
	vm9 =	vgt.f32 v40, v28  }
0xb6: {  	vm10 =	vlt.f32 v49, v38;
	vm11 =	vne.f32 v49, v38;
	vm0 =	vmneg vm9  }
0xb7: {  	vm3 =	vmneg vm14;
	vm2 =	vmneg vm10;
	vm0 =	vmor vm11, vm0  }
0xb8: {  	v51 =	vand.u32 $0x7FFFFFFF, v50;
	vm1 =	vmand vm3, vm1;
	vm0 =	vmand vm2, vm0  }
0xb9: {  	v47 =	vand.u32 $0x7FFFFFFF, v43;
	v36 =	vsel vm1, v36, v37;
	v40 =	vsel vm0, v40, v28  }
0xba: {  	v39 =	vsel vm1, v39, v29;
	v38 =	vsel vm0, v38, v49;
	vm13 =	vgt.f32 v40, v27  }
0xbb: {  	vm14 =	vlt.f32 v51, v38;
	vm15 =	vne.f32 v51, v38;
	vm0 =	vmneg vm13  }
0xbc: {  	vm12 =	vgt.f32 v39, v35;
	vm2 =	vmneg vm14;
	vm0 =	vmor vm15, vm0  }
0xbd: {  	vm8 =	vne.f32 v47, v36;
	vm3 =	vmneg vm12;
	vm0 =	vmand vm2, vm0  }
0xbe: {  	v54 =	vand.u32 $0x7FFFFFFF, v52;
	vm1 =	vmor vm8, vm3;
	v53 =	vsel vm0, v40, v27  }
0xbf: {  	vm6 =	vlt.f32 v47, v36;
	v38 =	vsel vm0, v38, v51;
	vm7 =	vgt.f32 v53, v26  }
0xc0: {  	vm8 =	vlt.f32 v54, v38;
	vm9 =	vne.f32 v54, v38;
	vm0 =	vmneg vm7  }
0xc1: {  	vm3 =	vmneg vm6;
	vm10 =	vmneg vm8;
	vm0 =	vmor vm9, vm0  }
0xc2: {  	v55 =	vsub.f32 v1, v25;
	vm1 =	vmand vm3, vm1;
	vm0 =	vmand vm10, vm0  }
0xc3: {  	v58 =	vsub.f32 v1, v24;
	v36 =	vsel vm1, v39, v35;
	v37 =	vsel vm0, v53, v26  }
0xc4: {  	v39 =	vand.u32 $0x7FFFFFFF, v55;
	v38 =	vsel vm0, v38, v54;
	vm12 =	vgt.f32 v37, v25  }
0xc5: {  	vm13 =	vlt.f32 v39, v38;
	vm14 =	vne.f32 v39, v38;
	vm0 =	vmneg vm12  }
0xc6: {  	v61 =	vsub.f32 v1, v23;
	vm1 =	vmneg vm13;
	vm0 =	vmor vm14, vm0  }
0xc7: {  	v45 =	vsub.f32 v1, v22;
	v48 =	vsub.f32 v1, v21;
	vm0 =	vmand vm1, vm0  }
0xc8: {  	v59 =	vand.u32 $0x7FFFFFFF, v58;
	v62 =	vand.u32 $0x7FFFFFFF, v61;
	v37 =	vsel vm0, v37, v25  }
0xc9: {  	v46 =	vand.u32 $0x7FFFFFFF, v45;
	v38 =	vsel vm0, v38, v39;
	vm6 =	vgt.f32 v37, v24  }
0xca: {  	vm7 =	vlt.f32 v59, v38;
	vm8 =	vne.f32 v59, v38;
	vm0 =	vmneg vm6  }
0xcb: {  	vm5 =	vgt.f32 v36, v8;
	vm1 =	vmneg vm7;
	vm0 =	vmor vm8, vm0  }
0xcc: {  	v44 =	vsel vm5, $0x1, v3;
	vm11 =	vgt.f32 v36, v34;
	vm0 =	vmand vm1, vm0  }
0xcd: {  	v56 =	vsel vm11, $0x1, v3;
	vm15 =	vgt.f32 v36, v33;
	v37 =	vsel vm0, v37, v24  }
0xce: {  	v57 =	vsel vm15, $0x1, v3;
	v38 =	vsel vm0, v38, v59;
	vm10 =	vgt.f32 v37, v23  }
0xcf: {  	vm11 =	vlt.f32 v62, v38;
	vm12 =	vne.f32 v62, v38;
	vm0 =	vmneg vm10  }
0xd0: {  	v51 =	vsub.f32 v1, v20;
	vm1 =	vmneg vm11;
	vm0 =	vmor vm12, vm0  }
0xd1: {  	v49 =	vand.u32 $0x7FFFFFFF, v48;
	v40 =	vadd.s32 v57, v56;
	vm0 =	vmand vm1, vm0  }
0xd2: {  	v57 =	vsub.f32 v1, v16;
	v52 =	vand.u32 $0x7FFFFFFF, v51;
	v37 =	vsel vm0, v37, v23  }
0xd3: {  	vm9 =	vgt.f32 v36, v32;
	v38 =	vsel vm0, v38, v62;
	vm14 =	vgt.f32 v37, v22  }
0xd4: {  	vm15 =	vlt.f32 v46, v38;
	vm6 =	vne.f32 v46, v38;
	vm0 =	vmneg vm14  }
0xd5: {  	v60 =	vsel vm9, $0x1, v3;
	vm1 =	vmneg vm15;
	vm0 =	vmor vm6, vm0  }
0xd6: {  	v58 =	vand.u32 $0x7FFFFFFF, v57;
	v40 =	vadd.s32 v60, v40;
	vm0 =	vmand vm1, vm0  }
0xd7: {  	v54 =	vsub.f32 v1, v18;
	v60 =	vsub.f32 v1, v17;
	v37 =	vsel vm0, v37, v22  }
0xd8: {  	vm13 =	vgt.f32 v36, v31;
	v38 =	vsel vm0, v38, v46;
	vm8 =	vgt.f32 v37, v21  }
0xd9: {  	vm9 =	vlt.f32 v49, v38;
	vm10 =	vne.f32 v49, v38;
	vm0 =	vmneg vm8  }
0xda: {  	v55 =	vand.u32 $0x7FFFFFFF, v54;
	vm1 =	vmneg vm9;
	vm0 =	vmor vm10, vm0  }
0xdb: {  	v61 =	vand.u32 $0x7FFFFFFF, v60;
	v63 =	vsel vm13, $0x1, v3;
	vm0 =	vmand vm1, vm0  }
0xdc: {  	v40 =	vadd.s32 v63, v40;
	v63 =	vsub.f32 v1, v14;
	v37 =	vsel vm0, v37, v21  }
0xdd: {  	vm7 =	vgt.f32 v36, v30;
	v38 =	vsel vm0, v38, v49;
	vm12 =	vgt.f32 v37, v20  }
0xde: {  	vm13 =	vlt.f32 v52, v38;
	vm14 =	vne.f32 v52, v38;
	vm0 =	vmneg vm12  }
0xdf: {  	v47 =	vsel vm7, $0x1, v3;
	vm1 =	vmneg vm13;
	vm0 =	vmor vm14, vm0  }
0xe0: {  	v40 =	vadd.s32 v47, v40;
	vm11 =	vgt.f32 v36, v28;
	vm0 =	vmand vm1, vm0  }
0xe1: {  	v47 =	vsub.f32 v1, v13;
	v50 =	vsel vm11, $0x1, v3;
	v37 =	vsel vm0, v37, v20  }
0xe2: {  	v40 =	vadd.s32 v50, v40;
	v38 =	vsel vm0, v38, v52;
	vm6 =	vgt.f32 v37, v18  }
0xe3: {  	vm7 =	vlt.f32 v55, v38;
	vm8 =	vne.f32 v55, v38;
	vm0 =	vmneg vm6  }
0xe4: {  	v50 =	vsub.f32 v1, v12;
	vm1 =	vmneg vm7;
	vm0 =	vmor vm8, vm0  }
0xe5: {  	v45 =	vand.u32 $0x7FFFFFFF, v63;
	v48 =	vand.u32 $0x7FFFFFFF, v47;
	vm0 =	vmand vm1, vm0  }
0xe6: {  	v51 =	vand.u32 $0x7FFFFFFF, v50;
	vm15 =	vgt.f32 v36, v27;
	v37 =	vsel vm0, v37, v18  }
0xe7: {  	v53 =	vsel vm15, $0x1, v3;
	v38 =	vsel vm0, v38, v55;
	vm10 =	vgt.f32 v37, v16  }
0xe8: {  	vm11 =	vlt.f32 v58, v38;
	vm12 =	vne.f32 v58, v38;
	vm0 =	vmneg vm10  }
0xe9: {  	vm9 =	vgt.f32 v36, v26;
	vm1 =	vmneg vm11;
	vm0 =	vmor vm12, vm0  }
0xea: {  	v40 =	vadd.s32 v53, v40;
	v56 =	vsel vm9, $0x1, v3;
	vm0 =	vmand vm1, vm0  }
0xeb: {  	v53 =	vsub.f32 v1, v11;
	v40 =	vadd.s32 v56, v40;
	v37 =	vsel vm0, v37, v16  }
0xec: {  	v56 =	vsub.f32 v1, v9;
	v38 =	vsel vm0, v38, v58;
	vm14 =	vgt.f32 v37, v17  }
0xed: {  	vm15 =	vlt.f32 v61, v38;
	vm6 =	vne.f32 v61, v38;
	vm0 =	vmneg vm14  }
0xee: {  	vm13 =	vgt.f32 v36, v25;
	vm1 =	vmneg vm15;
	vm0 =	vmor vm6, vm0  }
0xef: {  	v54 =	vand.u32 $0x7FFFFFFF, v53;
	v59 =	vsel vm13, $0x1, v3;
	vm0 =	vmand vm1, vm0  }
0xf0: {  	v57 =	vand.u32 $0x7FFFFFFF, v56;
	v40 =	vadd.s32 v59, v40;
	v37 =	vsel vm0, v37, v17  }
0xf1: {  	v59 =	vsub.f32 v1, v8;
	v38 =	vsel vm0, v38, v61;
	vm8 =	vgt.f32 v37, v14  }
0xf2: {  	vm9 =	vlt.f32 v45, v38;
	vm10 =	vne.f32 v45, v38;
	vm0 =	vmneg vm8  }
0xf3: {  	vm7 =	vgt.f32 v36, v24;
	vm1 =	vmneg vm9;
	vm0 =	vmor vm10, vm0  }
0xf4: {  	v60 =	vand.u32 $0x7FFFFFFF, v59;
	v62 =	vsel vm7, $0x1, v3;
	vm0 =	vmand vm1, vm0  }
0xf5: {  	v40 =	vadd.s32 v62, v40;
	v62 =	vsub.f32 v1, v6;
	v37 =	vsel vm0, v37, v14  }
0xf6: {  	vm11 =	vgt.f32 v36, v23;
	v38 =	vsel vm0, v38, v45;
	vm12 =	vgt.f32 v37, v13  }
0xf7: {  	vm13 =	vlt.f32 v48, v38;
	vm14 =	vne.f32 v48, v38;
	vm0 =	vmneg vm12  }
0xf8: {  	v46 =	vsel vm11, $0x1, v3;
	vm1 =	vmneg vm13;
	vm0 =	vmor vm14, vm0  }
0xf9: {  	v40 =	vadd.s32 v46, v40;
	vm15 =	vgt.f32 v36, v22;
	vm0 =	vmand vm1, vm0  }
0xfa: {  	v46 =	vsub.f32 v1, v5;
	v49 =	vsel vm15, $0x1, v3;
	v37 =	vsel vm0, v37, v13  }
0xfb: {  	v40 =	vadd.s32 v49, v40;
	v38 =	vsel vm0, v38, v48;
	vm6 =	vgt.f32 v37, v12  }
0xfc: {  	vm7 =	vlt.f32 v51, v38;
	vm8 =	vne.f32 v51, v38;
	vm0 =	vmneg vm6  }
0xfd: {  	v49 =	vsub.f32 v1, v4;
	vm1 =	vmneg vm7;
	vm0 =	vmor vm8, vm0  }
0xfe: {  	v63 =	vand.u32 $0x7FFFFFFF, v62;
	v47 =	vand.u32 $0x7FFFFFFF, v46;
	vm0 =	vmand vm1, vm0  }
0xff: {  	v50 =	vand.u32 $0x7FFFFFFF, v49;
	vm9 =	vgt.f32 v36, v21;
	v37 =	vsel vm0, v37, v12  }
0x100: {  	v52 =	vsel vm9, $0x1, v3;
	v38 =	vsel vm0, v38, v51;
	vm10 =	vgt.f32 v37, v11  }
0x101: {  	vm11 =	vlt.f32 v54, v38;
	vm12 =	vne.f32 v54, v38;
	vm0 =	vmneg vm10  }
0x102: {  	vm13 =	vgt.f32 v36, v20;
	vm1 =	vmneg vm11;
	vm0 =	vmor vm12, vm0  }
0x103: {  	v40 =	vadd.s32 v52, v40;
	v55 =	vsel vm13, $0x1, v3;
	vm0 =	vmand vm1, vm0  }
0x104: {  	v52 =	vsub.f32 v1, v7;
	v40 =	vadd.s32 v55, v40;
	v37 =	vsel vm0, v37, v11  }
0x105: {  	v55 =	vsub.f32 v1, v10;
	v38 =	vsel vm0, v38, v54;
	vm14 =	vgt.f32 v37, v9  }
0x106: {  	vm15 =	vlt.f32 v57, v38;
	vm6 =	vne.f32 v57, v38;
	vm0 =	vmneg vm14  }
0x107: {  	vm7 =	vgt.f32 v36, v18;
	vm1 =	vmneg vm15;
	vm0 =	vmor vm6, vm0  }
0x108: {  	v53 =	vand.u32 $0x7FFFFFFF, v52;
	v58 =	vsel vm7, $0x1, v3;
	vm0 =	vmand vm1, vm0  }
0x109: {  	v56 =	vand.u32 $0x7FFFFFFF, v55;
	v40 =	vadd.s32 v58, v40;
	v37 =	vsel vm0, v37, v9  }
0x10a: {  	v58 =	vsub.f32 v1, v15;
	v38 =	vsel vm0, v38, v57;
	vm8 =	vgt.f32 v37, v8  }
0x10b: {  	vm9 =	vlt.f32 v60, v38;
	vm10 =	vne.f32 v60, v38;
	vm0 =	vmneg vm8  }
0x10c: {  	vm11 =	vgt.f32 v36, v16;
	vm1 =	vmneg vm9;
	vm0 =	vmor vm10, vm0  }
0x10d: {  	v59 =	vand.u32 $0x7FFFFFFF, v58;
	v61 =	vsel vm11, $0x1, v3;
	vm0 =	vmand vm1, vm0  }
0x10e: {  	v40 =	vadd.s32 v61, v40;
	vm15 =	vgt.f32 v36, v17;
	v37 =	vsel vm0, v37, v8  }
0x10f: {  	v45 =	vsel vm15, $0x1, v3;
	v38 =	vsel vm0, v38, v60;
	vm12 =	vgt.f32 v37, v6  }
0x110: {  	vm13 =	vlt.f32 v63, v38;
	vm14 =	vne.f32 v63, v38;
	vm0 =	vmneg vm12  }
0x111: {  	vm9 =	vgt.f32 v36, v14;
	vm1 =	vmneg vm13;
	vm0 =	vmor vm14, vm0  }
0x112: {  	v40 =	vadd.s32 v45, v40;
	v48 =	vsel vm9, $0x1, v3;
	vm0 =	vmand vm1, vm0  }
0x113: {  	v40 =	vadd.s32 v48, v40;
	v60 =	vsub.f32 v1, v19;
	v37 =	vsel vm0, v37, v6  }
0x114: {  	vm13 =	vgt.f32 v36, v13;
	v38 =	vsel vm0, v38, v63;
	vm6 =	vgt.f32 v37, v5  }
0x115: {  	vm7 =	vlt.f32 v47, v38;
	vm8 =	vne.f32 v47, v38;
	vm0 =	vmneg vm6  }
0x116: {  	v51 =	vsel vm13, $0x1, v3;
	vm1 =	vmneg vm7;
	vm0 =	vmor vm8, vm0  }
0x117: {  	v40 =	vadd.s32 v51, v40;
	vm7 =	vgt.f32 v36, v12;
	vm0 =	vmand vm1, vm0  }
0x118: {  	v54 =	vsel vm7, $0x1, v3;
	v37 =	vsel vm0, v37, v5;
	v38 =	vsel vm0, v38, v47  }
0x119: {  	vm10 =	vgt.f32 v37, v4;
	vm11 =	vlt.f32 v50, v38;
	vm12 =	vne.f32 v50, v38  }
0x11a: {  	vm0 =	vmneg vm10;
	vm1 =	vmneg vm11;
	vm11 =	vgt.f32 v36, v11  }
0x11b: {  	v40 =	vadd.s32 v54, v40;
	v47 =	vld [tilespmem:$0x0];
	vm0 =	vmor vm12, vm0;
	v57 =	vsel vm11, $0x1, v3  }
0x11c: {  	vm12 =	vgt.f32 v36, v9;
	vm0 =	vmand vm1, vm0;
	v43 =	vadd.s32 v57, v40  }
0x11d: {  	v42 =	vsel vm12, $0x1, v3;
	v40 =	vand.u32 $0x7FFFFFFF, v60;
	v37 =	vsel vm0, v37, v4  }
0x11e: {  	v57 =	vsub.f32 v1, v29;
	v38 =	vsel vm0, v38, v50;
	vm14 =	vgt.f32 v37, v7  }
0x11f: {  	vm15 =	vlt.f32 v53, v38;
	vm6 =	vne.f32 v53, v38;
	vm0 =	vmneg vm14  }
0x120: {  	v41 =	vbroadcast v47, $0x4;
	vm1 =	vmneg vm15;
	vm0 =	vmor vm6, vm0  }
0x121: {  	v43 =	vadd.s32 v42, v43;
	v42 =	vbroadcast v47, $0x5;
	vm0 =	vmand vm1, vm0  }
0x122: {  	v44 =	vadd.s32 v44, v43;
	v43 =	vbroadcast v47, $0x6;
	v37 =	vsel vm0, v37, v7  }
0x123: {  	v60 =	vsub.f32 v2, v41;
	v38 =	vsel vm0, v38, v53;
	vm8 =	vgt.f32 v37, v10  }
0x124: {  	vm9 =	vlt.f32 v56, v38;
	vm10 =	vne.f32 v56, v38;
	vm0 =	vmneg vm8  }
0x125: {  	vm6 =	vgt.f32 v36, v6;
	vm1 =	vmneg vm9;
	vm0 =	vmor vm10, vm0  }
0x126: {  	v55 =	vsub.f32 v2, v43;
	v46 =	vsel vm6, $0x1, v3;
	vm0 =	vmand vm1, vm0  }
0x127: {  	v53 =	vand.u32 $0x7FFFFFFF, v57;
	v44 =	vadd.s32 v46, v44;
	v37 =	vsel vm0, v37, v10  }
0x128: {  	vm9 =	vgt.f32 v36, v5;
	v38 =	vsel vm0, v38, v56;
	vm13 =	vgt.f32 v37, v15  }
0x129: {  	vm14 =	vlt.f32 v59, v38;
	vm15 =	vne.f32 v59, v38;
	vm0 =	vmneg vm13  }
0x12a: {  	v48 =	vsel vm9, $0x1, v3;
	vm4 =	vmneg vm14;
	vm0 =	vmor vm15, vm0  }
0x12b: {  	v44 =	vadd.s32 v48, v44;
	v48 =	vand.u32 $0x7FFFFFFF, v55;
	vm0 =	vmand vm4, vm0  }
0x12c: {  	v61 =	vsel vm0, v37, v15;
	v39 =	vsel vm0, v38, v59;
	v37 =	vbroadcast v47, $0x0  }
0x12d: {  	v38 =	vbroadcast v47, $0x1;
	vm7 =	vgt.f32 v61, v19;
	vm8 =	vne.f32 v40, v39  }
0x12e: {  	vm10 =	vlt.f32 v40, v39;
	vm0 =	vmneg vm7;
	v45 =	vsub.f32 v2, v37  }
0x12f: {  	vm2 =	vmneg vm10;
	v62 =	vsub.f32 v2, v38;
	vm0 =	vmor vm8, vm0  }
0x130: {  	vm4 =	vgt.f32 v36, v7;
	vm0 =	vmand vm2, vm0;
	v49 =	vand.u32 $0x7FFFFFFF, v45  }
0x131: {  	vm11 =	vclass.f32 v45, $0xFC;
	v45 =	vand.u32 $0x7FFFFFFF, v62;
	v62 =	vand.u32 $0x7FFFFFFF, v60  }
0x132: {  	v50 =	vsel vm0, v39, v40;
	v63 =	vnsel vm11, $0x7F800000, v49;
	v56 =	vnsel vm11, $0xFF800000, v37  }
0x133: {  	v39 =	vbroadcast v47, $0x2;
	v52 =	vsel vm0, v61, v19;
	v40 =	vbroadcast v47, $0x3  }
0x134: {  	v61 =	vsub.f32 v1, v35;
	vm1 =	vgt.f32 v56, v38;
	vm12 =	vlt.f32 v45, v63  }
0x135: {  	vm13 =	vne.f32 v45, v63;
	vm7 =	vlt.f32 v53, v50;
	vm1 =	vmneg vm1  }
0x136: {  	vm8 =	vgt.f32 v52, v29;
	vm2 =	vmneg vm12;
	vm1 =	vmor vm13, vm1  }
0x137: {  	vm9 =	vne.f32 v53, v50;
	v51 =	vsub.f32 v2, v39;
	vm14 =	vmand vm2, vm1  }
0x138: {  	v58 =	vsub.f32 v2, v40;
	vm3 =	vmneg vm7;
	v49 =	vsel vm14, v56, v38  }
0x139: {  	v51 =	vand.u32 $0x7FFFFFFF, v51;
	v45 =	vsel vm14, v63, v45;
	vm5 =	vgt.f32 v49, v39  }
0x13a: {  	vm15 =	vlt.f32 v51, v45;
	vm6 =	vne.f32 v51, v45;
	vm1 =	vmneg vm5  }
0x13b: {  	vm2 =	vmneg vm8;
	vm0 =	vmneg vm15;
	vm1 =	vmor vm6, vm1  }
0x13c: {  	v59 =	vand.u32 $0x7FFFFFFF, v58;
	v58 =	vsel vm4, $0x1, v3;
	vm0 =	vmand vm0, vm1  }
0x13d: {  	v63 =	vsub.f32 v2, v42;
	vm1 =	vmor vm9, vm2;
	v49 =	vsel vm0, v49, v39  }
0x13e: {  	v45 =	vsel vm0, v45, v51;
	vm1 =	vmand vm3, vm1;
	vm10 =	vgt.f32 v49, v40  }
0x13f: {  	vm11 =	vne.f32 v59, v45;
	vm12 =	vlt.f32 v59, v45;
	vm0 =	vmneg vm10  }
0x140: {  	v51 =	vand.u32 $0x7FFFFFFF, v63;
	vm2 =	vmneg vm12;
	vm0 =	vmor vm11, vm0  }
0x141: {  	v50 =	vsel vm1, v50, v53;
	v52 =	vsel vm1, v52, v29;
	vm0 =	vmand vm2, vm0  }
0x142: {  	v53 =	vand.u32 $0x7FFFFFFF, v61;
	vm1 =	vgt.f32 v52, v35;
	v49 =	vsel vm0, v49, v40  }
0x143: {  	vm6 =	vne.f32 v53, v50;
	v45 =	vsel vm0, v45, v59;
	vm13 =	vgt.f32 v49, v41  }
0x144: {  	vm14 =	vlt.f32 v62, v45;
	vm15 =	vne.f32 v62, v45;
	vm0 =	vmneg vm13  }
0x145: {  	vm11 =	vgt.f32 v36, v4;
	vm2 =	vmneg vm14;
	vm0 =	vmor vm15, vm0  }
0x146: {  	vm1 =	vmneg vm1;
	v54 =	vsel vm11, $0x1, v3;
	vm0 =	vmand vm2, vm0  }
0x147: {  	vm7 =	vmor vm6, vm1;
	v46 =	vadd.s32 v54, v44;
	v49 =	vsel vm0, v49, v41  }
0x148: {  	v44 =	vbroadcast v47, $0x7;
	v45 =	vsel vm0, v45, v62;
	vm8 =	vgt.f32 v49, v42  }
0x149: {  	vm9 =	vlt.f32 v51, v45;
	vm10 =	vne.f32 v51, v45;
	vm1 =	vmneg vm8  }
0x14a: {  	v57 =	vsub.f32 v2, v44;
	vm2 =	vmneg vm9;
	vm1 =	vmor vm10, vm1  }
0x14b: {  	vm12 =	vlt.f32 v53, v50;
	v46 =	vadd.s32 v58, v46;
	vm1 =	vmand vm2, vm1  }
0x14c: {  	v59 =	vand.u32 $0x7FFFFFFF, v57;
	vm2 =	vmneg vm12;
	v49 =	vsel vm1, v49, v42  }
0x14d: {  	vm0 =	vmand vm2, vm7;
	v56 =	vsel vm1, v45, v51;
	vm13 =	vgt.f32 v49, v43  }
0x14e: {  	vm14 =	vne.f32 v48, v56;
	v45 =	vsel vm0, v52, v35;
	vm15 =	vlt.f32 v48, v56  }
0x14f: {  	vm1 =	vmneg vm13;
	vm0 =	vmneg vm15;
	vm5 =	vgt.f32 v45, v34  }
0x150: {  	v34 =	vbroadcast v47, $0x8;
	vm9 =	vgt.f32 v45, v33;
	v33 =	vbroadcast v47, $0x9  }
0x151: {  	vm12 =	vgt.f32 v45, v32;
	v32 =	vbroadcast v47, $0xA;
	vm4 =	vgt.f32 v45, v31  }
0x152: {  	v31 =	vbroadcast v47, $0xB;
	vm1 =	vmor vm14, vm1;
	v60 =	vsel vm5, $0x1, v3  }
0x153: {  	v62 =	vsel vm9, $0x1, v3;
	v58 =	vsel vm12, $0x1, v3;
	vm0 =	vmand vm0, vm1  }
0x154: {  	v61 =	vsub.f32 v2, v34;
	v51 =	vadd.s32 v62, v60;
	v60 =	vsel vm4, $0x1, v3  }
0x155: {  	v62 =	vsub.f32 v2, v31;
	v48 =	vsel vm0, v56, v48;
	v49 =	vsel vm0, v49, v43  }
0x156: {  	v56 =	vsub.f32 v2, v33;
	v51 =	vadd.s32 v58, v51;
	vm7 =	vgt.f32 v49, v44  }
0x157: {  	vm6 =	vlt.f32 v59, v48;
	vm8 =	vne.f32 v59, v48;
	vm1 =	vmneg vm7  }
0x158: {  	v63 =	vand.u32 $0x7FFFFFFF, v61;
	vm0 =	vmneg vm6;
	vm1 =	vmor vm8, vm1  }
0x159: {  	v51 =	vadd.s32 v60, v51;
	v57 =	vand.u32 $0x7FFFFFFF, v56;
	vm0 =	vmand vm0, vm1  }
0x15a: {  	vm7 =	vgt.f32 v45, v30;
	v30 =	vbroadcast v47, $0xC;
	v49 =	vsel vm0, v49, v44  }
0x15b: {  	v48 =	vsel vm0, v48, v59;
	v59 =	vsub.f32 v2, v32;
	vm0 =	vgt.f32 v49, v34  }
0x15c: {  	vm10 =	vlt.f32 v63, v48;
	vm11 =	vne.f32 v63, v48;
	vm0 =	vmneg vm0  }
0x15d: {  	v56 =	vsel vm7, $0x1, v3;
	vm1 =	vmneg vm10;
	vm0 =	vmor vm11, vm0  }
0x15e: {  	v51 =	vadd.s32 v56, v51;
	v61 =	vand.u32 $0x7FFFFFFF, v59;
	vm0 =	vmand vm1, vm0  }
0x15f: {  	vm11 =	vgt.f32 v45, v28;
	v28 =	vbroadcast v47, $0xD;
	v49 =	vsel vm0, v49, v34  }
0x160: {  	v58 =	vsel vm11, $0x1, v3;
	v48 =	vsel vm0, v48, v63;
	vm14 =	vgt.f32 v49, v33  }
0x161: {  	vm13 =	vlt.f32 v57, v48;
	vm15 =	vne.f32 v57, v48;
	vm1 =	vmneg vm14  }
0x162: {  	v63 =	vand.u32 $0x7FFFFFFF, v62;
	vm0 =	vmneg vm13;
	vm1 =	vmor vm15, vm1  }
0x163: {  	v60 =	vsub.f32 v2, v28;
	v51 =	vadd.s32 v58, v51;
	vm0 =	vmand vm0, vm1  }
0x164: {  	vm14 =	vgt.f32 v45, v27;
	v27 =	vbroadcast v47, $0xE;
	v49 =	vsel vm0, v49, v33  }
0x165: {  	v62 =	vsel vm14, $0x1, v3;
	v48 =	vsel vm0, v48, v57;
	vm0 =	vgt.f32 v49, v32  }
0x166: {  	vm5 =	vlt.f32 v61, v48;
	vm6 =	vne.f32 v61, v48;
	vm0 =	vmneg vm0  }
0x167: {  	v57 =	vsub.f32 v2, v30;
	vm1 =	vmneg vm5;
	vm0 =	vmor vm6, vm0  }
0x168: {  	vm6 =	vgt.f32 v45, v26;
	v26 =	vsub.f32 v2, v27;
	vm0 =	vmand vm1, vm0  }
0x169: {  	v59 =	vand.u32 $0x7FFFFFFF, v57;
	v48 =	vsel vm0, v48, v61;
	v49 =	vsel vm0, v49, v32  }
0x16a: {  	v56 =	vand.u32 $0x7FFFFFFF, v26;
	v26 =	vbroadcast v47, $0xF;
	vm9 =	vgt.f32 v49, v31  }
0x16b: {  	vm8 =	vlt.f32 v63, v48;
	vm10 =	vne.f32 v63, v48;
	vm1 =	vmneg vm9  }
0x16c: {  	v47 =	vld [tilespmem:$0x10];
	vm0 =	vmneg vm8;
	v57 =	vsub.f32 v2, v26;
	vm1 =	vmor vm10, vm1  }
0x16d: {  	v51 =	vadd.s32 v62, v51;
	v61 =	vand.u32 $0x7FFFFFFF, v60;
	vm0 =	vmand vm0, vm1  }
0x16e: {  	vm9 =	vgt.f32 v45, v25;
	v58 =	vand.u32 $0x7FFFFFFF, v57;
	v49 =	vsel vm0, v49, v31  }
0x16f: {  	v48 =	vsel vm0, v48, v63;
	v63 =	vsel vm6, $0x1, v3;
	vm0 =	vgt.f32 v49, v30  }
0x170: {  	vm12 =	vlt.f32 v59, v48;
	vm13 =	vne.f32 v59, v48;
	vm0 =	vmneg vm0  }
0x171: {  	v25 =	vbroadcast v47, $0x0;
	vm1 =	vmneg vm12;
	vm0 =	vmor vm13, vm0  }
0x172: {  	v51 =	vadd.s32 v63, v51;
	vm13 =	vgt.f32 v45, v24;
	vm0 =	vmand vm1, vm0  }
0x173: {  	v24 =	vsub.f32 v2, v25;
	v60 =	vsel vm13, $0x1, v3;
	v49 =	vsel vm0, v49, v30  }
0x174: {  	v48 =	vsel vm0, v48, v59;
	v59 =	vsel vm9, $0x1, v3;
	vm4 =	vgt.f32 v49, v28  }
0x175: {  	vm15 =	vlt.f32 v61, v48;
	vm5 =	vne.f32 v61, v48;
	vm1 =	vmneg vm4  }
0x176: {  	v51 =	vadd.s32 v59, v51;
	vm0 =	vmneg vm15;
	vm1 =	vmor vm5, vm1  }
0x177: {  	v51 =	vadd.s32 v60, v51;
	vm4 =	vgt.f32 v45, v23;
	vm0 =	vmand vm0, vm1  }
0x178: {  	v23 =	vbroadcast v47, $0x2;
	v48 =	vsel vm0, v48, v61;
	v49 =	vsel vm0, v49, v28  }
0x179: {  	v61 =	vand.u32 $0x7FFFFFFF, v24;
	v24 =	vbroadcast v47, $0x1;
	vm0 =	vgt.f32 v49, v27  }
0x17a: {  	vm7 =	vlt.f32 v56, v48;
	vm8 =	vne.f32 v56, v48;
	vm0 =	vmneg vm0  }
0x17b: {  	vm1 =	vmneg vm7;
	v62 =	vsub.f32 v2, v24;
	vm0 =	vmor vm8, vm0  }
0x17c: {  	vm8 =	vgt.f32 v45, v22;
	v22 =	vsub.f32 v2, v23;
	vm0 =	vmand vm1, vm0  }
0x17d: {  	v63 =	vand.u32 $0x7FFFFFFF, v62;
	v57 =	vsel vm8, $0x1, v3;
	v49 =	vsel vm0, v49, v27  }
0x17e: {  	v48 =	vsel vm0, v48, v56;
	v56 =	vsel vm4, $0x1, v3;
	vm11 =	vgt.f32 v49, v26  }
0x17f: {  	vm10 =	vlt.f32 v58, v48;
	vm12 =	vne.f32 v58, v48;
	vm1 =	vmneg vm11  }
0x180: {  	v51 =	vadd.s32 v56, v51;
	vm0 =	vmneg vm10;
	vm1 =	vmor vm12, vm1  }
0x181: {  	v51 =	vadd.s32 v57, v51;
	vm11 =	vgt.f32 v45, v21;
	vm0 =	vmand vm0, vm1  }
0x182: {  	v21 =	vbroadcast v47, $0x4;
	v48 =	vsel vm0, v48, v58;
	v49 =	vsel vm0, v49, v26  }
0x183: {  	v58 =	vand.u32 $0x7FFFFFFF, v22;
	v22 =	vbroadcast v47, $0x3;
	vm0 =	vgt.f32 v49, v25  }
0x184: {  	vm14 =	vlt.f32 v61, v48;
	vm15 =	vne.f32 v61, v48;
	vm0 =	vmneg vm0  }
0x185: {  	vm1 =	vmneg vm14;
	v59 =	vsub.f32 v2, v22;
	vm0 =	vmor vm15, vm0  }
0x186: {  	vm15 =	vgt.f32 v45, v20;
	v20 =	vsub.f32 v2, v21;
	vm0 =	vmand vm1, vm0  }
0x187: {  	v60 =	vand.u32 $0x7FFFFFFF, v59;
	v62 =	vsel vm15, $0x1, v3;
	v49 =	vsel vm0, v49, v25  }
0x188: {  	v48 =	vsel vm0, v48, v61;
	v61 =	vsel vm11, $0x1, v3;
	vm6 =	vgt.f32 v49, v24  }
0x189: {  	vm5 =	vlt.f32 v63, v48;
	vm7 =	vne.f32 v63, v48;
	vm1 =	vmneg vm6  }
0x18a: {  	v51 =	vadd.s32 v61, v51;
	vm0 =	vmneg vm5;
	vm1 =	vmor vm7, vm1  }
0x18b: {  	v51 =	vadd.s32 v62, v51;
	vm6 =	vgt.f32 v45, v18;
	vm0 =	vmand vm0, vm1  }
0x18c: {  	v18 =	vbroadcast v47, $0x6;
	v48 =	vsel vm0, v48, v63;
	v49 =	vsel vm0, v49, v24  }
0x18d: {  	v63 =	vand.u32 $0x7FFFFFFF, v20;
	v20 =	vbroadcast v47, $0x5;
	vm0 =	vgt.f32 v49, v23  }
0x18e: {  	vm9 =	vlt.f32 v58, v48;
	vm10 =	vne.f32 v58, v48;
	vm0 =	vmneg vm0  }
0x18f: {  	vm1 =	vmneg vm9;
	v56 =	vsub.f32 v2, v20;
	vm0 =	vmor vm10, vm0  }
0x190: {  	vm10 =	vgt.f32 v45, v16;
	v16 =	vsub.f32 v2, v18;
	vm0 =	vmand vm1, vm0  }
0x191: {  	v57 =	vand.u32 $0x7FFFFFFF, v56;
	v59 =	vsel vm10, $0x1, v3;
	v49 =	vsel vm0, v49, v23  }
0x192: {  	v48 =	vsel vm0, v48, v58;
	v58 =	vsel vm6, $0x1, v3;
	vm13 =	vgt.f32 v49, v22  }
0x193: {  	vm12 =	vlt.f32 v60, v48;
	vm14 =	vne.f32 v60, v48;
	vm1 =	vmneg vm13  }
0x194: {  	v51 =	vadd.s32 v58, v51;
	vm0 =	vmneg vm12;
	vm1 =	vmor vm14, vm1  }
0x195: {  	v51 =	vadd.s32 v59, v51;
	vm13 =	vgt.f32 v45, v17;
	vm0 =	vmand vm0, vm1  }
0x196: {  	v17 =	vbroadcast v47, $0x8;
	v48 =	vsel vm0, v48, v60;
	v49 =	vsel vm0, v49, v22  }
0x197: {  	v60 =	vand.u32 $0x7FFFFFFF, v16;
	v16 =	vbroadcast v47, $0x7;
	vm0 =	vgt.f32 v49, v21  }
0x198: {  	vm4 =	vlt.f32 v63, v48;
	vm5 =	vne.f32 v63, v48;
	vm0 =	vmneg vm0  }
0x199: {  	vm1 =	vmneg vm4;
	v61 =	vsub.f32 v2, v16;
	vm0 =	vmor vm5, vm0  }
0x19a: {  	vm5 =	vgt.f32 v45, v14;
	v14 =	vsub.f32 v2, v17;
	vm0 =	vmand vm1, vm0  }
0x19b: {  	v62 =	vand.u32 $0x7FFFFFFF, v61;
	v56 =	vsel vm5, $0x1, v3;
	v49 =	vsel vm0, v49, v21  }
0x19c: {  	v48 =	vsel vm0, v48, v63;
	v63 =	vsel vm13, $0x1, v3;
	vm8 =	vgt.f32 v49, v20  }
0x19d: {  	vm7 =	vlt.f32 v57, v48;
	vm9 =	vne.f32 v57, v48;
	vm1 =	vmneg vm8  }
0x19e: {  	v51 =	vadd.s32 v63, v51;
	vm0 =	vmneg vm7;
	vm1 =	vmor vm9, vm1  }
0x19f: {  	v51 =	vadd.s32 v56, v51;
	vm8 =	vgt.f32 v45, v13;
	vm0 =	vmand vm0, vm1  }
0x1a0: {  	v13 =	vbroadcast v47, $0xA;
	v48 =	vsel vm0, v48, v57;
	v49 =	vsel vm0, v49, v20  }
0x1a1: {  	v57 =	vand.u32 $0x7FFFFFFF, v14;
	v14 =	vbroadcast v47, $0x9;
	vm0 =	vgt.f32 v49, v18  }
0x1a2: {  	vm11 =	vlt.f32 v60, v48;
	vm12 =	vne.f32 v60, v48;
	vm0 =	vmneg vm0  }
0x1a3: {  	vm1 =	vmneg vm11;
	v58 =	vsub.f32 v2, v14;
	vm0 =	vmor vm12, vm0  }
0x1a4: {  	vm12 =	vgt.f32 v45, v12;
	v12 =	vsub.f32 v2, v13;
	vm0 =	vmand vm1, vm0  }
0x1a5: {  	v59 =	vand.u32 $0x7FFFFFFF, v58;
	v61 =	vsel vm12, $0x1, v3;
	v49 =	vsel vm0, v49, v18  }
0x1a6: {  	v48 =	vsel vm0, v48, v60;
	v60 =	vsel vm8, $0x1, v3;
	vm15 =	vgt.f32 v49, v16  }
0x1a7: {  	vm14 =	vlt.f32 v62, v48;
	vm4 =	vne.f32 v62, v48;
	vm1 =	vmneg vm15  }
0x1a8: {  	v51 =	vadd.s32 v60, v51;
	vm0 =	vmneg vm14;
	vm1 =	vmor vm4, vm1  }
0x1a9: {  	v51 =	vadd.s32 v61, v51;
	vm15 =	vgt.f32 v45, v11;
	vm0 =	vmand vm0, vm1  }
0x1aa: {  	v11 =	vbroadcast v47, $0xC;
	v48 =	vsel vm0, v48, v62;
	v49 =	vsel vm0, v49, v16  }
0x1ab: {  	v62 =	vand.u32 $0x7FFFFFFF, v12;
	v12 =	vbroadcast v47, $0xB;
	vm0 =	vgt.f32 v49, v17  }
0x1ac: {  	vm6 =	vlt.f32 v57, v48;
	vm7 =	vne.f32 v57, v48;
	vm0 =	vmneg vm0  }
0x1ad: {  	vm1 =	vmneg vm6;
	v63 =	vsub.f32 v2, v12;
	vm0 =	vmor vm7, vm0  }
0x1ae: {  	vm7 =	vgt.f32 v45, v9;
	v9 =	vsub.f32 v2, v11;
	vm0 =	vmand vm1, vm0  }
0x1af: {  	v56 =	vand.u32 $0x7FFFFFFF, v63;
	v58 =	vsel vm7, $0x1, v3;
	vm7 =	vgt.f32 v36, v15  }
0x1b0: {  	v48 =	vsel vm0, v48, v57;
	v49 =	vsel vm0, v49, v17;
	v57 =	vsel vm15, $0x1, v3  }
0x1b1: {  	vm15 =	vgt.f32 v45, v6;
	vm9 =	vlt.f32 v59, v48;
	vm10 =	vgt.f32 v49, v14  }
0x1b2: {  	vm11 =	vne.f32 v59, v48;
	v51 =	vadd.s32 v57, v51;
	v6 =	vsel vm15, $0x1, v3  }
0x1b3: {  	vm15 =	vgt.f32 v45, v10;
	vm1 =	vmneg vm10;
	vm0 =	vmneg vm9  }
0x1b4: {  	vm10 =	vgt.f32 v45, v8;
	v8 =	vbroadcast v47, $0xE;
	vm1 =	vmor vm11, vm1  }
0x1b5: {  	v51 =	vadd.s32 v58, v51;
	v58 =	vsel vm7, $0x1, v3;
	vm0 =	vmand vm0, vm1  }
0x1b6: {  	v63 =	vsub.f32 v2, v8;
	v48 =	vsel vm0, v48, v59;
	v49 =	vsel vm0, v49, v14  }
0x1b7: {  	v59 =	vand.u32 $0x7FFFFFFF, v9;
	v9 =	vbroadcast v47, $0xD;
	vm0 =	vgt.f32 v49, v13  }
0x1b8: {  	vm13 =	vlt.f32 v62, v48;
	vm14 =	vne.f32 v62, v48;
	vm0 =	vmneg vm0  }
0x1b9: {  	vm1 =	vmneg vm13;
	v60 =	vsub.f32 v2, v9;
	vm0 =	vmor vm14, vm0  }
0x1ba: {  	vm7 =	vgt.f32 v45, v35;
	v57 =	vand.u32 $0x7FFFFFFF, v63;
	vm0 =	vmand vm1, vm0  }
0x1bb: {  	vm14 =	vgt.f32 v36, v10;
	v61 =	vand.u32 $0x7FFFFFFF, v60;
	v49 =	vsel vm0, v49, v13  }
0x1bc: {  	v48 =	vsel vm0, v48, v62;
	v62 =	vsel vm10, $0x1, v3;
	vm5 =	vgt.f32 v49, v12  }
0x1bd: {  	vm4 =	vlt.f32 v56, v48;
	vm6 =	vne.f32 v56, v48;
	vm1 =	vmneg vm5  }
0x1be: {  	v51 =	vadd.s32 v62, v51;
	vm0 =	vmneg vm4;
	vm1 =	vmor vm6, vm1  }
0x1bf: {  	vm10 =	vgt.f32 v36, v19;
	v51 =	vadd.s32 v6, v51;
	vm0 =	vmand vm0, vm1  }
0x1c0: {  	v6 =	vbroadcast v47, $0xF;
	v48 =	vsel vm0, v48, v56;
	v49 =	vsel vm0, v49, v12  }
0x1c1: {  	v56 =	vsel vm14, $0x1, v3;
	vm14 =	vgt.f32 v45, v7;
	vm0 =	vgt.f32 v49, v11  }
0x1c2: {  	vm8 =	vlt.f32 v59, v48;
	vm9 =	vne.f32 v59, v48;
	vm0 =	vmneg vm0  }
0x1c3: {  	vm1 =	vmneg vm8;
	vm8 =	vgt.f32 v45, v5;
	v5 =	vsub.f32 v2, v6  }
0x1c4: {  	v60 =	vsel vm10, $0x1, v3;
	v10 =	vsel vm14, $0x1, v3;
	vm0 =	vmor vm9, vm0  }
0x1c5: {  	v63 =	vadd.s32 v56, v46;
	vm0 =	vmand vm1, vm0;
	v5 =	vand.u32 $0x7FFFFFFF, v5  }
0x1c6: {  	v48 =	vsel vm0, v48, v59;
	v49 =	vsel vm0, v49, v11;
	v59 =	vsel vm8, $0x1, v3  }
0x1c7: {  	vm11 =	vlt.f32 v61, v48;
	vm12 =	vgt.f32 v49, v9;
	vm13 =	vne.f32 v61, v48  }
0x1c8: {  	v50 =	vadd.s32 v59, v51;
	vm1 =	vmneg vm12;
	vm0 =	vmneg vm11  }
0x1c9: {  	vm11 =	vgt.f32 v36, v29;
	vm12 =	vgt.f32 v36, v35;
	vm1 =	vmor vm13, vm1  }
0x1ca: {  	v35 =	vadd.s32 v58, v63;
	vm13 =	vgt.f32 v45, v4;
	vm0 =	vmand vm0, vm1  }
0x1cb: {  	v4 =	vsel vm12, $0x1, v3;
	v7 =	vsel vm13, $0x1, v3;
	v48 =	vsel vm0, v48, v61  }
0x1cc: {  	v49 =	vsel vm0, v49, v9;
	v61 =	vsel vm11, $0x1, v3;
	v7 =	vadd.s32 v7, v50  }
0x1cd: {  	vm4 =	vlt.f32 v57, v48;
	vm5 =	vgt.f32 v49, v8;
	vm6 =	vne.f32 v57, v48  }
0x1ce: {  	v7 =	vadd.s32 v10, v7;
	vm1 =	vmneg vm5;
	vm0 =	vmneg vm4  }
0x1cf: {  	vm4 =	vgt.f32 v45, v15;
	v15 =	vsel vm15, $0x1, v3;
	vm5 =	vgt.f32 v45, v19  }
0x1d0: {  	vm1 =	vmor vm6, vm1;
	v19 =	vsel vm4, $0x1, v3;
	vm6 =	vgt.f32 v45, v29  }
0x1d1: {  	v62 =	vsel vm5, $0x1, v3;
	v7 =	vadd.s32 v15, v7;
	vm0 =	vmand vm0, vm1  }
0x1d2: {  	v10 =	vsel vm6, $0x1, v3;
	v48 =	vsel vm0, v48, v57;
	v49 =	vsel vm0, v49, v8  }
0x1d3: {  	v7 =	vadd.s32 v19, v7;
	vm0 =	vgt.f32 v49, v6;
	vm9 =	vne.f32 v5, v48  }
0x1d4: {  	vm8 =	vlt.f32 v5, v48;
	v5 =	vadd.s32 v60, v35;
	vm0 =	vmneg vm0  }
0x1d5: {  	v5 =	vadd.s32 v61, v5;
	vm2 =	vmneg vm8;
	vm0 =	vmor vm9, vm0  }
0x1d6: {  	v4 =	vadd.s32 v4, v5;
	v5 =	vadd.s32 v62, v7;
	vm0 =	vmand vm2, vm0  }
0x1d7: {  	v7 =	vsel vm7, $0x1, v3;
	v5 =	vadd.s32 v10, v5;
	v10 =	vsel vm0, v49, v6  }
0x1d8: {  	v5 =	vadd.s32 v7, v5;
	vm0 =	vgt.f32 v10, v37;
	vm9 =	vgt.f32 v10, v38  }
0x1d9: {  	vm10 =	vgt.f32 v10, v39;
	v7 =	vsel vm0, $0x1, v3;
	v15 =	vsel vm9, $0x1, v3  }
0x1da: {  	vm11 =	vgt.f32 v10, v40;
	v7 =	vadd.s32 v15, v7;
	v15 =	vsel vm10, $0x1, v3  }
0x1db: {  	vm12 =	vgt.f32 v10, v41;
	v7 =	vadd.s32 v15, v7;
	v15 =	vsel vm11, $0x1, v3  }
0x1dc: {  	vm13 =	vgt.f32 v10, v42;
	v7 =	vadd.s32 v15, v7;
	v15 =	vsel vm12, $0x1, v3  }
0x1dd: {  	vm14 =	vgt.f32 v10, v43;
	v7 =	vadd.s32 v15, v7;
	v15 =	vsel vm13, $0x1, v3  }
0x1de: {  	vm15 =	vgt.f32 v10, v44;
	v7 =	vadd.s32 v15, v7;
	v15 =	vsel vm14, $0x1, v3  }
0x1df: {  	vm4 =	vgt.f32 v10, v34;
	v7 =	vadd.s32 v15, v7;
	v15 =	vsel vm15, $0x1, v3  }
0x1e0: {  	vm5 =	vgt.f32 v10, v33;
	v7 =	vadd.s32 v15, v7;
	v15 =	vsel vm4, $0x1, v3  }
0x1e1: {  	vm6 =	vgt.f32 v10, v32;
	v7 =	vadd.s32 v15, v7;
	v15 =	vsel vm5, $0x1, v3  }
0x1e2: {  	vm7 =	vgt.f32 v10, v31;
	v7 =	vadd.s32 v15, v7;
	v15 =	vsel vm6, $0x1, v3  }
0x1e3: {  	vm8 =	vgt.f32 v10, v30;
	v7 =	vadd.s32 v15, v7;
	v15 =	vsel vm7, $0x1, v3  }
0x1e4: {  	vm9 =	vgt.f32 v10, v28;
	v7 =	vadd.s32 v15, v7;
	v15 =	vsel vm8, $0x1, v3  }
0x1e5: {  	vm10 =	vgt.f32 v10, v27;
	v7 =	vadd.s32 v15, v7;
	v15 =	vsel vm9, $0x1, v3  }
0x1e6: {  	vm11 =	vgt.f32 v10, v26;
	v7 =	vadd.s32 v15, v7;
	v15 =	vsel vm10, $0x1, v3  }
0x1e7: {  	vm12 =	vgt.f32 v10, v25;
	v7 =	vadd.s32 v15, v7;
	v15 =	vsel vm11, $0x1, v3  }
0x1e8: {  	vm13 =	vgt.f32 v10, v24;
	v7 =	vadd.s32 v15, v7;
	v15 =	vsel vm12, $0x1, v3  }
0x1e9: {  	vm14 =	vgt.f32 v10, v23;
	v7 =	vadd.s32 v15, v7;
	v15 =	vsel vm13, $0x1, v3  }
0x1ea: {  	vm15 =	vgt.f32 v10, v22;
	v7 =	vadd.s32 v15, v7;
	v15 =	vsel vm14, $0x1, v3  }
0x1eb: {  	vm4 =	vgt.f32 v10, v21;
	v7 =	vadd.s32 v15, v7;
	v15 =	vsel vm15, $0x1, v3  }
0x1ec: {  	vm5 =	vgt.f32 v10, v20;
	v7 =	vadd.s32 v15, v7;
	v15 =	vsel vm4, $0x1, v3  }
0x1ed: {  	vm6 =	vgt.f32 v10, v18;
	v7 =	vadd.s32 v15, v7;
	v15 =	vsel vm5, $0x1, v3  }
0x1ee: {  	vm7 =	vgt.f32 v10, v16;
	v7 =	vadd.s32 v15, v7;
	v15 =	vsel vm6, $0x1, v3  }
0x1ef: {  	vm8 =	vgt.f32 v10, v17;
	v7 =	vadd.s32 v15, v7;
	v15 =	vsel vm7, $0x1, v3  }
0x1f0: {  	vm9 =	vgt.f32 v10, v14;
	v7 =	vadd.s32 v15, v7;
	v15 =	vsel vm8, $0x1, v3  }
0x1f1: {  	v14 =	vsel vm9, $0x1, v3;
	vm10 =	vgt.f32 v10, v13;
	v7 =	vadd.s32 v15, v7  }
0x1f2: {  	[tilespmem:$0x280] =	vst v4;
	vm11 =	vgt.f32 v10, v12;
	v4 =	vadd.s32 v14, v7;
	v7 =	vsel vm10, $0x1, v3  }
0x1f3: {  	[tilespmem:$0x290] =	vst v5;
	v5 =	vsel vm11, $0x1, v3;
	vm12 =	vgt.f32 v10, v11;
	v4 =	vadd.s32 v7, v4  }
0x1f4: {  	[spmem:s5] =	stream.linear.scatter [tilespmem:s9], [sflag:$0x1], $0x20, $0x38;
	vm13 =	vgt.f32 v10, v9;
	v4 =	vadd.s32 v5, v4;
	v5 =	vsel vm12, $0x1, v3;
	[tilespmem:$0x2320] =	vst v63  }
0x1f5: {  	_ =	swait.ge [sflag:s8], $0x20;
	vm14 =	vgt.f32 v10, v8;
	v4 =	vadd.s32 v5, v4;
	v5 =	vsel vm13, $0x1, v3  }
0x1f6: {  	[sflag:s8] =	ssyncset.done $0x0;
	vm15 =	vgt.f32 v10, v6;
	v4 =	vadd.s32 v5, v4;
	v5 =	vsel vm14, $0x1, v3  }
0x1f7: {  	[sflag:s8] =	ssyncadd.s32 $0xFFFFFFE0;
	v4 =	vadd.s32 v5, v4;
	v5 =	vsel vm15, $0x1, v3  }
0x1f8: {  	s12 =	simm.s32 $0x80;
	[bflag:$0x0] =	sbarrier.arrive $0xFFFF;
	v4 =	vadd.s32 v5, v4  }
0x1f9: {  	[tilespmem:s12], [sflag:$0x1] =	stream.linear.gather [spmem:s1], $0x200, $0x38;
	v19 =	vshll.u32 v4, $0x5;
	[tilespmem:$0x2320] =	vst v63  }
0x1fa: {  	_ =	swait.ge [sflag:s8], $0x200;
	v10 =	vbroadcast v19, $0x0  }
0x1fb: {  	[sflag:s8] =	ssyncset.done $0x0;
	v11 =	vbroadcast v19, $0x1;
	v13 =	vbroadcast v19, $0x2  }
0x1fc: {  	[sflag:s8] =	ssyncadd.s32 $0xFFFFFE00;
	v14 =	vbroadcast v19, $0x3;
	v16 =	vbroadcast v19, $0x4  }
0x1fd: {  	v6 =	vld [tilespmem:s12+$0x0];
	v17 =	vbroadcast v19, $0x5;
	v18 =	vbroadcast v19, $0x6  }
0x1fe: {  	v20 =	vbroadcast v19, $0x7;
	v12 =	vbroadcast v19, $0x8  }
0x1ff: {  	v4 =	vbroadcast v19, $0x9;
	v9 =	vbroadcast v19, $0xA  }
0x200: {  	v7 =	vbroadcast v19, $0xB;
	v5 =	vbroadcast v19, $0xC  }
0x201: {  	s13 =	sand.u32 $0x70, s2;
	s14 =	sand.u32 $0xC00, s2;
	v8 =	vbroadcast v19, $0xD;
	v15 =	vbroadcast v19, $0xE  }
0x202: {  	s13 =	sor.u32 s13, s14;
	v19 =	vbroadcast v19, $0xF;
	v22 =	vadd.s32 v10, v6;
	v24 =	vadd.s32 v11, v6  }
0x203: {  	v21 =	vadd.s32 v20, v6;
	v23 =	vadd.s32 v13, v6;
	v25 =	vadd.s32 v18, v6;
	[tilespmem:s13+$0x300] =	vst v22  }
0x204: {  	s15 =	simm.s32 $0x10;
	s16 =	simm.s32 $0x0;
	s14 =	sor.u32 s2, s2;
	v26 =	vadd.s32 v17, v6;
	v22 =	vadd.s32 v14, v6;
	[tilespmem:s13+$0x380] =	vst v24;
	v24 =	vadd.s32 v16, v6  }
.LBB2_2:
0x205: {  	p0 =	sne.s32 s15, $0x1F0;
	[tilespmem:s13+$0x600] =	vst v25;
	s16 =	sadd.s32 $0x80, s16;
	s12 =	sadd.s32 $0x10, s12  }
0x206: {  	s18 =	smov.u32 s15;
	s17 =	sor.u32 s16, s15;
	[tilespmem:s13+$0x580] =	vst v26;
	s15 =	sadd.s32 $0x10, s15  }
0x207: {  	[tilespmem:s13+$0x500] =	vst v24  }
0x208: {  	[tilespmem:s13+$0x400] =	vst v23  }
0x209: {  	s19 =	sor.u32 $0x380, s14;
	s14 =	smov.u32 s17;
	[tilespmem:s13+$0x480] =	vst v22  }
0x20a: {  	[tilespmem:s19+$0x300] =	vst v21;
	v21 =	vadd.s32 v12, v6  }
0x20b: {  	[tilespmem:s13+$0x1300] =	vst v21;
	v21 =	vadd.s32 v19, v6  }
0x20c: {  	v22 =	vadd.s32 v15, v6;
	[tilespmem:s13+$0x1680] =	vst v21  }
0x20d: {  	v21 =	vadd.s32 v9, v6;
	[tilespmem:s13+$0x1600] =	vst v22  }
0x20e: {  	[tilespmem:s13+$0x1400] =	vst v21;
	v21 =	vadd.s32 v7, v6  }
0x20f: {  	[tilespmem:s13+$0x1480] =	vst v21;
	v21 =	vadd.s32 v8, v6  }
0x210: {  	v22 =	vadd.s32 v4, v6;
	v6 =	vadd.s32 v5, v6;
	[tilespmem:s13+$0x1580] =	vst v21  }
0x211: {  	[tilespmem:s13+$0x1380] =	vst v22  }
0x212: {  	[tilespmem:s13+$0x1500] =	vst v6  }
0x213: {  	v6 =	vld [tilespmem:s12+$0x0];
	_ =	sdelay $0x2  }
.Ltmp0:
0x214: {  	(pc) =	sbr.rel @p0 .LBB2_2-.Ltmp0, $4  }
0x215: {  	s17 =	sand.u32 $0xC00, s16;
	s13 =	sand.u32 $0x70, s18  }
0x216: {  	s13 =	sor.u32 s13, s17;
	v22 =	vadd.s32 v10, v6;
	v24 =	vadd.s32 v11, v6;
	v21 =	vadd.s32 v20, v6  }
0x217: {  	v23 =	vadd.s32 v13, v6;
	v25 =	vadd.s32 v18, v6;
	[tilespmem:s13+$0x300] =	vst v22;
	v22 =	vadd.s32 v14, v6  }
0x218: {  	v26 =	vadd.s32 v17, v6;
	[tilespmem:s13+$0x380] =	vst v24;
	v24 =	vadd.s32 v16, v6  }
0x219: {  	[tilespmem:s13+$0x600] =	vst v25  }
0x21a: {  	[tilespmem:s13+$0x580] =	vst v26  }
0x21b: {  	[tilespmem:s13+$0x500] =	vst v24  }
0x21c: {  	[tilespmem:s13+$0x400] =	vst v23  }
0x21d: {  	[tilespmem:s13+$0x480] =	vst v22;
	s12 =	sor.u32 $0x380, s14  }
0x21e: {  	v10 =	vadd.s32 v12, v6;
	[tilespmem:s12+$0x300] =	vst v21  }
0x21f: {  	v62 =	vadd.s32 v19, v6;
	[tilespmem:s13+$0x1300] =	vst v10  }
0x220: {  	v11 =	vadd.s32 v15, v6;
	[tilespmem:s13+$0x1680] =	vst v62  }
0x221: {  	v9 =	vadd.s32 v9, v6;
	[tilespmem:s13+$0x1600] =	vst v11  }
0x222: {  	v7 =	vadd.s32 v7, v6;
	[tilespmem:s13+$0x1400] =	vst v9  }
0x223: {  	v63 =	vadd.s32 v8, v6;
	[tilespmem:s13+$0x1480] =	vst v7  }
0x224: {  	v4 =	vadd.s32 v4, v6;
	s11 =	sadd.s32 $0x1, s11;
	[tilespmem:s13+$0x1580] =	vst v63  }
0x225: {  	v5 =	vadd.s32 v5, v6;
	p0 =	sne.s32 s11, s7;
	[tilespmem:s13+$0x1380] =	vst v4  }
.Ltmp1:
0x226: {  	[tilespmem:s13+$0x1500] =	vst v5;
	(pc) =	sbr.rel @p0 .LBB2_1-.Ltmp1, $4  }
0x227: {  	[hbm4b:s6+s2] =	stream.linear.scatter [tilespmem:s10], [sflag:$0x1], $0x2000, $0x38;
	[tilespmem:$0x2320] =	vst v63  }
0x228: {  	_ =	swait.ge [sflag:s8], $0x2000  }
0x229: {  	[sflag:s8] =	ssyncset.done $0x0  }
0x22a: {  	[sflag:s8] =	ssyncadd.s32 $0xFFFFE000  }
0x22b: {  	_ =	sfence.sel $0x180000  }
0x22c: {  	[bflag:$0x0] =	sbarrier.arrive $0xFFFF  }
0x22d: {  	p0 =	sne.s32 s3, $0x0;
	_ =	strace $0x90000047  }
0x22e: {  	s0 =	sadd.s32 @!p0 $0x100000, s0;
	[bflag:$0x2] =	sbarrier.arrive $0xFFFF  }
0x22f: {  	[sflag:s0] =	ssyncadd.tile.s32 @!p0 $0x1;
	_ =	shalt  }
.Lfunc_end2:
_tile_overlayer_lowered:
.L_overlay_start_2:
0x230: {  	(tag) =	ssettag $0x2  }
0x231: {  	s0 =	rddreg [dreg:$0x0];
	s2 =	stileid.u32  }
0x232: {  	s1 =	rddreg [dreg:$0x1];
	p0 =	sne.s32 s2, $0x0  }
0x233: {  	s3 =	rddreg [dreg:$0x2];
	[bflag:$0x3] =	sbarrier.arrive $0xFFFF;
	s2 =	simm.s32 @!p0 $0x1C01  }
0x234: {  	[timem:s3], [sflag:s2] =	dma.local @!p0 [hbm:s0], s1  }
0x235: {  	s0 =	simm.s32 @!p0 $0x1  }
0x236: {  	_ =	swait.ge @!p0 [sflag:s0], s1  }
0x237: {  	s1 =	ssub.s32 @!p0 $0x0, s1;
	[sflag:s0] =	ssyncset.done @!p0 $0x0  }
0x238: {  	[sflag:s0] =	ssyncadd.s32 @!p0 s1  }
0x239: {  	[bflag:$0x3] =	sbarrier.arrive $0xFFFF  }
0x23a: {  	_ =	shalt  }

</sc_bundles>
